<compile_context>
chip_gen: v7x
topology: tpu7x:2x2x1
jax: 0.10.2.dev20260603
libtpu: 0.0.44.dev20260713+nightly
codegen_flags: <defaults>
</compile_context>

<pallas_src>
import functools
import jax
import jax.numpy as jnp
from jax import lax
from jax.experimental import pallas as pl
from jax.experimental.pallas import tpu as pltpu
from jax.experimental.pallas import tpu_sc as plsc

N = 10000
E = 320000
F = 128
HD = 128
CO = 32
G = 64
NC = 2
NS = 16
NW = NC * NS
CHUNK = 80
ROWS = E // CHUNK
RPT = ROWS // NW
NPAD = 640
PPAD = 320

_f32 = jnp.float32
_mesh = plsc.VectorSubcoreMesh(core_axis_name="c", subcore_axis_name="s")


def _nj16(s):
    return jnp.where(s < NS - 1, NPAD // CHUNK, (N - NPAD * (NS - 1)) // CHUNK)


def _nj32(w):
    return jnp.where(w < NW - 1, PPAD // CHUNK, (N - PPAD * (NW - 1)) // CHUNK)


@functools.partial(
    pl.kernel,
    out_type=jax.ShapeDtypeStruct((NC, N, HD), _f32),
    mesh=_mesh,
    scratch_types=[
        pltpu.VMEM((RPT, CHUNK), jnp.int32),
        pltpu.VMEM((CHUNK, HD), _f32),
        pltpu.VMEM_SHARED((N, HD), _f32),
    ],
)
def _deg_kernel(dst_hbm, deg_hbm, dstv, onesb, acc1):
    c = lax.axis_index("c")
    s = lax.axis_index("s")
    w = s * NC + c
    nj = _nj16(s)

    def fill(val):
        def fill_body(i, _):
            for k in range(HD // 16):
                onesb[i, pl.ds(k * 16, 16)] = jnp.full((16,), val, _f32)
            return 0

        lax.fori_loop(0, CHUNK, fill_body, 0)

    fill(0.0)

    def zacc_body(j, _):
        pltpu.sync_copy(onesb, acc1.at[pl.ds(NPAD * s + CHUNK * j, CHUNK)])
        return 0

    lax.fori_loop(0, nj, zacc_body, 0)
    fill(1.0)
    plsc.subcore_barrier()

    pltpu.sync_copy(dst_hbm.at[w], dstv)

    def count_body(j, _):
        pltpu.sync_copy(onesb, acc1.at[dstv.at[j]], add=True)
        return 0

    lax.fori_loop(0, RPT, count_body, 0)
    plsc.subcore_barrier()

    def dump_body(j, _):
        r0 = NPAD * s + CHUNK * j
        pltpu.sync_copy(acc1.at[pl.ds(r0, CHUNK)],
                        deg_hbm.at[c].at[pl.ds(r0, CHUNK)])
        return 0

    lax.fori_loop(0, nj, dump_body, 0)


def _tc0_body(deg_ref, x_ref, w_ref, z_ref, dinv_ref):
    d3 = deg_ref[...]
    deg = (jnp.max(d3[0], axis=1, keepdims=True)
           + jnp.max(d3[1], axis=1, keepdims=True) + 1.0)
    dinv = lax.rsqrt(deg)
    z = jnp.dot(x_ref[...], w_ref[...], preferred_element_type=_f32)
    z_ref[...] = z * dinv
    dinv_ref[...] = dinv


def _tc0(deg16, x, w):
    r = 2000
    return pl.pallas_call(
        _tc0_body,
        grid=(N // r,),
        in_specs=[
            pl.BlockSpec((NC, r, HD), lambda i: (0, i, 0)),
            pl.BlockSpec((r, F), lambda i: (i, 0)),
            pl.BlockSpec((F, HD), lambda i: (0, 0)),
        ],
        out_specs=[
            pl.BlockSpec((r, HD), lambda i: (i, 0)),
            pl.BlockSpec((r, 1), lambda i: (i, 0)),
        ],
        out_shape=[
            jax.ShapeDtypeStruct((N, HD), _f32),
            jax.ShapeDtypeStruct((N, 1), _f32),
        ],
    )(deg16, x, w)


def _tcmid_body(acc_ref, z_ref, dinv_ref, b_ref, w_ref, zo_ref):
    a3 = acc_ref[...]
    dinv = dinv_ref[...]
    h = (a3[0] + a3[1] + z_ref[...]) * dinv + b_ref[...]
    h = jnp.maximum(h, 0.0)
    zo = jnp.dot(h, w_ref[...], preferred_element_type=_f32)
    zo_ref[...] = zo * dinv


def _tcmid(acc, z, dinv, b, w):
    r = 2000
    return pl.pallas_call(
        _tcmid_body,
        grid=(N // r,),
        in_specs=[
            pl.BlockSpec((NC, r, HD), lambda i: (0, i, 0)),
            pl.BlockSpec((r, HD), lambda i: (i, 0)),
            pl.BlockSpec((r, 1), lambda i: (i, 0)),
            pl.BlockSpec((1, HD), lambda i: (0, 0)),
            pl.BlockSpec((HD, HD), lambda i: (0, 0)),
        ],
        out_specs=pl.BlockSpec((r, HD), lambda i: (i, 0)),
        out_shape=jax.ShapeDtypeStruct((N, HD), _f32),
    )(acc, z, dinv, b.reshape(1, HD), w)


@functools.partial(
    pl.kernel,
    out_type=jax.ShapeDtypeStruct((NC, N, HD), _f32),
    mesh=_mesh,
    scratch_types=[
        pltpu.VMEM((25, CHUNK), jnp.int32),
        pltpu.VMEM((25, CHUNK), jnp.int32),
        pltpu.VMEM((CHUNK, HD), _f32),
        pltpu.VMEM((CHUNK, HD), _f32),
        pltpu.VMEM_SHARED((N, HD), _f32),
        pltpu.SemaphoreType.DMA,
        pltpu.SemaphoreType.DMA,
    ],
)
def _sc_scatter(src_hbm, dst_hbm, z_hbm, acc_hbm,
                srcv, dstv, buf0, buf1, acc, sem0, sem1):
    c = lax.axis_index("c")
    s = lax.axis_index("s")
    w = s * NC + c
    nj = _nj16(s)
    zeros = jnp.zeros((16,), _f32)

    def zrow_body(i, _):
        for k in range(HD // 16):
            buf0[i, pl.ds(k * 16, 16)] = zeros
        return 0

    lax.fori_loop(0, CHUNK, zrow_body, 0)

    def zacc_body(j, _):
        pltpu.sync_copy(buf0, acc.at[pl.ds(NPAD * s + CHUNK * j, CHUNK)])
        return 0

    lax.fori_loop(0, nj, zacc_body, 0)
    plsc.subcore_barrier()

    def gather(row, buf, sem):
        pltpu.make_async_copy(z_hbm.at[srcv.at[row]], buf, sem).start()

    def drain(row, buf, sem):
        pltpu.make_async_copy(z_hbm.at[srcv.at[row]], buf, sem).wait()

    def scat(row, buf):
        pltpu.sync_copy(buf, acc.at[dstv.at[row]], add=True)

    def block_body(oj, _):
        pltpu.sync_copy(src_hbm.at[w, oj], srcv)
        pltpu.sync_copy(dst_hbm.at[w, oj], dstv)
        gather(0, buf0, sem0)

        def pair_body(jj, _):
            j0 = 2 * jj
            gather(j0 + 1, buf1, sem1)
            drain(j0, buf0, sem0)
            scat(j0, buf0)
            gather(j0 + 2, buf0, sem0)
            drain(j0 + 1, buf1, sem1)
            scat(j0 + 1, buf1)
            return 0

        lax.fori_loop(0, 12, pair_body, 0)
        drain(24, buf0, sem0)
        scat(24, buf0)
        return 0

    lax.fori_loop(0, RPT // 25, block_body, 0)
    plsc.subcore_barrier()

    def dump_body(j, _):
        r0 = NPAD * s + CHUNK * j
        pltpu.sync_copy(acc.at[pl.ds(r0, CHUNK)],
                        acc_hbm.at[c].at[pl.ds(r0, CHUNK)])
        return 0

    lax.fori_loop(0, nj, dump_body, 0)


@functools.partial(
    pl.kernel,
    out_type=[
        jax.ShapeDtypeStruct((NC, NS, G, HD), _f32),
        jax.ShapeDtypeStruct((NC, NS, G, HD), _f32),
        jax.ShapeDtypeStruct((NC, NS, G, HD), _f32),
    ],
    mesh=_mesh,
    scratch_types=[
        pltpu.VMEM((CHUNK, HD), _f32),
        pltpu.VMEM((CHUNK, HD), _f32),
        pltpu.VMEM((CHUNK, HD), _f32),
        pltpu.VMEM((CHUNK + 16,), _f32),
        pltpu.VMEM((CHUNK + 16,), jnp.int32),
        pltpu.VMEM((HD,), _f32),
        pltpu.VMEM((G, HD), _f32),
        pltpu.VMEM((G, HD), _f32),
        pltpu.VMEM((G, HD), _f32),
    ],
)
def _sc_pool(acc_hbm, z_hbm, dinv_hbm, bidx_hbm, bias_hbm,
             psum_hbm, pmax_hbm, pcnt_hbm,
             arow0, arow1, zrow, dinvv, bidxv, biasv, psum, pmax, pcnt):
    c = lax.axis_index("c")
    s = lax.axis_index("s")
    w = s * NC + c
    nj = _nj32(w)
    zeros = jnp.zeros((16,), _f32)
    ones = jnp.ones((16,), _f32)
    neginf = jnp.full((16,), -jnp.inf, _f32)

    def pzero_body(g, _):
        for k in range(HD // 16):
            sl = pl.ds(k * 16, 16)
            psum[g, sl] = zeros
            pmax[g, sl] = neginf
            pcnt[g, sl] = zeros
        return 0

    lax.fori_loop(0, G, pzero_body, 0)
    pltpu.sync_copy(bias_hbm, biasv)

    def chunk_body(j, _):
        r0 = PPAD * w + CHUNK * j
        pltpu.sync_copy(acc_hbm.at[0].at[pl.ds(r0, CHUNK)], arow0)
        pltpu.sync_copy(acc_hbm.at[1].at[pl.ds(r0, CHUNK)], arow1)
        pltpu.sync_copy(z_hbm.at[pl.ds(r0, CHUNK)], zrow)
        pltpu.sync_copy(dinv_hbm.at[pl.ds(r0, CHUNK)],
                        dinvv.at[pl.ds(0, CHUNK)])
        pltpu.sync_copy(bidx_hbm.at[pl.ds(r0, CHUNK)],
                        bidxv.at[pl.ds(0, CHUNK)])

        def row_body(i, _):
            d = dinvv[pl.ds(i, 16)][0]
            b = bidxv[pl.ds(i, 16)][0]
            pcnt[b, pl.ds(0, 16)] = pcnt[b, pl.ds(0, 16)] + ones
            for k in range(HD // 16):
                sl = pl.ds(k * 16, 16)
                v = (arow0[i, sl] + arow1[i, sl] + zrow[i, sl]) * d
                v = jnp.maximum(v + biasv[sl], 0.0)
                psum[b, sl] = psum[b, sl] + v
                pmax[b, sl] = jnp.maximum(pmax[b, sl], v)
            return 0

        lax.fori_loop(0, CHUNK, row_body, 0)
        return 0

    lax.fori_loop(0, nj, chunk_body, 0)
    pltpu.sync_copy(psum, psum_hbm.at[c, s])
    pltpu.sync_copy(pmax, pmax_hbm.at[c, s])
    pltpu.sync_copy(pcnt, pcnt_hbm.at[c, s])


def _final_body(psum_ref, pmax_ref, pcnt_ref, wa_ref, ba_ref,
                out_ref, aggr_ref):
    sums = jnp.sum(psum_ref[...], axis=(0, 1))
    maxs = jnp.max(pmax_ref[...], axis=(0, 1))
    cnt = jnp.sum(pcnt_ref[...], axis=(0, 1, 3)) / 16.0
    scale = 1.0 / jnp.maximum(cnt, 1.0)[:, None]
    aggr = jnp.concatenate([sums * scale, maxs], axis=1)
    out = jnp.dot(aggr, wa_ref[...], preferred_element_type=_f32)
    out_ref[...] = out + ba_ref[...]
    aggr_ref[...] = aggr


def _final(psum, pmax, pcnt, wa, ba):
    return pl.pallas_call(
        _final_body,
        out_shape=[
            jax.ShapeDtypeStruct((G, CO), _f32),
            jax.ShapeDtypeStruct((G, 2 * HD), _f32),
        ],
    )(psum, pmax, pcnt, wa, ba.reshape(1, CO))


def kernel(x, edge_index, batch_index, W1, b1, W2, b2, W3, b3, Wa, ba):
    src = edge_index[0].reshape(NW, RPT // 25, 25, CHUNK)
    dst = edge_index[1].reshape(NW, RPT // 25, 25, CHUNK)
    dst_deg = edge_index[1].reshape(NW, RPT, CHUNK)

    deg16 = _deg_kernel(dst_deg)
    z1, dinv = _tc0(deg16, x, W1)
    dinv1 = dinv.reshape(-1)

    acc1 = _sc_scatter(src, dst, z1)
    z2 = _tcmid(acc1, z1, dinv, b1, W2)
    acc2 = _sc_scatter(src, dst, z2)
    z3 = _tcmid(acc2, z2, dinv, b2, W3)
    acc3 = _sc_scatter(src, dst, z3)
    psum, pmax, pcnt = _sc_pool(acc3, z3, dinv1, batch_index, b3)

    out, aggr = _final(psum, pmax, pcnt, Wa, ba)
    return (out, aggr)

# --- scband reference (transcript-rebuilt; emitter-appended) ---
"""Pipeline reference for scband-basic-gcn-39273180955610 (READ-ONLY COPY).

The authoritative reference and input builder live on the scoring server;
editing this copy changes nothing except your own understanding.
"""

import jax, jax.numpy as jnp
import numpy as np

N = 10000
E = 320000
F = 128
H = 128
C = 32
G = 64


def setup_inputs(seed: int = 0) -> dict:
    key = jax.random.key(seed)
    ks = jax.random.split(key, 12)
    x = jax.random.normal(ks[0], (N, F), dtype=jnp.float32)
    edge_index = jax.random.randint(ks[1], (2, E), 0, N, dtype=jnp.int32)
    batch_index = jnp.sort(jax.random.randint(ks[2], (N,), 0, G, dtype=jnp.int32))
    W1 = jax.random.normal(ks[3], (F, H), dtype=jnp.float32) * 0.05
    b1 = jnp.zeros((H,), dtype=jnp.float32)
    W2 = jax.random.normal(ks[4], (H, H), dtype=jnp.float32) * 0.05
    b2 = jnp.zeros((H,), dtype=jnp.float32)
    W3 = jax.random.normal(ks[5], (H, H), dtype=jnp.float32) * 0.05
    b3 = jnp.zeros((H,), dtype=jnp.float32)
    Wa = jax.random.normal(ks[6], (2 * H, C), dtype=jnp.float32) * 0.05
    ba = jnp.zeros((C,), dtype=jnp.float32)
    return {"x": x, "edge_index": edge_index, "batch_index": batch_index,
            "W1": W1, "b1": b1, "W2": W2, "b2": b2, "W3": W3, "b3": b3,
            "Wa": Wa, "ba": ba}


def _gcn_conv(x, edge_index, W, b):
    # GCNConv: add self loops, symmetric normalization, linear transform, scatter-add aggregation, bias
    loop = jnp.arange(N, dtype=edge_index.dtype)
    src = jnp.concatenate([edge_index[0], loop])
    dst = jnp.concatenate([edge_index[1], loop])
    deg = jax.ops.segment_sum(jnp.ones_like(src, dtype=x.dtype), dst, num_segments=N)
    dinv = jnp.where(deg > 0, 1.0 / jnp.sqrt(deg), 0.0)
    norm = dinv[src] * dinv[dst]
    xw = x @ W
    msg = xw[src] * norm[:, None]
    out = jax.ops.segment_sum(msg, dst, num_segments=N)
    return out + b


def reference(x, edge_index, batch_index, W1, b1, W2, b2, W3, b3, Wa, ba):
    embed = jax.nn.relu(_gcn_conv(x, edge_index, W1, b1))
    msg = jax.nn.relu(_gcn_conv(embed, edge_index, W2, b2))
    msg = jax.nn.relu(_gcn_conv(msg, edge_index, W3, b3))
    # global_mean_pool
    cnt = jax.ops.segment_sum(jnp.ones((N,), dtype=msg.dtype), batch_index, num_segments=G)
    mean_pool = jax.ops.segment_sum(msg, batch_index, num_segments=G) / jnp.maximum(cnt, 1.0)[:, None]
    # global_max_pool
    max_pool = jax.ops.segment_max(msg, batch_index, num_segments=G)
    aggr = jnp.concatenate([mean_pool, max_pool], axis=1)
    out = aggr @ Wa + ba
    return (out, aggr)

if __name__ == "__main__":
    import jax
    _d = setup_inputs()
    print(jax.jit(kernel)(*tuple(_d.values())))

</pallas_src>

<mosaic_0001>
#map = affine_map<(d0, d1) -> (0, 0, 0, 0)>
#map1 = affine_map<(d0, d1) -> (0, 0)>
#map2 = affine_map<(d0, d1) -> (0, 0, 0)>
module attributes {stable_mosaic.version = 14 : i64} {
  func.func @_sc_scatter(%arg0: i32, %arg1: i32, %arg2: memref<32x5x25x80xi32, #tpu.memory_space<hbm>>, %arg3: memref<32x5x25x80xi32, #tpu.memory_space<hbm>>, %arg4: memref<10000x128xf32, #tpu.memory_space<hbm>>, %arg5: memref<2x10000x128xf32, #tpu.memory_space<hbm>>, %arg6: memref<25x80xi32, #tpu.memory_space<vmem>>, %arg7: memref<25x80xi32, #tpu.memory_space<vmem>>, %arg8: memref<80x128xf32, #tpu.memory_space<vmem>>, %arg9: memref<80x128xf32, #tpu.memory_space<vmem>>, %arg10: memref<10000x128xf32, #tpu.memory_space<vmem_shared>>, %arg11: memref<!tpu.dma_semaphore, #tpu.memory_space<semaphore_mem>>, %arg12: memref<!tpu.dma_semaphore, #tpu.memory_space<semaphore_mem>>) attributes {dimension_semantics = [#tpu.dimension_semantics<core_parallel>, #tpu.dimension_semantics<subcore_parallel>], iteration_bounds = array<i64: 2, 16>, scalar_prefetch = 0 : i64, scratch_operands = 7 : i64, tpu.core_type = #tpu.core_type<sc_vector_subcore>, window_params = [{transform_indices = #map}, {transform_indices = #map}, {transform_indices = #map1}, {transform_indices = #map2}]} {
    %mul3A = arith.constant 2 : i32
    %mul3A_0 = arith.muli %arg1, %mul3A : i32
    %add3A = arith.addi %mul3A_0, %arg0 : i32
    %lt3A = arith.constant 15 : i32
    %lt3A_1 = arith.cmpi slt, %arg1, %lt3A : i32
    %jit3A = arith.constant 8 : i32
    %jit3A_2 = arith.constant 5 : i32
    %select_n3A = arith.select %lt3A_1, %jit3A, %jit3A_2 : i32
    %broadcast_in_dim3A = arith.constant 0.000000e+00 : f32
    %broadcast_in_dim3A_3 = vector.broadcast %broadcast_in_dim3A : f32 to vector<16xf32>
    %scan3A = arith.constant 0 : i32
    %scan3A_4 = arith.constant 0 : i32
    %scan3A_5 = arith.constant 80 : i32
    %scan3A_6 = arith.addi %scan3A_4, %scan3A_5 : i32
    %scan3A_7 = arith.constant 1 : i32
    %scan3A_8 = scf.for %scan3A_41 = %scan3A_4 to %scan3A_6 step %scan3A_7 iter_args(%scan3A_42 = %scan3A) -> (i32)  : i32 {
      %swap3A = arith.index_cast %scan3A_41 : i32 to index
      %swap3A_43 = arith.constant 0 : index
      %swap3A_44 = tpu.vector_load %arg8[%swap3A, %swap3A_43] {strides = array<i32>} : memref<80x128xf32, #tpu.memory_space<vmem>>, vector<1x16xf32>,
      %swap3A_45 = vector.shape_cast %swap3A_44 : vector<1x16xf32> to vector<16xf32>
      %swap3A_46 = vector.shape_cast %broadcast_in_dim3A_3 : vector<16xf32> to vector<1x16xf32>
      tpu.vector_store %arg8[%swap3A, %swap3A_43], %swap3A_46 {strides = array<i32>} : memref<80x128xf32, #tpu.memory_space<vmem>>, vector<1x16xf32>,
      %swap3A_47 = arith.index_cast %scan3A_41 : i32 to index
      %swap3A_48 = arith.constant 16 : index
      %swap3A_49 = tpu.vector_load %arg8[%swap3A_47, %swap3A_48] {strides = array<i32>} : memref<80x128xf32, #tpu.memory_space<vmem>>, vector<1x16xf32>,
      %swap3A_50 = vector.shape_cast %swap3A_49 : vector<1x16xf32> to vector<16xf32>
      %swap3A_51 = vector.shape_cast %broadcast_in_dim3A_3 : vector<16xf32> to vector<1x16xf32>
      tpu.vector_store %arg8[%swap3A_47, %swap3A_48], %swap3A_51 {strides = array<i32>} : memref<80x128xf32, #tpu.memory_space<vmem>>, vector<1x16xf32>,
      %swap3A_52 = arith.index_cast %scan3A_41 : i32 to index
      %swap3A_53 = arith.constant 32 : index
      %swap3A_54 = tpu.vector_load %arg8[%swap3A_52, %swap3A_53] {strides = array<i32>} : memref<80x128xf32, #tpu.memory_space<vmem>>, vector<1x16xf32>,
      %swap3A_55 = vector.shape_cast %swap3A_54 : vector<1x16xf32> to vector<16xf32>
      %swap3A_56 = vector.shape_cast %broadcast_in_dim3A_3 : vector<16xf32> to vector<1x16xf32>
      tpu.vector_store %arg8[%swap3A_52, %swap3A_53], %swap3A_56 {strides = array<i32>} : memref<80x128xf32, #tpu.memory_space<vmem>>, vector<1x16xf32>,
      %swap3A_57 = arith.index_cast %scan3A_41 : i32 to index
      %swap3A_58 = arith.constant 48 : index
      %swap3A_59 = tpu.vector_load %arg8[%swap3A_57, %swap3A_58] {strides = array<i32>} : memref<80x128xf32, #tpu.memory_space<vmem>>, vector<1x16xf32>,
      %swap3A_60 = vector.shape_cast %swap3A_59 : vector<1x16xf32> to vector<16xf32>
      %swap3A_61 = vector.shape_cast %broadcast_in_dim3A_3 : vector<16xf32> to vector<1x16xf32>
      tpu.vector_store %arg8[%swap3A_57, %swap3A_58], %swap3A_61 {strides = array<i32>} : memref<80x128xf32, #tpu.memory_space<vmem>>, vector<1x16xf32>,
      %swap3A_62 = arith.index_cast %scan3A_41 : i32 to index
      %swap3A_63 = arith.constant 64 : index
      %swap3A_64 = tpu.vector_load %arg8[%swap3A_62, %swap3A_63] {strides = array<i32>} : memref<80x128xf32, #tpu.memory_space<vmem>>, vector<1x16xf32>,
      %swap3A_65 = vector.shape_cast %swap3A_64 : vector<1x16xf32> to vector<16xf32>
      %swap3A_66 = vector.shape_cast %broadcast_in_dim3A_3 : vector<16xf32> to vector<1x16xf32>
      tpu.vector_store %arg8[%swap3A_62, %swap3A_63], %swap3A_66 {strides = array<i32>} : memref<80x128xf32, #tpu.memory_space<vmem>>, vector<1x16xf32>,
      %swap3A_67 = arith.index_cast %scan3A_41 : i32 to index
      %swap3A_68 = arith.constant 80 : index
      %swap3A_69 = tpu.vector_load %arg8[%swap3A_67, %swap3A_68] {strides = array<i32>} : memref<80x128xf32, #tpu.memory_space<vmem>>, vector<1x16xf32>,
      %swap3A_70 = vector.shape_cast %swap3A_69 : vector<1x16xf32> to vector<16xf32>
      %swap3A_71 = vector.shape_cast %broadcast_in_dim3A_3 : vector<16xf32> to vector<1x16xf32>
      tpu.vector_store %arg8[%swap3A_67, %swap3A_68], %swap3A_71 {strides = array<i32>} : memref<80x128xf32, #tpu.memory_space<vmem>>, vector<1x16xf32>,
      %swap3A_72 = arith.index_cast %scan3A_41 : i32 to index
      %swap3A_73 = arith.constant 96 : index
      %swap3A_74 = tpu.vector_load %arg8[%swap3A_72, %swap3A_73] {strides = array<i32>} : memref<80x128xf32, #tpu.memory_space<vmem>>, vector<1x16xf32>,
      %swap3A_75 = vector.shape_cast %swap3A_74 : vector<1x16xf32> to vector<16xf32>
      %swap3A_76 = vector.shape_cast %broadcast_in_dim3A_3 : vector<16xf32> to vector<1x16xf32>
      tpu.vector_store %arg8[%swap3A_72, %swap3A_73], %swap3A_76 {strides = array<i32>} : memref<80x128xf32, #tpu.memory_space<vmem>>, vector<1x16xf32>,
      %swap3A_77 = arith.index_cast %scan3A_41 : i32 to index
      %swap3A_78 = arith.constant 112 : index
      %swap3A_79 = tpu.vector_load %arg8[%swap3A_77, %swap3A_78] {strides = array<i32>} : memref<80x128xf32, #tpu.memory_space<vmem>>, vector<1x16xf32>,
      %swap3A_80 = vector.shape_cast %swap3A_79 : vector<1x16xf32> to vector<16xf32>
      %swap3A_81 = vector.shape_cast %broadcast_in_dim3A_3 : vector<16xf32> to vector<1x16xf32>
      tpu.vector_store %arg8[%swap3A_77, %swap3A_78], %swap3A_81 {strides = array<i32>} : memref<80x128xf32, #tpu.memory_space<vmem>>, vector<1x16xf32>,
      %scan3A_82 = arith.constant 0 : i32
      scf.yield %scan3A_82 : i32
    }
    %scan3A_9 = arith.constant 80 : i32
    %while3A = arith.constant 0 : i32
    %while3A_10 = arith.constant 0 : i32
    %while3A_11 = arith.subi %select_n3A, %while3A : i32
    %while3A_12 = arith.addi %while3A, %while3A_11 : i32
    %while3A_13 = arith.constant 1 : i32
    %while3A_14 = arith.divsi %while3A_11, %while3A_13 : i32
    %while3A_15 = arith.muli %while3A_14, %while3A_13 : i32
    %while3A_16 = arith.addi %while3A, %while3A_15 : i32
    %while3A_17 = arith.constant 1 : i32
    %while3A_18 = scf.for %while3A_41 = %while3A to %while3A_16 step %while3A_17 iter_args(%while3A_42 = %while3A_10) -> (i32)  : i32 {
      %mul3A_43 = arith.constant 640 : i32
      %mul3A_44 = arith.muli %mul3A_43, %arg1 : i32
      %mul3A_45 = arith.constant 80 : i32
      %mul3A_46 = arith.muli %mul3A_45, %while3A_41 : i32
      %add3A_47 = arith.addi %mul3A_44, %mul3A_46 : i32
      "tpu.region"() ({
        %run_scoped3A = tpu.sem_alloc : memref<!tpu.dma_semaphore, #tpu.memory_space<semaphore_mem>>
        %dma_start3A = arith.constant 0 : i32
        %dma_start3A_49 = tpu.memref_slice %arg10[%add3A_47, %dma_start3A] : memref<10000x128xf32, #tpu.memory_space<vmem_shared>> -> memref<80x128xf32, #tpu.memory_space<vmem_shared>>
        %dma_start3A_50 = arith.constant 0 : i32
        %dma_start3A_51 = tpu.memref_slice %arg10[%add3A_47, %dma_start3A_50] : memref<10000x128xf32, #tpu.memory_space<vmem_shared>> -> memref<80x128xf32, #tpu.memory_space<vmem_shared>>
        tpu.enqueue_dma source(%arg8 : memref<80x128xf32, #tpu.memory_space<vmem>>) target(%dma_start3A_51 : memref<80x128xf32, #tpu.memory_space<vmem_shared>>) target_semaphore(%run_scoped3A : memref<!tpu.dma_semaphore, #tpu.memory_space<semaphore_mem>>)
        %dma_wait3A = arith.constant 0 : i32
        %dma_wait3A_52 = tpu.memref_slice %arg10[%add3A_47, %dma_wait3A] : memref<10000x128xf32, #tpu.memory_space<vmem_shared>> -> memref<80x128xf32, #tpu.memory_space<vmem_shared>>
        %dma_wait3A_53 = arith.constant 0 : i32
        %dma_wait3A_54 = tpu.memref_slice %arg10[%add3A_47, %dma_wait3A_53] : memref<10000x128xf32, #tpu.memory_space<vmem_shared>> -> memref<80x128xf32, #tpu.memory_space<vmem_shared>>
        tpu.wait_dma2 semaphore(%run_scoped3A : memref<!tpu.dma_semaphore, #tpu.memory_space<semaphore_mem>>) src(%arg8 : memref<80x128xf32, #tpu.memory_space<vmem>>) dst(%dma_wait3A_54 : memref<80x128xf32, #tpu.memory_space<vmem_shared>>)
        tpu.yield
      }) : () -> ()
      %while3A_48 = arith.constant 0 : i32
      scf.yield %while3A_48 : i32
    }
    %while3A_19 = arith.constant 1 : i32
    %while3A_20 = scf.for %while3A_41 = %while3A_16 to %while3A_12 step %while3A_19 iter_args(%while3A_42 = %while3A_18) -> (i32)  : i32 {
      %mul3A_43 = arith.constant 640 : i32
      %mul3A_44 = arith.muli %mul3A_43, %arg1 : i32
      %mul3A_45 = arith.constant 80 : i32
      %mul3A_46 = arith.muli %mul3A_45, %while3A_41 : i32
      %add3A_47 = arith.addi %mul3A_44, %mul3A_46 : i32
      "tpu.region"() ({
        %run_scoped3A = tpu.sem_alloc : memref<!tpu.dma_semaphore, #tpu.memory_space<semaphore_mem>>
        %dma_start3A = arith.constant 0 : i32
        %dma_start3A_49 = tpu.memref_slice %arg10[%add3A_47, %dma_start3A] : memref<10000x128xf32, #tpu.memory_space<vmem_shared>> -> memref<80x128xf32, #tpu.memory_space<vmem_shared>>
        %dma_start3A_50 = arith.constant 0 : i32
        %dma_start3A_51 = tpu.memref_slice %arg10[%add3A_47, %dma_start3A_50] : memref<10000x128xf32, #tpu.memory_space<vmem_shared>> -> memref<80x128xf32, #tpu.memory_space<vmem_shared>>
        tpu.enqueue_dma source(%arg8 : memref<80x128xf32, #tpu.memory_space<vmem>>) target(%dma_start3A_51 : memref<80x128xf32, #tpu.memory_space<vmem_shared>>) target_semaphore(%run_scoped3A : memref<!tpu.dma_semaphore, #tpu.memory_space<semaphore_mem>>)
        %dma_wait3A = arith.constant 0 : i32
        %dma_wait3A_52 = tpu.memref_slice %arg10[%add3A_47, %dma_wait3A] : memref<10000x128xf32, #tpu.memory_space<vmem_shared>> -> memref<80x128xf32, #tpu.memory_space<vmem_shared>>
        %dma_wait3A_53 = arith.constant 0 : i32
        %dma_wait3A_54 = tpu.memref_slice %arg10[%add3A_47, %dma_wait3A_53] : memref<10000x128xf32, #tpu.memory_space<vmem_shared>> -> memref<80x128xf32, #tpu.memory_space<vmem_shared>>
        tpu.wait_dma2 semaphore(%run_scoped3A : memref<!tpu.dma_semaphore, #tpu.memory_space<semaphore_mem>>) src(%arg8 : memref<80x128xf32, #tpu.memory_space<vmem>>) dst(%dma_wait3A_54 : memref<80x128xf32, #tpu.memory_space<vmem_shared>>)
        tpu.yield
      }) : () -> ()
      %while3A_48 = arith.constant 0 : i32
      scf.yield %while3A_48 : i32
    }
    %barrier3A = arith.constant 0 : index
    tpu.barrier barrier_id(%barrier3A)
    %scan3A_21 = arith.constant 0 : i32
    %scan3A_22 = arith.constant 0 : i32
    %scan3A_23 = arith.constant 5 : i32
    %scan3A_24 = arith.addi %scan3A_22, %scan3A_23 : i32
    %scan3A_25 = arith.constant 1 : i32
    %scan3A_26 = scf.for %scan3A_41 = %scan3A_22 to %scan3A_24 step %scan3A_25 iter_args(%scan3A_42 = %scan3A_21) -> (i32)  : i32 {
      "tpu.region"() ({
        %run_scoped3A_63 = tpu.sem_alloc : memref<!tpu.dma_semaphore, #tpu.memory_space<semaphore_mem>>
        %dma_start3A_64 = arith.constant 0 : i32
        %dma_start3A_65 = arith.constant 0 : i32
        %dma_start3A_66 = tpu.memref_slice %arg2[%add3A, %scan3A_41, %dma_start3A_64, %dma_start3A_65] : memref<32x5x25x80xi32, #tpu.memory_space<hbm>> -> memref<1x1x25x80xi32, #tpu.memory_space<hbm>>
        %dma_start3A_67 = tpu.memref_squeeze %dma_start3A_66 : memref<1x1x25x80xi32, #tpu.memory_space<hbm>> -> memref<25x80xi32, #tpu.memory_space<hbm>>
        %dma_start3A_68 = arith.constant 0 : i32
        %dma_start3A_69 = arith.constant 0 : i32
        %dma_start3A_70 = tpu.memref_slice %arg2[%add3A, %scan3A_41, %dma_start3A_68, %dma_start3A_69] : memref<32x5x25x80xi32, #tpu.memory_space<hbm>> -> memref<1x1x25x80xi32, #tpu.memory_space<hbm>>
        %dma_start3A_71 = tpu.memref_squeeze %dma_start3A_70 : memref<1x1x25x80xi32, #tpu.memory_space<hbm>> -> memref<25x80xi32, #tpu.memory_space<hbm>>
        tpu.enqueue_dma source(%dma_start3A_71 : memref<25x80xi32, #tpu.memory_space<hbm>>) target(%arg6 : memref<25x80xi32, #tpu.memory_space<vmem>>) target_semaphore(%run_scoped3A_63 : memref<!tpu.dma_semaphore, #tpu.memory_space<semaphore_mem>>)
        %dma_wait3A_72 = arith.constant 0 : i32
        %dma_wait3A_73 = arith.constant 0 : i32
        %dma_wait3A_74 = tpu.memref_slice %arg2[%add3A, %scan3A_41, %dma_wait3A_72, %dma_wait3A_73] : memref<32x5x25x80xi32, #tpu.memory_space<hbm>> -> memref<1x1x25x80xi32, #tpu.memory_space<hbm>>
        %dma_wait3A_75 = tpu.memref_squeeze %dma_wait3A_74 : memref<1x1x25x80xi32, #tpu.memory_space<hbm>> -> memref<25x80xi32, #tpu.memory_space<hbm>>
        %dma_wait3A_76 = arith.constant 0 : i32
        %dma_wait3A_77 = arith.constant 0 : i32
        %dma_wait3A_78 = tpu.memref_slice %arg2[%add3A, %scan3A_41, %dma_wait3A_76, %dma_wait3A_77] : memref<32x5x25x80xi32, #tpu.memory_space<hbm>> -> memref<1x1x25x80xi32, #tpu.memory_space<hbm>>
        %dma_wait3A_79 = tpu.memref_squeeze %dma_wait3A_78 : memref<1x1x25x80xi32, #tpu.memory_space<hbm>> -> memref<25x80xi32, #tpu.memory_space<hbm>>
        tpu.wait_dma2 semaphore(%run_scoped3A_63 : memref<!tpu.dma_semaphore, #tpu.memory_space<semaphore_mem>>) src(%dma_wait3A_79 : memref<25x80xi32, #tpu.memory_space<hbm>>) dst(%arg6 : memref<25x80xi32, #tpu.memory_space<vmem>>)
        tpu.yield
      }) : () -> ()
      "tpu.region"() ({
        %run_scoped3A_63 = tpu.sem_alloc : memref<!tpu.dma_semaphore, #tpu.memory_space<semaphore_mem>>
        %dma_start3A_64 = arith.constant 0 : i32
        %dma_start3A_65 = arith.constant 0 : i32
        %dma_start3A_66 = tpu.memref_slice %arg3[%add3A, %scan3A_41, %dma_start3A_64, %dma_start3A_65] : memref<32x5x25x80xi32, #tpu.memory_space<hbm>> -> memref<1x1x25x80xi32, #tpu.memory_space<hbm>>
        %dma_start3A_67 = tpu.memref_squeeze %dma_start3A_66 : memref<1x1x25x80xi32, #tpu.memory_space<hbm>> -> memref<25x80xi32, #tpu.memory_space<hbm>>
        %dma_start3A_68 = arith.constant 0 : i32
        %dma_start3A_69 = arith.constant 0 : i32
        %dma_start3A_70 = tpu.memref_slice %arg3[%add3A, %scan3A_41, %dma_start3A_68, %dma_start3A_69] : memref<32x5x25x80xi32, #tpu.memory_space<hbm>> -> memref<1x1x25x80xi32, #tpu.memory_space<hbm>>
        %dma_start3A_71 = tpu.memref_squeeze %dma_start3A_70 : memref<1x1x25x80xi32, #tpu.memory_space<hbm>> -> memref<25x80xi32, #tpu.memory_space<hbm>>
        tpu.enqueue_dma source(%dma_start3A_71 : memref<25x80xi32, #tpu.memory_space<hbm>>) target(%arg7 : memref<25x80xi32, #tpu.memory_space<vmem>>) target_semaphore(%run_scoped3A_63 : memref<!tpu.dma_semaphore, #tpu.memory_space<semaphore_mem>>)
        %dma_wait3A_72 = arith.constant 0 : i32
        %dma_wait3A_73 = arith.constant 0 : i32
        %dma_wait3A_74 = tpu.memref_slice %arg3[%add3A, %scan3A_41, %dma_wait3A_72, %dma_wait3A_73] : memref<32x5x25x80xi32, #tpu.memory_space<hbm>> -> memref<1x1x25x80xi32, #tpu.memory_space<hbm>>
        %dma_wait3A_75 = tpu.memref_squeeze %dma_wait3A_74 : memref<1x1x25x80xi32, #tpu.memory_space<hbm>> -> memref<25x80xi32, #tpu.memory_space<hbm>>
        %dma_wait3A_76 = arith.constant 0 : i32
        %dma_wait3A_77 = arith.constant 0 : i32
        %dma_wait3A_78 = tpu.memref_slice %arg3[%add3A, %scan3A_41, %dma_wait3A_76, %dma_wait3A_77] : memref<32x5x25x80xi32, #tpu.memory_space<hbm>> -> memref<1x1x25x80xi32, #tpu.memory_space<hbm>>
        %dma_wait3A_79 = tpu.memref_squeeze %dma_wait3A_78 : memref<1x1x25x80xi32, #tpu.memory_space<hbm>> -> memref<25x80xi32, #tpu.memory_space<hbm>>
        tpu.wait_dma2 semaphore(%run_scoped3A_63 : memref<!tpu.dma_semaphore, #tpu.memory_space<semaphore_mem>>) src(%dma_wait3A_79 : memref<25x80xi32, #tpu.memory_space<hbm>>) dst(%arg7 : memref<25x80xi32, #tpu.memory_space<vmem>>)
        tpu.yield
      }) : () -> ()
      %dma_start3A = arith.constant 0 : i32
      %dma_start3A_43 = arith.constant 0 : i32
      %dma_start3A_44 = tpu.memref_slice %arg6[%dma_start3A, %dma_start3A_43] : memref<25x80xi32, #tpu.memory_space<vmem>> -> memref<1x80xi32, #tpu.memory_space<vmem>>
      %dma_start3A_45 = tpu.memref_squeeze %dma_start3A_44 : memref<1x80xi32, #tpu.memory_space<vmem>> -> memref<80xi32, #tpu.memory_space<vmem>>
      %dma_start3A_46 = arith.constant 0 : i32
      %dma_start3A_47 = arith.constant 0 : i32
      %dma_start3A_48 = tpu.memref_slice %arg4[%dma_start3A_46, %dma_start3A_47] : memref<10000x128xf32, #tpu.memory_space<hbm>> -> memref<10000x128xf32, #tpu.memory_space<hbm>>
      tpu.enqueue_indirect_dma source(%dma_start3A_48 : memref<10000x128xf32, #tpu.memory_space<hbm>>) target(%arg8 : memref<80x128xf32, #tpu.memory_space<vmem>>) offsets(%dma_start3A_45 : memref<80xi32, #tpu.memory_space<vmem>>) semaphore(%arg11 : memref<!tpu.dma_semaphore, #tpu.memory_space<semaphore_mem>>)
      %scan3A_49 = arith.constant 0 : i32
      %scan3A_50 = arith.constant 0 : i32
      %scan3A_51 = arith.constant 12 : i32
      %scan3A_52 = arith.addi %scan3A_50, %scan3A_51 : i32
      %scan3A_53 = arith.constant 1 : i32
      %scan3A_54 = scf.for %scan3A_63 = %scan3A_50 to %scan3A_52 step %scan3A_53 iter_args(%scan3A_64 = %scan3A_49) -> (i32)  : i32 {
        %mul3A_65 = arith.constant 2 : i32
        %mul3A_66 = arith.muli %mul3A_65, %scan3A_63 : i32
        %add3A_67 = arith.constant 1 : i32
        %add3A_68 = arith.addi %mul3A_66, %add3A_67 : i32
        %dma_start3A_69 = arith.constant 0 : i32
        %dma_start3A_70 = tpu.memref_slice %arg6[%add3A_68, %dma_start3A_69] : memref<25x80xi32, #tpu.memory_space<vmem>> -> memref<1x80xi32, #tpu.memory_space<vmem>>
        %dma_start3A_71 = tpu.memref_squeeze %dma_start3A_70 : memref<1x80xi32, #tpu.memory_space<vmem>> -> memref<80xi32, #tpu.memory_space<vmem>>
        %dma_start3A_72 = arith.constant 0 : i32
        %dma_start3A_73 = arith.constant 0 : i32
        %dma_start3A_74 = tpu.memref_slice %arg4[%dma_start3A_72, %dma_start3A_73] : memref<10000x128xf32, #tpu.memory_space<hbm>> -> memref<10000x128xf32, #tpu.memory_space<hbm>>
        tpu.enqueue_indirect_dma source(%dma_start3A_74 : memref<10000x128xf32, #tpu.memory_space<hbm>>) target(%arg9 : memref<80x128xf32, #tpu.memory_space<vmem>>) offsets(%dma_start3A_71 : memref<80xi32, #tpu.memory_space<vmem>>) semaphore(%arg12 : memref<!tpu.dma_semaphore, #tpu.memory_space<semaphore_mem>>)
        %dma_wait3A_75 = arith.constant 0 : i32
        %dma_wait3A_76 = tpu.memref_slice %arg6[%mul3A_66, %dma_wait3A_75] : memref<25x80xi32, #tpu.memory_space<vmem>> -> memref<1x80xi32, #tpu.memory_space<vmem>>
        %dma_wait3A_77 = tpu.memref_squeeze %dma_wait3A_76 : memref<1x80xi32, #tpu.memory_space<vmem>> -> memref<80xi32, #tpu.memory_space<vmem>>
        %dma_wait3A_78 = arith.constant 0 : i32
        %dma_wait3A_79 = arith.constant 0 : i32
        %dma_wait3A_80 = tpu.memref_slice %arg4[%dma_wait3A_78, %dma_wait3A_79] : memref<10000x128xf32, #tpu.memory_space<hbm>> -> memref<10000x128xf32, #tpu.memory_space<hbm>>
        tpu.wait_indirect_dma semaphore(%arg11 : memref<!tpu.dma_semaphore, #tpu.memory_space<semaphore_mem>>) src(%dma_wait3A_80 : memref<10000x128xf32, #tpu.memory_space<hbm>>) dst(%arg8 : memref<80x128xf32, #tpu.memory_space<vmem>>)
        "tpu.region"() ({
          %run_scoped3A_100 = tpu.sem_alloc : memref<!tpu.dma_semaphore, #tpu.memory_space<semaphore_mem>>
          %dma_start3A_101 = arith.constant 0 : i32
          %dma_start3A_102 = tpu.memref_slice %arg7[%mul3A_66, %dma_start3A_101] : memref<25x80xi32, #tpu.memory_space<vmem>> -> memref<1x80xi32, #tpu.memory_space<vmem>>
          %dma_start3A_103 = tpu.memref_squeeze %dma_start3A_102 : memref<1x80xi32, #tpu.memory_space<vmem>> -> memref<80xi32, #tpu.memory_space<vmem>>
          %dma_start3A_104 = arith.constant 0 : i32
          %dma_start3A_105 = arith.constant 0 : i32
          %dma_start3A_106 = tpu.memref_slice %arg10[%dma_start3A_104, %dma_start3A_105] : memref<10000x128xf32, #tpu.memory_space<vmem_shared>> -> memref<10000x128xf32, #tpu.memory_space<vmem_shared>>
          tpu.enqueue_indirect_dma source(%arg8 : memref<80x128xf32, #tpu.memory_space<vmem>>) target(%dma_start3A_106 : memref<10000x128xf32, #tpu.memory_space<vmem_shared>>) offsets(%dma_start3A_103 : memref<80xi32, #tpu.memory_space<vmem>>) semaphore(%run_scoped3A_100 : memref<!tpu.dma_semaphore, #tpu.memory_space<semaphore_mem>>) {add = true}
          %dma_wait3A_107 = arith.constant 0 : i32
          %dma_wait3A_108 = tpu.memref_slice %arg7[%mul3A_66, %dma_wait3A_107] : memref<25x80xi32, #tpu.memory_space<vmem>> -> memref<1x80xi32, #tpu.memory_space<vmem>>
          %dma_wait3A_109 = tpu.memref_squeeze %dma_wait3A_108 : memref<1x80xi32, #tpu.memory_space<vmem>> -> memref<80xi32, #tpu.memory_space<vmem>>
          %dma_wait3A_110 = arith.constant 0 : i32
          %dma_wait3A_111 = arith.constant 0 : i32
          %dma_wait3A_112 = tpu.memref_slice %arg10[%dma_wait3A_110, %dma_wait3A_111] : memref<10000x128xf32, #tpu.memory_space<vmem_shared>> -> memref<10000x128xf32, #tpu.memory_space<vmem_shared>>
          tpu.wait_indirect_dma semaphore(%run_scoped3A_100 : memref<!tpu.dma_semaphore, #tpu.memory_space<semaphore_mem>>) src(%arg8 : memref<80x128xf32, #tpu.memory_space<vmem>>) dst(%dma_wait3A_112 : memref<10000x128xf32, #tpu.memory_space<vmem_shared>>)
          tpu.yield
        }) : () -> ()
        %add3A_81 = arith.constant 2 : i32
        %add3A_82 = arith.addi %mul3A_66, %add3A_81 : i32
        %dma_start3A_83 = arith.constant 0 : i32
        %dma_start3A_84 = tpu.memref_slice %arg6[%add3A_82, %dma_start3A_83] : memref<25x80xi32, #tpu.memory_space<vmem>> -> memref<1x80xi32, #tpu.memory_space<vmem>>
        %dma_start3A_85 = tpu.memref_squeeze %dma_start3A_84 : memref<1x80xi32, #tpu.memory_space<vmem>> -> memref<80xi32, #tpu.memory_space<vmem>>
        %dma_start3A_86 = arith.constant 0 : i32
        %dma_start3A_87 = arith.constant 0 : i32
        %dma_start3A_88 = tpu.memref_slice %arg4[%dma_start3A_86, %dma_start3A_87] : memref<10000x128xf32, #tpu.memory_space<hbm>> -> memref<10000x128xf32, #tpu.memory_space<hbm>>
        tpu.enqueue_indirect_dma source(%dma_start3A_88 : memref<10000x128xf32, #tpu.memory_space<hbm>>) target(%arg8 : memref<80x128xf32, #tpu.memory_space<vmem>>) offsets(%dma_start3A_85 : memref<80xi32, #tpu.memory_space<vmem>>) semaphore(%arg11 : memref<!tpu.dma_semaphore, #tpu.memory_space<semaphore_mem>>)
        %add3A_89 = arith.constant 1 : i32
        %add3A_90 = arith.addi %mul3A_66, %add3A_89 : i32
        %dma_wait3A_91 = arith.constant 0 : i32
        %dma_wait3A_92 = tpu.memref_slice %arg6[%add3A_90, %dma_wait3A_91] : memref<25x80xi32, #tpu.memory_space<vmem>> -> memref<1x80xi32, #tpu.memory_space<vmem>>
        %dma_wait3A_93 = tpu.memref_squeeze %dma_wait3A_92 : memref<1x80xi32, #tpu.memory_space<vmem>> -> memref<80xi32, #tpu.memory_space<vmem>>
        %dma_wait3A_94 = arith.constant 0 : i32
        %dma_wait3A_95 = arith.constant 0 : i32
        %dma_wait3A_96 = tpu.memref_slice %arg4[%dma_wait3A_94, %dma_wait3A_95] : memref<10000x128xf32, #tpu.memory_space<hbm>> -> memref<10000x128xf32, #tpu.memory_space<hbm>>
        tpu.wait_indirect_dma semaphore(%arg12 : memref<!tpu.dma_semaphore, #tpu.memory_space<semaphore_mem>>) src(%dma_wait3A_96 : memref<10000x128xf32, #tpu.memory_space<hbm>>) dst(%arg9 : memref<80x128xf32, #tpu.memory_space<vmem>>)
        %add3A_97 = arith.constant 1 : i32
        %add3A_98 = arith.addi %mul3A_66, %add3A_97 : i32
        "tpu.region"() ({
          %run_scoped3A_100 = tpu.sem_alloc : memref<!tpu.dma_semaphore, #tpu.memory_space<semaphore_mem>>
          %dma_start3A_101 = arith.constant 0 : i32
          %dma_start3A_102 = tpu.memref_slice %arg7[%add3A_98, %dma_start3A_101] : memref<25x80xi32, #tpu.memory_space<vmem>> -> memref<1x80xi32, #tpu.memory_space<vmem>>
          %dma_start3A_103 = tpu.memref_squeeze %dma_start3A_102 : memref<1x80xi32, #tpu.memory_space<vmem>> -> memref<80xi32, #tpu.memory_space<vmem>>
          %dma_start3A_104 = arith.constant 0 : i32
          %dma_start3A_105 = arith.constant 0 : i32
          %dma_start3A_106 = tpu.memref_slice %arg10[%dma_start3A_104, %dma_start3A_105] : memref<10000x128xf32, #tpu.memory_space<vmem_shared>> -> memref<10000x128xf32, #tpu.memory_space<vmem_shared>>
          tpu.enqueue_indirect_dma source(%arg9 : memref<80x128xf32, #tpu.memory_space<vmem>>) target(%dma_start3A_106 : memref<10000x128xf32, #tpu.memory_space<vmem_shared>>) offsets(%dma_start3A_103 : memref<80xi32, #tpu.memory_space<vmem>>) semaphore(%run_scoped3A_100 : memref<!tpu.dma_semaphore, #tpu.memory_space<semaphore_mem>>) {add = true}
          %dma_wait3A_107 = arith.constant 0 : i32
          %dma_wait3A_108 = tpu.memref_slice %arg7[%add3A_98, %dma_wait3A_107] : memref<25x80xi32, #tpu.memory_space<vmem>> -> memref<1x80xi32, #tpu.memory_space<vmem>>
          %dma_wait3A_109 = tpu.memref_squeeze %dma_wait3A_108 : memref<1x80xi32, #tpu.memory_space<vmem>> -> memref<80xi32, #tpu.memory_space<vmem>>
          %dma_wait3A_110 = arith.constant 0 : i32
          %dma_wait3A_111 = arith.constant 0 : i32
          %dma_wait3A_112 = tpu.memref_slice %arg10[%dma_wait3A_110, %dma_wait3A_111] : memref<10000x128xf32, #tpu.memory_space<vmem_shared>> -> memref<10000x128xf32, #tpu.memory_space<vmem_shared>>
          tpu.wait_indirect_dma semaphore(%run_scoped3A_100 : memref<!tpu.dma_semaphore, #tpu.memory_space<semaphore_mem>>) src(%arg9 : memref<80x128xf32, #tpu.memory_space<vmem>>) dst(%dma_wait3A_112 : memref<10000x128xf32, #tpu.memory_space<vmem_shared>>)
          tpu.yield
        }) : () -> ()
        %scan3A_99 = arith.constant 0 : i32
        scf.yield %scan3A_99 : i32
      }
      %scan3A_55 = arith.constant 12 : i32
      %dma_wait3A = arith.constant 24 : i32
      %dma_wait3A_56 = arith.constant 0 : i32
      %dma_wait3A_57 = tpu.memref_slice %arg6[%dma_wait3A, %dma_wait3A_56] : memref<25x80xi32, #tpu.memory_space<vmem>> -> memref<1x80xi32, #tpu.memory_space<vmem>>
      %dma_wait3A_58 = tpu.memref_squeeze %dma_wait3A_57 : memref<1x80xi32, #tpu.memory_space<vmem>> -> memref<80xi32, #tpu.memory_space<vmem>>
      %dma_wait3A_59 = arith.constant 0 : i32
      %dma_wait3A_60 = arith.constant 0 : i32
      %dma_wait3A_61 = tpu.memref_slice %arg4[%dma_wait3A_59, %dma_wait3A_60] : memref<10000x128xf32, #tpu.memory_space<hbm>> -> memref<10000x128xf32, #tpu.memory_space<hbm>>
      tpu.wait_indirect_dma semaphore(%arg11 : memref<!tpu.dma_semaphore, #tpu.memory_space<semaphore_mem>>) src(%dma_wait3A_61 : memref<10000x128xf32, #tpu.memory_space<hbm>>) dst(%arg8 : memref<80x128xf32, #tpu.memory_space<vmem>>)
      %run_scoped3A = arith.constant 24 : i32
      "tpu.region"() ({
        %run_scoped3A_63 = tpu.sem_alloc : memref<!tpu.dma_semaphore, #tpu.memory_space<semaphore_mem>>
        %dma_start3A_64 = arith.constant 0 : i32
        %dma_start3A_65 = tpu.memref_slice %arg7[%run_scoped3A, %dma_start3A_64] : memref<25x80xi32, #tpu.memory_space<vmem>> -> memref<1x80xi32, #tpu.memory_space<vmem>>
        %dma_start3A_66 = tpu.memref_squeeze %dma_start3A_65 : memref<1x80xi32, #tpu.memory_space<vmem>> -> memref<80xi32, #tpu.memory_space<vmem>>
        %dma_start3A_67 = arith.constant 0 : i32
        %dma_start3A_68 = arith.constant 0 : i32
        %dma_start3A_69 = tpu.memref_slice %arg10[%dma_start3A_67, %dma_start3A_68] : memref<10000x128xf32, #tpu.memory_space<vmem_shared>> -> memref<10000x128xf32, #tpu.memory_space<vmem_shared>>
        tpu.enqueue_indirect_dma source(%arg8 : memref<80x128xf32, #tpu.memory_space<vmem>>) target(%dma_start3A_69 : memref<10000x128xf32, #tpu.memory_space<vmem_shared>>) offsets(%dma_start3A_66 : memref<80xi32, #tpu.memory_space<vmem>>) semaphore(%run_scoped3A_63 : memref<!tpu.dma_semaphore, #tpu.memory_space<semaphore_mem>>) {add = true}
        %dma_wait3A_70 = arith.constant 0 : i32
        %dma_wait3A_71 = tpu.memref_slice %arg7[%run_scoped3A, %dma_wait3A_70] : memref<25x80xi32, #tpu.memory_space<vmem>> -> memref<1x80xi32, #tpu.memory_space<vmem>>
        %dma_wait3A_72 = tpu.memref_squeeze %dma_wait3A_71 : memref<1x80xi32, #tpu.memory_space<vmem>> -> memref<80xi32, #tpu.memory_space<vmem>>
        %dma_wait3A_73 = arith.constant 0 : i32
        %dma_wait3A_74 = arith.constant 0 : i32
        %dma_wait3A_75 = tpu.memref_slice %arg10[%dma_wait3A_73, %dma_wait3A_74] : memref<10000x128xf32, #tpu.memory_space<vmem_shared>> -> memref<10000x128xf32, #tpu.memory_space<vmem_shared>>
        tpu.wait_indirect_dma semaphore(%run_scoped3A_63 : memref<!tpu.dma_semaphore, #tpu.memory_space<semaphore_mem>>) src(%arg8 : memref<80x128xf32, #tpu.memory_space<vmem>>) dst(%dma_wait3A_75 : memref<10000x128xf32, #tpu.memory_space<vmem_shared>>)
        tpu.yield
      }) : () -> ()
      %scan3A_62 = arith.constant 0 : i32
      scf.yield %scan3A_62 : i32
    }
    %scan3A_27 = arith.constant 5 : i32
    %barrier3A_28 = arith.constant 0 : index
    tpu.barrier barrier_id(%barrier3A_28)
    %while3A_29 = arith.constant 0 : i32
    %while3A_30 = arith.constant 0 : i32
    %while3A_31 = arith.subi %select_n3A, %while3A_29 : i32
    %while3A_32 = arith.addi %while3A_29, %while3A_31 : i32
    %while3A_33 = arith.constant 1 : i32
    %while3A_34 = arith.divsi %while3A_31, %while3A_33 : i32
    %while3A_35 = arith.muli %while3A_34, %while3A_33 : i32
    %while3A_36 = arith.addi %while3A_29, %while3A_35 : i32
    %while3A_37 = arith.constant 1 : i32
    %while3A_38 = scf.for %while3A_41 = %while3A_29 to %while3A_36 step %while3A_37 iter_args(%while3A_42 = %while3A_30) -> (i32)  : i32 {
      %mul3A_43 = arith.constant 640 : i32
      %mul3A_44 = arith.muli %mul3A_43, %arg1 : i32
      %mul3A_45 = arith.constant 80 : i32
      %mul3A_46 = arith.muli %mul3A_45, %while3A_41 : i32
      %add3A_47 = arith.addi %mul3A_44, %mul3A_46 : i32
      "tpu.region"() ({
        %run_scoped3A = tpu.sem_alloc : memref<!tpu.dma_semaphore, #tpu.memory_space<semaphore_mem>>
        %dma_start3A = arith.constant 0 : i32
        %dma_start3A_49 = arith.constant 0 : i32
        %dma_start3A_50 = tpu.memref_slice %arg5[%arg0, %dma_start3A, %dma_start3A_49] : memref<2x10000x128xf32, #tpu.memory_space<hbm>> -> memref<1x10000x128xf32, #tpu.memory_space<hbm>>
        %dma_start3A_51 = tpu.memref_squeeze %dma_start3A_50 : memref<1x10000x128xf32, #tpu.memory_space<hbm>> -> memref<10000x128xf32, #tpu.memory_space<hbm>>
        %dma_start3A_52 = arith.constant 0 : i32
        %dma_start3A_53 = tpu.memref_slice %dma_start3A_51[%add3A_47, %dma_start3A_52] : memref<10000x128xf32, #tpu.memory_space<hbm>> -> memref<80x128xf32, #tpu.memory_space<hbm>>
        %dma_start3A_54 = arith.constant 0 : i32
        %dma_start3A_55 = tpu.memref_slice %arg10[%add3A_47, %dma_start3A_54] : memref<10000x128xf32, #tpu.memory_space<vmem_shared>> -> memref<80x128xf32, #tpu.memory_space<vmem_shared>>
        tpu.enqueue_dma source(%dma_start3A_55 : memref<80x128xf32, #tpu.memory_space<vmem_shared>>) target(%dma_start3A_53 : memref<80x128xf32, #tpu.memory_space<hbm>>) target_semaphore(%run_scoped3A : memref<!tpu.dma_semaphore, #tpu.memory_space<semaphore_mem>>)
        %dma_wait3A = arith.constant 0 : i32
        %dma_wait3A_56 = arith.constant 0 : i32
        %dma_wait3A_57 = tpu.memref_slice %arg5[%arg0, %dma_wait3A, %dma_wait3A_56] : memref<2x10000x128xf32, #tpu.memory_space<hbm>> -> memref<1x10000x128xf32, #tpu.memory_space<hbm>>
        %dma_wait3A_58 = tpu.memref_squeeze %dma_wait3A_57 : memref<1x10000x128xf32, #tpu.memory_space<hbm>> -> memref<10000x128xf32, #tpu.memory_space<hbm>>
        %dma_wait3A_59 = arith.constant 0 : i32
        %dma_wait3A_60 = tpu.memref_slice %dma_wait3A_58[%add3A_47, %dma_wait3A_59] : memref<10000x128xf32, #tpu.memory_space<hbm>> -> memref<80x128xf32, #tpu.memory_space<hbm>>
        %dma_wait3A_61 = arith.constant 0 : i32
        %dma_wait3A_62 = tpu.memref_slice %arg10[%add3A_47, %dma_wait3A_61] : memref<10000x128xf32, #tpu.memory_space<vmem_shared>> -> memref<80x128xf32, #tpu.memory_space<vmem_shared>>
        tpu.wait_dma2 semaphore(%run_scoped3A : memref<!tpu.dma_semaphore, #tpu.memory_space<semaphore_mem>>) src(%dma_wait3A_62 : memref<80x128xf32, #tpu.memory_space<vmem_shared>>) dst(%dma_wait3A_60 : memref<80x128xf32, #tpu.memory_space<hbm>>)
        tpu.yield
      }) : () -> ()
      %while3A_48 = arith.constant 0 : i32
      scf.yield %while3A_48 : i32
    }
    %while3A_39 = arith.constant 1 : i32
    %while3A_40 = scf.for %while3A_41 = %while3A_36 to %while3A_32 step %while3A_39 iter_args(%while3A_42 = %while3A_38) -> (i32)  : i32 {
      %mul3A_43 = arith.constant 640 : i32
      %mul3A_44 = arith.muli %mul3A_43, %arg1 : i32
      %mul3A_45 = arith.constant 80 : i32
      %mul3A_46 = arith.muli %mul3A_45, %while3A_41 : i32
      %add3A_47 = arith.addi %mul3A_44, %mul3A_46 : i32
      "tpu.region"() ({
        %run_scoped3A = tpu.sem_alloc : memref<!tpu.dma_semaphore, #tpu.memory_space<semaphore_mem>>
        %dma_start3A = arith.constant 0 : i32
        %dma_start3A_49 = arith.constant 0 : i32
        %dma_start3A_50 = tpu.memref_slice %arg5[%arg0, %dma_start3A, %dma_start3A_49] : memref<2x10000x128xf32, #tpu.memory_space<hbm>> -> memref<1x10000x128xf32, #tpu.memory_space<hbm>>
        %dma_start3A_51 = tpu.memref_squeeze %dma_start3A_50 : memref<1x10000x128xf32, #tpu.memory_space<hbm>> -> memref<10000x128xf32, #tpu.memory_space<hbm>>
        %dma_start3A_52 = arith.constant 0 : i32
        %dma_start3A_53 = tpu.memref_slice %dma_start3A_51[%add3A_47, %dma_start3A_52] : memref<10000x128xf32, #tpu.memory_space<hbm>> -> memref<80x128xf32, #tpu.memory_space<hbm>>
        %dma_start3A_54 = arith.constant 0 : i32
        %dma_start3A_55 = tpu.memref_slice %arg10[%add3A_47, %dma_start3A_54] : memref<10000x128xf32, #tpu.memory_space<vmem_shared>> -> memref<80x128xf32, #tpu.memory_space<vmem_shared>>
        tpu.enqueue_dma source(%dma_start3A_55 : memref<80x128xf32, #tpu.memory_space<vmem_shared>>) target(%dma_start3A_53 : memref<80x128xf32, #tpu.memory_space<hbm>>) target_semaphore(%run_scoped3A : memref<!tpu.dma_semaphore, #tpu.memory_space<semaphore_mem>>)
        %dma_wait3A = arith.constant 0 : i32
        %dma_wait3A_56 = arith.constant 0 : i32
        %dma_wait3A_57 = tpu.memref_slice %arg5[%arg0, %dma_wait3A, %dma_wait3A_56] : memref<2x10000x128xf32, #tpu.memory_space<hbm>> -> memref<1x10000x128xf32, #tpu.memory_space<hbm>>
        %dma_wait3A_58 = tpu.memref_squeeze %dma_wait3A_57 : memref<1x10000x128xf32, #tpu.memory_space<hbm>> -> memref<10000x128xf32, #tpu.memory_space<hbm>>
        %dma_wait3A_59 = arith.constant 0 : i32
        %dma_wait3A_60 = tpu.memref_slice %dma_wait3A_58[%add3A_47, %dma_wait3A_59] : memref<10000x128xf32, #tpu.memory_space<hbm>> -> memref<80x128xf32, #tpu.memory_space<hbm>>
        %dma_wait3A_61 = arith.constant 0 : i32
        %dma_wait3A_62 = tpu.memref_slice %arg10[%add3A_47, %dma_wait3A_61] : memref<10000x128xf32, #tpu.memory_space<vmem_shared>> -> memref<80x128xf32, #tpu.memory_space<vmem_shared>>
        tpu.wait_dma2 semaphore(%run_scoped3A : memref<!tpu.dma_semaphore, #tpu.memory_space<semaphore_mem>>) src(%dma_wait3A_62 : memref<80x128xf32, #tpu.memory_space<vmem_shared>>) dst(%dma_wait3A_60 : memref<80x128xf32, #tpu.memory_space<hbm>>)
        tpu.yield
      }) : () -> ()
      %while3A_48 = arith.constant 0 : i32
      scf.yield %while3A_48 : i32
    }
    return
  }
}

#map = affine_map<(d0, d1) -> (0, 0, 0, 0)>
#map1 = affine_map<(d0, d1) -> (0, 0)>
#map2 = affine_map<(d0, d1) -> (0, 0, 0)>
module attributes {stable_mosaic.version = 14 : i64} {
  func.func @_sc_scatter(%arg0: i32, %arg1: i32, %arg2: memref<32x5x25x80xi32, #tpu.memory_space<hbm>>, %arg3: memref<32x5x25x80xi32, #tpu.memory_space<hbm>>, %arg4: memref<10000x128xf32, #tpu.memory_space<hbm>>, %arg5: memref<2x10000x128xf32, #tpu.memory_space<hbm>>, %arg6: memref<25x80xi32, #tpu.memory_space<vmem>>, %arg7: memref<25x80xi32, #tpu.memory_space<vmem>>, %arg8: memref<80x128xf32, #tpu.memory_space<vmem>>, %arg9: memref<80x128xf32, #tpu.memory_space<vmem>>, %arg10: memref<10000x128xf32, #tpu.memory_space<vmem_shared>>, %arg11: memref<!tpu.dma_semaphore, #tpu.memory_space<semaphore_mem>>, %arg12: memref<!tpu.dma_semaphore, #tpu.memory_space<semaphore_mem>>) attributes {dimension_semantics = [#tpu.dimension_semantics<core_parallel>, #tpu.dimension_semantics<subcore_parallel>], iteration_bounds = array<i64: 2, 16>, scalar_prefetch = 0 : i64, scratch_operands = 7 : i64, tpu.core_type = #tpu.core_type<sc_vector_subcore>, window_params = [{transform_indices = #map}, {transform_indices = #map}, {transform_indices = #map1}, {transform_indices = #map2}]} {
    %mul3A = arith.constant 2 : i32
    %mul3A_0 = arith.muli %arg1, %mul3A : i32
    %add3A = arith.addi %mul3A_0, %arg0 : i32
    %lt3A = arith.constant 15 : i32
    %lt3A_1 = arith.cmpi slt, %arg1, %lt3A : i32
    %jit3A = arith.constant 8 : i32
    %jit3A_2 = arith.constant 5 : i32
    %select_n3A = arith.select %lt3A_1, %jit3A, %jit3A_2 : i32
    %broadcast_in_dim3A = arith.constant 0.000000e+00 : f32
    %broadcast_in_dim3A_3 = vector.broadcast %broadcast_in_dim3A : f32 to vector<16xf32>
    %scan3A = arith.constant 0 : i32
    %scan3A_4 = arith.constant 0 : i32
    %scan3A_5 = arith.constant 80 : i32
    %scan3A_6 = arith.addi %scan3A_4, %scan3A_5 : i32
    %scan3A_7 = arith.constant 1 : i32
    %scan3A_8 = scf.for %scan3A_41 = %scan3A_4 to %scan3A_6 step %scan3A_7 iter_args(%scan3A_42 = %scan3A) -> (i32)  : i32 {
      %swap3A = arith.index_cast %scan3A_41 : i32 to index
      %swap3A_43 = arith.constant 0 : index
      %swap3A_44 = tpu.vector_load %arg8[%swap3A, %swap3A_43] {strides = array<i32>} : memref<80x128xf32, #tpu.memory_space<vmem>>, vector<1x16xf32>,
      %swap3A_45 = vector.shape_cast %swap3A_44 : vector<1x16xf32> to vector<16xf32>
      %swap3A_46 = vector.shape_cast %broadcast_in_dim3A_3 : vector<16xf32> to vector<1x16xf32>
      tpu.vector_store %arg8[%swap3A, %swap3A_43], %swap3A_46 {strides = array<i32>} : memref<80x128xf32, #tpu.memory_space<vmem>>, vector<1x16xf32>,
      %swap3A_47 = arith.index_cast %scan3A_41 : i32 to index
      %swap3A_48 = arith.constant 16 : index
      %swap3A_49 = tpu.vector_load %arg8[%swap3A_47, %swap3A_48] {strides = array<i32>} : memref<80x128xf32, #tpu.memory_space<vmem>>, vector<1x16xf32>,
      %swap3A_50 = vector.shape_cast %swap3A_49 : vector<1x16xf32> to vector<16xf32>
      %swap3A_51 = vector.shape_cast %broadcast_in_dim3A_3 : vector<16xf32> to vector<1x16xf32>
      tpu.vector_store %arg8[%swap3A_47, %swap3A_48], %swap3A_51 {strides = array<i32>} : memref<80x128xf32, #tpu.memory_space<vmem>>, vector<1x16xf32>,
      %swap3A_52 = arith.index_cast %scan3A_41 : i32 to index
      %swap3A_53 = arith.constant 32 : index
      %swap3A_54 = tpu.vector_load %arg8[%swap3A_52, %swap3A_53] {strides = array<i32>} : memref<80x128xf32, #tpu.memory_space<vmem>>, vector<1x16xf32>,
      %swap3A_55 = vector.shape_cast %swap3A_54 : vector<1x16xf32> to vector<16xf32>
      %swap3A_56 = vector.shape_cast %broadcast_in_dim3A_3 : vector<16xf32> to vector<1x16xf32>
      tpu.vector_store %arg8[%swap3A_52, %swap3A_53], %swap3A_56 {strides = array<i32>} : memref<80x128xf32, #tpu.memory_space<vmem>>, vector<1x16xf32>,
      %swap3A_57 = arith.index_cast %scan3A_41 : i32 to index
      %swap3A_58 = arith.constant 48 : index
      %swap3A_59 = tpu.vector_load %arg8[%swap3A_57, %swap3A_58] {strides = array<i32>} : memref<80x128xf32, #tpu.memory_space<vmem>>, vector<1x16xf32>,
      %swap3A_60 = vector.shape_cast %swap3A_59 : vector<1x16xf32> to vector<16xf32>
      %swap3A_61 = vector.shape_cast %broadcast_in_dim3A_3 : vector<16xf32> to vector<1x16xf32>
      tpu.vector_store %arg8[%swap3A_57, %swap3A_58], %swap3A_61 {strides = array<i32>} : memref<80x128xf32, #tpu.memory_space<vmem>>, vector<1x16xf32>,
      %swap3A_62 = arith.index_cast %scan3A_41 : i32 to index
      %swap3A_63 = arith.constant 64 : index
      %swap3A_64 = tpu.vector_load %arg8[%swap3A_62, %swap3A_63] {strides = array<i32>} : memref<80x128xf32, #tpu.memory_space<vmem>>, vector<1x16xf32>,
      %swap3A_65 = vector.shape_cast %swap3A_64 : vector<1x16xf32> to vector<16xf32>
      %swap3A_66 = vector.shape_cast %broadcast_in_dim3A_3 : vector<16xf32> to vector<1x16xf32>
      tpu.vector_store %arg8[%swap3A_62, %swap3A_63], %swap3A_66 {strides = array<i32>} : memref<80x128xf32, #tpu.memory_space<vmem>>, vector<1x16xf32>,
      %swap3A_67 = arith.index_cast %scan3A_41 : i32 to index
      %swap3A_68 = arith.constant 80 : index
      %swap3A_69 = tpu.vector_load %arg8[%swap3A_67, %swap3A_68] {strides = array<i32>} : memref<80x128xf32, #tpu.memory_space<vmem>>, vector<1x16xf32>,
      %swap3A_70 = vector.shape_cast %swap3A_69 : vector<1x16xf32> to vector<16xf32>
      %swap3A_71 = vector.shape_cast %broadcast_in_dim3A_3 : vector<16xf32> to vector<1x16xf32>
      tpu.vector_store %arg8[%swap3A_67, %swap3A_68], %swap3A_71 {strides = array<i32>} : memref<80x128xf32, #tpu.memory_space<vmem>>, vector<1x16xf32>,
      %swap3A_72 = arith.index_cast %scan3A_41 : i32 to index
      %swap3A_73 = arith.constant 96 : index
      %swap3A_74 = tpu.vector_load %arg8[%swap3A_72, %swap3A_73] {strides = array<i32>} : memref<80x128xf32, #tpu.memory_space<vmem>>, vector<1x16xf32>,
      %swap3A_75 = vector.shape_cast %swap3A_74 : vector<1x16xf32> to vector<16xf32>
      %swap3A_76 = vector.shape_cast %broadcast_in_dim3A_3 : vector<16xf32> to vector<1x16xf32>
      tpu.vector_store %arg8[%swap3A_72, %swap3A_73], %swap3A_76 {strides = array<i32>} : memref<80x128xf32, #tpu.memory_space<vmem>>, vector<1x16xf32>,
      %swap3A_77 = arith.index_cast %scan3A_41 : i32 to index
      %swap3A_78 = arith.constant 112 : index
      %swap3A_79 = tpu.vector_load %arg8[%swap3A_77, %swap3A_78] {strides = array<i32>} : memref<80x128xf32, #tpu.memory_space<vmem>>, vector<1x16xf32>,
      %swap3A_80 = vector.shape_cast %swap3A_79 : vector<1x16xf32> to vector<16xf32>
      %swap3A_81 = vector.shape_cast %broadcast_in_dim3A_3 : vector<16xf32> to vector<1x16xf32>
      tpu.vector_store %arg8[%swap3A_77, %swap3A_78], %swap3A_81 {strides = array<i32>} : memref<80x128xf32, #tpu.memory_space<vmem>>, vector<1x16xf32>,
      %scan3A_82 = arith.constant 0 : i32
      scf.yield %scan3A_82 : i32
    }
    %scan3A_9 = arith.constant 80 : i32
    %while3A = arith.constant 0 : i32
    %while3A_10 = arith.constant 0 : i32
    %while3A_11 = arith.subi %select_n3A, %while3A : i32
    %while3A_12 = arith.addi %while3A, %while3A_11 : i32
    %while3A_13 = arith.constant 1 : i32
    %while3A_14 = arith.divsi %while3A_11, %while3A_13 : i32
    %while3A_15 = arith.muli %while3A_14, %while3A_13 : i32
    %while3A_16 = arith.addi %while3A, %while3A_15 : i32
    %while3A_17 = arith.constant 1 : i32
    %while3A_18 = scf.for %while3A_41 = %while3A to %while3A_16 step %while3A_17 iter_args(%while3A_42 = %while3A_10) -> (i32)  : i32 {
      %mul3A_43 = arith.constant 640 : i32
      %mul3A_44 = arith.muli %mul3A_43, %arg1 : i32
      %mul3A_45 = arith.constant 80 : i32
      %mul3A_46 = arith.muli %mul3A_45, %while3A_41 : i32
      %add3A_47 = arith.addi %mul3A_44, %mul3A_46 : i32
      "tpu.region"() ({
        %run_scoped3A = tpu.sem_alloc : memref<!tpu.dma_semaphore, #tpu.memory_space<semaphore_mem>>
        %dma_start3A = arith.constant 0 : i32
        %dma_start3A_49 = tpu.memref_slice %arg10[%add3A_47, %dma_start3A] : memref<10000x128xf32, #tpu.memory_space<vmem_shared>> -> memref<80x128xf32, #tpu.memory_space<vmem_shared>>
        %dma_start3A_50 = arith.constant 0 : i32
        %dma_start3A_51 = tpu.memref_slice %arg10[%add3A_47, %dma_start3A_50] : memref<10000x128xf32, #tpu.memory_space<vmem_shared>> -> memref<80x128xf32, #tpu.memory_space<vmem_shared>>
        tpu.enqueue_dma source(%arg8 : memref<80x128xf32, #tpu.memory_space<vmem>>) target(%dma_start3A_51 : memref<80x128xf32, #tpu.memory_space<vmem_shared>>) target_semaphore(%run_scoped3A : memref<!tpu.dma_semaphore, #tpu.memory_space<semaphore_mem>>)
        %dma_wait3A = arith.constant 0 : i32
        %dma_wait3A_52 = tpu.memref_slice %arg10[%add3A_47, %dma_wait3A] : memref<10000x128xf32, #tpu.memory_space<vmem_shared>> -> memref<80x128xf32, #tpu.memory_space<vmem_shared>>
        %dma_wait3A_53 = arith.constant 0 : i32
        %dma_wait3A_54 = tpu.memref_slice %arg10[%add3A_47, %dma_wait3A_53] : memref<10000x128xf32, #tpu.memory_space<vmem_shared>> -> memref<80x128xf32, #tpu.memory_space<vmem_shared>>
        tpu.wait_dma2 semaphore(%run_scoped3A : memref<!tpu.dma_semaphore, #tpu.memory_space<semaphore_mem>>) src(%arg8 : memref<80x128xf32, #tpu.memory_space<vmem>>) dst(%dma_wait3A_54 : memref<80x128xf32, #tpu.memory_space<vmem_shared>>)
        tpu.yield
      }) : () -> ()
      %while3A_48 = arith.constant 0 : i32
      scf.yield %while3A_48 : i32
    }
    %while3A_19 = arith.constant 1 : i32
    %while3A_20 = scf.for %while3A_41 = %while3A_16 to %while3A_12 step %while3A_19 iter_args(%while3A_42 = %while3A_18) -> (i32)  : i32 {
      %mul3A_43 = arith.constant 640 : i32
      %mul3A_44 = arith.muli %mul3A_43, %arg1 : i32
      %mul3A_45 = arith.constant 80 : i32
      %mul3A_46 = arith.muli %mul3A_45, %while3A_41 : i32
      %add3A_47 = arith.addi %mul3A_44, %mul3A_46 : i32
      "tpu.region"() ({
        %run_scoped3A = tpu.sem_alloc : memref<!tpu.dma_semaphore, #tpu.memory_space<semaphore_mem>>
        %dma_start3A = arith.constant 0 : i32
        %dma_start3A_49 = tpu.memref_slice %arg10[%add3A_47, %dma_start3A] : memref<10000x128xf32, #tpu.memory_space<vmem_shared>> -> memref<80x128xf32, #tpu.memory_space<vmem_shared>>
        %dma_start3A_50 = arith.constant 0 : i32
        %dma_start3A_51 = tpu.memref_slice %arg10[%add3A_47, %dma_start3A_50] : memref<10000x128xf32, #tpu.memory_space<vmem_shared>> -> memref<80x128xf32, #tpu.memory_space<vmem_shared>>
        tpu.enqueue_dma source(%arg8 : memref<80x128xf32, #tpu.memory_space<vmem>>) target(%dma_start3A_51 : memref<80x128xf32, #tpu.memory_space<vmem_shared>>) target_semaphore(%run_scoped3A : memref<!tpu.dma_semaphore, #tpu.memory_space<semaphore_mem>>)
        %dma_wait3A = arith.constant 0 : i32
        %dma_wait3A_52 = tpu.memref_slice %arg10[%add3A_47, %dma_wait3A] : memref<10000x128xf32, #tpu.memory_space<vmem_shared>> -> memref<80x128xf32, #tpu.memory_space<vmem_shared>>
        %dma_wait3A_53 = arith.constant 0 : i32
        %dma_wait3A_54 = tpu.memref_slice %arg10[%add3A_47, %dma_wait3A_53] : memref<10000x128xf32, #tpu.memory_space<vmem_shared>> -> memref<80x128xf32, #tpu.memory_space<vmem_shared>>
        tpu.wait_dma2 semaphore(%run_scoped3A : memref<!tpu.dma_semaphore, #tpu.memory_space<semaphore_mem>>) src(%arg8 : memref<80x128xf32, #tpu.memory_space<vmem>>) dst(%dma_wait3A_54 : memref<80x128xf32, #tpu.memory_space<vmem_shared>>)
        tpu.yield
      }) : () -> ()
      %while3A_48 = arith.constant 0 : i32
      scf.yield %while3A_48 : i32
    }
    %barrier3A = arith.constant 0 : index
    tpu.barrier barrier_id(%barrier3A)
    %scan3A_21 = arith.constant 0 : i32
    %scan3A_22 = arith.constant 0 : i32
    %scan3A_23 = arith.constant 5 : i32
    %scan3A_24 = arith.addi %scan3A_22, %scan3A_23 : i32
    %scan3A_25 = arith.constant 1 : i32
    %scan3A_26 = scf.for %scan3A_41 = %scan3A_22 to %scan3A_24 step %scan3A_25 iter_args(%scan3A_42 = %scan3A_21) -> (i32)  : i32 {
      "tpu.region"() ({
        %run_scoped3A_63 = tpu.sem_alloc : memref<!tpu.dma_semaphore, #tpu.memory_space<semaphore_mem>>
        %dma_start3A_64 = arith.constant 0 : i32
        %dma_start3A_65 = arith.constant 0 : i32
        %dma_start3A_66 = tpu.memref_slice %arg2[%add3A, %scan3A_41, %dma_start3A_64, %dma_start3A_65] : memref<32x5x25x80xi32, #tpu.memory_space<hbm>> -> memref<1x1x25x80xi32, #tpu.memory_space<hbm>>
        %dma_start3A_67 = tpu.memref_squeeze %dma_start3A_66 : memref<1x1x25x80xi32, #tpu.memory_space<hbm>> -> memref<25x80xi32, #tpu.memory_space<hbm>>
        %dma_start3A_68 = arith.constant 0 : i32
        %dma_start3A_69 = arith.constant 0 : i32
        %dma_start3A_70 = tpu.memref_slice %arg2[%add3A, %scan3A_41, %dma_start3A_68, %dma_start3A_69] : memref<32x5x25x80xi32, #tpu.memory_space<hbm>> -> memref<1x1x25x80xi32, #tpu.memory_space<hbm>>
        %dma_start3A_71 = tpu.memref_squeeze %dma_start3A_70 : memref<1x1x25x80xi32, #tpu.memory_space<hbm>> -> memref<25x80xi32, #tpu.memory_space<hbm>>
        tpu.enqueue_dma source(%dma_start3A_71 : memref<25x80xi32, #tpu.memory_space<hbm>>) target(%arg6 : memref<25x80xi32, #tpu.memory_space<vmem>>) target_semaphore(%run_scoped3A_63 : memref<!tpu.dma_semaphore, #tpu.memory_space<semaphore_mem>>)
        %dma_wait3A_72 = arith.constant 0 : i32
        %dma_wait3A_73 = arith.constant 0 : i32
        %dma_wait3A_74 = tpu.memref_slice %arg2[%add3A, %scan3A_41, %dma_wait3A_72, %dma_wait3A_73] : memref<32x5x25x80xi32, #tpu.memory_space<hbm>> -> memref<1x1x25x80xi32, #tpu.memory_space<hbm>>
        %dma_wait3A_75 = tpu.memref_squeeze %dma_wait3A_74 : memref<1x1x25x80xi32, #tpu.memory_space<hbm>> -> memref<25x80xi32, #tpu.memory_space<hbm>>
        %dma_wait3A_76 = arith.constant 0 : i32
        %dma_wait3A_77 = arith.constant 0 : i32
        %dma_wait3A_78 = tpu.memref_slice %arg2[%add3A, %scan3A_41, %dma_wait3A_76, %dma_wait3A_77] : memref<32x5x25x80xi32, #tpu.memory_space<hbm>> -> memref<1x1x25x80xi32, #tpu.memory_space<hbm>>
        %dma_wait3A_79 = tpu.memref_squeeze %dma_wait3A_78 : memref<1x1x25x80xi32, #tpu.memory_space<hbm>> -> memref<25x80xi32, #tpu.memory_space<hbm>>
        tpu.wait_dma2 semaphore(%run_scoped3A_63 : memref<!tpu.dma_semaphore, #tpu.memory_space<semaphore_mem>>) src(%dma_wait3A_79 : memref<25x80xi32, #tpu.memory_space<hbm>>) dst(%arg6 : memref<25x80xi32, #tpu.memory_space<vmem>>)
        tpu.yield
      }) : () -> ()
      "tpu.region"() ({
        %run_scoped3A_63 = tpu.sem_alloc : memref<!tpu.dma_semaphore, #tpu.memory_space<semaphore_mem>>
        %dma_start3A_64 = arith.constant 0 : i32
        %dma_start3A_65 = arith.constant 0 : i32
        %dma_start3A_66 = tpu.memref_slice %arg3[%add3A, %scan3A_41, %dma_start3A_64, %dma_start3A_65] : memref<32x5x25x80xi32, #tpu.memory_space<hbm>> -> memref<1x1x25x80xi32, #tpu.memory_space<hbm>>
        %dma_start3A_67 = tpu.memref_squeeze %dma_start3A_66 : memref<1x1x25x80xi32, #tpu.memory_space<hbm>> -> memref<25x80xi32, #tpu.memory_space<hbm>>
        %dma_start3A_68 = arith.constant 0 : i32
        %dma_start3A_69 = arith.constant 0 : i32
        %dma_start3A_70 = tpu.memref_slice %arg3[%add3A, %scan3A_41, %dma_start3A_68, %dma_start3A_69] : memref<32x5x25x80xi32, #tpu.memory_space<hbm>> -> memref<1x1x25x80xi32, #tpu.memory_space<hbm>>
        %dma_start3A_71 = tpu.memref_squeeze %dma_start3A_70 : memref<1x1x25x80xi32, #tpu.memory_space<hbm>> -> memref<25x80xi32, #tpu.memory_space<hbm>>
        tpu.enqueue_dma source(%dma_start3A_71 : memref<25x80xi32, #tpu.memory_space<hbm>>) target(%arg7 : memref<25x80xi32, #tpu.memory_space<vmem>>) target_semaphore(%run_scoped3A_63 : memref<!tpu.dma_semaphore, #tpu.memory_space<semaphore_mem>>)
        %dma_wait3A_72 = arith.constant 0 : i32
        %dma_wait3A_73 = arith.constant 0 : i32
        %dma_wait3A_74 = tpu.memref_slice %arg3[%add3A, %scan3A_41, %dma_wait3A_72, %dma_wait3A_73] : memref<32x5x25x80xi32, #tpu.memory_space<hbm>> -> memref<1x1x25x80xi32, #tpu.memory_space<hbm>>
        %dma_wait3A_75 = tpu.memref_squeeze %dma_wait3A_74 : memref<1x1x25x80xi32, #tpu.memory_space<hbm>> -> memref<25x80xi32, #tpu.memory_space<hbm>>
        %dma_wait3A_76 = arith.constant 0 : i32
        %dma_wait3A_77 = arith.constant 0 : i32
        %dma_wait3A_78 = tpu.memref_slice %arg3[%add3A, %scan3A_41, %dma_wait3A_76, %dma_wait3A_77] : memref<32x5x25x80xi32, #tpu.memory_space<hbm>> -> memref<1x1x25x80xi32, #tpu.memory_space<hbm>>
        %dma_wait3A_79 = tpu.memref_squeeze %dma_wait3A_78 : memref<1x1x25x80xi32, #tpu.memory_space<hbm>> -> memref<25x80xi32, #tpu.memory_space<hbm>>
        tpu.wait_dma2 semaphore(%run_scoped3A_63 : memref<!tpu.dma_semaphore, #tpu.memory_space<semaphore_mem>>) src(%dma_wait3A_79 : memref<25x80xi32, #tpu.memory_space<hbm>>) dst(%arg7 : memref<25x80xi32, #tpu.memory_space<vmem>>)
        tpu.yield
      }) : () -> ()
      %dma_start3A = arith.constant 0 : i32
      %dma_start3A_43 = arith.constant 0 : i32
      %dma_start3A_44 = tpu.memref_slice %arg6[%dma_start3A, %dma_start3A_43] : memref<25x80xi32, #tpu.memory_space<vmem>> -> memref<1x80xi32, #tpu.memory_space<vmem>>
      %dma_start3A_45 = tpu.memref_squeeze %dma_start3A_44 : memref<1x80xi32, #tpu.memory_space<vmem>> -> memref<80xi32, #tpu.memory_space<vmem>>
      %dma_start3A_46 = arith.constant 0 : i32
      %dma_start3A_47 = arith.constant 0 : i32
      %dma_start3A_48 = tpu.memref_slice %arg4[%dma_start3A_46, %dma_start3A_47] : memref<10000x128xf32, #tpu.memory_space<hbm>> -> memref<10000x128xf32, #tpu.memory_space<hbm>>
      tpu.enqueue_indirect_dma source(%dma_start3A_48 : memref<10000x128xf32, #tpu.memory_space<hbm>>) target(%arg8 : memref<80x128xf32, #tpu.memory_space<vmem>>) offsets(%dma_start3A_45 : memref<80xi32, #tpu.memory_space<vmem>>) semaphore(%arg11 : memref<!tpu.dma_semaphore, #tpu.memory_space<semaphore_mem>>)
      %scan3A_49 = arith.constant 0 : i32
      %scan3A_50 = arith.constant 0 : i32
      %scan3A_51 = arith.constant 12 : i32
      %scan3A_52 = arith.addi %scan3A_50, %scan3A_51 : i32
      %scan3A_53 = arith.constant 1 : i32
      %scan3A_54 = scf.for %scan3A_63 = %scan3A_50 to %scan3A_52 step %scan3A_53 iter_args(%scan3A_64 = %scan3A_49) -> (i32)  : i32 {
        %mul3A_65 = arith.constant 2 : i32
        %mul3A_66 = arith.muli %mul3A_65, %scan3A_63 : i32
        %add3A_67 = arith.constant 1 : i32
        %add3A_68 = arith.addi %mul3A_66, %add3A_67 : i32
        %dma_start3A_69 = arith.constant 0 : i32
        %dma_start3A_70 = tpu.memref_slice %arg6[%add3A_68, %dma_start3A_69] : memref<25x80xi32, #tpu.memory_space<vmem>> -> memref<1x80xi32, #tpu.memory_space<vmem>>
        %dma_start3A_71 = tpu.memref_squeeze %dma_start3A_70 : memref<1x80xi32, #tpu.memory_space<vmem>> -> memref<80xi32, #tpu.memory_space<vmem>>
        %dma_start3A_72 = arith.constant 0 : i32
        %dma_start3A_73 = arith.constant 0 : i32
        %dma_start3A_74 = tpu.memref_slice %arg4[%dma_start3A_72, %dma_start3A_73] : memref<10000x128xf32, #tpu.memory_space<hbm>> -> memref<10000x128xf32, #tpu.memory_space<hbm>>
        tpu.enqueue_indirect_dma source(%dma_start3A_74 : memref<10000x128xf32, #tpu.memory_space<hbm>>) target(%arg9 : memref<80x128xf32, #tpu.memory_space<vmem>>) offsets(%dma_start3A_71 : memref<80xi32, #tpu.memory_space<vmem>>) semaphore(%arg12 : memref<!tpu.dma_semaphore, #tpu.memory_space<semaphore_mem>>)
        %dma_wait3A_75 = arith.constant 0 : i32
        %dma_wait3A_76 = tpu.memref_slice %arg6[%mul3A_66, %dma_wait3A_75] : memref<25x80xi32, #tpu.memory_space<vmem>> -> memref<1x80xi32, #tpu.memory_space<vmem>>
        %dma_wait3A_77 = tpu.memref_squeeze %dma_wait3A_76 : memref<1x80xi32, #tpu.memory_space<vmem>> -> memref<80xi32, #tpu.memory_space<vmem>>
        %dma_wait3A_78 = arith.constant 0 : i32
        %dma_wait3A_79 = arith.constant 0 : i32
        %dma_wait3A_80 = tpu.memref_slice %arg4[%dma_wait3A_78, %dma_wait3A_79] : memref<10000x128xf32, #tpu.memory_space<hbm>> -> memref<10000x128xf32, #tpu.memory_space<hbm>>
        tpu.wait_indirect_dma semaphore(%arg11 : memref<!tpu.dma_semaphore, #tpu.memory_space<semaphore_mem>>) src(%dma_wait3A_80 : memref<10000x128xf32, #tpu.memory_space<hbm>>) dst(%arg8 : memref<80x128xf32, #tpu.memory_space<vmem>>)
        "tpu.region"() ({
          %run_scoped3A_100 = tpu.sem_alloc : memref<!tpu.dma_semaphore, #tpu.memory_space<semaphore_mem>>
          %dma_start3A_101 = arith.constant 0 : i32
          %dma_start3A_102 = tpu.memref_slice %arg7[%mul3A_66, %dma_start3A_101] : memref<25x80xi32, #tpu.memory_space<vmem>> -> memref<1x80xi32, #tpu.memory_space<vmem>>
          %dma_start3A_103 = tpu.memref_squeeze %dma_start3A_102 : memref<1x80xi32, #tpu.memory_space<vmem>> -> memref<80xi32, #tpu.memory_space<vmem>>
          %dma_start3A_104 = arith.constant 0 : i32
          %dma_start3A_105 = arith.constant 0 : i32
          %dma_start3A_106 = tpu.memref_slice %arg10[%dma_start3A_104, %dma_start3A_105] : memref<10000x128xf32, #tpu.memory_space<vmem_shared>> -> memref<10000x128xf32, #tpu.memory_space<vmem_shared>>
          tpu.enqueue_indirect_dma source(%arg8 : memref<80x128xf32, #tpu.memory_space<vmem>>) target(%dma_start3A_106 : memref<10000x128xf32, #tpu.memory_space<vmem_shared>>) offsets(%dma_start3A_103 : memref<80xi32, #tpu.memory_space<vmem>>) semaphore(%run_scoped3A_100 : memref<!tpu.dma_semaphore, #tpu.memory_space<semaphore_mem>>) {add = true}
          %dma_wait3A_107 = arith.constant 0 : i32
          %dma_wait3A_108 = tpu.memref_slice %arg7[%mul3A_66, %dma_wait3A_107] : memref<25x80xi32, #tpu.memory_space<vmem>> -> memref<1x80xi32, #tpu.memory_space<vmem>>
          %dma_wait3A_109 = tpu.memref_squeeze %dma_wait3A_108 : memref<1x80xi32, #tpu.memory_space<vmem>> -> memref<80xi32, #tpu.memory_space<vmem>>
          %dma_wait3A_110 = arith.constant 0 : i32
          %dma_wait3A_111 = arith.constant 0 : i32
          %dma_wait3A_112 = tpu.memref_slice %arg10[%dma_wait3A_110, %dma_wait3A_111] : memref<10000x128xf32, #tpu.memory_space<vmem_shared>> -> memref<10000x128xf32, #tpu.memory_space<vmem_shared>>
          tpu.wait_indirect_dma semaphore(%run_scoped3A_100 : memref<!tpu.dma_semaphore, #tpu.memory_space<semaphore_mem>>) src(%arg8 : memref<80x128xf32, #tpu.memory_space<vmem>>) dst(%dma_wait3A_112 : memref<10000x128xf32, #tpu.memory_space<vmem_shared>>)
          tpu.yield
        }) : () -> ()
        %add3A_81 = arith.constant 2 : i32
        %add3A_82 = arith.addi %mul3A_66, %add3A_81 : i32
        %dma_start3A_83 = arith.constant 0 : i32
        %dma_start3A_84 = tpu.memref_slice %arg6[%add3A_82, %dma_start3A_83] : memref<25x80xi32, #tpu.memory_space<vmem>> -> memref<1x80xi32, #tpu.memory_space<vmem>>
        %dma_start3A_85 = tpu.memref_squeeze %dma_start3A_84 : memref<1x80xi32, #tpu.memory_space<vmem>> -> memref<80xi32, #tpu.memory_space<vmem>>
        %dma_start3A_86 = arith.constant 0 : i32
        %dma_start3A_87 = arith.constant 0 : i32
        %dma_start3A_88 = tpu.memref_slice %arg4[%dma_start3A_86, %dma_start3A_87] : memref<10000x128xf32, #tpu.memory_space<hbm>> -> memref<10000x128xf32, #tpu.memory_space<hbm>>
        tpu.enqueue_indirect_dma source(%dma_start3A_88 : memref<10000x128xf32, #tpu.memory_space<hbm>>) target(%arg8 : memref<80x128xf32, #tpu.memory_space<vmem>>) offsets(%dma_start3A_85 : memref<80xi32, #tpu.memory_space<vmem>>) semaphore(%arg11 : memref<!tpu.dma_semaphore, #tpu.memory_space<semaphore_mem>>)
        %add3A_89 = arith.constant 1 : i32
        %add3A_90 = arith.addi %mul3A_66, %add3A_89 : i32
        %dma_wait3A_91 = arith.constant 0 : i32
        %dma_wait3A_92 = tpu.memref_slice %arg6[%add3A_90, %dma_wait3A_91] : memref<25x80xi32, #tpu.memory_space<vmem>> -> memref<1x80xi32, #tpu.memory_space<vmem>>
        %dma_wait3A_93 = tpu.memref_squeeze %dma_wait3A_92 : memref<1x80xi32, #tpu.memory_space<vmem>> -> memref<80xi32, #tpu.memory_space<vmem>>
        %dma_wait3A_94 = arith.constant 0 : i32
        %dma_wait3A_95 = arith.constant 0 : i32
        %dma_wait3A_96 = tpu.memref_slice %arg4[%dma_wait3A_94, %dma_wait3A_95] : memref<10000x128xf32, #tpu.memory_space<hbm>> -> memref<10000x128xf32, #tpu.memory_space<hbm>>
        tpu.wait_indirect_dma semaphore(%arg12 : memref<!tpu.dma_semaphore, #tpu.memory_space<semaphore_mem>>) src(%dma_wait3A_96 : memref<10000x128xf32, #tpu.memory_space<hbm>>) dst(%arg9 : memref<80x128xf32, #tpu.memory_space<vmem>>)
        %add3A_97 = arith.constant 1 : i32
        %add3A_98 = arith.addi %mul3A_66, %add3A_97 : i32
        "tpu.region"() ({
          %run_scoped3A_100 = tpu.sem_alloc : memref<!tpu.dma_semaphore, #tpu.memory_space<semaphore_mem>>
          %dma_start3A_101 = arith.constant 0 : i32
          %dma_start3A_102 = tpu.memref_slice %arg7[%add3A_98, %dma_start3A_101] : memref<25x80xi32, #tpu.memory_space<vmem>> -> memref<1x80xi32, #tpu.memory_space<vmem>>
          %dma_start3A_103 = tpu.memref_squeeze %dma_start3A_102 : memref<1x80xi32, #tpu.memory_space<vmem>> -> memref<80xi32, #tpu.memory_space<vmem>>
          %dma_start3A_104 = arith.constant 0 : i32
          %dma_start3A_105 = arith.constant 0 : i32
          %dma_start3A_106 = tpu.memref_slice %arg10[%dma_start3A_104, %dma_start3A_105] : memref<10000x128xf32, #tpu.memory_space<vmem_shared>> -> memref<10000x128xf32, #tpu.memory_space<vmem_shared>>
          tpu.enqueue_indirect_dma source(%arg9 : memref<80x128xf32, #tpu.memory_space<vmem>>) target(%dma_start3A_106 : memref<10000x128xf32, #tpu.memory_space<vmem_shared>>) offsets(%dma_start3A_103 : memref<80xi32, #tpu.memory_space<vmem>>) semaphore(%run_scoped3A_100 : memref<!tpu.dma_semaphore, #tpu.memory_space<semaphore_mem>>) {add = true}
          %dma_wait3A_107 = arith.constant 0 : i32
          %dma_wait3A_108 = tpu.memref_slice %arg7[%add3A_98, %dma_wait3A_107] : memref<25x80xi32, #tpu.memory_space<vmem>> -> memref<1x80xi32, #tpu.memory_space<vmem>>
          %dma_wait3A_109 = tpu.memref_squeeze %dma_wait3A_108 : memref<1x80xi32, #tpu.memory_space<vmem>> -> memref<80xi32, #tpu.memory_space<vmem>>
          %dma_wait3A_110 = arith.constant 0 : i32
          %dma_wait3A_111 = arith.constant 0 : i32
          %dma_wait3A_112 = tpu.memref_slice %arg10[%dma_wait3A_110, %dma_wait3A_111] : memref<10000x128xf32, #tpu.memory_space<vmem_shared>> -> memref<10000x128xf32, #tpu.memory_space<vmem_shared>>
          tpu.wait_indirect_dma semaphore(%run_scoped3A_100 : memref<!tpu.dma_semaphore, #tpu.memory_space<semaphore_mem>>) src(%arg9 : memref<80x128xf32, #tpu.memory_space<vmem>>) dst(%dma_wait3A_112 : memref<10000x128xf32, #tpu.memory_space<vmem_shared>>)
          tpu.yield
        }) : () -> ()
        %scan3A_99 = arith.constant 0 : i32
        scf.yield %scan3A_99 : i32
      }
      %scan3A_55 = arith.constant 12 : i32
      %dma_wait3A = arith.constant 24 : i32
      %dma_wait3A_56 = arith.constant 0 : i32
      %dma_wait3A_57 = tpu.memref_slice %arg6[%dma_wait3A, %dma_wait3A_56] : memref<25x80xi32, #tpu.memory_space<vmem>> -> memref<1x80xi32, #tpu.memory_space<vmem>>
      %dma_wait3A_58 = tpu.memref_squeeze %dma_wait3A_57 : memref<1x80xi32, #tpu.memory_space<vmem>> -> memref<80xi32, #tpu.memory_space<vmem>>
      %dma_wait3A_59 = arith.constant 0 : i32
      %dma_wait3A_60 = arith.constant 0 : i32
      %dma_wait3A_61 = tpu.memref_slice %arg4[%dma_wait3A_59, %dma_wait3A_60] : memref<10000x128xf32, #tpu.memory_space<hbm>> -> memref<10000x128xf32, #tpu.memory_space<hbm>>
      tpu.wait_indirect_dma semaphore(%arg11 : memref<!tpu.dma_semaphore, #tpu.memory_space<semaphore_mem>>) src(%dma_wait3A_61 : memref<10000x128xf32, #tpu.memory_space<hbm>>) dst(%arg8 : memref<80x128xf32, #tpu.memory_space<vmem>>)
      %run_scoped3A = arith.constant 24 : i32
      "tpu.region"() ({
        %run_scoped3A_63 = tpu.sem_alloc : memref<!tpu.dma_semaphore, #tpu.memory_space<semaphore_mem>>
        %dma_start3A_64 = arith.constant 0 : i32
        %dma_start3A_65 = tpu.memref_slice %arg7[%run_scoped3A, %dma_start3A_64] : memref<25x80xi32, #tpu.memory_space<vmem>> -> memref<1x80xi32, #tpu.memory_space<vmem>>
        %dma_start3A_66 = tpu.memref_squeeze %dma_start3A_65 : memref<1x80xi32, #tpu.memory_space<vmem>> -> memref<80xi32, #tpu.memory_space<vmem>>
        %dma_start3A_67 = arith.constant 0 : i32
        %dma_start3A_68 = arith.constant 0 : i32
        %dma_start3A_69 = tpu.memref_slice %arg10[%dma_start3A_67, %dma_start3A_68] : memref<10000x128xf32, #tpu.memory_space<vmem_shared>> -> memref<10000x128xf32, #tpu.memory_space<vmem_shared>>
        tpu.enqueue_indirect_dma source(%arg8 : memref<80x128xf32, #tpu.memory_space<vmem>>) target(%dma_start3A_69 : memref<10000x128xf32, #tpu.memory_space<vmem_shared>>) offsets(%dma_start3A_66 : memref<80xi32, #tpu.memory_space<vmem>>) semaphore(%run_scoped3A_63 : memref<!tpu.dma_semaphore, #tpu.memory_space<semaphore_mem>>) {add = true}
        %dma_wait3A_70 = arith.constant 0 : i32
        %dma_wait3A_71 = tpu.memref_slice %arg7[%run_scoped3A, %dma_wait3A_70] : memref<25x80xi32, #tpu.memory_space<vmem>> -> memref<1x80xi32, #tpu.memory_space<vmem>>
        %dma_wait3A_72 = tpu.memref_squeeze %dma_wait3A_71 : memref<1x80xi32, #tpu.memory_space<vmem>> -> memref<80xi32, #tpu.memory_space<vmem>>
        %dma_wait3A_73 = arith.constant 0 : i32
        %dma_wait3A_74 = arith.constant 0 : i32
        %dma_wait3A_75 = tpu.memref_slice %arg10[%dma_wait3A_73, %dma_wait3A_74] : memref<10000x128xf32, #tpu.memory_space<vmem_shared>> -> memref<10000x128xf32, #tpu.memory_space<vmem_shared>>
        tpu.wait_indirect_dma semaphore(%run_scoped3A_63 : memref<!tpu.dma_semaphore, #tpu.memory_space<semaphore_mem>>) src(%arg8 : memref<80x128xf32, #tpu.memory_space<vmem>>) dst(%dma_wait3A_75 : memref<10000x128xf32, #tpu.memory_space<vmem_shared>>)
        tpu.yield
      }) : () -> ()
      %scan3A_62 = arith.constant 0 : i32
      scf.yield %scan3A_62 : i32
    }
    %scan3A_27 = arith.constant 5 : i32
    %barrier3A_28 = arith.constant 0 : index
    tpu.barrier barrier_id(%barrier3A_28)
    %while3A_29 = arith.constant 0 : i32
    %while3A_30 = arith.constant 0 : i32
    %while3A_31 = arith.subi %select_n3A, %while3A_29 : i32
    %while3A_32 = arith.addi %while3A_29, %while3A_31 : i32
    %while3A_33 = arith.constant 1 : i32
    %while3A_34 = arith.divsi %while3A_31, %while3A_33 : i32
    %while3A_35 = arith.muli %while3A_34, %while3A_33 : i32
    %while3A_36 = arith.addi %while3A_29, %while3A_35 : i32
    %while3A_37 = arith.constant 1 : i32
    %while3A_38 = scf.for %while3A_41 = %while3A_29 to %while3A_36 step %while3A_37 iter_args(%while3A_42 = %while3A_30) -> (i32)  : i32 {
      %mul3A_43 = arith.constant 640 : i32
      %mul3A_44 = arith.muli %mul3A_43, %arg1 : i32
      %mul3A_45 = arith.constant 80 : i32
      %mul3A_46 = arith.muli %mul3A_45, %while3A_41 : i32
      %add3A_47 = arith.addi %mul3A_44, %mul3A_46 : i32
      "tpu.region"() ({
        %run_scoped3A = tpu.sem_alloc : memref<!tpu.dma_semaphore, #tpu.memory_space<semaphore_mem>>
        %dma_start3A = arith.constant 0 : i32
        %dma_start3A_49 = arith.constant 0 : i32
        %dma_start3A_50 = tpu.memref_slice %arg5[%arg0, %dma_start3A, %dma_start3A_49] : memref<2x10000x128xf32, #tpu.memory_space<hbm>> -> memref<1x10000x128xf32, #tpu.memory_space<hbm>>
        %dma_start3A_51 = tpu.memref_squeeze %dma_start3A_50 : memref<1x10000x128xf32, #tpu.memory_space<hbm>> -> memref<10000x128xf32, #tpu.memory_space<hbm>>
        %dma_start3A_52 = arith.constant 0 : i32
        %dma_start3A_53 = tpu.memref_slice %dma_start3A_51[%add3A_47, %dma_start3A_52] : memref<10000x128xf32, #tpu.memory_space<hbm>> -> memref<80x128xf32, #tpu.memory_space<hbm>>
        %dma_start3A_54 = arith.constant 0 : i32
        %dma_start3A_55 = tpu.memref_slice %arg10[%add3A_47, %dma_start3A_54] : memref<10000x128xf32, #tpu.memory_space<vmem_shared>> -> memref<80x128xf32, #tpu.memory_space<vmem_shared>>
        tpu.enqueue_dma source(%dma_start3A_55 : memref<80x128xf32, #tpu.memory_space<vmem_shared>>) target(%dma_start3A_53 : memref<80x128xf32, #tpu.memory_space<hbm>>) target_semaphore(%run_scoped3A : memref<!tpu.dma_semaphore, #tpu.memory_space<semaphore_mem>>)
        %dma_wait3A = arith.constant 0 : i32
        %dma_wait3A_56 = arith.constant 0 : i32
        %dma_wait3A_57 = tpu.memref_slice %arg5[%arg0, %dma_wait3A, %dma_wait3A_56] : memref<2x10000x128xf32, #tpu.memory_space<hbm>> -> memref<1x10000x128xf32, #tpu.memory_space<hbm>>
        %dma_wait3A_58 = tpu.memref_squeeze %dma_wait3A_57 : memref<1x10000x128xf32, #tpu.memory_space<hbm>> -> memref<10000x128xf32, #tpu.memory_space<hbm>>
        %dma_wait3A_59 = arith.constant 0 : i32
        %dma_wait3A_60 = tpu.memref_slice %dma_wait3A_58[%add3A_47, %dma_wait3A_59] : memref<10000x128xf32, #tpu.memory_space<hbm>> -> memref<80x128xf32, #tpu.memory_space<hbm>>
        %dma_wait3A_61 = arith.constant 0 : i32
        %dma_wait3A_62 = tpu.memref_slice %arg10[%add3A_47, %dma_wait3A_61] : memref<10000x128xf32, #tpu.memory_space<vmem_shared>> -> memref<80x128xf32, #tpu.memory_space<vmem_shared>>
        tpu.wait_dma2 semaphore(%run_scoped3A : memref<!tpu.dma_semaphore, #tpu.memory_space<semaphore_mem>>) src(%dma_wait3A_62 : memref<80x128xf32, #tpu.memory_space<vmem_shared>>) dst(%dma_wait3A_60 : memref<80x128xf32, #tpu.memory_space<hbm>>)
        tpu.yield
      }) : () -> ()
      %while3A_48 = arith.constant 0 : i32
      scf.yield %while3A_48 : i32
    }
    %while3A_39 = arith.constant 1 : i32
    %while3A_40 = scf.for %while3A_41 = %while3A_36 to %while3A_32 step %while3A_39 iter_args(%while3A_42 = %while3A_38) -> (i32)  : i32 {
      %mul3A_43 = arith.constant 640 : i32
      %mul3A_44 = arith.muli %mul3A_43, %arg1 : i32
      %mul3A_45 = arith.constant 80 : i32
      %mul3A_46 = arith.muli %mul3A_45, %while3A_41 : i32
      %add3A_47 = arith.addi %mul3A_44, %mul3A_46 : i32
      "tpu.region"() ({
        %run_scoped3A = tpu.sem_alloc : memref<!tpu.dma_semaphore, #tpu.memory_space<semaphore_mem>>
        %dma_start3A = arith.constant 0 : i32
        %dma_start3A_49 = arith.constant 0 : i32
        %dma_start3A_50 = tpu.memref_slice %arg5[%arg0, %dma_start3A, %dma_start3A_49] : memref<2x10000x128xf32, #tpu.memory_space<hbm>> -> memref<1x10000x128xf32, #tpu.memory_space<hbm>>
        %dma_start3A_51 = tpu.memref_squeeze %dma_start3A_50 : memref<1x10000x128xf32, #tpu.memory_space<hbm>> -> memref<10000x128xf32, #tpu.memory_space<hbm>>
        %dma_start3A_52 = arith.constant 0 : i32
        %dma_start3A_53 = tpu.memref_slice %dma_start3A_51[%add3A_47, %dma_start3A_52] : memref<10000x128xf32, #tpu.memory_space<hbm>> -> memref<80x128xf32, #tpu.memory_space<hbm>>
        %dma_start3A_54 = arith.constant 0 : i32
        %dma_start3A_55 = tpu.memref_slice %arg10[%add3A_47, %dma_start3A_54] : memref<10000x128xf32, #tpu.memory_space<vmem_shared>> -> memref<80x128xf32, #tpu.memory_space<vmem_shared>>
        tpu.enqueue_dma source(%dma_start3A_55 : memref<80x128xf32, #tpu.memory_space<vmem_shared>>) target(%dma_start3A_53 : memref<80x128xf32, #tpu.memory_space<hbm>>) target_semaphore(%run_scoped3A : memref<!tpu.dma_semaphore, #tpu.memory_space<semaphore_mem>>)
        %dma_wait3A = arith.constant 0 : i32
        %dma_wait3A_56 = arith.constant 0 : i32
        %dma_wait3A_57 = tpu.memref_slice %arg5[%arg0, %dma_wait3A, %dma_wait3A_56] : memref<2x10000x128xf32, #tpu.memory_space<hbm>> -> memref<1x10000x128xf32, #tpu.memory_space<hbm>>
        %dma_wait3A_58 = tpu.memref_squeeze %dma_wait3A_57 : memref<1x10000x128xf32, #tpu.memory_space<hbm>> -> memref<10000x128xf32, #tpu.memory_space<hbm>>
        %dma_wait3A_59 = arith.constant 0 : i32
        %dma_wait3A_60 = tpu.memref_slice %dma_wait3A_58[%add3A_47, %dma_wait3A_59] : memref<10000x128xf32, #tpu.memory_space<hbm>> -> memref<80x128xf32, #tpu.memory_space<hbm>>
        %dma_wait3A_61 = arith.constant 0 : i32
        %dma_wait3A_62 = tpu.memref_slice %arg10[%add3A_47, %dma_wait3A_61] : memref<10000x128xf32, #tpu.memory_space<vmem_shared>> -> memref<80x128xf32, #tpu.memory_space<vmem_shared>>
        tpu.wait_dma2 semaphore(%run_scoped3A : memref<!tpu.dma_semaphore, #tpu.memory_space<semaphore_mem>>) src(%dma_wait3A_62 : memref<80x128xf32, #tpu.memory_space<vmem_shared>>) dst(%dma_wait3A_60 : memref<80x128xf32, #tpu.memory_space<hbm>>)
        tpu.yield
      }) : () -> ()
      %while3A_48 = arith.constant 0 : i32
      scf.yield %while3A_48 : i32
    }
    return
  }
}

#map = affine_map<(d0, d1) -> (0, 0, 0)>
module attributes {stable_mosaic.version = 14 : i64} {
  func.func @_deg_kernel(%arg0: i32, %arg1: i32, %arg2: memref<32x125x80xi32, #tpu.memory_space<hbm>>, %arg3: memref<2x10000x128xf32, #tpu.memory_space<hbm>>, %arg4: memref<125x80xi32, #tpu.memory_space<vmem>>, %arg5: memref<80x128xf32, #tpu.memory_space<vmem>>, %arg6: memref<10000x128xf32, #tpu.memory_space<vmem_shared>>) attributes {dimension_semantics = [#tpu.dimension_semantics<core_parallel>, #tpu.dimension_semantics<subcore_parallel>], iteration_bounds = array<i64: 2, 16>, scalar_prefetch = 0 : i64, scratch_operands = 3 : i64, tpu.core_type = #tpu.core_type<sc_vector_subcore>, window_params = [{transform_indices = #map}, {transform_indices = #map}]} {
    %mul3A = arith.constant 2 : i32
    %mul3A_0 = arith.muli %arg1, %mul3A : i32
    %add3A = arith.addi %mul3A_0, %arg0 : i32
    %lt3A = arith.constant 15 : i32
    %lt3A_1 = arith.cmpi slt, %arg1, %lt3A : i32
    %jit3A = arith.constant 8 : i32
    %jit3A_2 = arith.constant 5 : i32
    %select_n3A = arith.select %lt3A_1, %jit3A, %jit3A_2 : i32
    %scan3A = arith.constant 0 : i32
    %scan3A_3 = arith.constant 0 : i32
    %scan3A_4 = arith.constant 80 : i32
    %scan3A_5 = arith.addi %scan3A_3, %scan3A_4 : i32
    %scan3A_6 = arith.constant 1 : i32
    %scan3A_7 = scf.for %scan3A_47 = %scan3A_3 to %scan3A_5 step %scan3A_6 iter_args(%scan3A_48 = %scan3A) -> (i32)  : i32 {
      %broadcast_in_dim3A = arith.constant 0.000000e+00 : f32
      %broadcast_in_dim3A_49 = vector.broadcast %broadcast_in_dim3A : f32 to vector<16xf32>
      %swap3A = arith.index_cast %scan3A_47 : i32 to index
      %swap3A_50 = arith.constant 0 : index
      %swap3A_51 = tpu.vector_load %arg5[%swap3A, %swap3A_50] {strides = array<i32>} : memref<80x128xf32, #tpu.memory_space<vmem>>, vector<1x16xf32>,
      %swap3A_52 = vector.shape_cast %swap3A_51 : vector<1x16xf32> to vector<16xf32>
      %swap3A_53 = vector.shape_cast %broadcast_in_dim3A_49 : vector<16xf32> to vector<1x16xf32>
      tpu.vector_store %arg5[%swap3A, %swap3A_50], %swap3A_53 {strides = array<i32>} : memref<80x128xf32, #tpu.memory_space<vmem>>, vector<1x16xf32>,
      %broadcast_in_dim3A_54 = arith.constant 0.000000e+00 : f32
      %broadcast_in_dim3A_55 = vector.broadcast %broadcast_in_dim3A_54 : f32 to vector<16xf32>
      %swap3A_56 = arith.index_cast %scan3A_47 : i32 to index
      %swap3A_57 = arith.constant 16 : index
      %swap3A_58 = tpu.vector_load %arg5[%swap3A_56, %swap3A_57] {strides = array<i32>} : memref<80x128xf32, #tpu.memory_space<vmem>>, vector<1x16xf32>,
      %swap3A_59 = vector.shape_cast %swap3A_58 : vector<1x16xf32> to vector<16xf32>
      %swap3A_60 = vector.shape_cast %broadcast_in_dim3A_55 : vector<16xf32> to vector<1x16xf32>
      tpu.vector_store %arg5[%swap3A_56, %swap3A_57], %swap3A_60 {strides = array<i32>} : memref<80x128xf32, #tpu.memory_space<vmem>>, vector<1x16xf32>,
      %broadcast_in_dim3A_61 = arith.constant 0.000000e+00 : f32
      %broadcast_in_dim3A_62 = vector.broadcast %broadcast_in_dim3A_61 : f32 to vector<16xf32>
      %swap3A_63 = arith.index_cast %scan3A_47 : i32 to index
      %swap3A_64 = arith.constant 32 : index
      %swap3A_65 = tpu.vector_load %arg5[%swap3A_63, %swap3A_64] {strides = array<i32>} : memref<80x128xf32, #tpu.memory_space<vmem>>, vector<1x16xf32>,
      %swap3A_66 = vector.shape_cast %swap3A_65 : vector<1x16xf32> to vector<16xf32>
      %swap3A_67 = vector.shape_cast %broadcast_in_dim3A_62 : vector<16xf32> to vector<1x16xf32>
      tpu.vector_store %arg5[%swap3A_63, %swap3A_64], %swap3A_67 {strides = array<i32>} : memref<80x128xf32, #tpu.memory_space<vmem>>, vector<1x16xf32>,
      %broadcast_in_dim3A_68 = arith.constant 0.000000e+00 : f32
      %broadcast_in_dim3A_69 = vector.broadcast %broadcast_in_dim3A_68 : f32 to vector<16xf32>
      %swap3A_70 = arith.index_cast %scan3A_47 : i32 to index
      %swap3A_71 = arith.constant 48 : index
      %swap3A_72 = tpu.vector_load %arg5[%swap3A_70, %swap3A_71] {strides = array<i32>} : memref<80x128xf32, #tpu.memory_space<vmem>>, vector<1x16xf32>,
      %swap3A_73 = vector.shape_cast %swap3A_72 : vector<1x16xf32> to vector<16xf32>
      %swap3A_74 = vector.shape_cast %broadcast_in_dim3A_69 : vector<16xf32> to vector<1x16xf32>
      tpu.vector_store %arg5[%swap3A_70, %swap3A_71], %swap3A_74 {strides = array<i32>} : memref<80x128xf32, #tpu.memory_space<vmem>>, vector<1x16xf32>,
      %broadcast_in_dim3A_75 = arith.constant 0.000000e+00 : f32
      %broadcast_in_dim3A_76 = vector.broadcast %broadcast_in_dim3A_75 : f32 to vector<16xf32>
      %swap3A_77 = arith.index_cast %scan3A_47 : i32 to index
      %swap3A_78 = arith.constant 64 : index
      %swap3A_79 = tpu.vector_load %arg5[%swap3A_77, %swap3A_78] {strides = array<i32>} : memref<80x128xf32, #tpu.memory_space<vmem>>, vector<1x16xf32>,
      %swap3A_80 = vector.shape_cast %swap3A_79 : vector<1x16xf32> to vector<16xf32>
      %swap3A_81 = vector.shape_cast %broadcast_in_dim3A_76 : vector<16xf32> to vector<1x16xf32>
      tpu.vector_store %arg5[%swap3A_77, %swap3A_78], %swap3A_81 {strides = array<i32>} : memref<80x128xf32, #tpu.memory_space<vmem>>, vector<1x16xf32>,
      %broadcast_in_dim3A_82 = arith.constant 0.000000e+00 : f32
      %broadcast_in_dim3A_83 = vector.broadcast %broadcast_in_dim3A_82 : f32 to vector<16xf32>
      %swap3A_84 = arith.index_cast %scan3A_47 : i32 to index
      %swap3A_85 = arith.constant 80 : index
      %swap3A_86 = tpu.vector_load %arg5[%swap3A_84, %swap3A_85] {strides = array<i32>} : memref<80x128xf32, #tpu.memory_space<vmem>>, vector<1x16xf32>,
      %swap3A_87 = vector.shape_cast %swap3A_86 : vector<1x16xf32> to vector<16xf32>
      %swap3A_88 = vector.shape_cast %broadcast_in_dim3A_83 : vector<16xf32> to vector<1x16xf32>
      tpu.vector_store %arg5[%swap3A_84, %swap3A_85], %swap3A_88 {strides = array<i32>} : memref<80x128xf32, #tpu.memory_space<vmem>>, vector<1x16xf32>,
      %broadcast_in_dim3A_89 = arith.constant 0.000000e+00 : f32
      %broadcast_in_dim3A_90 = vector.broadcast %broadcast_in_dim3A_89 : f32 to vector<16xf32>
      %swap3A_91 = arith.index_cast %scan3A_47 : i32 to index
      %swap3A_92 = arith.constant 96 : index
      %swap3A_93 = tpu.vector_load %arg5[%swap3A_91, %swap3A_92] {strides = array<i32>} : memref<80x128xf32, #tpu.memory_space<vmem>>, vector<1x16xf32>,
      %swap3A_94 = vector.shape_cast %swap3A_93 : vector<1x16xf32> to vector<16xf32>
      %swap3A_95 = vector.shape_cast %broadcast_in_dim3A_90 : vector<16xf32> to vector<1x16xf32>
      tpu.vector_store %arg5[%swap3A_91, %swap3A_92], %swap3A_95 {strides = array<i32>} : memref<80x128xf32, #tpu.memory_space<vmem>>, vector<1x16xf32>,
      %broadcast_in_dim3A_96 = arith.constant 0.000000e+00 : f32
      %broadcast_in_dim3A_97 = vector.broadcast %broadcast_in_dim3A_96 : f32 to vector<16xf32>
      %swap3A_98 = arith.index_cast %scan3A_47 : i32 to index
      %swap3A_99 = arith.constant 112 : index
      %swap3A_100 = tpu.vector_load %arg5[%swap3A_98, %swap3A_99] {strides = array<i32>} : memref<80x128xf32, #tpu.memory_space<vmem>>, vector<1x16xf32>,
      %swap3A_101 = vector.shape_cast %swap3A_100 : vector<1x16xf32> to vector<16xf32>
      %swap3A_102 = vector.shape_cast %broadcast_in_dim3A_97 : vector<16xf32> to vector<1x16xf32>
      tpu.vector_store %arg5[%swap3A_98, %swap3A_99], %swap3A_102 {strides = array<i32>} : memref<80x128xf32, #tpu.memory_space<vmem>>, vector<1x16xf32>,
      %scan3A_103 = arith.constant 0 : i32
      scf.yield %scan3A_103 : i32
    }
    %scan3A_8 = arith.constant 80 : i32
    %while3A = arith.constant 0 : i32
    %while3A_9 = arith.constant 0 : i32
    %while3A_10 = arith.subi %select_n3A, %while3A : i32
    %while3A_11 = arith.addi %while3A, %while3A_10 : i32
    %while3A_12 = arith.constant 1 : i32
    %while3A_13 = arith.divsi %while3A_10, %while3A_12 : i32
    %while3A_14 = arith.muli %while3A_13, %while3A_12 : i32
    %while3A_15 = arith.addi %while3A, %while3A_14 : i32
    %while3A_16 = arith.constant 1 : i32
    %while3A_17 = scf.for %while3A_47 = %while3A to %while3A_15 step %while3A_16 iter_args(%while3A_48 = %while3A_9) -> (i32)  : i32 {
      %mul3A_49 = arith.constant 640 : i32
      %mul3A_50 = arith.muli %mul3A_49, %arg1 : i32
      %mul3A_51 = arith.constant 80 : i32
      %mul3A_52 = arith.muli %mul3A_51, %while3A_47 : i32
      %add3A_53 = arith.addi %mul3A_50, %mul3A_52 : i32
      "tpu.region"() ({
        %run_scoped3A = tpu.sem_alloc : memref<!tpu.dma_semaphore, #tpu.memory_space<semaphore_mem>>
        %dma_start3A = arith.constant 0 : i32
        %dma_start3A_55 = tpu.memref_slice %arg6[%add3A_53, %dma_start3A] : memref<10000x128xf32, #tpu.memory_space<vmem_shared>> -> memref<80x128xf32, #tpu.memory_space<vmem_shared>>
        %dma_start3A_56 = arith.constant 0 : i32
        %dma_start3A_57 = tpu.memref_slice %arg6[%add3A_53, %dma_start3A_56] : memref<10000x128xf32, #tpu.memory_space<vmem_shared>> -> memref<80x128xf32, #tpu.memory_space<vmem_shared>>
        tpu.enqueue_dma source(%arg5 : memref<80x128xf32, #tpu.memory_space<vmem>>) target(%dma_start3A_57 : memref<80x128xf32, #tpu.memory_space<vmem_shared>>) target_semaphore(%run_scoped3A : memref<!tpu.dma_semaphore, #tpu.memory_space<semaphore_mem>>)
        %dma_wait3A = arith.constant 0 : i32
        %dma_wait3A_58 = tpu.memref_slice %arg6[%add3A_53, %dma_wait3A] : memref<10000x128xf32, #tpu.memory_space<vmem_shared>> -> memref<80x128xf32, #tpu.memory_space<vmem_shared>>
        %dma_wait3A_59 = arith.constant 0 : i32
        %dma_wait3A_60 = tpu.memref_slice %arg6[%add3A_53, %dma_wait3A_59] : memref<10000x128xf32, #tpu.memory_space<vmem_shared>> -> memref<80x128xf32, #tpu.memory_space<vmem_shared>>
        tpu.wait_dma2 semaphore(%run_scoped3A : memref<!tpu.dma_semaphore, #tpu.memory_space<semaphore_mem>>) src(%arg5 : memref<80x128xf32, #tpu.memory_space<vmem>>) dst(%dma_wait3A_60 : memref<80x128xf32, #tpu.memory_space<vmem_shared>>)
        tpu.yield
      }) : () -> ()
      %while3A_54 = arith.constant 0 : i32
      scf.yield %while3A_54 : i32
    }
    %while3A_18 = arith.constant 1 : i32
    %while3A_19 = scf.for %while3A_47 = %while3A_15 to %while3A_11 step %while3A_18 iter_args(%while3A_48 = %while3A_17) -> (i32)  : i32 {
      %mul3A_49 = arith.constant 640 : i32
      %mul3A_50 = arith.muli %mul3A_49, %arg1 : i32
      %mul3A_51 = arith.constant 80 : i32
      %mul3A_52 = arith.muli %mul3A_51, %while3A_47 : i32
      %add3A_53 = arith.addi %mul3A_50, %mul3A_52 : i32
      "tpu.region"() ({
        %run_scoped3A = tpu.sem_alloc : memref<!tpu.dma_semaphore, #tpu.memory_space<semaphore_mem>>
        %dma_start3A = arith.constant 0 : i32
        %dma_start3A_55 = tpu.memref_slice %arg6[%add3A_53, %dma_start3A] : memref<10000x128xf32, #tpu.memory_space<vmem_shared>> -> memref<80x128xf32, #tpu.memory_space<vmem_shared>>
        %dma_start3A_56 = arith.constant 0 : i32
        %dma_start3A_57 = tpu.memref_slice %arg6[%add3A_53, %dma_start3A_56] : memref<10000x128xf32, #tpu.memory_space<vmem_shared>> -> memref<80x128xf32, #tpu.memory_space<vmem_shared>>
        tpu.enqueue_dma source(%arg5 : memref<80x128xf32, #tpu.memory_space<vmem>>) target(%dma_start3A_57 : memref<80x128xf32, #tpu.memory_space<vmem_shared>>) target_semaphore(%run_scoped3A : memref<!tpu.dma_semaphore, #tpu.memory_space<semaphore_mem>>)
        %dma_wait3A = arith.constant 0 : i32
        %dma_wait3A_58 = tpu.memref_slice %arg6[%add3A_53, %dma_wait3A] : memref<10000x128xf32, #tpu.memory_space<vmem_shared>> -> memref<80x128xf32, #tpu.memory_space<vmem_shared>>
        %dma_wait3A_59 = arith.constant 0 : i32
        %dma_wait3A_60 = tpu.memref_slice %arg6[%add3A_53, %dma_wait3A_59] : memref<10000x128xf32, #tpu.memory_space<vmem_shared>> -> memref<80x128xf32, #tpu.memory_space<vmem_shared>>
        tpu.wait_dma2 semaphore(%run_scoped3A : memref<!tpu.dma_semaphore, #tpu.memory_space<semaphore_mem>>) src(%arg5 : memref<80x128xf32, #tpu.memory_space<vmem>>) dst(%dma_wait3A_60 : memref<80x128xf32, #tpu.memory_space<vmem_shared>>)
        tpu.yield
      }) : () -> ()
      %while3A_54 = arith.constant 0 : i32
      scf.yield %while3A_54 : i32
    }
    %scan3A_20 = arith.constant 0 : i32
    %scan3A_21 = arith.constant 0 : i32
    %scan3A_22 = arith.constant 80 : i32
    %scan3A_23 = arith.addi %scan3A_21, %scan3A_22 : i32
    %scan3A_24 = arith.constant 1 : i32
    %scan3A_25 = scf.for %scan3A_47 = %scan3A_21 to %scan3A_23 step %scan3A_24 iter_args(%scan3A_48 = %scan3A_20) -> (i32)  : i32 {
      %broadcast_in_dim3A = arith.constant 1.000000e+00 : f32
      %broadcast_in_dim3A_49 = vector.broadcast %broadcast_in_dim3A : f32 to vector<16xf32>
      %swap3A = arith.index_cast %scan3A_47 : i32 to index
      %swap3A_50 = arith.constant 0 : index
      %swap3A_51 = tpu.vector_load %arg5[%swap3A, %swap3A_50] {strides = array<i32>} : memref<80x128xf32, #tpu.memory_space<vmem>>, vector<1x16xf32>,
      %swap3A_52 = vector.shape_cast %swap3A_51 : vector<1x16xf32> to vector<16xf32>
      %swap3A_53 = vector.shape_cast %broadcast_in_dim3A_49 : vector<16xf32> to vector<1x16xf32>
      tpu.vector_store %arg5[%swap3A, %swap3A_50], %swap3A_53 {strides = array<i32>} : memref<80x128xf32, #tpu.memory_space<vmem>>, vector<1x16xf32>,
      %broadcast_in_dim3A_54 = arith.constant 1.000000e+00 : f32
      %broadcast_in_dim3A_55 = vector.broadcast %broadcast_in_dim3A_54 : f32 to vector<16xf32>
      %swap3A_56 = arith.index_cast %scan3A_47 : i32 to index
      %swap3A_57 = arith.constant 16 : index
      %swap3A_58 = tpu.vector_load %arg5[%swap3A_56, %swap3A_57] {strides = array<i32>} : memref<80x128xf32, #tpu.memory_space<vmem>>, vector<1x16xf32>,
      %swap3A_59 = vector.shape_cast %swap3A_58 : vector<1x16xf32> to vector<16xf32>
      %swap3A_60 = vector.shape_cast %broadcast_in_dim3A_55 : vector<16xf32> to vector<1x16xf32>
      tpu.vector_store %arg5[%swap3A_56, %swap3A_57], %swap3A_60 {strides = array<i32>} : memref<80x128xf32, #tpu.memory_space<vmem>>, vector<1x16xf32>,
      %broadcast_in_dim3A_61 = arith.constant 1.000000e+00 : f32
      %broadcast_in_dim3A_62 = vector.broadcast %broadcast_in_dim3A_61 : f32 to vector<16xf32>
      %swap3A_63 = arith.index_cast %scan3A_47 : i32 to index
      %swap3A_64 = arith.constant 32 : index
      %swap3A_65 = tpu.vector_load %arg5[%swap3A_63, %swap3A_64] {strides = array<i32>} : memref<80x128xf32, #tpu.memory_space<vmem>>, vector<1x16xf32>,
      %swap3A_66 = vector.shape_cast %swap3A_65 : vector<1x16xf32> to vector<16xf32>
      %swap3A_67 = vector.shape_cast %broadcast_in_dim3A_62 : vector<16xf32> to vector<1x16xf32>
      tpu.vector_store %arg5[%swap3A_63, %swap3A_64], %swap3A_67 {strides = array<i32>} : memref<80x128xf32, #tpu.memory_space<vmem>>, vector<1x16xf32>,
      %broadcast_in_dim3A_68 = arith.constant 1.000000e+00 : f32
      %broadcast_in_dim3A_69 = vector.broadcast %broadcast_in_dim3A_68 : f32 to vector<16xf32>
      %swap3A_70 = arith.index_cast %scan3A_47 : i32 to index
      %swap3A_71 = arith.constant 48 : index
      %swap3A_72 = tpu.vector_load %arg5[%swap3A_70, %swap3A_71] {strides = array<i32>} : memref<80x128xf32, #tpu.memory_space<vmem>>, vector<1x16xf32>,
      %swap3A_73 = vector.shape_cast %swap3A_72 : vector<1x16xf32> to vector<16xf32>
      %swap3A_74 = vector.shape_cast %broadcast_in_dim3A_69 : vector<16xf32> to vector<1x16xf32>
      tpu.vector_store %arg5[%swap3A_70, %swap3A_71], %swap3A_74 {strides = array<i32>} : memref<80x128xf32, #tpu.memory_space<vmem>>, vector<1x16xf32>,
      %broadcast_in_dim3A_75 = arith.constant 1.000000e+00 : f32
      %broadcast_in_dim3A_76 = vector.broadcast %broadcast_in_dim3A_75 : f32 to vector<16xf32>
      %swap3A_77 = arith.index_cast %scan3A_47 : i32 to index
      %swap3A_78 = arith.constant 64 : index
      %swap3A_79 = tpu.vector_load %arg5[%swap3A_77, %swap3A_78] {strides = array<i32>} : memref<80x128xf32, #tpu.memory_space<vmem>>, vector<1x16xf32>,
      %swap3A_80 = vector.shape_cast %swap3A_79 : vector<1x16xf32> to vector<16xf32>
      %swap3A_81 = vector.shape_cast %broadcast_in_dim3A_76 : vector<16xf32> to vector<1x16xf32>
      tpu.vector_store %arg5[%swap3A_77, %swap3A_78], %swap3A_81 {strides = array<i32>} : memref<80x128xf32, #tpu.memory_space<vmem>>, vector<1x16xf32>,
      %broadcast_in_dim3A_82 = arith.constant 1.000000e+00 : f32
      %broadcast_in_dim3A_83 = vector.broadcast %broadcast_in_dim3A_82 : f32 to vector<16xf32>
      %swap3A_84 = arith.index_cast %scan3A_47 : i32 to index
      %swap3A_85 = arith.constant 80 : index
      %swap3A_86 = tpu.vector_load %arg5[%swap3A_84, %swap3A_85] {strides = array<i32>} : memref<80x128xf32, #tpu.memory_space<vmem>>, vector<1x16xf32>,
      %swap3A_87 = vector.shape_cast %swap3A_86 : vector<1x16xf32> to vector<16xf32>
      %swap3A_88 = vector.shape_cast %broadcast_in_dim3A_83 : vector<16xf32> to vector<1x16xf32>
      tpu.vector_store %arg5[%swap3A_84, %swap3A_85], %swap3A_88 {strides = array<i32>} : memref<80x128xf32, #tpu.memory_space<vmem>>, vector<1x16xf32>,
      %broadcast_in_dim3A_89 = arith.constant 1.000000e+00 : f32
      %broadcast_in_dim3A_90 = vector.broadcast %broadcast_in_dim3A_89 : f32 to vector<16xf32>
      %swap3A_91 = arith.index_cast %scan3A_47 : i32 to index
      %swap3A_92 = arith.constant 96 : index
      %swap3A_93 = tpu.vector_load %arg5[%swap3A_91, %swap3A_92] {strides = array<i32>} : memref<80x128xf32, #tpu.memory_space<vmem>>, vector<1x16xf32>,
      %swap3A_94 = vector.shape_cast %swap3A_93 : vector<1x16xf32> to vector<16xf32>
      %swap3A_95 = vector.shape_cast %broadcast_in_dim3A_90 : vector<16xf32> to vector<1x16xf32>
      tpu.vector_store %arg5[%swap3A_91, %swap3A_92], %swap3A_95 {strides = array<i32>} : memref<80x128xf32, #tpu.memory_space<vmem>>, vector<1x16xf32>,
      %broadcast_in_dim3A_96 = arith.constant 1.000000e+00 : f32
      %broadcast_in_dim3A_97 = vector.broadcast %broadcast_in_dim3A_96 : f32 to vector<16xf32>
      %swap3A_98 = arith.index_cast %scan3A_47 : i32 to index
      %swap3A_99 = arith.constant 112 : index
      %swap3A_100 = tpu.vector_load %arg5[%swap3A_98, %swap3A_99] {strides = array<i32>} : memref<80x128xf32, #tpu.memory_space<vmem>>, vector<1x16xf32>,
      %swap3A_101 = vector.shape_cast %swap3A_100 : vector<1x16xf32> to vector<16xf32>
      %swap3A_102 = vector.shape_cast %broadcast_in_dim3A_97 : vector<16xf32> to vector<1x16xf32>
      tpu.vector_store %arg5[%swap3A_98, %swap3A_99], %swap3A_102 {strides = array<i32>} : memref<80x128xf32, #tpu.memory_space<vmem>>, vector<1x16xf32>,
      %scan3A_103 = arith.constant 0 : i32
      scf.yield %scan3A_103 : i32
    }
    %scan3A_26 = arith.constant 80 : i32
    %barrier3A = arith.constant 0 : index
    tpu.barrier barrier_id(%barrier3A)
    "tpu.region"() ({
      %run_scoped3A = tpu.sem_alloc : memref<!tpu.dma_semaphore, #tpu.memory_space<semaphore_mem>>
      %dma_start3A = arith.constant 0 : i32
      %dma_start3A_47 = arith.constant 0 : i32
      %dma_start3A_48 = tpu.memref_slice %arg2[%add3A, %dma_start3A, %dma_start3A_47] : memref<32x125x80xi32, #tpu.memory_space<hbm>> -> memref<1x125x80xi32, #tpu.memory_space<hbm>>
      %dma_start3A_49 = tpu.memref_squeeze %dma_start3A_48 : memref<1x125x80xi32, #tpu.memory_space<hbm>> -> memref<125x80xi32, #tpu.memory_space<hbm>>
      %dma_start3A_50 = arith.constant 0 : i32
      %dma_start3A_51 = arith.constant 0 : i32
      %dma_start3A_52 = tpu.memref_slice %arg2[%add3A, %dma_start3A_50, %dma_start3A_51] : memref<32x125x80xi32, #tpu.memory_space<hbm>> -> memref<1x125x80xi32, #tpu.memory_space<hbm>>
      %dma_start3A_53 = tpu.memref_squeeze %dma_start3A_52 : memref<1x125x80xi32, #tpu.memory_space<hbm>> -> memref<125x80xi32, #tpu.memory_space<hbm>>
      tpu.enqueue_dma source(%dma_start3A_53 : memref<125x80xi32, #tpu.memory_space<hbm>>) target(%arg4 : memref<125x80xi32, #tpu.memory_space<vmem>>) target_semaphore(%run_scoped3A : memref<!tpu.dma_semaphore, #tpu.memory_space<semaphore_mem>>)
      %dma_wait3A = arith.constant 0 : i32
      %dma_wait3A_54 = arith.constant 0 : i32
      %dma_wait3A_55 = tpu.memref_slice %arg2[%add3A, %dma_wait3A, %dma_wait3A_54] : memref<32x125x80xi32, #tpu.memory_space<hbm>> -> memref<1x125x80xi32, #tpu.memory_space<hbm>>
      %dma_wait3A_56 = tpu.memref_squeeze %dma_wait3A_55 : memref<1x125x80xi32, #tpu.memory_space<hbm>> -> memref<125x80xi32, #tpu.memory_space<hbm>>
      %dma_wait3A_57 = arith.constant 0 : i32
      %dma_wait3A_58 = arith.constant 0 : i32
      %dma_wait3A_59 = tpu.memref_slice %arg2[%add3A, %dma_wait3A_57, %dma_wait3A_58] : memref<32x125x80xi32, #tpu.memory_space<hbm>> -> memref<1x125x80xi32, #tpu.memory_space<hbm>>
      %dma_wait3A_60 = tpu.memref_squeeze %dma_wait3A_59 : memref<1x125x80xi32, #tpu.memory_space<hbm>> -> memref<125x80xi32, #tpu.memory_space<hbm>>
      tpu.wait_dma2 semaphore(%run_scoped3A : memref<!tpu.dma_semaphore, #tpu.memory_space<semaphore_mem>>) src(%dma_wait3A_60 : memref<125x80xi32, #tpu.memory_space<hbm>>) dst(%arg4 : memref<125x80xi32, #tpu.memory_space<vmem>>)
      tpu.yield
    }) : () -> ()
    %scan3A_27 = arith.constant 0 : i32
    %scan3A_28 = arith.constant 0 : i32
    %scan3A_29 = arith.constant 125 : i32
    %scan3A_30 = arith.addi %scan3A_28, %scan3A_29 : i32
    %scan3A_31 = arith.constant 1 : i32
    %scan3A_32 = scf.for %scan3A_47 = %scan3A_28 to %scan3A_30 step %scan3A_31 iter_args(%scan3A_48 = %scan3A_27) -> (i32)  : i32 {
      "tpu.region"() ({
        %run_scoped3A = tpu.sem_alloc : memref<!tpu.dma_semaphore, #tpu.memory_space<semaphore_mem>>
        %dma_start3A = arith.constant 0 : i32
        %dma_start3A_50 = tpu.memref_slice %arg4[%scan3A_47, %dma_start3A] : memref<125x80xi32, #tpu.memory_space<vmem>> -> memref<1x80xi32, #tpu.memory_space<vmem>>
        %dma_start3A_51 = tpu.memref_squeeze %dma_start3A_50 : memref<1x80xi32, #tpu.memory_space<vmem>> -> memref<80xi32, #tpu.memory_space<vmem>>
        %dma_start3A_52 = arith.constant 0 : i32
        %dma_start3A_53 = arith.constant 0 : i32
        %dma_start3A_54 = tpu.memref_slice %arg6[%dma_start3A_52, %dma_start3A_53] : memref<10000x128xf32, #tpu.memory_space<vmem_shared>> -> memref<10000x128xf32, #tpu.memory_space<vmem_shared>>
        tpu.enqueue_indirect_dma source(%arg5 : memref<80x128xf32, #tpu.memory_space<vmem>>) target(%dma_start3A_54 : memref<10000x128xf32, #tpu.memory_space<vmem_shared>>) offsets(%dma_start3A_51 : memref<80xi32, #tpu.memory_space<vmem>>) semaphore(%run_scoped3A : memref<!tpu.dma_semaphore, #tpu.memory_space<semaphore_mem>>) {add = true}
        %dma_wait3A = arith.constant 0 : i32
        %dma_wait3A_55 = tpu.memref_slice %arg4[%scan3A_47, %dma_wait3A] : memref<125x80xi32, #tpu.memory_space<vmem>> -> memref<1x80xi32, #tpu.memory_space<vmem>>
        %dma_wait3A_56 = tpu.memref_squeeze %dma_wait3A_55 : memref<1x80xi32, #tpu.memory_space<vmem>> -> memref<80xi32, #tpu.memory_space<vmem>>
        %dma_wait3A_57 = arith.constant 0 : i32
        %dma_wait3A_58 = arith.constant 0 : i32
        %dma_wait3A_59 = tpu.memref_slice %arg6[%dma_wait3A_57, %dma_wait3A_58] : memref<10000x128xf32, #tpu.memory_space<vmem_shared>> -> memref<10000x128xf32, #tpu.memory_space<vmem_shared>>
        tpu.wait_indirect_dma semaphore(%run_scoped3A : memref<!tpu.dma_semaphore, #tpu.memory_space<semaphore_mem>>) src(%arg5 : memref<80x128xf32, #tpu.memory_space<vmem>>) dst(%dma_wait3A_59 : memref<10000x128xf32, #tpu.memory_space<vmem_shared>>)
        tpu.yield
      }) : () -> ()
      %scan3A_49 = arith.constant 0 : i32
      scf.yield %scan3A_49 : i32
    }
    %scan3A_33 = arith.constant 125 : i32
    %barrier3A_34 = arith.constant 0 : index
    tpu.barrier barrier_id(%barrier3A_34)
    %while3A_35 = arith.constant 0 : i32
    %while3A_36 = arith.constant 0 : i32
    %while3A_37 = arith.subi %select_n3A, %while3A_35 : i32
    %while3A_38 = arith.addi %while3A_35, %while3A_37 : i32
    %while3A_39 = arith.constant 1 : i32
    %while3A_40 = arith.divsi %while3A_37, %while3A_39 : i32
    %while3A_41 = arith.muli %while3A_40, %while3A_39 : i32
    %while3A_42 = arith.addi %while3A_35, %while3A_41 : i32
    %while3A_43 = arith.constant 1 : i32
    %while3A_44 = scf.for %while3A_47 = %while3A_35 to %while3A_42 step %while3A_43 iter_args(%while3A_48 = %while3A_36) -> (i32)  : i32 {
      %mul3A_49 = arith.constant 640 : i32
      %mul3A_50 = arith.muli %mul3A_49, %arg1 : i32
      %mul3A_51 = arith.constant 80 : i32
      %mul3A_52 = arith.muli %mul3A_51, %while3A_47 : i32
      %add3A_53 = arith.addi %mul3A_50, %mul3A_52 : i32
      "tpu.region"() ({
        %run_scoped3A = tpu.sem_alloc : memref<!tpu.dma_semaphore, #tpu.memory_space<semaphore_mem>>
        %dma_start3A = arith.constant 0 : i32
        %dma_start3A_55 = arith.constant 0 : i32
        %dma_start3A_56 = tpu.memref_slice %arg3[%arg0, %dma_start3A, %dma_start3A_55] : memref<2x10000x128xf32, #tpu.memory_space<hbm>> -> memref<1x10000x128xf32, #tpu.memory_space<hbm>>
        %dma_start3A_57 = tpu.memref_squeeze %dma_start3A_56 : memref<1x10000x128xf32, #tpu.memory_space<hbm>> -> memref<10000x128xf32, #tpu.memory_space<hbm>>
        %dma_start3A_58 = arith.constant 0 : i32
        %dma_start3A_59 = tpu.memref_slice %dma_start3A_57[%add3A_53, %dma_start3A_58] : memref<10000x128xf32, #tpu.memory_space<hbm>> -> memref<80x128xf32, #tpu.memory_space<hbm>>
        %dma_start3A_60 = arith.constant 0 : i32
        %dma_start3A_61 = tpu.memref_slice %arg6[%add3A_53, %dma_start3A_60] : memref<10000x128xf32, #tpu.memory_space<vmem_shared>> -> memref<80x128xf32, #tpu.memory_space<vmem_shared>>
        tpu.enqueue_dma source(%dma_start3A_61 : memref<80x128xf32, #tpu.memory_space<vmem_shared>>) target(%dma_start3A_59 : memref<80x128xf32, #tpu.memory_space<hbm>>) target_semaphore(%run_scoped3A : memref<!tpu.dma_semaphore, #tpu.memory_space<semaphore_mem>>)
        %dma_wait3A = arith.constant 0 : i32
        %dma_wait3A_62 = arith.constant 0 : i32
        %dma_wait3A_63 = tpu.memref_slice %arg3[%arg0, %dma_wait3A, %dma_wait3A_62] : memref<2x10000x128xf32, #tpu.memory_space<hbm>> -> memref<1x10000x128xf32, #tpu.memory_space<hbm>>
        %dma_wait3A_64 = tpu.memref_squeeze %dma_wait3A_63 : memref<1x10000x128xf32, #tpu.memory_space<hbm>> -> memref<10000x128xf32, #tpu.memory_space<hbm>>
        %dma_wait3A_65 = arith.constant 0 : i32
        %dma_wait3A_66 = tpu.memref_slice %dma_wait3A_64[%add3A_53, %dma_wait3A_65] : memref<10000x128xf32, #tpu.memory_space<hbm>> -> memref<80x128xf32, #tpu.memory_space<hbm>>
        %dma_wait3A_67 = arith.constant 0 : i32
        %dma_wait3A_68 = tpu.memref_slice %arg6[%add3A_53, %dma_wait3A_67] : memref<10000x128xf32, #tpu.memory_space<vmem_shared>> -> memref<80x128xf32, #tpu.memory_space<vmem_shared>>
        tpu.wait_dma2 semaphore(%run_scoped3A : memref<!tpu.dma_semaphore, #tpu.memory_space<semaphore_mem>>) src(%dma_wait3A_68 : memref<80x128xf32, #tpu.memory_space<vmem_shared>>) dst(%dma_wait3A_66 : memref<80x128xf32, #tpu.memory_space<hbm>>)
        tpu.yield
      }) : () -> ()
      %while3A_54 = arith.constant 0 : i32
      scf.yield %while3A_54 : i32
    }
    %while3A_45 = arith.constant 1 : i32
    %while3A_46 = scf.for %while3A_47 = %while3A_42 to %while3A_38 step %while3A_45 iter_args(%while3A_48 = %while3A_44) -> (i32)  : i32 {
      %mul3A_49 = arith.constant 640 : i32
      %mul3A_50 = arith.muli %mul3A_49, %arg1 : i32
      %mul3A_51 = arith.constant 80 : i32
      %mul3A_52 = arith.muli %mul3A_51, %while3A_47 : i32
      %add3A_53 = arith.addi %mul3A_50, %mul3A_52 : i32
      "tpu.region"() ({
        %run_scoped3A = tpu.sem_alloc : memref<!tpu.dma_semaphore, #tpu.memory_space<semaphore_mem>>
        %dma_start3A = arith.constant 0 : i32
        %dma_start3A_55 = arith.constant 0 : i32
        %dma_start3A_56 = tpu.memref_slice %arg3[%arg0, %dma_start3A, %dma_start3A_55] : memref<2x10000x128xf32, #tpu.memory_space<hbm>> -> memref<1x10000x128xf32, #tpu.memory_space<hbm>>
        %dma_start3A_57 = tpu.memref_squeeze %dma_start3A_56 : memref<1x10000x128xf32, #tpu.memory_space<hbm>> -> memref<10000x128xf32, #tpu.memory_space<hbm>>
        %dma_start3A_58 = arith.constant 0 : i32
        %dma_start3A_59 = tpu.memref_slice %dma_start3A_57[%add3A_53, %dma_start3A_58] : memref<10000x128xf32, #tpu.memory_space<hbm>> -> memref<80x128xf32, #tpu.memory_space<hbm>>
        %dma_start3A_60 = arith.constant 0 : i32
        %dma_start3A_61 = tpu.memref_slice %arg6[%add3A_53, %dma_start3A_60] : memref<10000x128xf32, #tpu.memory_space<vmem_shared>> -> memref<80x128xf32, #tpu.memory_space<vmem_shared>>
        tpu.enqueue_dma source(%dma_start3A_61 : memref<80x128xf32, #tpu.memory_space<vmem_shared>>) target(%dma_start3A_59 : memref<80x128xf32, #tpu.memory_space<hbm>>) target_semaphore(%run_scoped3A : memref<!tpu.dma_semaphore, #tpu.memory_space<semaphore_mem>>)
        %dma_wait3A = arith.constant 0 : i32
        %dma_wait3A_62 = arith.constant 0 : i32
        %dma_wait3A_63 = tpu.memref_slice %arg3[%arg0, %dma_wait3A, %dma_wait3A_62] : memref<2x10000x128xf32, #tpu.memory_space<hbm>> -> memref<1x10000x128xf32, #tpu.memory_space<hbm>>
        %dma_wait3A_64 = tpu.memref_squeeze %dma_wait3A_63 : memref<1x10000x128xf32, #tpu.memory_space<hbm>> -> memref<10000x128xf32, #tpu.memory_space<hbm>>
        %dma_wait3A_65 = arith.constant 0 : i32
        %dma_wait3A_66 = tpu.memref_slice %dma_wait3A_64[%add3A_53, %dma_wait3A_65] : memref<10000x128xf32, #tpu.memory_space<hbm>> -> memref<80x128xf32, #tpu.memory_space<hbm>>
        %dma_wait3A_67 = arith.constant 0 : i32
        %dma_wait3A_68 = tpu.memref_slice %arg6[%add3A_53, %dma_wait3A_67] : memref<10000x128xf32, #tpu.memory_space<vmem_shared>> -> memref<80x128xf32, #tpu.memory_space<vmem_shared>>
        tpu.wait_dma2 semaphore(%run_scoped3A : memref<!tpu.dma_semaphore, #tpu.memory_space<semaphore_mem>>) src(%dma_wait3A_68 : memref<80x128xf32, #tpu.memory_space<vmem_shared>>) dst(%dma_wait3A_66 : memref<80x128xf32, #tpu.memory_space<hbm>>)
        tpu.yield
      }) : () -> ()
      %while3A_54 = arith.constant 0 : i32
      scf.yield %while3A_54 : i32
    }
    return
  }
}

#map = affine_map<(d0, d1) -> (0, 0, 0, 0)>
#map1 = affine_map<(d0, d1) -> (0, 0)>
#map2 = affine_map<(d0, d1) -> (0, 0, 0)>
module attributes {stable_mosaic.version = 14 : i64} {
  func.func @_sc_scatter(%arg0: i32, %arg1: i32, %arg2: memref<32x5x25x80xi32, #tpu.memory_space<hbm>>, %arg3: memref<32x5x25x80xi32, #tpu.memory_space<hbm>>, %arg4: memref<10000x128xf32, #tpu.memory_space<hbm>>, %arg5: memref<2x10000x128xf32, #tpu.memory_space<hbm>>, %arg6: memref<25x80xi32, #tpu.memory_space<vmem>>, %arg7: memref<25x80xi32, #tpu.memory_space<vmem>>, %arg8: memref<80x128xf32, #tpu.memory_space<vmem>>, %arg9: memref<80x128xf32, #tpu.memory_space<vmem>>, %arg10: memref<10000x128xf32, #tpu.memory_space<vmem_shared>>, %arg11: memref<!tpu.dma_semaphore, #tpu.memory_space<semaphore_mem>>, %arg12: memref<!tpu.dma_semaphore, #tpu.memory_space<semaphore_mem>>) attributes {dimension_semantics = [#tpu.dimension_semantics<core_parallel>, #tpu.dimension_semantics<subcore_parallel>], iteration_bounds = array<i64: 2, 16>, scalar_prefetch = 0 : i64, scratch_operands = 7 : i64, tpu.core_type = #tpu.core_type<sc_vector_subcore>, window_params = [{transform_indices = #map}, {transform_indices = #map}, {transform_indices = #map1}, {transform_indices = #map2}]} {
    %mul3A = arith.constant 2 : i32
    %mul3A_0 = arith.muli %arg1, %mul3A : i32
    %add3A = arith.addi %mul3A_0, %arg0 : i32
    %lt3A = arith.constant 15 : i32
    %lt3A_1 = arith.cmpi slt, %arg1, %lt3A : i32
    %jit3A = arith.constant 8 : i32
    %jit3A_2 = arith.constant 5 : i32
    %select_n3A = arith.select %lt3A_1, %jit3A, %jit3A_2 : i32
    %broadcast_in_dim3A = arith.constant 0.000000e+00 : f32
    %broadcast_in_dim3A_3 = vector.broadcast %broadcast_in_dim3A : f32 to vector<16xf32>
    %scan3A = arith.constant 0 : i32
    %scan3A_4 = arith.constant 0 : i32
    %scan3A_5 = arith.constant 80 : i32
    %scan3A_6 = arith.addi %scan3A_4, %scan3A_5 : i32
    %scan3A_7 = arith.constant 1 : i32
    %scan3A_8 = scf.for %scan3A_41 = %scan3A_4 to %scan3A_6 step %scan3A_7 iter_args(%scan3A_42 = %scan3A) -> (i32)  : i32 {
      %swap3A = arith.index_cast %scan3A_41 : i32 to index
      %swap3A_43 = arith.constant 0 : index
      %swap3A_44 = tpu.vector_load %arg8[%swap3A, %swap3A_43] {strides = array<i32>} : memref<80x128xf32, #tpu.memory_space<vmem>>, vector<1x16xf32>,
      %swap3A_45 = vector.shape_cast %swap3A_44 : vector<1x16xf32> to vector<16xf32>
      %swap3A_46 = vector.shape_cast %broadcast_in_dim3A_3 : vector<16xf32> to vector<1x16xf32>
      tpu.vector_store %arg8[%swap3A, %swap3A_43], %swap3A_46 {strides = array<i32>} : memref<80x128xf32, #tpu.memory_space<vmem>>, vector<1x16xf32>,
      %swap3A_47 = arith.index_cast %scan3A_41 : i32 to index
      %swap3A_48 = arith.constant 16 : index
      %swap3A_49 = tpu.vector_load %arg8[%swap3A_47, %swap3A_48] {strides = array<i32>} : memref<80x128xf32, #tpu.memory_space<vmem>>, vector<1x16xf32>,
      %swap3A_50 = vector.shape_cast %swap3A_49 : vector<1x16xf32> to vector<16xf32>
      %swap3A_51 = vector.shape_cast %broadcast_in_dim3A_3 : vector<16xf32> to vector<1x16xf32>
      tpu.vector_store %arg8[%swap3A_47, %swap3A_48], %swap3A_51 {strides = array<i32>} : memref<80x128xf32, #tpu.memory_space<vmem>>, vector<1x16xf32>,
      %swap3A_52 = arith.index_cast %scan3A_41 : i32 to index
      %swap3A_53 = arith.constant 32 : index
      %swap3A_54 = tpu.vector_load %arg8[%swap3A_52, %swap3A_53] {strides = array<i32>} : memref<80x128xf32, #tpu.memory_space<vmem>>, vector<1x16xf32>,
      %swap3A_55 = vector.shape_cast %swap3A_54 : vector<1x16xf32> to vector<16xf32>
      %swap3A_56 = vector.shape_cast %broadcast_in_dim3A_3 : vector<16xf32> to vector<1x16xf32>
      tpu.vector_store %arg8[%swap3A_52, %swap3A_53], %swap3A_56 {strides = array<i32>} : memref<80x128xf32, #tpu.memory_space<vmem>>, vector<1x16xf32>,
      %swap3A_57 = arith.index_cast %scan3A_41 : i32 to index
      %swap3A_58 = arith.constant 48 : index
      %swap3A_59 = tpu.vector_load %arg8[%swap3A_57, %swap3A_58] {strides = array<i32>} : memref<80x128xf32, #tpu.memory_space<vmem>>, vector<1x16xf32>,
      %swap3A_60 = vector.shape_cast %swap3A_59 : vector<1x16xf32> to vector<16xf32>
      %swap3A_61 = vector.shape_cast %broadcast_in_dim3A_3 : vector<16xf32> to vector<1x16xf32>
      tpu.vector_store %arg8[%swap3A_57, %swap3A_58], %swap3A_61 {strides = array<i32>} : memref<80x128xf32, #tpu.memory_space<vmem>>, vector<1x16xf32>,
      %swap3A_62 = arith.index_cast %scan3A_41 : i32 to index
      %swap3A_63 = arith.constant 64 : index
      %swap3A_64 = tpu.vector_load %arg8[%swap3A_62, %swap3A_63] {strides = array<i32>} : memref<80x128xf32, #tpu.memory_space<vmem>>, vector<1x16xf32>,
      %swap3A_65 = vector.shape_cast %swap3A_64 : vector<1x16xf32> to vector<16xf32>
      %swap3A_66 = vector.shape_cast %broadcast_in_dim3A_3 : vector<16xf32> to vector<1x16xf32>
      tpu.vector_store %arg8[%swap3A_62, %swap3A_63], %swap3A_66 {strides = array<i32>} : memref<80x128xf32, #tpu.memory_space<vmem>>, vector<1x16xf32>,
      %swap3A_67 = arith.index_cast %scan3A_41 : i32 to index
      %swap3A_68 = arith.constant 80 : index
      %swap3A_69 = tpu.vector_load %arg8[%swap3A_67, %swap3A_68] {strides = array<i32>} : memref<80x128xf32, #tpu.memory_space<vmem>>, vector<1x16xf32>,
      %swap3A_70 = vector.shape_cast %swap3A_69 : vector<1x16xf32> to vector<16xf32>
      %swap3A_71 = vector.shape_cast %broadcast_in_dim3A_3 : vector<16xf32> to vector<1x16xf32>
      tpu.vector_store %arg8[%swap3A_67, %swap3A_68], %swap3A_71 {strides = array<i32>} : memref<80x128xf32, #tpu.memory_space<vmem>>, vector<1x16xf32>,
      %swap3A_72 = arith.index_cast %scan3A_41 : i32 to index
      %swap3A_73 = arith.constant 96 : index
      %swap3A_74 = tpu.vector_load %arg8[%swap3A_72, %swap3A_73] {strides = array<i32>} : memref<80x128xf32, #tpu.memory_space<vmem>>, vector<1x16xf32>,
      %swap3A_75 = vector.shape_cast %swap3A_74 : vector<1x16xf32> to vector<16xf32>
      %swap3A_76 = vector.shape_cast %broadcast_in_dim3A_3 : vector<16xf32> to vector<1x16xf32>
      tpu.vector_store %arg8[%swap3A_72, %swap3A_73], %swap3A_76 {strides = array<i32>} : memref<80x128xf32, #tpu.memory_space<vmem>>, vector<1x16xf32>,
      %swap3A_77 = arith.index_cast %scan3A_41 : i32 to index
      %swap3A_78 = arith.constant 112 : index
      %swap3A_79 = tpu.vector_load %arg8[%swap3A_77, %swap3A_78] {strides = array<i32>} : memref<80x128xf32, #tpu.memory_space<vmem>>, vector<1x16xf32>,
      %swap3A_80 = vector.shape_cast %swap3A_79 : vector<1x16xf32> to vector<16xf32>
      %swap3A_81 = vector.shape_cast %broadcast_in_dim3A_3 : vector<16xf32> to vector<1x16xf32>
      tpu.vector_store %arg8[%swap3A_77, %swap3A_78], %swap3A_81 {strides = array<i32>} : memref<80x128xf32, #tpu.memory_space<vmem>>, vector<1x16xf32>,
      %scan3A_82 = arith.constant 0 : i32
      scf.yield %scan3A_82 : i32
    }
    %scan3A_9 = arith.constant 80 : i32
    %while3A = arith.constant 0 : i32
    %while3A_10 = arith.constant 0 : i32
    %while3A_11 = arith.subi %select_n3A, %while3A : i32
    %while3A_12 = arith.addi %while3A, %while3A_11 : i32
    %while3A_13 = arith.constant 1 : i32
    %while3A_14 = arith.divsi %while3A_11, %while3A_13 : i32
    %while3A_15 = arith.muli %while3A_14, %while3A_13 : i32
    %while3A_16 = arith.addi %while3A, %while3A_15 : i32
    %while3A_17 = arith.constant 1 : i32
    %while3A_18 = scf.for %while3A_41 = %while3A to %while3A_16 step %while3A_17 iter_args(%while3A_42 = %while3A_10) -> (i32)  : i32 {
      %mul3A_43 = arith.constant 640 : i32
      %mul3A_44 = arith.muli %mul3A_43, %arg1 : i32
      %mul3A_45 = arith.constant 80 : i32
      %mul3A_46 = arith.muli %mul3A_45, %while3A_41 : i32
      %add3A_47 = arith.addi %mul3A_44, %mul3A_46 : i32
      "tpu.region"() ({
        %run_scoped3A = tpu.sem_alloc : memref<!tpu.dma_semaphore, #tpu.memory_space<semaphore_mem>>
        %dma_start3A = arith.constant 0 : i32
        %dma_start3A_49 = tpu.memref_slice %arg10[%add3A_47, %dma_start3A] : memref<10000x128xf32, #tpu.memory_space<vmem_shared>> -> memref<80x128xf32, #tpu.memory_space<vmem_shared>>
        %dma_start3A_50 = arith.constant 0 : i32
        %dma_start3A_51 = tpu.memref_slice %arg10[%add3A_47, %dma_start3A_50] : memref<10000x128xf32, #tpu.memory_space<vmem_shared>> -> memref<80x128xf32, #tpu.memory_space<vmem_shared>>
        tpu.enqueue_dma source(%arg8 : memref<80x128xf32, #tpu.memory_space<vmem>>) target(%dma_start3A_51 : memref<80x128xf32, #tpu.memory_space<vmem_shared>>) target_semaphore(%run_scoped3A : memref<!tpu.dma_semaphore, #tpu.memory_space<semaphore_mem>>)
        %dma_wait3A = arith.constant 0 : i32
        %dma_wait3A_52 = tpu.memref_slice %arg10[%add3A_47, %dma_wait3A] : memref<10000x128xf32, #tpu.memory_space<vmem_shared>> -> memref<80x128xf32, #tpu.memory_space<vmem_shared>>
        %dma_wait3A_53 = arith.constant 0 : i32
        %dma_wait3A_54 = tpu.memref_slice %arg10[%add3A_47, %dma_wait3A_53] : memref<10000x128xf32, #tpu.memory_space<vmem_shared>> -> memref<80x128xf32, #tpu.memory_space<vmem_shared>>
        tpu.wait_dma2 semaphore(%run_scoped3A : memref<!tpu.dma_semaphore, #tpu.memory_space<semaphore_mem>>) src(%arg8 : memref<80x128xf32, #tpu.memory_space<vmem>>) dst(%dma_wait3A_54 : memref<80x128xf32, #tpu.memory_space<vmem_shared>>)
        tpu.yield
      }) : () -> ()
      %while3A_48 = arith.constant 0 : i32
      scf.yield %while3A_48 : i32
    }
    %while3A_19 = arith.constant 1 : i32
    %while3A_20 = scf.for %while3A_41 = %while3A_16 to %while3A_12 step %while3A_19 iter_args(%while3A_42 = %while3A_18) -> (i32)  : i32 {
      %mul3A_43 = arith.constant 640 : i32
      %mul3A_44 = arith.muli %mul3A_43, %arg1 : i32
      %mul3A_45 = arith.constant 80 : i32
      %mul3A_46 = arith.muli %mul3A_45, %while3A_41 : i32
      %add3A_47 = arith.addi %mul3A_44, %mul3A_46 : i32
      "tpu.region"() ({
        %run_scoped3A = tpu.sem_alloc : memref<!tpu.dma_semaphore, #tpu.memory_space<semaphore_mem>>
        %dma_start3A = arith.constant 0 : i32
        %dma_start3A_49 = tpu.memref_slice %arg10[%add3A_47, %dma_start3A] : memref<10000x128xf32, #tpu.memory_space<vmem_shared>> -> memref<80x128xf32, #tpu.memory_space<vmem_shared>>
        %dma_start3A_50 = arith.constant 0 : i32
        %dma_start3A_51 = tpu.memref_slice %arg10[%add3A_47, %dma_start3A_50] : memref<10000x128xf32, #tpu.memory_space<vmem_shared>> -> memref<80x128xf32, #tpu.memory_space<vmem_shared>>
        tpu.enqueue_dma source(%arg8 : memref<80x128xf32, #tpu.memory_space<vmem>>) target(%dma_start3A_51 : memref<80x128xf32, #tpu.memory_space<vmem_shared>>) target_semaphore(%run_scoped3A : memref<!tpu.dma_semaphore, #tpu.memory_space<semaphore_mem>>)
        %dma_wait3A = arith.constant 0 : i32
        %dma_wait3A_52 = tpu.memref_slice %arg10[%add3A_47, %dma_wait3A] : memref<10000x128xf32, #tpu.memory_space<vmem_shared>> -> memref<80x128xf32, #tpu.memory_space<vmem_shared>>
        %dma_wait3A_53 = arith.constant 0 : i32
        %dma_wait3A_54 = tpu.memref_slice %arg10[%add3A_47, %dma_wait3A_53] : memref<10000x128xf32, #tpu.memory_space<vmem_shared>> -> memref<80x128xf32, #tpu.memory_space<vmem_shared>>
        tpu.wait_dma2 semaphore(%run_scoped3A : memref<!tpu.dma_semaphore, #tpu.memory_space<semaphore_mem>>) src(%arg8 : memref<80x128xf32, #tpu.memory_space<vmem>>) dst(%dma_wait3A_54 : memref<80x128xf32, #tpu.memory_space<vmem_shared>>)
        tpu.yield
      }) : () -> ()
      %while3A_48 = arith.constant 0 : i32
      scf.yield %while3A_48 : i32
    }
    %barrier3A = arith.constant 0 : index
    tpu.barrier barrier_id(%barrier3A)
    %scan3A_21 = arith.constant 0 : i32
    %scan3A_22 = arith.constant 0 : i32
    %scan3A_23 = arith.constant 5 : i32
    %scan3A_24 = arith.addi %scan3A_22, %scan3A_23 : i32
    %scan3A_25 = arith.constant 1 : i32
    %scan3A_26 = scf.for %scan3A_41 = %scan3A_22 to %scan3A_24 step %scan3A_25 iter_args(%scan3A_42 = %scan3A_21) -> (i32)  : i32 {
      "tpu.region"() ({
        %run_scoped3A_63 = tpu.sem_alloc : memref<!tpu.dma_semaphore, #tpu.memory_space<semaphore_mem>>
        %dma_start3A_64 = arith.constant 0 : i32
        %dma_start3A_65 = arith.constant 0 : i32
        %dma_start3A_66 = tpu.memref_slice %arg2[%add3A, %scan3A_41, %dma_start3A_64, %dma_start3A_65] : memref<32x5x25x80xi32, #tpu.memory_space<hbm>> -> memref<1x1x25x80xi32, #tpu.memory_space<hbm>>
        %dma_start3A_67 = tpu.memref_squeeze %dma_start3A_66 : memref<1x1x25x80xi32, #tpu.memory_space<hbm>> -> memref<25x80xi32, #tpu.memory_space<hbm>>
        %dma_start3A_68 = arith.constant 0 : i32
        %dma_start3A_69 = arith.constant 0 : i32
        %dma_start3A_70 = tpu.memref_slice %arg2[%add3A, %scan3A_41, %dma_start3A_68, %dma_start3A_69] : memref<32x5x25x80xi32, #tpu.memory_space<hbm>> -> memref<1x1x25x80xi32, #tpu.memory_space<hbm>>
        %dma_start3A_71 = tpu.memref_squeeze %dma_start3A_70 : memref<1x1x25x80xi32, #tpu.memory_space<hbm>> -> memref<25x80xi32, #tpu.memory_space<hbm>>
        tpu.enqueue_dma source(%dma_start3A_71 : memref<25x80xi32, #tpu.memory_space<hbm>>) target(%arg6 : memref<25x80xi32, #tpu.memory_space<vmem>>) target_semaphore(%run_scoped3A_63 : memref<!tpu.dma_semaphore, #tpu.memory_space<semaphore_mem>>)
        %dma_wait3A_72 = arith.constant 0 : i32
        %dma_wait3A_73 = arith.constant 0 : i32
        %dma_wait3A_74 = tpu.memref_slice %arg2[%add3A, %scan3A_41, %dma_wait3A_72, %dma_wait3A_73] : memref<32x5x25x80xi32, #tpu.memory_space<hbm>> -> memref<1x1x25x80xi32, #tpu.memory_space<hbm>>
        %dma_wait3A_75 = tpu.memref_squeeze %dma_wait3A_74 : memref<1x1x25x80xi32, #tpu.memory_space<hbm>> -> memref<25x80xi32, #tpu.memory_space<hbm>>
        %dma_wait3A_76 = arith.constant 0 : i32
        %dma_wait3A_77 = arith.constant 0 : i32
        %dma_wait3A_78 = tpu.memref_slice %arg2[%add3A, %scan3A_41, %dma_wait3A_76, %dma_wait3A_77] : memref<32x5x25x80xi32, #tpu.memory_space<hbm>> -> memref<1x1x25x80xi32, #tpu.memory_space<hbm>>
        %dma_wait3A_79 = tpu.memref_squeeze %dma_wait3A_78 : memref<1x1x25x80xi32, #tpu.memory_space<hbm>> -> memref<25x80xi32, #tpu.memory_space<hbm>>
        tpu.wait_dma2 semaphore(%run_scoped3A_63 : memref<!tpu.dma_semaphore, #tpu.memory_space<semaphore_mem>>) src(%dma_wait3A_79 : memref<25x80xi32, #tpu.memory_space<hbm>>) dst(%arg6 : memref<25x80xi32, #tpu.memory_space<vmem>>)
        tpu.yield
      }) : () -> ()
      "tpu.region"() ({
        %run_scoped3A_63 = tpu.sem_alloc : memref<!tpu.dma_semaphore, #tpu.memory_space<semaphore_mem>>
        %dma_start3A_64 = arith.constant 0 : i32
        %dma_start3A_65 = arith.constant 0 : i32
        %dma_start3A_66 = tpu.memref_slice %arg3[%add3A, %scan3A_41, %dma_start3A_64, %dma_start3A_65] : memref<32x5x25x80xi32, #tpu.memory_space<hbm>> -> memref<1x1x25x80xi32, #tpu.memory_space<hbm>>
        %dma_start3A_67 = tpu.memref_squeeze %dma_start3A_66 : memref<1x1x25x80xi32, #tpu.memory_space<hbm>> -> memref<25x80xi32, #tpu.memory_space<hbm>>
        %dma_start3A_68 = arith.constant 0 : i32
        %dma_start3A_69 = arith.constant 0 : i32
        %dma_start3A_70 = tpu.memref_slice %arg3[%add3A, %scan3A_41, %dma_start3A_68, %dma_start3A_69] : memref<32x5x25x80xi32, #tpu.memory_space<hbm>> -> memref<1x1x25x80xi32, #tpu.memory_space<hbm>>
        %dma_start3A_71 = tpu.memref_squeeze %dma_start3A_70 : memref<1x1x25x80xi32, #tpu.memory_space<hbm>> -> memref<25x80xi32, #tpu.memory_space<hbm>>
        tpu.enqueue_dma source(%dma_start3A_71 : memref<25x80xi32, #tpu.memory_space<hbm>>) target(%arg7 : memref<25x80xi32, #tpu.memory_space<vmem>>) target_semaphore(%run_scoped3A_63 : memref<!tpu.dma_semaphore, #tpu.memory_space<semaphore_mem>>)
        %dma_wait3A_72 = arith.constant 0 : i32
        %dma_wait3A_73 = arith.constant 0 : i32
        %dma_wait3A_74 = tpu.memref_slice %arg3[%add3A, %scan3A_41, %dma_wait3A_72, %dma_wait3A_73] : memref<32x5x25x80xi32, #tpu.memory_space<hbm>> -> memref<1x1x25x80xi32, #tpu.memory_space<hbm>>
        %dma_wait3A_75 = tpu.memref_squeeze %dma_wait3A_74 : memref<1x1x25x80xi32, #tpu.memory_space<hbm>> -> memref<25x80xi32, #tpu.memory_space<hbm>>
        %dma_wait3A_76 = arith.constant 0 : i32
        %dma_wait3A_77 = arith.constant 0 : i32
        %dma_wait3A_78 = tpu.memref_slice %arg3[%add3A, %scan3A_41, %dma_wait3A_76, %dma_wait3A_77] : memref<32x5x25x80xi32, #tpu.memory_space<hbm>> -> memref<1x1x25x80xi32, #tpu.memory_space<hbm>>
        %dma_wait3A_79 = tpu.memref_squeeze %dma_wait3A_78 : memref<1x1x25x80xi32, #tpu.memory_space<hbm>> -> memref<25x80xi32, #tpu.memory_space<hbm>>
        tpu.wait_dma2 semaphore(%run_scoped3A_63 : memref<!tpu.dma_semaphore, #tpu.memory_space<semaphore_mem>>) src(%dma_wait3A_79 : memref<25x80xi32, #tpu.memory_space<hbm>>) dst(%arg7 : memref<25x80xi32, #tpu.memory_space<vmem>>)
        tpu.yield
      }) : () -> ()
      %dma_start3A = arith.constant 0 : i32
      %dma_start3A_43 = arith.constant 0 : i32
      %dma_start3A_44 = tpu.memref_slice %arg6[%dma_start3A, %dma_start3A_43] : memref<25x80xi32, #tpu.memory_space<vmem>> -> memref<1x80xi32, #tpu.memory_space<vmem>>
      %dma_start3A_45 = tpu.memref_squeeze %dma_start3A_44 : memref<1x80xi32, #tpu.memory_space<vmem>> -> memref<80xi32, #tpu.memory_space<vmem>>
      %dma_start3A_46 = arith.constant 0 : i32
      %dma_start3A_47 = arith.constant 0 : i32
      %dma_start3A_48 = tpu.memref_slice %arg4[%dma_start3A_46, %dma_start3A_47] : memref<10000x128xf32, #tpu.memory_space<hbm>> -> memref<10000x128xf32, #tpu.memory_space<hbm>>
      tpu.enqueue_indirect_dma source(%dma_start3A_48 : memref<10000x128xf32, #tpu.memory_space<hbm>>) target(%arg8 : memref<80x128xf32, #tpu.memory_space<vmem>>) offsets(%dma_start3A_45 : memref<80xi32, #tpu.memory_space<vmem>>) semaphore(%arg11 : memref<!tpu.dma_semaphore, #tpu.memory_space<semaphore_mem>>)
      %scan3A_49 = arith.constant 0 : i32
      %scan3A_50 = arith.constant 0 : i32
      %scan3A_51 = arith.constant 12 : i32
      %scan3A_52 = arith.addi %scan3A_50, %scan3A_51 : i32
      %scan3A_53 = arith.constant 1 : i32
      %scan3A_54 = scf.for %scan3A_63 = %scan3A_50 to %scan3A_52 step %scan3A_53 iter_args(%scan3A_64 = %scan3A_49) -> (i32)  : i32 {
        %mul3A_65 = arith.constant 2 : i32
        %mul3A_66 = arith.muli %mul3A_65, %scan3A_63 : i32
        %add3A_67 = arith.constant 1 : i32
        %add3A_68 = arith.addi %mul3A_66, %add3A_67 : i32
        %dma_start3A_69 = arith.constant 0 : i32
        %dma_start3A_70 = tpu.memref_slice %arg6[%add3A_68, %dma_start3A_69] : memref<25x80xi32, #tpu.memory_space<vmem>> -> memref<1x80xi32, #tpu.memory_space<vmem>>
        %dma_start3A_71 = tpu.memref_squeeze %dma_start3A_70 : memref<1x80xi32, #tpu.memory_space<vmem>> -> memref<80xi32, #tpu.memory_space<vmem>>
        %dma_start3A_72 = arith.constant 0 : i32
        %dma_start3A_73 = arith.constant 0 : i32
        %dma_start3A_74 = tpu.memref_slice %arg4[%dma_start3A_72, %dma_start3A_73] : memref<10000x128xf32, #tpu.memory_space<hbm>> -> memref<10000x128xf32, #tpu.memory_space<hbm>>
        tpu.enqueue_indirect_dma source(%dma_start3A_74 : memref<10000x128xf32, #tpu.memory_space<hbm>>) target(%arg9 : memref<80x128xf32, #tpu.memory_space<vmem>>) offsets(%dma_start3A_71 : memref<80xi32, #tpu.memory_space<vmem>>) semaphore(%arg12 : memref<!tpu.dma_semaphore, #tpu.memory_space<semaphore_mem>>)
        %dma_wait3A_75 = arith.constant 0 : i32
        %dma_wait3A_76 = tpu.memref_slice %arg6[%mul3A_66, %dma_wait3A_75] : memref<25x80xi32, #tpu.memory_space<vmem>> -> memref<1x80xi32, #tpu.memory_space<vmem>>
        %dma_wait3A_77 = tpu.memref_squeeze %dma_wait3A_76 : memref<1x80xi32, #tpu.memory_space<vmem>> -> memref<80xi32, #tpu.memory_space<vmem>>
        %dma_wait3A_78 = arith.constant 0 : i32
        %dma_wait3A_79 = arith.constant 0 : i32
        %dma_wait3A_80 = tpu.memref_slice %arg4[%dma_wait3A_78, %dma_wait3A_79] : memref<10000x128xf32, #tpu.memory_space<hbm>> -> memref<10000x128xf32, #tpu.memory_space<hbm>>
        tpu.wait_indirect_dma semaphore(%arg11 : memref<!tpu.dma_semaphore, #tpu.memory_space<semaphore_mem>>) src(%dma_wait3A_80 : memref<10000x128xf32, #tpu.memory_space<hbm>>) dst(%arg8 : memref<80x128xf32, #tpu.memory_space<vmem>>)
        "tpu.region"() ({
          %run_scoped3A_100 = tpu.sem_alloc : memref<!tpu.dma_semaphore, #tpu.memory_space<semaphore_mem>>
          %dma_start3A_101 = arith.constant 0 : i32
          %dma_start3A_102 = tpu.memref_slice %arg7[%mul3A_66, %dma_start3A_101] : memref<25x80xi32, #tpu.memory_space<vmem>> -> memref<1x80xi32, #tpu.memory_space<vmem>>
          %dma_start3A_103 = tpu.memref_squeeze %dma_start3A_102 : memref<1x80xi32, #tpu.memory_space<vmem>> -> memref<80xi32, #tpu.memory_space<vmem>>
          %dma_start3A_104 = arith.constant 0 : i32
          %dma_start3A_105 = arith.constant 0 : i32
          %dma_start3A_106 = tpu.memref_slice %arg10[%dma_start3A_104, %dma_start3A_105] : memref<10000x128xf32, #tpu.memory_space<vmem_shared>> -> memref<10000x128xf32, #tpu.memory_space<vmem_shared>>
          tpu.enqueue_indirect_dma source(%arg8 : memref<80x128xf32, #tpu.memory_space<vmem>>) target(%dma_start3A_106 : memref<10000x128xf32, #tpu.memory_space<vmem_shared>>) offsets(%dma_start3A_103 : memref<80xi32, #tpu.memory_space<vmem>>) semaphore(%run_scoped3A_100 : memref<!tpu.dma_semaphore, #tpu.memory_space<semaphore_mem>>) {add = true}
          %dma_wait3A_107 = arith.constant 0 : i32
          %dma_wait3A_108 = tpu.memref_slice %arg7[%mul3A_66, %dma_wait3A_107] : memref<25x80xi32, #tpu.memory_space<vmem>> -> memref<1x80xi32, #tpu.memory_space<vmem>>
          %dma_wait3A_109 = tpu.memref_squeeze %dma_wait3A_108 : memref<1x80xi32, #tpu.memory_space<vmem>> -> memref<80xi32, #tpu.memory_space<vmem>>
          %dma_wait3A_110 = arith.constant 0 : i32
          %dma_wait3A_111 = arith.constant 0 : i32
          %dma_wait3A_112 = tpu.memref_slice %arg10[%dma_wait3A_110, %dma_wait3A_111] : memref<10000x128xf32, #tpu.memory_space<vmem_shared>> -> memref<10000x128xf32, #tpu.memory_space<vmem_shared>>
          tpu.wait_indirect_dma semaphore(%run_scoped3A_100 : memref<!tpu.dma_semaphore, #tpu.memory_space<semaphore_mem>>) src(%arg8 : memref<80x128xf32, #tpu.memory_space<vmem>>) dst(%dma_wait3A_112 : memref<10000x128xf32, #tpu.memory_space<vmem_shared>>)
          tpu.yield
        }) : () -> ()
        %add3A_81 = arith.constant 2 : i32
        %add3A_82 = arith.addi %mul3A_66, %add3A_81 : i32
        %dma_start3A_83 = arith.constant 0 : i32
        %dma_start3A_84 = tpu.memref_slice %arg6[%add3A_82, %dma_start3A_83] : memref<25x80xi32, #tpu.memory_space<vmem>> -> memref<1x80xi32, #tpu.memory_space<vmem>>
        %dma_start3A_85 = tpu.memref_squeeze %dma_start3A_84 : memref<1x80xi32, #tpu.memory_space<vmem>> -> memref<80xi32, #tpu.memory_space<vmem>>
        %dma_start3A_86 = arith.constant 0 : i32
        %dma_start3A_87 = arith.constant 0 : i32
        %dma_start3A_88 = tpu.memref_slice %arg4[%dma_start3A_86, %dma_start3A_87] : memref<10000x128xf32, #tpu.memory_space<hbm>> -> memref<10000x128xf32, #tpu.memory_space<hbm>>
        tpu.enqueue_indirect_dma source(%dma_start3A_88 : memref<10000x128xf32, #tpu.memory_space<hbm>>) target(%arg8 : memref<80x128xf32, #tpu.memory_space<vmem>>) offsets(%dma_start3A_85 : memref<80xi32, #tpu.memory_space<vmem>>) semaphore(%arg11 : memref<!tpu.dma_semaphore, #tpu.memory_space<semaphore_mem>>)
        %add3A_89 = arith.constant 1 : i32
        %add3A_90 = arith.addi %mul3A_66, %add3A_89 : i32
        %dma_wait3A_91 = arith.constant 0 : i32
        %dma_wait3A_92 = tpu.memref_slice %arg6[%add3A_90, %dma_wait3A_91] : memref<25x80xi32, #tpu.memory_space<vmem>> -> memref<1x80xi32, #tpu.memory_space<vmem>>
        %dma_wait3A_93 = tpu.memref_squeeze %dma_wait3A_92 : memref<1x80xi32, #tpu.memory_space<vmem>> -> memref<80xi32, #tpu.memory_space<vmem>>
        %dma_wait3A_94 = arith.constant 0 : i32
        %dma_wait3A_95 = arith.constant 0 : i32
        %dma_wait3A_96 = tpu.memref_slice %arg4[%dma_wait3A_94, %dma_wait3A_95] : memref<10000x128xf32, #tpu.memory_space<hbm>> -> memref<10000x128xf32, #tpu.memory_space<hbm>>
        tpu.wait_indirect_dma semaphore(%arg12 : memref<!tpu.dma_semaphore, #tpu.memory_space<semaphore_mem>>) src(%dma_wait3A_96 : memref<10000x128xf32, #tpu.memory_space<hbm>>) dst(%arg9 : memref<80x128xf32, #tpu.memory_space<vmem>>)
        %add3A_97 = arith.constant 1 : i32
        %add3A_98 = arith.addi %mul3A_66, %add3A_97 : i32
        "tpu.region"() ({
          %run_scoped3A_100 = tpu.sem_alloc : memref<!tpu.dma_semaphore, #tpu.memory_space<semaphore_mem>>
          %dma_start3A_101 = arith.constant 0 : i32
          %dma_start3A_102 = tpu.memref_slice %arg7[%add3A_98, %dma_start3A_101] : memref<25x80xi32, #tpu.memory_space<vmem>> -> memref<1x80xi32, #tpu.memory_space<vmem>>
          %dma_start3A_103 = tpu.memref_squeeze %dma_start3A_102 : memref<1x80xi32, #tpu.memory_space<vmem>> -> memref<80xi32, #tpu.memory_space<vmem>>
          %dma_start3A_104 = arith.constant 0 : i32
          %dma_start3A_105 = arith.constant 0 : i32
          %dma_start3A_106 = tpu.memref_slice %arg10[%dma_start3A_104, %dma_start3A_105] : memref<10000x128xf32, #tpu.memory_space<vmem_shared>> -> memref<10000x128xf32, #tpu.memory_space<vmem_shared>>
          tpu.enqueue_indirect_dma source(%arg9 : memref<80x128xf32, #tpu.memory_space<vmem>>) target(%dma_start3A_106 : memref<10000x128xf32, #tpu.memory_space<vmem_shared>>) offsets(%dma_start3A_103 : memref<80xi32, #tpu.memory_space<vmem>>) semaphore(%run_scoped3A_100 : memref<!tpu.dma_semaphore, #tpu.memory_space<semaphore_mem>>) {add = true}
          %dma_wait3A_107 = arith.constant 0 : i32
          %dma_wait3A_108 = tpu.memref_slice %arg7[%add3A_98, %dma_wait3A_107] : memref<25x80xi32, #tpu.memory_space<vmem>> -> memref<1x80xi32, #tpu.memory_space<vmem>>
          %dma_wait3A_109 = tpu.memref_squeeze %dma_wait3A_108 : memref<1x80xi32, #tpu.memory_space<vmem>> -> memref<80xi32, #tpu.memory_space<vmem>>
          %dma_wait3A_110 = arith.constant 0 : i32
          %dma_wait3A_111 = arith.constant 0 : i32
          %dma_wait3A_112 = tpu.memref_slice %arg10[%dma_wait3A_110, %dma_wait3A_111] : memref<10000x128xf32, #tpu.memory_space<vmem_shared>> -> memref<10000x128xf32, #tpu.memory_space<vmem_shared>>
          tpu.wait_indirect_dma semaphore(%run_scoped3A_100 : memref<!tpu.dma_semaphore, #tpu.memory_space<semaphore_mem>>) src(%arg9 : memref<80x128xf32, #tpu.memory_space<vmem>>) dst(%dma_wait3A_112 : memref<10000x128xf32, #tpu.memory_space<vmem_shared>>)
          tpu.yield
        }) : () -> ()
        %scan3A_99 = arith.constant 0 : i32
        scf.yield %scan3A_99 : i32
      }
      %scan3A_55 = arith.constant 12 : i32
      %dma_wait3A = arith.constant 24 : i32
      %dma_wait3A_56 = arith.constant 0 : i32
      %dma_wait3A_57 = tpu.memref_slice %arg6[%dma_wait3A, %dma_wait3A_56] : memref<25x80xi32, #tpu.memory_space<vmem>> -> memref<1x80xi32, #tpu.memory_space<vmem>>
      %dma_wait3A_58 = tpu.memref_squeeze %dma_wait3A_57 : memref<1x80xi32, #tpu.memory_space<vmem>> -> memref<80xi32, #tpu.memory_space<vmem>>
      %dma_wait3A_59 = arith.constant 0 : i32
      %dma_wait3A_60 = arith.constant 0 : i32
      %dma_wait3A_61 = tpu.memref_slice %arg4[%dma_wait3A_59, %dma_wait3A_60] : memref<10000x128xf32, #tpu.memory_space<hbm>> -> memref<10000x128xf32, #tpu.memory_space<hbm>>
      tpu.wait_indirect_dma semaphore(%arg11 : memref<!tpu.dma_semaphore, #tpu.memory_space<semaphore_mem>>) src(%dma_wait3A_61 : memref<10000x128xf32, #tpu.memory_space<hbm>>) dst(%arg8 : memref<80x128xf32, #tpu.memory_space<vmem>>)
      %run_scoped3A = arith.constant 24 : i32
      "tpu.region"() ({
        %run_scoped3A_63 = tpu.sem_alloc : memref<!tpu.dma_semaphore, #tpu.memory_space<semaphore_mem>>
        %dma_start3A_64 = arith.constant 0 : i32
        %dma_start3A_65 = tpu.memref_slice %arg7[%run_scoped3A, %dma_start3A_64] : memref<25x80xi32, #tpu.memory_space<vmem>> -> memref<1x80xi32, #tpu.memory_space<vmem>>
        %dma_start3A_66 = tpu.memref_squeeze %dma_start3A_65 : memref<1x80xi32, #tpu.memory_space<vmem>> -> memref<80xi32, #tpu.memory_space<vmem>>
        %dma_start3A_67 = arith.constant 0 : i32
        %dma_start3A_68 = arith.constant 0 : i32
        %dma_start3A_69 = tpu.memref_slice %arg10[%dma_start3A_67, %dma_start3A_68] : memref<10000x128xf32, #tpu.memory_space<vmem_shared>> -> memref<10000x128xf32, #tpu.memory_space<vmem_shared>>
        tpu.enqueue_indirect_dma source(%arg8 : memref<80x128xf32, #tpu.memory_space<vmem>>) target(%dma_start3A_69 : memref<10000x128xf32, #tpu.memory_space<vmem_shared>>) offsets(%dma_start3A_66 : memref<80xi32, #tpu.memory_space<vmem>>) semaphore(%run_scoped3A_63 : memref<!tpu.dma_semaphore, #tpu.memory_space<semaphore_mem>>) {add = true}
        %dma_wait3A_70 = arith.constant 0 : i32
        %dma_wait3A_71 = tpu.memref_slice %arg7[%run_scoped3A, %dma_wait3A_70] : memref<25x80xi32, #tpu.memory_space<vmem>> -> memref<1x80xi32, #tpu.memory_space<vmem>>
        %dma_wait3A_72 = tpu.memref_squeeze %dma_wait3A_71 : memref<1x80xi32, #tpu.memory_space<vmem>> -> memref<80xi32, #tpu.memory_space<vmem>>
        %dma_wait3A_73 = arith.constant 0 : i32
        %dma_wait3A_74 = arith.constant 0 : i32
        %dma_wait3A_75 = tpu.memref_slice %arg10[%dma_wait3A_73, %dma_wait3A_74] : memref<10000x128xf32, #tpu.memory_space<vmem_shared>> -> memref<10000x128xf32, #tpu.memory_space<vmem_shared>>
        tpu.wait_indirect_dma semaphore(%run_scoped3A_63 : memref<!tpu.dma_semaphore, #tpu.memory_space<semaphore_mem>>) src(%arg8 : memref<80x128xf32, #tpu.memory_space<vmem>>) dst(%dma_wait3A_75 : memref<10000x128xf32, #tpu.memory_space<vmem_shared>>)
        tpu.yield
      }) : () -> ()
      %scan3A_62 = arith.constant 0 : i32
      scf.yield %scan3A_62 : i32
    }
    %scan3A_27 = arith.constant 5 : i32
    %barrier3A_28 = arith.constant 0 : index
    tpu.barrier barrier_id(%barrier3A_28)
    %while3A_29 = arith.constant 0 : i32
    %while3A_30 = arith.constant 0 : i32
    %while3A_31 = arith.subi %select_n3A, %while3A_29 : i32
    %while3A_32 = arith.addi %while3A_29, %while3A_31 : i32
    %while3A_33 = arith.constant 1 : i32
    %while3A_34 = arith.divsi %while3A_31, %while3A_33 : i32
    %while3A_35 = arith.muli %while3A_34, %while3A_33 : i32
    %while3A_36 = arith.addi %while3A_29, %while3A_35 : i32
    %while3A_37 = arith.constant 1 : i32
    %while3A_38 = scf.for %while3A_41 = %while3A_29 to %while3A_36 step %while3A_37 iter_args(%while3A_42 = %while3A_30) -> (i32)  : i32 {
      %mul3A_43 = arith.constant 640 : i32
      %mul3A_44 = arith.muli %mul3A_43, %arg1 : i32
      %mul3A_45 = arith.constant 80 : i32
      %mul3A_46 = arith.muli %mul3A_45, %while3A_41 : i32
      %add3A_47 = arith.addi %mul3A_44, %mul3A_46 : i32
      "tpu.region"() ({
        %run_scoped3A = tpu.sem_alloc : memref<!tpu.dma_semaphore, #tpu.memory_space<semaphore_mem>>
        %dma_start3A = arith.constant 0 : i32
        %dma_start3A_49 = arith.constant 0 : i32
        %dma_start3A_50 = tpu.memref_slice %arg5[%arg0, %dma_start3A, %dma_start3A_49] : memref<2x10000x128xf32, #tpu.memory_space<hbm>> -> memref<1x10000x128xf32, #tpu.memory_space<hbm>>
        %dma_start3A_51 = tpu.memref_squeeze %dma_start3A_50 : memref<1x10000x128xf32, #tpu.memory_space<hbm>> -> memref<10000x128xf32, #tpu.memory_space<hbm>>
        %dma_start3A_52 = arith.constant 0 : i32
        %dma_start3A_53 = tpu.memref_slice %dma_start3A_51[%add3A_47, %dma_start3A_52] : memref<10000x128xf32, #tpu.memory_space<hbm>> -> memref<80x128xf32, #tpu.memory_space<hbm>>
        %dma_start3A_54 = arith.constant 0 : i32
        %dma_start3A_55 = tpu.memref_slice %arg10[%add3A_47, %dma_start3A_54] : memref<10000x128xf32, #tpu.memory_space<vmem_shared>> -> memref<80x128xf32, #tpu.memory_space<vmem_shared>>
        tpu.enqueue_dma source(%dma_start3A_55 : memref<80x128xf32, #tpu.memory_space<vmem_shared>>) target(%dma_start3A_53 : memref<80x128xf32, #tpu.memory_space<hbm>>) target_semaphore(%run_scoped3A : memref<!tpu.dma_semaphore, #tpu.memory_space<semaphore_mem>>)
        %dma_wait3A = arith.constant 0 : i32
        %dma_wait3A_56 = arith.constant 0 : i32
        %dma_wait3A_57 = tpu.memref_slice %arg5[%arg0, %dma_wait3A, %dma_wait3A_56] : memref<2x10000x128xf32, #tpu.memory_space<hbm>> -> memref<1x10000x128xf32, #tpu.memory_space<hbm>>
        %dma_wait3A_58 = tpu.memref_squeeze %dma_wait3A_57 : memref<1x10000x128xf32, #tpu.memory_space<hbm>> -> memref<10000x128xf32, #tpu.memory_space<hbm>>
        %dma_wait3A_59 = arith.constant 0 : i32
        %dma_wait3A_60 = tpu.memref_slice %dma_wait3A_58[%add3A_47, %dma_wait3A_59] : memref<10000x128xf32, #tpu.memory_space<hbm>> -> memref<80x128xf32, #tpu.memory_space<hbm>>
        %dma_wait3A_61 = arith.constant 0 : i32
        %dma_wait3A_62 = tpu.memref_slice %arg10[%add3A_47, %dma_wait3A_61] : memref<10000x128xf32, #tpu.memory_space<vmem_shared>> -> memref<80x128xf32, #tpu.memory_space<vmem_shared>>
        tpu.wait_dma2 semaphore(%run_scoped3A : memref<!tpu.dma_semaphore, #tpu.memory_space<semaphore_mem>>) src(%dma_wait3A_62 : memref<80x128xf32, #tpu.memory_space<vmem_shared>>) dst(%dma_wait3A_60 : memref<80x128xf32, #tpu.memory_space<hbm>>)
        tpu.yield
      }) : () -> ()
      %while3A_48 = arith.constant 0 : i32
      scf.yield %while3A_48 : i32
    }
    %while3A_39 = arith.constant 1 : i32
    %while3A_40 = scf.for %while3A_41 = %while3A_36 to %while3A_32 step %while3A_39 iter_args(%while3A_42 = %while3A_38) -> (i32)  : i32 {
      %mul3A_43 = arith.constant 640 : i32
      %mul3A_44 = arith.muli %mul3A_43, %arg1 : i32
      %mul3A_45 = arith.constant 80 : i32
      %mul3A_46 = arith.muli %mul3A_45, %while3A_41 : i32
      %add3A_47 = arith.addi %mul3A_44, %mul3A_46 : i32
      "tpu.region"() ({
        %run_scoped3A = tpu.sem_alloc : memref<!tpu.dma_semaphore, #tpu.memory_space<semaphore_mem>>
        %dma_start3A = arith.constant 0 : i32
        %dma_start3A_49 = arith.constant 0 : i32
        %dma_start3A_50 = tpu.memref_slice %arg5[%arg0, %dma_start3A, %dma_start3A_49] : memref<2x10000x128xf32, #tpu.memory_space<hbm>> -> memref<1x10000x128xf32, #tpu.memory_space<hbm>>
        %dma_start3A_51 = tpu.memref_squeeze %dma_start3A_50 : memref<1x10000x128xf32, #tpu.memory_space<hbm>> -> memref<10000x128xf32, #tpu.memory_space<hbm>>
        %dma_start3A_52 = arith.constant 0 : i32
        %dma_start3A_53 = tpu.memref_slice %dma_start3A_51[%add3A_47, %dma_start3A_52] : memref<10000x128xf32, #tpu.memory_space<hbm>> -> memref<80x128xf32, #tpu.memory_space<hbm>>
        %dma_start3A_54 = arith.constant 0 : i32
        %dma_start3A_55 = tpu.memref_slice %arg10[%add3A_47, %dma_start3A_54] : memref<10000x128xf32, #tpu.memory_space<vmem_shared>> -> memref<80x128xf32, #tpu.memory_space<vmem_shared>>
        tpu.enqueue_dma source(%dma_start3A_55 : memref<80x128xf32, #tpu.memory_space<vmem_shared>>) target(%dma_start3A_53 : memref<80x128xf32, #tpu.memory_space<hbm>>) target_semaphore(%run_scoped3A : memref<!tpu.dma_semaphore, #tpu.memory_space<semaphore_mem>>)
        %dma_wait3A = arith.constant 0 : i32
        %dma_wait3A_56 = arith.constant 0 : i32
        %dma_wait3A_57 = tpu.memref_slice %arg5[%arg0, %dma_wait3A, %dma_wait3A_56] : memref<2x10000x128xf32, #tpu.memory_space<hbm>> -> memref<1x10000x128xf32, #tpu.memory_space<hbm>>
        %dma_wait3A_58 = tpu.memref_squeeze %dma_wait3A_57 : memref<1x10000x128xf32, #tpu.memory_space<hbm>> -> memref<10000x128xf32, #tpu.memory_space<hbm>>
        %dma_wait3A_59 = arith.constant 0 : i32
        %dma_wait3A_60 = tpu.memref_slice %dma_wait3A_58[%add3A_47, %dma_wait3A_59] : memref<10000x128xf32, #tpu.memory_space<hbm>> -> memref<80x128xf32, #tpu.memory_space<hbm>>
        %dma_wait3A_61 = arith.constant 0 : i32
        %dma_wait3A_62 = tpu.memref_slice %arg10[%add3A_47, %dma_wait3A_61] : memref<10000x128xf32, #tpu.memory_space<vmem_shared>> -> memref<80x128xf32, #tpu.memory_space<vmem_shared>>
        tpu.wait_dma2 semaphore(%run_scoped3A : memref<!tpu.dma_semaphore, #tpu.memory_space<semaphore_mem>>) src(%dma_wait3A_62 : memref<80x128xf32, #tpu.memory_space<vmem_shared>>) dst(%dma_wait3A_60 : memref<80x128xf32, #tpu.memory_space<hbm>>)
        tpu.yield
      }) : () -> ()
      %while3A_48 = arith.constant 0 : i32
      scf.yield %while3A_48 : i32
    }
    return
  }
}

#map = affine_map<(d0, d1) -> (0, 0, 0)>
#map1 = affine_map<(d0, d1) -> (0, 0)>
#map2 = affine_map<(d0, d1) -> (0)>
#map3 = affine_map<(d0, d1) -> (0, 0, 0, 0)>
module attributes {stable_mosaic.version = 14 : i64} {
  func.func @_sc_pool(%arg0: i32, %arg1: i32, %arg2: memref<2x10000x128xf32, #tpu.memory_space<hbm>>, %arg3: memref<10000x128xf32, #tpu.memory_space<hbm>>, %arg4: memref<10000xf32, #tpu.memory_space<hbm>>, %arg5: memref<10000xi32, #tpu.memory_space<hbm>>, %arg6: memref<128xf32, #tpu.memory_space<hbm>>, %arg7: memref<2x16x64x128xf32, #tpu.memory_space<hbm>>, %arg8: memref<2x16x64x128xf32, #tpu.memory_space<hbm>>, %arg9: memref<2x16x64x128xf32, #tpu.memory_space<hbm>>, %arg10: memref<80x128xf32, #tpu.memory_space<vmem>>, %arg11: memref<80x128xf32, #tpu.memory_space<vmem>>, %arg12: memref<80x128xf32, #tpu.memory_space<vmem>>, %arg13: memref<96xf32, #tpu.memory_space<vmem>>, %arg14: memref<96xi32, #tpu.memory_space<vmem>>, %arg15: memref<128xf32, #tpu.memory_space<vmem>>, %arg16: memref<64x128xf32, #tpu.memory_space<vmem>>, %arg17: memref<64x128xf32, #tpu.memory_space<vmem>>, %arg18: memref<64x128xf32, #tpu.memory_space<vmem>>) attributes {dimension_semantics = [#tpu.dimension_semantics<core_parallel>, #tpu.dimension_semantics<subcore_parallel>], iteration_bounds = array<i64: 2, 16>, scalar_prefetch = 0 : i64, scratch_operands = 9 : i64, tpu.core_type = #tpu.core_type<sc_vector_subcore>, window_params = [{transform_indices = #map}, {transform_indices = #map1}, {transform_indices = #map2}, {transform_indices = #map2}, {transform_indices = #map2}, {transform_indices = #map3}, {transform_indices = #map3}, {transform_indices = #map3}]} {
    %mul3A = arith.constant 2 : i32
    %mul3A_0 = arith.muli %arg1, %mul3A : i32
    %add3A = arith.addi %mul3A_0, %arg0 : i32
    %lt3A = arith.constant 31 : i32
    %lt3A_1 = arith.cmpi slt, %add3A, %lt3A : i32
    %jit3A = arith.constant 4 : i32
    %jit3A_2 = arith.constant 1 : i32
    %select_n3A = arith.select %lt3A_1, %jit3A, %jit3A_2 : i32
    %broadcast_in_dim3A = arith.constant 0.000000e+00 : f32
    %broadcast_in_dim3A_3 = vector.broadcast %broadcast_in_dim3A : f32 to vector<16xf32>
    %broadcast_in_dim3A_4 = arith.constant 1.000000e+00 : f32
    %broadcast_in_dim3A_5 = vector.broadcast %broadcast_in_dim3A_4 : f32 to vector<16xf32>
    %broadcast_in_dim3A_6 = arith.constant 0xFF800000 : f32
    %broadcast_in_dim3A_7 = vector.broadcast %broadcast_in_dim3A_6 : f32 to vector<16xf32>
    %scan3A = arith.constant 0 : i32
    %scan3A_8 = arith.constant 0 : i32
    %scan3A_9 = arith.constant 64 : i32
    %scan3A_10 = arith.addi %scan3A_8, %scan3A_9 : i32
    %scan3A_11 = arith.constant 1 : i32
    %scan3A_12 = scf.for %scan3A_25 = %scan3A_8 to %scan3A_10 step %scan3A_11 iter_args(%scan3A_26 = %scan3A) -> (i32)  : i32 {
      %swap3A = arith.index_cast %scan3A_25 : i32 to index
      %swap3A_27 = arith.constant 0 : index
      %swap3A_28 = tpu.vector_load %arg16[%swap3A, %swap3A_27] {strides = array<i32>} : memref<64x128xf32, #tpu.memory_space<vmem>>, vector<1x16xf32>,
      %swap3A_29 = vector.shape_cast %swap3A_28 : vector<1x16xf32> to vector<16xf32>
      %swap3A_30 = vector.shape_cast %broadcast_in_dim3A_3 : vector<16xf32> to vector<1x16xf32>
      tpu.vector_store %arg16[%swap3A, %swap3A_27], %swap3A_30 {strides = array<i32>} : memref<64x128xf32, #tpu.memory_space<vmem>>, vector<1x16xf32>,
      %swap3A_31 = arith.index_cast %scan3A_25 : i32 to index
      %swap3A_32 = arith.constant 0 : index
      %swap3A_33 = tpu.vector_load %arg17[%swap3A_31, %swap3A_32] {strides = array<i32>} : memref<64x128xf32, #tpu.memory_space<vmem>>, vector<1x16xf32>,
      %swap3A_34 = vector.shape_cast %swap3A_33 : vector<1x16xf32> to vector<16xf32>
      %swap3A_35 = vector.shape_cast %broadcast_in_dim3A_7 : vector<16xf32> to vector<1x16xf32>
      tpu.vector_store %arg17[%swap3A_31, %swap3A_32], %swap3A_35 {strides = array<i32>} : memref<64x128xf32, #tpu.memory_space<vmem>>, vector<1x16xf32>,
      %swap3A_36 = arith.index_cast %scan3A_25 : i32 to index
      %swap3A_37 = arith.constant 0 : index
      %swap3A_38 = tpu.vector_load %arg18[%swap3A_36, %swap3A_37] {strides = array<i32>} : memref<64x128xf32, #tpu.memory_space<vmem>>, vector<1x16xf32>,
      %swap3A_39 = vector.shape_cast %swap3A_38 : vector<1x16xf32> to vector<16xf32>
      %swap3A_40 = vector.shape_cast %broadcast_in_dim3A_3 : vector<16xf32> to vector<1x16xf32>
      tpu.vector_store %arg18[%swap3A_36, %swap3A_37], %swap3A_40 {strides = array<i32>} : memref<64x128xf32, #tpu.memory_space<vmem>>, vector<1x16xf32>,
      %swap3A_41 = arith.index_cast %scan3A_25 : i32 to index
      %swap3A_42 = arith.constant 16 : index
      %swap3A_43 = tpu.vector_load %arg16[%swap3A_41, %swap3A_42] {strides = array<i32>} : memref<64x128xf32, #tpu.memory_space<vmem>>, vector<1x16xf32>,
      %swap3A_44 = vector.shape_cast %swap3A_43 : vector<1x16xf32> to vector<16xf32>
      %swap3A_45 = vector.shape_cast %broadcast_in_dim3A_3 : vector<16xf32> to vector<1x16xf32>
      tpu.vector_store %arg16[%swap3A_41, %swap3A_42], %swap3A_45 {strides = array<i32>} : memref<64x128xf32, #tpu.memory_space<vmem>>, vector<1x16xf32>,
      %swap3A_46 = arith.index_cast %scan3A_25 : i32 to index
      %swap3A_47 = arith.constant 16 : index
      %swap3A_48 = tpu.vector_load %arg17[%swap3A_46, %swap3A_47] {strides = array<i32>} : memref<64x128xf32, #tpu.memory_space<vmem>>, vector<1x16xf32>,
      %swap3A_49 = vector.shape_cast %swap3A_48 : vector<1x16xf32> to vector<16xf32>
      %swap3A_50 = vector.shape_cast %broadcast_in_dim3A_7 : vector<16xf32> to vector<1x16xf32>
      tpu.vector_store %arg17[%swap3A_46, %swap3A_47], %swap3A_50 {strides = array<i32>} : memref<64x128xf32, #tpu.memory_space<vmem>>, vector<1x16xf32>,
      %swap3A_51 = arith.index_cast %scan3A_25 : i32 to index
      %swap3A_52 = arith.constant 16 : index
      %swap3A_53 = tpu.vector_load %arg18[%swap3A_51, %swap3A_52] {strides = array<i32>} : memref<64x128xf32, #tpu.memory_space<vmem>>, vector<1x16xf32>,
      %swap3A_54 = vector.shape_cast %swap3A_53 : vector<1x16xf32> to vector<16xf32>
      %swap3A_55 = vector.shape_cast %broadcast_in_dim3A_3 : vector<16xf32> to vector<1x16xf32>
      tpu.vector_store %arg18[%swap3A_51, %swap3A_52], %swap3A_55 {strides = array<i32>} : memref<64x128xf32, #tpu.memory_space<vmem>>, vector<1x16xf32>,
      %swap3A_56 = arith.index_cast %scan3A_25 : i32 to index
      %swap3A_57 = arith.constant 32 : index
      %swap3A_58 = tpu.vector_load %arg16[%swap3A_56, %swap3A_57] {strides = array<i32>} : memref<64x128xf32, #tpu.memory_space<vmem>>, vector<1x16xf32>,
      %swap3A_59 = vector.shape_cast %swap3A_58 : vector<1x16xf32> to vector<16xf32>
      %swap3A_60 = vector.shape_cast %broadcast_in_dim3A_3 : vector<16xf32> to vector<1x16xf32>
      tpu.vector_store %arg16[%swap3A_56, %swap3A_57], %swap3A_60 {strides = array<i32>} : memref<64x128xf32, #tpu.memory_space<vmem>>, vector<1x16xf32>,
      %swap3A_61 = arith.index_cast %scan3A_25 : i32 to index
      %swap3A_62 = arith.constant 32 : index
      %swap3A_63 = tpu.vector_load %arg17[%swap3A_61, %swap3A_62] {strides = array<i32>} : memref<64x128xf32, #tpu.memory_space<vmem>>, vector<1x16xf32>,
      %swap3A_64 = vector.shape_cast %swap3A_63 : vector<1x16xf32> to vector<16xf32>
      %swap3A_65 = vector.shape_cast %broadcast_in_dim3A_7 : vector<16xf32> to vector<1x16xf32>
      tpu.vector_store %arg17[%swap3A_61, %swap3A_62], %swap3A_65 {strides = array<i32>} : memref<64x128xf32, #tpu.memory_space<vmem>>, vector<1x16xf32>,
      %swap3A_66 = arith.index_cast %scan3A_25 : i32 to index
      %swap3A_67 = arith.constant 32 : index
      %swap3A_68 = tpu.vector_load %arg18[%swap3A_66, %swap3A_67] {strides = array<i32>} : memref<64x128xf32, #tpu.memory_space<vmem>>, vector<1x16xf32>,
      %swap3A_69 = vector.shape_cast %swap3A_68 : vector<1x16xf32> to vector<16xf32>
      %swap3A_70 = vector.shape_cast %broadcast_in_dim3A_3 : vector<16xf32> to vector<1x16xf32>
      tpu.vector_store %arg18[%swap3A_66, %swap3A_67], %swap3A_70 {strides = array<i32>} : memref<64x128xf32, #tpu.memory_space<vmem>>, vector<1x16xf32>,
      %swap3A_71 = arith.index_cast %scan3A_25 : i32 to index
      %swap3A_72 = arith.constant 48 : index
      %swap3A_73 = tpu.vector_load %arg16[%swap3A_71, %swap3A_72] {strides = array<i32>} : memref<64x128xf32, #tpu.memory_space<vmem>>, vector<1x16xf32>,
      %swap3A_74 = vector.shape_cast %swap3A_73 : vector<1x16xf32> to vector<16xf32>
      %swap3A_75 = vector.shape_cast %broadcast_in_dim3A_3 : vector<16xf32> to vector<1x16xf32>
      tpu.vector_store %arg16[%swap3A_71, %swap3A_72], %swap3A_75 {strides = array<i32>} : memref<64x128xf32, #tpu.memory_space<vmem>>, vector<1x16xf32>,
      %swap3A_76 = arith.index_cast %scan3A_25 : i32 to index
      %swap3A_77 = arith.constant 48 : index
      %swap3A_78 = tpu.vector_load %arg17[%swap3A_76, %swap3A_77] {strides = array<i32>} : memref<64x128xf32, #tpu.memory_space<vmem>>, vector<1x16xf32>,
      %swap3A_79 = vector.shape_cast %swap3A_78 : vector<1x16xf32> to vector<16xf32>
      %swap3A_80 = vector.shape_cast %broadcast_in_dim3A_7 : vector<16xf32> to vector<1x16xf32>
      tpu.vector_store %arg17[%swap3A_76, %swap3A_77], %swap3A_80 {strides = array<i32>} : memref<64x128xf32, #tpu.memory_space<vmem>>, vector<1x16xf32>,
      %swap3A_81 = arith.index_cast %scan3A_25 : i32 to index
      %swap3A_82 = arith.constant 48 : index
      %swap3A_83 = tpu.vector_load %arg18[%swap3A_81, %swap3A_82] {strides = array<i32>} : memref<64x128xf32, #tpu.memory_space<vmem>>, vector<1x16xf32>,
      %swap3A_84 = vector.shape_cast %swap3A_83 : vector<1x16xf32> to vector<16xf32>
      %swap3A_85 = vector.shape_cast %broadcast_in_dim3A_3 : vector<16xf32> to vector<1x16xf32>
      tpu.vector_store %arg18[%swap3A_81, %swap3A_82], %swap3A_85 {strides = array<i32>} : memref<64x128xf32, #tpu.memory_space<vmem>>, vector<1x16xf32>,
      %swap3A_86 = arith.index_cast %scan3A_25 : i32 to index
      %swap3A_87 = arith.constant 64 : index
      %swap3A_88 = tpu.vector_load %arg16[%swap3A_86, %swap3A_87] {strides = array<i32>} : memref<64x128xf32, #tpu.memory_space<vmem>>, vector<1x16xf32>,
      %swap3A_89 = vector.shape_cast %swap3A_88 : vector<1x16xf32> to vector<16xf32>
      %swap3A_90 = vector.shape_cast %broadcast_in_dim3A_3 : vector<16xf32> to vector<1x16xf32>
      tpu.vector_store %arg16[%swap3A_86, %swap3A_87], %swap3A_90 {strides = array<i32>} : memref<64x128xf32, #tpu.memory_space<vmem>>, vector<1x16xf32>,
      %swap3A_91 = arith.index_cast %scan3A_25 : i32 to index
      %swap3A_92 = arith.constant 64 : index
      %swap3A_93 = tpu.vector_load %arg17[%swap3A_91, %swap3A_92] {strides = array<i32>} : memref<64x128xf32, #tpu.memory_space<vmem>>, vector<1x16xf32>,
      %swap3A_94 = vector.shape_cast %swap3A_93 : vector<1x16xf32> to vector<16xf32>
      %swap3A_95 = vector.shape_cast %broadcast_in_dim3A_7 : vector<16xf32> to vector<1x16xf32>
      tpu.vector_store %arg17[%swap3A_91, %swap3A_92], %swap3A_95 {strides = array<i32>} : memref<64x128xf32, #tpu.memory_space<vmem>>, vector<1x16xf32>,
      %swap3A_96 = arith.index_cast %scan3A_25 : i32 to index
      %swap3A_97 = arith.constant 64 : index
      %swap3A_98 = tpu.vector_load %arg18[%swap3A_96, %swap3A_97] {strides = array<i32>} : memref<64x128xf32, #tpu.memory_space<vmem>>, vector<1x16xf32>,
      %swap3A_99 = vector.shape_cast %swap3A_98 : vector<1x16xf32> to vector<16xf32>
      %swap3A_100 = vector.shape_cast %broadcast_in_dim3A_3 : vector<16xf32> to vector<1x16xf32>
      tpu.vector_store %arg18[%swap3A_96, %swap3A_97], %swap3A_100 {strides = array<i32>} : memref<64x128xf32, #tpu.memory_space<vmem>>, vector<1x16xf32>,
      %swap3A_101 = arith.index_cast %scan3A_25 : i32 to index
      %swap3A_102 = arith.constant 80 : index
      %swap3A_103 = tpu.vector_load %arg16[%swap3A_101, %swap3A_102] {strides = array<i32>} : memref<64x128xf32, #tpu.memory_space<vmem>>, vector<1x16xf32>,
      %swap3A_104 = vector.shape_cast %swap3A_103 : vector<1x16xf32> to vector<16xf32>
      %swap3A_105 = vector.shape_cast %broadcast_in_dim3A_3 : vector<16xf32> to vector<1x16xf32>
      tpu.vector_store %arg16[%swap3A_101, %swap3A_102], %swap3A_105 {strides = array<i32>} : memref<64x128xf32, #tpu.memory_space<vmem>>, vector<1x16xf32>,
      %swap3A_106 = arith.index_cast %scan3A_25 : i32 to index
      %swap3A_107 = arith.constant 80 : index
      %swap3A_108 = tpu.vector_load %arg17[%swap3A_106, %swap3A_107] {strides = array<i32>} : memref<64x128xf32, #tpu.memory_space<vmem>>, vector<1x16xf32>,
      %swap3A_109 = vector.shape_cast %swap3A_108 : vector<1x16xf32> to vector<16xf32>
      %swap3A_110 = vector.shape_cast %broadcast_in_dim3A_7 : vector<16xf32> to vector<1x16xf32>
      tpu.vector_store %arg17[%swap3A_106, %swap3A_107], %swap3A_110 {strides = array<i32>} : memref<64x128xf32, #tpu.memory_space<vmem>>, vector<1x16xf32>,
      %swap3A_111 = arith.index_cast %scan3A_25 : i32 to index
      %swap3A_112 = arith.constant 80 : index
      %swap3A_113 = tpu.vector_load %arg18[%swap3A_111, %swap3A_112] {strides = array<i32>} : memref<64x128xf32, #tpu.memory_space<vmem>>, vector<1x16xf32>,
      %swap3A_114 = vector.shape_cast %swap3A_113 : vector<1x16xf32> to vector<16xf32>
      %swap3A_115 = vector.shape_cast %broadcast_in_dim3A_3 : vector<16xf32> to vector<1x16xf32>
      tpu.vector_store %arg18[%swap3A_111, %swap3A_112], %swap3A_115 {strides = array<i32>} : memref<64x128xf32, #tpu.memory_space<vmem>>, vector<1x16xf32>,
      %swap3A_116 = arith.index_cast %scan3A_25 : i32 to index
      %swap3A_117 = arith.constant 96 : index
      %swap3A_118 = tpu.vector_load %arg16[%swap3A_116, %swap3A_117] {strides = array<i32>} : memref<64x128xf32, #tpu.memory_space<vmem>>, vector<1x16xf32>,
      %swap3A_119 = vector.shape_cast %swap3A_118 : vector<1x16xf32> to vector<16xf32>
      %swap3A_120 = vector.shape_cast %broadcast_in_dim3A_3 : vector<16xf32> to vector<1x16xf32>
      tpu.vector_store %arg16[%swap3A_116, %swap3A_117], %swap3A_120 {strides = array<i32>} : memref<64x128xf32, #tpu.memory_space<vmem>>, vector<1x16xf32>,
      %swap3A_121 = arith.index_cast %scan3A_25 : i32 to index
      %swap3A_122 = arith.constant 96 : index
      %swap3A_123 = tpu.vector_load %arg17[%swap3A_121, %swap3A_122] {strides = array<i32>} : memref<64x128xf32, #tpu.memory_space<vmem>>, vector<1x16xf32>,
      %swap3A_124 = vector.shape_cast %swap3A_123 : vector<1x16xf32> to vector<16xf32>
      %swap3A_125 = vector.shape_cast %broadcast_in_dim3A_7 : vector<16xf32> to vector<1x16xf32>
      tpu.vector_store %arg17[%swap3A_121, %swap3A_122], %swap3A_125 {strides = array<i32>} : memref<64x128xf32, #tpu.memory_space<vmem>>, vector<1x16xf32>,
      %swap3A_126 = arith.index_cast %scan3A_25 : i32 to index
      %swap3A_127 = arith.constant 96 : index
      %swap3A_128 = tpu.vector_load %arg18[%swap3A_126, %swap3A_127] {strides = array<i32>} : memref<64x128xf32, #tpu.memory_space<vmem>>, vector<1x16xf32>,
      %swap3A_129 = vector.shape_cast %swap3A_128 : vector<1x16xf32> to vector<16xf32>
      %swap3A_130 = vector.shape_cast %broadcast_in_dim3A_3 : vector<16xf32> to vector<1x16xf32>
      tpu.vector_store %arg18[%swap3A_126, %swap3A_127], %swap3A_130 {strides = array<i32>} : memref<64x128xf32, #tpu.memory_space<vmem>>, vector<1x16xf32>,
      %swap3A_131 = arith.index_cast %scan3A_25 : i32 to index
      %swap3A_132 = arith.constant 112 : index
      %swap3A_133 = tpu.vector_load %arg16[%swap3A_131, %swap3A_132] {strides = array<i32>} : memref<64x128xf32, #tpu.memory_space<vmem>>, vector<1x16xf32>,
      %swap3A_134 = vector.shape_cast %swap3A_133 : vector<1x16xf32> to vector<16xf32>
      %swap3A_135 = vector.shape_cast %broadcast_in_dim3A_3 : vector<16xf32> to vector<1x16xf32>
      tpu.vector_store %arg16[%swap3A_131, %swap3A_132], %swap3A_135 {strides = array<i32>} : memref<64x128xf32, #tpu.memory_space<vmem>>, vector<1x16xf32>,
      %swap3A_136 = arith.index_cast %scan3A_25 : i32 to index
      %swap3A_137 = arith.constant 112 : index
      %swap3A_138 = tpu.vector_load %arg17[%swap3A_136, %swap3A_137] {strides = array<i32>} : memref<64x128xf32, #tpu.memory_space<vmem>>, vector<1x16xf32>,
      %swap3A_139 = vector.shape_cast %swap3A_138 : vector<1x16xf32> to vector<16xf32>
      %swap3A_140 = vector.shape_cast %broadcast_in_dim3A_7 : vector<16xf32> to vector<1x16xf32>
      tpu.vector_store %arg17[%swap3A_136, %swap3A_137], %swap3A_140 {strides = array<i32>} : memref<64x128xf32, #tpu.memory_space<vmem>>, vector<1x16xf32>,
      %swap3A_141 = arith.index_cast %scan3A_25 : i32 to index
      %swap3A_142 = arith.constant 112 : index
      %swap3A_143 = tpu.vector_load %arg18[%swap3A_141, %swap3A_142] {strides = array<i32>} : memref<64x128xf32, #tpu.memory_space<vmem>>, vector<1x16xf32>,
      %swap3A_144 = vector.shape_cast %swap3A_143 : vector<1x16xf32> to vector<16xf32>
      %swap3A_145 = vector.shape_cast %broadcast_in_dim3A_3 : vector<16xf32> to vector<1x16xf32>
      tpu.vector_store %arg18[%swap3A_141, %swap3A_142], %swap3A_145 {strides = array<i32>} : memref<64x128xf32, #tpu.memory_space<vmem>>, vector<1x16xf32>,
      %scan3A_146 = arith.constant 0 : i32
      scf.yield %scan3A_146 : i32
    }
    %scan3A_13 = arith.constant 64 : i32
    "tpu.region"() ({
      %run_scoped3A = tpu.sem_alloc : memref<!tpu.dma_semaphore, #tpu.memory_space<semaphore_mem>>
      tpu.enqueue_dma source(%arg6 : memref<128xf32, #tpu.memory_space<hbm>>) target(%arg15 : memref<128xf32, #tpu.memory_space<vmem>>) target_semaphore(%run_scoped3A : memref<!tpu.dma_semaphore, #tpu.memory_space<semaphore_mem>>)
      tpu.wait_dma2 semaphore(%run_scoped3A : memref<!tpu.dma_semaphore, #tpu.memory_space<semaphore_mem>>) src(%arg6 : memref<128xf32, #tpu.memory_space<hbm>>) dst(%arg15 : memref<128xf32, #tpu.memory_space<vmem>>)
      tpu.yield
    }) : () -> ()
    %while3A = arith.constant 0 : i32
    %while3A_14 = arith.constant 0 : i32
    %while3A_15 = arith.subi %select_n3A, %while3A : i32
    %while3A_16 = arith.addi %while3A, %while3A_15 : i32
    %while3A_17 = arith.constant 1 : i32
    %while3A_18 = arith.divsi %while3A_15, %while3A_17 : i32
    %while3A_19 = arith.muli %while3A_18, %while3A_17 : i32
    %while3A_20 = arith.addi %while3A, %while3A_19 : i32
    %while3A_21 = arith.constant 1 : i32
    %while3A_22 = scf.for %while3A_25 = %while3A to %while3A_20 step %while3A_21 iter_args(%while3A_26 = %while3A_14) -> (i32)  : i32 {
      %mul3A_27 = arith.constant 320 : i32
      %mul3A_28 = arith.muli %mul3A_27, %add3A : i32
      %mul3A_29 = arith.constant 80 : i32
      %mul3A_30 = arith.muli %mul3A_29, %while3A_25 : i32
      %add3A_31 = arith.addi %mul3A_28, %mul3A_30 : i32
      %run_scoped3A = arith.constant 0 : i32
      "tpu.region"() ({
        %run_scoped3A_41 = tpu.sem_alloc : memref<!tpu.dma_semaphore, #tpu.memory_space<semaphore_mem>>
        %dma_start3A = arith.constant 0 : i32
        %dma_start3A_42 = arith.constant 0 : i32
        %dma_start3A_43 = tpu.memref_slice %arg2[%run_scoped3A, %dma_start3A, %dma_start3A_42] : memref<2x10000x128xf32, #tpu.memory_space<hbm>> -> memref<1x10000x128xf32, #tpu.memory_space<hbm>>
        %dma_start3A_44 = tpu.memref_squeeze %dma_start3A_43 : memref<1x10000x128xf32, #tpu.memory_space<hbm>> -> memref<10000x128xf32, #tpu.memory_space<hbm>>
        %dma_start3A_45 = arith.constant 0 : i32
        %dma_start3A_46 = tpu.memref_slice %dma_start3A_44[%add3A_31, %dma_start3A_45] : memref<10000x128xf32, #tpu.memory_space<hbm>> -> memref<80x128xf32, #tpu.memory_space<hbm>>
        %dma_start3A_47 = arith.constant 0 : i32
        %dma_start3A_48 = arith.constant 0 : i32
        %dma_start3A_49 = tpu.memref_slice %arg2[%run_scoped3A, %dma_start3A_47, %dma_start3A_48] : memref<2x10000x128xf32, #tpu.memory_space<hbm>> -> memref<1x10000x128xf32, #tpu.memory_space<hbm>>
        %dma_start3A_50 = tpu.memref_squeeze %dma_start3A_49 : memref<1x10000x128xf32, #tpu.memory_space<hbm>> -> memref<10000x128xf32, #tpu.memory_space<hbm>>
        %dma_start3A_51 = arith.constant 0 : i32
        %dma_start3A_52 = tpu.memref_slice %dma_start3A_50[%add3A_31, %dma_start3A_51] : memref<10000x128xf32, #tpu.memory_space<hbm>> -> memref<80x128xf32, #tpu.memory_space<hbm>>
        tpu.enqueue_dma source(%dma_start3A_52 : memref<80x128xf32, #tpu.memory_space<hbm>>) target(%arg10 : memref<80x128xf32, #tpu.memory_space<vmem>>) target_semaphore(%run_scoped3A_41 : memref<!tpu.dma_semaphore, #tpu.memory_space<semaphore_mem>>)
        %dma_wait3A = arith.constant 0 : i32
        %dma_wait3A_53 = arith.constant 0 : i32
        %dma_wait3A_54 = tpu.memref_slice %arg2[%run_scoped3A, %dma_wait3A, %dma_wait3A_53] : memref<2x10000x128xf32, #tpu.memory_space<hbm>> -> memref<1x10000x128xf32, #tpu.memory_space<hbm>>
        %dma_wait3A_55 = tpu.memref_squeeze %dma_wait3A_54 : memref<1x10000x128xf32, #tpu.memory_space<hbm>> -> memref<10000x128xf32, #tpu.memory_space<hbm>>
        %dma_wait3A_56 = arith.constant 0 : i32
        %dma_wait3A_57 = tpu.memref_slice %dma_wait3A_55[%add3A_31, %dma_wait3A_56] : memref<10000x128xf32, #tpu.memory_space<hbm>> -> memref<80x128xf32, #tpu.memory_space<hbm>>
        %dma_wait3A_58 = arith.constant 0 : i32
        %dma_wait3A_59 = arith.constant 0 : i32
        %dma_wait3A_60 = tpu.memref_slice %arg2[%run_scoped3A, %dma_wait3A_58, %dma_wait3A_59] : memref<2x10000x128xf32, #tpu.memory_space<hbm>> -> memref<1x10000x128xf32, #tpu.memory_space<hbm>>
        %dma_wait3A_61 = tpu.memref_squeeze %dma_wait3A_60 : memref<1x10000x128xf32, #tpu.memory_space<hbm>> -> memref<10000x128xf32, #tpu.memory_space<hbm>>
        %dma_wait3A_62 = arith.constant 0 : i32
        %dma_wait3A_63 = tpu.memref_slice %dma_wait3A_61[%add3A_31, %dma_wait3A_62] : memref<10000x128xf32, #tpu.memory_space<hbm>> -> memref<80x128xf32, #tpu.memory_space<hbm>>
        tpu.wait_dma2 semaphore(%run_scoped3A_41 : memref<!tpu.dma_semaphore, #tpu.memory_space<semaphore_mem>>) src(%dma_wait3A_63 : memref<80x128xf32, #tpu.memory_space<hbm>>) dst(%arg10 : memref<80x128xf32, #tpu.memory_space<vmem>>)
        tpu.yield
      }) : () -> ()
      %run_scoped3A_32 = arith.constant 1 : i32
      "tpu.region"() ({
        %run_scoped3A_41 = tpu.sem_alloc : memref<!tpu.dma_semaphore, #tpu.memory_space<semaphore_mem>>
        %dma_start3A = arith.constant 0 : i32
        %dma_start3A_42 = arith.constant 0 : i32
        %dma_start3A_43 = tpu.memref_slice %arg2[%run_scoped3A_32, %dma_start3A, %dma_start3A_42] : memref<2x10000x128xf32, #tpu.memory_space<hbm>> -> memref<1x10000x128xf32, #tpu.memory_space<hbm>>
        %dma_start3A_44 = tpu.memref_squeeze %dma_start3A_43 : memref<1x10000x128xf32, #tpu.memory_space<hbm>> -> memref<10000x128xf32, #tpu.memory_space<hbm>>
        %dma_start3A_45 = arith.constant 0 : i32
        %dma_start3A_46 = tpu.memref_slice %dma_start3A_44[%add3A_31, %dma_start3A_45] : memref<10000x128xf32, #tpu.memory_space<hbm>> -> memref<80x128xf32, #tpu.memory_space<hbm>>
        %dma_start3A_47 = arith.constant 0 : i32
        %dma_start3A_48 = arith.constant 0 : i32
        %dma_start3A_49 = tpu.memref_slice %arg2[%run_scoped3A_32, %dma_start3A_47, %dma_start3A_48] : memref<2x10000x128xf32, #tpu.memory_space<hbm>> -> memref<1x10000x128xf32, #tpu.memory_space<hbm>>
        %dma_start3A_50 = tpu.memref_squeeze %dma_start3A_49 : memref<1x10000x128xf32, #tpu.memory_space<hbm>> -> memref<10000x128xf32, #tpu.memory_space<hbm>>
        %dma_start3A_51 = arith.constant 0 : i32
        %dma_start3A_52 = tpu.memref_slice %dma_start3A_50[%add3A_31, %dma_start3A_51] : memref<10000x128xf32, #tpu.memory_space<hbm>> -> memref<80x128xf32, #tpu.memory_space<hbm>>
        tpu.enqueue_dma source(%dma_start3A_52 : memref<80x128xf32, #tpu.memory_space<hbm>>) target(%arg11 : memref<80x128xf32, #tpu.memory_space<vmem>>) target_semaphore(%run_scoped3A_41 : memref<!tpu.dma_semaphore, #tpu.memory_space<semaphore_mem>>)
        %dma_wait3A = arith.constant 0 : i32
        %dma_wait3A_53 = arith.constant 0 : i32
        %dma_wait3A_54 = tpu.memref_slice %arg2[%run_scoped3A_32, %dma_wait3A, %dma_wait3A_53] : memref<2x10000x128xf32, #tpu.memory_space<hbm>> -> memref<1x10000x128xf32, #tpu.memory_space<hbm>>
        %dma_wait3A_55 = tpu.memref_squeeze %dma_wait3A_54 : memref<1x10000x128xf32, #tpu.memory_space<hbm>> -> memref<10000x128xf32, #tpu.memory_space<hbm>>
        %dma_wait3A_56 = arith.constant 0 : i32
        %dma_wait3A_57 = tpu.memref_slice %dma_wait3A_55[%add3A_31, %dma_wait3A_56] : memref<10000x128xf32, #tpu.memory_space<hbm>> -> memref<80x128xf32, #tpu.memory_space<hbm>>
        %dma_wait3A_58 = arith.constant 0 : i32
        %dma_wait3A_59 = arith.constant 0 : i32
        %dma_wait3A_60 = tpu.memref_slice %arg2[%run_scoped3A_32, %dma_wait3A_58, %dma_wait3A_59] : memref<2x10000x128xf32, #tpu.memory_space<hbm>> -> memref<1x10000x128xf32, #tpu.memory_space<hbm>>
        %dma_wait3A_61 = tpu.memref_squeeze %dma_wait3A_60 : memref<1x10000x128xf32, #tpu.memory_space<hbm>> -> memref<10000x128xf32, #tpu.memory_space<hbm>>
        %dma_wait3A_62 = arith.constant 0 : i32
        %dma_wait3A_63 = tpu.memref_slice %dma_wait3A_61[%add3A_31, %dma_wait3A_62] : memref<10000x128xf32, #tpu.memory_space<hbm>> -> memref<80x128xf32, #tpu.memory_space<hbm>>
        tpu.wait_dma2 semaphore(%run_scoped3A_41 : memref<!tpu.dma_semaphore, #tpu.memory_space<semaphore_mem>>) src(%dma_wait3A_63 : memref<80x128xf32, #tpu.memory_space<hbm>>) dst(%arg11 : memref<80x128xf32, #tpu.memory_space<vmem>>)
        tpu.yield
      }) : () -> ()
      "tpu.region"() ({
        %run_scoped3A_41 = tpu.sem_alloc : memref<!tpu.dma_semaphore, #tpu.memory_space<semaphore_mem>>
        %dma_start3A = arith.constant 0 : i32
        %dma_start3A_42 = tpu.memref_slice %arg3[%add3A_31, %dma_start3A] : memref<10000x128xf32, #tpu.memory_space<hbm>> -> memref<80x128xf32, #tpu.memory_space<hbm>>
        %dma_start3A_43 = arith.constant 0 : i32
        %dma_start3A_44 = tpu.memref_slice %arg3[%add3A_31, %dma_start3A_43] : memref<10000x128xf32, #tpu.memory_space<hbm>> -> memref<80x128xf32, #tpu.memory_space<hbm>>
        tpu.enqueue_dma source(%dma_start3A_44 : memref<80x128xf32, #tpu.memory_space<hbm>>) target(%arg12 : memref<80x128xf32, #tpu.memory_space<vmem>>) target_semaphore(%run_scoped3A_41 : memref<!tpu.dma_semaphore, #tpu.memory_space<semaphore_mem>>)
        %dma_wait3A = arith.constant 0 : i32
        %dma_wait3A_45 = tpu.memref_slice %arg3[%add3A_31, %dma_wait3A] : memref<10000x128xf32, #tpu.memory_space<hbm>> -> memref<80x128xf32, #tpu.memory_space<hbm>>
        %dma_wait3A_46 = arith.constant 0 : i32
        %dma_wait3A_47 = tpu.memref_slice %arg3[%add3A_31, %dma_wait3A_46] : memref<10000x128xf32, #tpu.memory_space<hbm>> -> memref<80x128xf32, #tpu.memory_space<hbm>>
        tpu.wait_dma2 semaphore(%run_scoped3A_41 : memref<!tpu.dma_semaphore, #tpu.memory_space<semaphore_mem>>) src(%dma_wait3A_47 : memref<80x128xf32, #tpu.memory_space<hbm>>) dst(%arg12 : memref<80x128xf32, #tpu.memory_space<vmem>>)
        tpu.yield
      }) : () -> ()
      "tpu.region"() ({
        %run_scoped3A_41 = tpu.sem_alloc : memref<!tpu.dma_semaphore, #tpu.memory_space<semaphore_mem>>
        %dma_start3A = arith.constant 0 : i32
        %dma_start3A_42 = tpu.memref_slice %arg13[%dma_start3A] : memref<96xf32, #tpu.memory_space<vmem>> -> memref<80xf32, #tpu.memory_space<vmem>>
        %dma_start3A_43 = tpu.memref_slice %arg4[%add3A_31] : memref<10000xf32, #tpu.memory_space<hbm>> -> memref<80xf32, #tpu.memory_space<hbm>>
        %dma_start3A_44 = arith.constant 0 : i32
        %dma_start3A_45 = tpu.memref_slice %arg13[%dma_start3A_44] : memref<96xf32, #tpu.memory_space<vmem>> -> memref<80xf32, #tpu.memory_space<vmem>>
        %dma_start3A_46 = tpu.memref_slice %arg4[%add3A_31] : memref<10000xf32, #tpu.memory_space<hbm>> -> memref<80xf32, #tpu.memory_space<hbm>>
        tpu.enqueue_dma source(%dma_start3A_46 : memref<80xf32, #tpu.memory_space<hbm>>) target(%dma_start3A_45 : memref<80xf32, #tpu.memory_space<vmem>>) target_semaphore(%run_scoped3A_41 : memref<!tpu.dma_semaphore, #tpu.memory_space<semaphore_mem>>)
        %dma_wait3A = arith.constant 0 : i32
        %dma_wait3A_47 = tpu.memref_slice %arg13[%dma_wait3A] : memref<96xf32, #tpu.memory_space<vmem>> -> memref<80xf32, #tpu.memory_space<vmem>>
        %dma_wait3A_48 = tpu.memref_slice %arg4[%add3A_31] : memref<10000xf32, #tpu.memory_space<hbm>> -> memref<80xf32, #tpu.memory_space<hbm>>
        %dma_wait3A_49 = arith.constant 0 : i32
        %dma_wait3A_50 = tpu.memref_slice %arg13[%dma_wait3A_49] : memref<96xf32, #tpu.memory_space<vmem>> -> memref<80xf32, #tpu.memory_space<vmem>>
        %dma_wait3A_51 = tpu.memref_slice %arg4[%add3A_31] : memref<10000xf32, #tpu.memory_space<hbm>> -> memref<80xf32, #tpu.memory_space<hbm>>
        tpu.wait_dma2 semaphore(%run_scoped3A_41 : memref<!tpu.dma_semaphore, #tpu.memory_space<semaphore_mem>>) src(%dma_wait3A_51 : memref<80xf32, #tpu.memory_space<hbm>>) dst(%dma_wait3A_50 : memref<80xf32, #tpu.memory_space<vmem>>)
        tpu.yield
      }) : () -> ()
      "tpu.region"() ({
        %run_scoped3A_41 = tpu.sem_alloc : memref<!tpu.dma_semaphore, #tpu.memory_space<semaphore_mem>>
        %dma_start3A = arith.constant 0 : i32
        %dma_start3A_42 = tpu.memref_slice %arg14[%dma_start3A] : memref<96xi32, #tpu.memory_space<vmem>> -> memref<80xi32, #tpu.memory_space<vmem>>
        %dma_start3A_43 = tpu.memref_slice %arg5[%add3A_31] : memref<10000xi32, #tpu.memory_space<hbm>> -> memref<80xi32, #tpu.memory_space<hbm>>
        %dma_start3A_44 = arith.constant 0 : i32
        %dma_start3A_45 = tpu.memref_slice %arg14[%dma_start3A_44] : memref<96xi32, #tpu.memory_space<vmem>> -> memref<80xi32, #tpu.memory_space<vmem>>
        %dma_start3A_46 = tpu.memref_slice %arg5[%add3A_31] : memref<10000xi32, #tpu.memory_space<hbm>> -> memref<80xi32, #tpu.memory_space<hbm>>
        tpu.enqueue_dma source(%dma_start3A_46 : memref<80xi32, #tpu.memory_space<hbm>>) target(%dma_start3A_45 : memref<80xi32, #tpu.memory_space<vmem>>) target_semaphore(%run_scoped3A_41 : memref<!tpu.dma_semaphore, #tpu.memory_space<semaphore_mem>>)
        %dma_wait3A = arith.constant 0 : i32
        %dma_wait3A_47 = tpu.memref_slice %arg14[%dma_wait3A] : memref<96xi32, #tpu.memory_space<vmem>> -> memref<80xi32, #tpu.memory_space<vmem>>
        %dma_wait3A_48 = tpu.memref_slice %arg5[%add3A_31] : memref<10000xi32, #tpu.memory_space<hbm>> -> memref<80xi32, #tpu.memory_space<hbm>>
        %dma_wait3A_49 = arith.constant 0 : i32
        %dma_wait3A_50 = tpu.memref_slice %arg14[%dma_wait3A_49] : memref<96xi32, #tpu.memory_space<vmem>> -> memref<80xi32, #tpu.memory_space<vmem>>
        %dma_wait3A_51 = tpu.memref_slice %arg5[%add3A_31] : memref<10000xi32, #tpu.memory_space<hbm>> -> memref<80xi32, #tpu.memory_space<hbm>>
        tpu.wait_dma2 semaphore(%run_scoped3A_41 : memref<!tpu.dma_semaphore, #tpu.memory_space<semaphore_mem>>) src(%dma_wait3A_51 : memref<80xi32, #tpu.memory_space<hbm>>) dst(%dma_wait3A_50 : memref<80xi32, #tpu.memory_space<vmem>>)
        tpu.yield
      }) : () -> ()
      %scan3A_33 = arith.constant 0 : i32
      %scan3A_34 = arith.constant 0 : i32
      %scan3A_35 = arith.constant 80 : i32
      %scan3A_36 = arith.addi %scan3A_34, %scan3A_35 : i32
      %scan3A_37 = arith.constant 1 : i32
      %scan3A_38 = scf.for %scan3A_41 = %scan3A_34 to %scan3A_36 step %scan3A_37 iter_args(%scan3A_42 = %scan3A_33) -> (i32)  : i32 {
        %get3A = arith.index_cast %scan3A_41 : i32 to index
        %get3A_43 = tpu.vector_load %arg13[%get3A] {strides = array<i32>} : memref<96xf32, #tpu.memory_space<vmem>>, vector<16xf32>,
        %get3A_44 = vector.shape_cast %get3A_43 : vector<16xf32> to vector<16xf32>
        %slice3A = vector.extract_strided_slice %get3A_44 {offsets = [0], sizes = [1], strides = [1]} : vector<16xf32> to vector<1xf32>
        %squeeze3A = vector.extract %slice3A[0] : f32 from vector<1xf32>
        %get3A_45 = arith.index_cast %scan3A_41 : i32 to index
        %get3A_46 = tpu.vector_load %arg14[%get3A_45] {strides = array<i32>} : memref<96xi32, #tpu.memory_space<vmem>>, vector<16xi32>,
        %get3A_47 = vector.shape_cast %get3A_46 : vector<16xi32> to vector<16xi32>
        %slice3A_48 = vector.extract_strided_slice %get3A_47 {offsets = [0], sizes = [1], strides = [1]} : vector<16xi32> to vector<1xi32>
        %squeeze3A_49 = vector.extract %slice3A_48[0] : i32 from vector<1xi32>
        %get3A_50 = arith.index_cast %squeeze3A_49 : i32 to index
        %get3A_51 = arith.constant 0 : index
        %get3A_52 = tpu.vector_load %arg18[%get3A_50, %get3A_51] {strides = array<i32>} : memref<64x128xf32, #tpu.memory_space<vmem>>, vector<1x16xf32>,
        %get3A_53 = vector.shape_cast %get3A_52 : vector<1x16xf32> to vector<16xf32>
        %add3A_54 = arith.addf %get3A_53, %broadcast_in_dim3A_5 : vector<16xf32>
        %swap3A = arith.index_cast %squeeze3A_49 : i32 to index
        %swap3A_55 = arith.constant 0 : index
        %swap3A_56 = tpu.vector_load %arg18[%swap3A, %swap3A_55] {strides = array<i32>} : memref<64x128xf32, #tpu.memory_space<vmem>>, vector<1x16xf32>,
        %swap3A_57 = vector.shape_cast %swap3A_56 : vector<1x16xf32> to vector<16xf32>
        %swap3A_58 = vector.shape_cast %add3A_54 : vector<16xf32> to vector<1x16xf32>
        tpu.vector_store %arg18[%swap3A, %swap3A_55], %swap3A_58 {strides = array<i32>} : memref<64x128xf32, #tpu.memory_space<vmem>>, vector<1x16xf32>,
        %get3A_59 = arith.index_cast %scan3A_41 : i32 to index
        %get3A_60 = arith.constant 0 : index
        %get3A_61 = tpu.vector_load %arg10[%get3A_59, %get3A_60] {strides = array<i32>} : memref<80x128xf32, #tpu.memory_space<vmem>>, vector<1x16xf32>,
        %get3A_62 = vector.shape_cast %get3A_61 : vector<1x16xf32> to vector<16xf32>
        %get3A_63 = arith.index_cast %scan3A_41 : i32 to index
        %get3A_64 = arith.constant 0 : index
        %get3A_65 = tpu.vector_load %arg11[%get3A_63, %get3A_64] {strides = array<i32>} : memref<80x128xf32, #tpu.memory_space<vmem>>, vector<1x16xf32>,
        %get3A_66 = vector.shape_cast %get3A_65 : vector<1x16xf32> to vector<16xf32>
        %add3A_67 = arith.addf %get3A_62, %get3A_66 : vector<16xf32>
        %get3A_68 = arith.index_cast %scan3A_41 : i32 to index
        %get3A_69 = arith.constant 0 : index
        %get3A_70 = tpu.vector_load %arg12[%get3A_68, %get3A_69] {strides = array<i32>} : memref<80x128xf32, #tpu.memory_space<vmem>>, vector<1x16xf32>,
        %get3A_71 = vector.shape_cast %get3A_70 : vector<1x16xf32> to vector<16xf32>
        %add3A_72 = arith.addf %add3A_67, %get3A_71 : vector<16xf32>
        %mul3A_73 = vector.broadcast %squeeze3A : f32 to vector<16xf32>
        %mul3A_74 = arith.mulf %add3A_72, %mul3A_73 : vector<16xf32>
        %get3A_75 = arith.constant 0 : index
        %get3A_76 = tpu.vector_load %arg15[%get3A_75] {strides = array<i32>} : memref<128xf32, #tpu.memory_space<vmem>>, vector<16xf32>,
        %get3A_77 = vector.shape_cast %get3A_76 : vector<16xf32> to vector<16xf32>
        %add3A_78 = arith.addf %mul3A_74, %get3A_77 : vector<16xf32>
        %max3A = arith.constant 0.000000e+00 : f32
        %max3A_79 = vector.broadcast %max3A : f32 to vector<16xf32>
        %max3A_80 = arith.maximumf %add3A_78, %max3A_79 : vector<16xf32>
        %get3A_81 = arith.index_cast %squeeze3A_49 : i32 to index
        %get3A_82 = arith.constant 0 : index
        %get3A_83 = tpu.vector_load %arg16[%get3A_81, %get3A_82] {strides = array<i32>} : memref<64x128xf32, #tpu.memory_space<vmem>>, vector<1x16xf32>,
        %get3A_84 = vector.shape_cast %get3A_83 : vector<1x16xf32> to vector<16xf32>
        %add3A_85 = arith.addf %get3A_84, %max3A_80 : vector<16xf32>
        %swap3A_86 = arith.index_cast %squeeze3A_49 : i32 to index
        %swap3A_87 = arith.constant 0 : index
        %swap3A_88 = tpu.vector_load %arg16[%swap3A_86, %swap3A_87] {strides = array<i32>} : memref<64x128xf32, #tpu.memory_space<vmem>>, vector<1x16xf32>,
        %swap3A_89 = vector.shape_cast %swap3A_88 : vector<1x16xf32> to vector<16xf32>
        %swap3A_90 = vector.shape_cast %add3A_85 : vector<16xf32> to vector<1x16xf32>
        tpu.vector_store %arg16[%swap3A_86, %swap3A_87], %swap3A_90 {strides = array<i32>} : memref<64x128xf32, #tpu.memory_space<vmem>>, vector<1x16xf32>,
        %get3A_91 = arith.index_cast %squeeze3A_49 : i32 to index
        %get3A_92 = arith.constant 0 : index
        %get3A_93 = tpu.vector_load %arg17[%get3A_91, %get3A_92] {strides = array<i32>} : memref<64x128xf32, #tpu.memory_space<vmem>>, vector<1x16xf32>,
        %get3A_94 = vector.shape_cast %get3A_93 : vector<1x16xf32> to vector<16xf32>
        %max3A_95 = arith.maximumf %get3A_94, %max3A_80 : vector<16xf32>
        %swap3A_96 = arith.index_cast %squeeze3A_49 : i32 to index
        %swap3A_97 = arith.constant 0 : index
        %swap3A_98 = tpu.vector_load %arg17[%swap3A_96, %swap3A_97] {strides = array<i32>} : memref<64x128xf32, #tpu.memory_space<vmem>>, vector<1x16xf32>,
        %swap3A_99 = vector.shape_cast %swap3A_98 : vector<1x16xf32> to vector<16xf32>
        %swap3A_100 = vector.shape_cast %max3A_95 : vector<16xf32> to vector<1x16xf32>
        tpu.vector_store %arg17[%swap3A_96, %swap3A_97], %swap3A_100 {strides = array<i32>} : memref<64x128xf32, #tpu.memory_space<vmem>>, vector<1x16xf32>,
        %get3A_101 = arith.index_cast %scan3A_41 : i32 to index
        %get3A_102 = arith.constant 16 : index
        %get3A_103 = tpu.vector_load %arg10[%get3A_101, %get3A_102] {strides = array<i32>} : memref<80x128xf32, #tpu.memory_space<vmem>>, vector<1x16xf32>,
        %get3A_104 = vector.shape_cast %get3A_103 : vector<1x16xf32> to vector<16xf32>
        %get3A_105 = arith.index_cast %scan3A_41 : i32 to index
        %get3A_106 = arith.constant 16 : index
        %get3A_107 = tpu.vector_load %arg11[%get3A_105, %get3A_106] {strides = array<i32>} : memref<80x128xf32, #tpu.memory_space<vmem>>, vector<1x16xf32>,
        %get3A_108 = vector.shape_cast %get3A_107 : vector<1x16xf32> to vector<16xf32>
        %add3A_109 = arith.addf %get3A_104, %get3A_108 : vector<16xf32>
        %get3A_110 = arith.index_cast %scan3A_41 : i32 to index
        %get3A_111 = arith.constant 16 : index
        %get3A_112 = tpu.vector_load %arg12[%get3A_110, %get3A_111] {strides = array<i32>} : memref<80x128xf32, #tpu.memory_space<vmem>>, vector<1x16xf32>,
        %get3A_113 = vector.shape_cast %get3A_112 : vector<1x16xf32> to vector<16xf32>
        %add3A_114 = arith.addf %add3A_109, %get3A_113 : vector<16xf32>
        %mul3A_115 = vector.broadcast %squeeze3A : f32 to vector<16xf32>
        %mul3A_116 = arith.mulf %add3A_114, %mul3A_115 : vector<16xf32>
        %get3A_117 = arith.constant 16 : index
        %get3A_118 = tpu.vector_load %arg15[%get3A_117] {strides = array<i32>} : memref<128xf32, #tpu.memory_space<vmem>>, vector<16xf32>,
        %get3A_119 = vector.shape_cast %get3A_118 : vector<16xf32> to vector<16xf32>
        %add3A_120 = arith.addf %mul3A_116, %get3A_119 : vector<16xf32>
        %max3A_121 = arith.constant 0.000000e+00 : f32
        %max3A_122 = vector.broadcast %max3A_121 : f32 to vector<16xf32>
        %max3A_123 = arith.maximumf %add3A_120, %max3A_122 : vector<16xf32>
        %get3A_124 = arith.index_cast %squeeze3A_49 : i32 to index
        %get3A_125 = arith.constant 16 : index
        %get3A_126 = tpu.vector_load %arg16[%get3A_124, %get3A_125] {strides = array<i32>} : memref<64x128xf32, #tpu.memory_space<vmem>>, vector<1x16xf32>,
        %get3A_127 = vector.shape_cast %get3A_126 : vector<1x16xf32> to vector<16xf32>
        %add3A_128 = arith.addf %get3A_127, %max3A_123 : vector<16xf32>
        %swap3A_129 = arith.index_cast %squeeze3A_49 : i32 to index
        %swap3A_130 = arith.constant 16 : index
        %swap3A_131 = tpu.vector_load %arg16[%swap3A_129, %swap3A_130] {strides = array<i32>} : memref<64x128xf32, #tpu.memory_space<vmem>>, vector<1x16xf32>,
        %swap3A_132 = vector.shape_cast %swap3A_131 : vector<1x16xf32> to vector<16xf32>
        %swap3A_133 = vector.shape_cast %add3A_128 : vector<16xf32> to vector<1x16xf32>
        tpu.vector_store %arg16[%swap3A_129, %swap3A_130], %swap3A_133 {strides = array<i32>} : memref<64x128xf32, #tpu.memory_space<vmem>>, vector<1x16xf32>,
        %get3A_134 = arith.index_cast %squeeze3A_49 : i32 to index
        %get3A_135 = arith.constant 16 : index
        %get3A_136 = tpu.vector_load %arg17[%get3A_134, %get3A_135] {strides = array<i32>} : memref<64x128xf32, #tpu.memory_space<vmem>>, vector<1x16xf32>,
        %get3A_137 = vector.shape_cast %get3A_136 : vector<1x16xf32> to vector<16xf32>
        %max3A_138 = arith.maximumf %get3A_137, %max3A_123 : vector<16xf32>
        %swap3A_139 = arith.index_cast %squeeze3A_49 : i32 to index
        %swap3A_140 = arith.constant 16 : index
        %swap3A_141 = tpu.vector_load %arg17[%swap3A_139, %swap3A_140] {strides = array<i32>} : memref<64x128xf32, #tpu.memory_space<vmem>>, vector<1x16xf32>,
        %swap3A_142 = vector.shape_cast %swap3A_141 : vector<1x16xf32> to vector<16xf32>
        %swap3A_143 = vector.shape_cast %max3A_138 : vector<16xf32> to vector<1x16xf32>
        tpu.vector_store %arg17[%swap3A_139, %swap3A_140], %swap3A_143 {strides = array<i32>} : memref<64x128xf32, #tpu.memory_space<vmem>>, vector<1x16xf32>,
        %get3A_144 = arith.index_cast %scan3A_41 : i32 to index
        %get3A_145 = arith.constant 32 : index
        %get3A_146 = tpu.vector_load %arg10[%get3A_144, %get3A_145] {strides = array<i32>} : memref<80x128xf32, #tpu.memory_space<vmem>>, vector<1x16xf32>,
        %get3A_147 = vector.shape_cast %get3A_146 : vector<1x16xf32> to vector<16xf32>
        %get3A_148 = arith.index_cast %scan3A_41 : i32 to index
        %get3A_149 = arith.constant 32 : index
        %get3A_150 = tpu.vector_load %arg11[%get3A_148, %get3A_149] {strides = array<i32>} : memref<80x128xf32, #tpu.memory_space<vmem>>, vector<1x16xf32>,
        %get3A_151 = vector.shape_cast %get3A_150 : vector<1x16xf32> to vector<16xf32>
        %add3A_152 = arith.addf %get3A_147, %get3A_151 : vector<16xf32>
        %get3A_153 = arith.index_cast %scan3A_41 : i32 to index
        %get3A_154 = arith.constant 32 : index
        %get3A_155 = tpu.vector_load %arg12[%get3A_153, %get3A_154] {strides = array<i32>} : memref<80x128xf32, #tpu.memory_space<vmem>>, vector<1x16xf32>,
        %get3A_156 = vector.shape_cast %get3A_155 : vector<1x16xf32> to vector<16xf32>
        %add3A_157 = arith.addf %add3A_152, %get3A_156 : vector<16xf32>
        %mul3A_158 = vector.broadcast %squeeze3A : f32 to vector<16xf32>
        %mul3A_159 = arith.mulf %add3A_157, %mul3A_158 : vector<16xf32>
        %get3A_160 = arith.constant 32 : index
        %get3A_161 = tpu.vector_load %arg15[%get3A_160] {strides = array<i32>} : memref<128xf32, #tpu.memory_space<vmem>>, vector<16xf32>,
        %get3A_162 = vector.shape_cast %get3A_161 : vector<16xf32> to vector<16xf32>
        %add3A_163 = arith.addf %mul3A_159, %get3A_162 : vector<16xf32>
        %max3A_164 = arith.constant 0.000000e+00 : f32
        %max3A_165 = vector.broadcast %max3A_164 : f32 to vector<16xf32>
        %max3A_166 = arith.maximumf %add3A_163, %max3A_165 : vector<16xf32>
        %get3A_167 = arith.index_cast %squeeze3A_49 : i32 to index
        %get3A_168 = arith.constant 32 : index
        %get3A_169 = tpu.vector_load %arg16[%get3A_167, %get3A_168] {strides = array<i32>} : memref<64x128xf32, #tpu.memory_space<vmem>>, vector<1x16xf32>,
        %get3A_170 = vector.shape_cast %get3A_169 : vector<1x16xf32> to vector<16xf32>
        %add3A_171 = arith.addf %get3A_170, %max3A_166 : vector<16xf32>
        %swap3A_172 = arith.index_cast %squeeze3A_49 : i32 to index
        %swap3A_173 = arith.constant 32 : index
        %swap3A_174 = tpu.vector_load %arg16[%swap3A_172, %swap3A_173] {strides = array<i32>} : memref<64x128xf32, #tpu.memory_space<vmem>>, vector<1x16xf32>,
        %swap3A_175 = vector.shape_cast %swap3A_174 : vector<1x16xf32> to vector<16xf32>
        %swap3A_176 = vector.shape_cast %add3A_171 : vector<16xf32> to vector<1x16xf32>
        tpu.vector_store %arg16[%swap3A_172, %swap3A_173], %swap3A_176 {strides = array<i32>} : memref<64x128xf32, #tpu.memory_space<vmem>>, vector<1x16xf32>,
        %get3A_177 = arith.index_cast %squeeze3A_49 : i32 to index
        %get3A_178 = arith.constant 32 : index
        %get3A_179 = tpu.vector_load %arg17[%get3A_177, %get3A_178] {strides = array<i32>} : memref<64x128xf32, #tpu.memory_space<vmem>>, vector<1x16xf32>,
        %get3A_180 = vector.shape_cast %get3A_179 : vector<1x16xf32> to vector<16xf32>
        %max3A_181 = arith.maximumf %get3A_180, %max3A_166 : vector<16xf32>
        %swap3A_182 = arith.index_cast %squeeze3A_49 : i32 to index
        %swap3A_183 = arith.constant 32 : index
        %swap3A_184 = tpu.vector_load %arg17[%swap3A_182, %swap3A_183] {strides = array<i32>} : memref<64x128xf32, #tpu.memory_space<vmem>>, vector<1x16xf32>,
        %swap3A_185 = vector.shape_cast %swap3A_184 : vector<1x16xf32> to vector<16xf32>
        %swap3A_186 = vector.shape_cast %max3A_181 : vector<16xf32> to vector<1x16xf32>
        tpu.vector_store %arg17[%swap3A_182, %swap3A_183], %swap3A_186 {strides = array<i32>} : memref<64x128xf32, #tpu.memory_space<vmem>>, vector<1x16xf32>,
        %get3A_187 = arith.index_cast %scan3A_41 : i32 to index
        %get3A_188 = arith.constant 48 : index
        %get3A_189 = tpu.vector_load %arg10[%get3A_187, %get3A_188] {strides = array<i32>} : memref<80x128xf32, #tpu.memory_space<vmem>>, vector<1x16xf32>,
        %get3A_190 = vector.shape_cast %get3A_189 : vector<1x16xf32> to vector<16xf32>
        %get3A_191 = arith.index_cast %scan3A_41 : i32 to index
        %get3A_192 = arith.constant 48 : index
        %get3A_193 = tpu.vector_load %arg11[%get3A_191, %get3A_192] {strides = array<i32>} : memref<80x128xf32, #tpu.memory_space<vmem>>, vector<1x16xf32>,
        %get3A_194 = vector.shape_cast %get3A_193 : vector<1x16xf32> to vector<16xf32>
        %add3A_195 = arith.addf %get3A_190, %get3A_194 : vector<16xf32>
        %get3A_196 = arith.index_cast %scan3A_41 : i32 to index
        %get3A_197 = arith.constant 48 : index
        %get3A_198 = tpu.vector_load %arg12[%get3A_196, %get3A_197] {strides = array<i32>} : memref<80x128xf32, #tpu.memory_space<vmem>>, vector<1x16xf32>,
        %get3A_199 = vector.shape_cast %get3A_198 : vector<1x16xf32> to vector<16xf32>
        %add3A_200 = arith.addf %add3A_195, %get3A_199 : vector<16xf32>
        %mul3A_201 = vector.broadcast %squeeze3A : f32 to vector<16xf32>
        %mul3A_202 = arith.mulf %add3A_200, %mul3A_201 : vector<16xf32>
        %get3A_203 = arith.constant 48 : index
        %get3A_204 = tpu.vector_load %arg15[%get3A_203] {strides = array<i32>} : memref<128xf32, #tpu.memory_space<vmem>>, vector<16xf32>,
        %get3A_205 = vector.shape_cast %get3A_204 : vector<16xf32> to vector<16xf32>
        %add3A_206 = arith.addf %mul3A_202, %get3A_205 : vector<16xf32>
        %max3A_207 = arith.constant 0.000000e+00 : f32
        %max3A_208 = vector.broadcast %max3A_207 : f32 to vector<16xf32>
        %max3A_209 = arith.maximumf %add3A_206, %max3A_208 : vector<16xf32>
        %get3A_210 = arith.index_cast %squeeze3A_49 : i32 to index
        %get3A_211 = arith.constant 48 : index
        %get3A_212 = tpu.vector_load %arg16[%get3A_210, %get3A_211] {strides = array<i32>} : memref<64x128xf32, #tpu.memory_space<vmem>>, vector<1x16xf32>,
        %get3A_213 = vector.shape_cast %get3A_212 : vector<1x16xf32> to vector<16xf32>
        %add3A_214 = arith.addf %get3A_213, %max3A_209 : vector<16xf32>
        %swap3A_215 = arith.index_cast %squeeze3A_49 : i32 to index
        %swap3A_216 = arith.constant 48 : index
        %swap3A_217 = tpu.vector_load %arg16[%swap3A_215, %swap3A_216] {strides = array<i32>} : memref<64x128xf32, #tpu.memory_space<vmem>>, vector<1x16xf32>,
        %swap3A_218 = vector.shape_cast %swap3A_217 : vector<1x16xf32> to vector<16xf32>
        %swap3A_219 = vector.shape_cast %add3A_214 : vector<16xf32> to vector<1x16xf32>
        tpu.vector_store %arg16[%swap3A_215, %swap3A_216], %swap3A_219 {strides = array<i32>} : memref<64x128xf32, #tpu.memory_space<vmem>>, vector<1x16xf32>,
        %get3A_220 = arith.index_cast %squeeze3A_49 : i32 to index
        %get3A_221 = arith.constant 48 : index
        %get3A_222 = tpu.vector_load %arg17[%get3A_220, %get3A_221] {strides = array<i32>} : memref<64x128xf32, #tpu.memory_space<vmem>>, vector<1x16xf32>,
        %get3A_223 = vector.shape_cast %get3A_222 : vector<1x16xf32> to vector<16xf32>
        %max3A_224 = arith.maximumf %get3A_223, %max3A_209 : vector<16xf32>
        %swap3A_225 = arith.index_cast %squeeze3A_49 : i32 to index
        %swap3A_226 = arith.constant 48 : index
        %swap3A_227 = tpu.vector_load %arg17[%swap3A_225, %swap3A_226] {strides = array<i32>} : memref<64x128xf32, #tpu.memory_space<vmem>>, vector<1x16xf32>,
        %swap3A_228 = vector.shape_cast %swap3A_227 : vector<1x16xf32> to vector<16xf32>
        %swap3A_229 = vector.shape_cast %max3A_224 : vector<16xf32> to vector<1x16xf32>
        tpu.vector_store %arg17[%swap3A_225, %swap3A_226], %swap3A_229 {strides = array<i32>} : memref<64x128xf32, #tpu.memory_space<vmem>>, vector<1x16xf32>,
        %get3A_230 = arith.index_cast %scan3A_41 : i32 to index
        %get3A_231 = arith.constant 64 : index
        %get3A_232 = tpu.vector_load %arg10[%get3A_230, %get3A_231] {strides = array<i32>} : memref<80x128xf32, #tpu.memory_space<vmem>>, vector<1x16xf32>,
        %get3A_233 = vector.shape_cast %get3A_232 : vector<1x16xf32> to vector<16xf32>
        %get3A_234 = arith.index_cast %scan3A_41 : i32 to index
        %get3A_235 = arith.constant 64 : index
        %get3A_236 = tpu.vector_load %arg11[%get3A_234, %get3A_235] {strides = array<i32>} : memref<80x128xf32, #tpu.memory_space<vmem>>, vector<1x16xf32>,
        %get3A_237 = vector.shape_cast %get3A_236 : vector<1x16xf32> to vector<16xf32>
        %add3A_238 = arith.addf %get3A_233, %get3A_237 : vector<16xf32>
        %get3A_239 = arith.index_cast %scan3A_41 : i32 to index
        %get3A_240 = arith.constant 64 : index
        %get3A_241 = tpu.vector_load %arg12[%get3A_239, %get3A_240] {strides = array<i32>} : memref<80x128xf32, #tpu.memory_space<vmem>>, vector<1x16xf32>,
        %get3A_242 = vector.shape_cast %get3A_241 : vector<1x16xf32> to vector<16xf32>
        %add3A_243 = arith.addf %add3A_238, %get3A_242 : vector<16xf32>
        %mul3A_244 = vector.broadcast %squeeze3A : f32 to vector<16xf32>
        %mul3A_245 = arith.mulf %add3A_243, %mul3A_244 : vector<16xf32>
        %get3A_246 = arith.constant 64 : index
        %get3A_247 = tpu.vector_load %arg15[%get3A_246] {strides = array<i32>} : memref<128xf32, #tpu.memory_space<vmem>>, vector<16xf32>,
        %get3A_248 = vector.shape_cast %get3A_247 : vector<16xf32> to vector<16xf32>
        %add3A_249 = arith.addf %mul3A_245, %get3A_248 : vector<16xf32>
        %max3A_250 = arith.constant 0.000000e+00 : f32
        %max3A_251 = vector.broadcast %max3A_250 : f32 to vector<16xf32>
        %max3A_252 = arith.maximumf %add3A_249, %max3A_251 : vector<16xf32>
        %get3A_253 = arith.index_cast %squeeze3A_49 : i32 to index
        %get3A_254 = arith.constant 64 : index
        %get3A_255 = tpu.vector_load %arg16[%get3A_253, %get3A_254] {strides = array<i32>} : memref<64x128xf32, #tpu.memory_space<vmem>>, vector<1x16xf32>,
        %get3A_256 = vector.shape_cast %get3A_255 : vector<1x16xf32> to vector<16xf32>
        %add3A_257 = arith.addf %get3A_256, %max3A_252 : vector<16xf32>
        %swap3A_258 = arith.index_cast %squeeze3A_49 : i32 to index
        %swap3A_259 = arith.constant 64 : index
        %swap3A_260 = tpu.vector_load %arg16[%swap3A_258, %swap3A_259] {strides = array<i32>} : memref<64x128xf32, #tpu.memory_space<vmem>>, vector<1x16xf32>,
        %swap3A_261 = vector.shape_cast %swap3A_260 : vector<1x16xf32> to vector<16xf32>
        %swap3A_262 = vector.shape_cast %add3A_257 : vector<16xf32> to vector<1x16xf32>
        tpu.vector_store %arg16[%swap3A_258, %swap3A_259], %swap3A_262 {strides = array<i32>} : memref<64x128xf32, #tpu.memory_space<vmem>>, vector<1x16xf32>,
        %get3A_263 = arith.index_cast %squeeze3A_49 : i32 to index
        %get3A_264 = arith.constant 64 : index
        %get3A_265 = tpu.vector_load %arg17[%get3A_263, %get3A_264] {strides = array<i32>} : memref<64x128xf32, #tpu.memory_space<vmem>>, vector<1x16xf32>,
        %get3A_266 = vector.shape_cast %get3A_265 : vector<1x16xf32> to vector<16xf32>
        %max3A_267 = arith.maximumf %get3A_266, %max3A_252 : vector<16xf32>
        %swap3A_268 = arith.index_cast %squeeze3A_49 : i32 to index
        %swap3A_269 = arith.constant 64 : index
        %swap3A_270 = tpu.vector_load %arg17[%swap3A_268, %swap3A_269] {strides = array<i32>} : memref<64x128xf32, #tpu.memory_space<vmem>>, vector<1x16xf32>,
        %swap3A_271 = vector.shape_cast %swap3A_270 : vector<1x16xf32> to vector<16xf32>
        %swap3A_272 = vector.shape_cast %max3A_267 : vector<16xf32> to vector<1x16xf32>
        tpu.vector_store %arg17[%swap3A_268, %swap3A_269], %swap3A_272 {strides = array<i32>} : memref<64x128xf32, #tpu.memory_space<vmem>>, vector<1x16xf32>,
        %get3A_273 = arith.index_cast %scan3A_41 : i32 to index
        %get3A_274 = arith.constant 80 : index
        %get3A_275 = tpu.vector_load %arg10[%get3A_273, %get3A_274] {strides = array<i32>} : memref<80x128xf32, #tpu.memory_space<vmem>>, vector<1x16xf32>,
        %get3A_276 = vector.shape_cast %get3A_275 : vector<1x16xf32> to vector<16xf32>
        %get3A_277 = arith.index_cast %scan3A_41 : i32 to index
        %get3A_278 = arith.constant 80 : index
        %get3A_279 = tpu.vector_load %arg11[%get3A_277, %get3A_278] {strides = array<i32>} : memref<80x128xf32, #tpu.memory_space<vmem>>, vector<1x16xf32>,
        %get3A_280 = vector.shape_cast %get3A_279 : vector<1x16xf32> to vector<16xf32>
        %add3A_281 = arith.addf %get3A_276, %get3A_280 : vector<16xf32>
        %get3A_282 = arith.index_cast %scan3A_41 : i32 to index
        %get3A_283 = arith.constant 80 : index
        %get3A_284 = tpu.vector_load %arg12[%get3A_282, %get3A_283] {strides = array<i32>} : memref<80x128xf32, #tpu.memory_space<vmem>>, vector<1x16xf32>,
        %get3A_285 = vector.shape_cast %get3A_284 : vector<1x16xf32> to vector<16xf32>
        %add3A_286 = arith.addf %add3A_281, %get3A_285 : vector<16xf32>
        %mul3A_287 = vector.broadcast %squeeze3A : f32 to vector<16xf32>
        %mul3A_288 = arith.mulf %add3A_286, %mul3A_287 : vector<16xf32>
        %get3A_289 = arith.constant 80 : index
        %get3A_290 = tpu.vector_load %arg15[%get3A_289] {strides = array<i32>} : memref<128xf32, #tpu.memory_space<vmem>>, vector<16xf32>,
        %get3A_291 = vector.shape_cast %get3A_290 : vector<16xf32> to vector<16xf32>
        %add3A_292 = arith.addf %mul3A_288, %get3A_291 : vector<16xf32>
        %max3A_293 = arith.constant 0.000000e+00 : f32
        %max3A_294 = vector.broadcast %max3A_293 : f32 to vector<16xf32>
        %max3A_295 = arith.maximumf %add3A_292, %max3A_294 : vector<16xf32>
        %get3A_296 = arith.index_cast %squeeze3A_49 : i32 to index
        %get3A_297 = arith.constant 80 : index
        %get3A_298 = tpu.vector_load %arg16[%get3A_296, %get3A_297] {strides = array<i32>} : memref<64x128xf32, #tpu.memory_space<vmem>>, vector<1x16xf32>,
        %get3A_299 = vector.shape_cast %get3A_298 : vector<1x16xf32> to vector<16xf32>
        %add3A_300 = arith.addf %get3A_299, %max3A_295 : vector<16xf32>
        %swap3A_301 = arith.index_cast %squeeze3A_49 : i32 to index
        %swap3A_302 = arith.constant 80 : index
        %swap3A_303 = tpu.vector_load %arg16[%swap3A_301, %swap3A_302] {strides = array<i32>} : memref<64x128xf32, #tpu.memory_space<vmem>>, vector<1x16xf32>,
        %swap3A_304 = vector.shape_cast %swap3A_303 : vector<1x16xf32> to vector<16xf32>
        %swap3A_305 = vector.shape_cast %add3A_300 : vector<16xf32> to vector<1x16xf32>
        tpu.vector_store %arg16[%swap3A_301, %swap3A_302], %swap3A_305 {strides = array<i32>} : memref<64x128xf32, #tpu.memory_space<vmem>>, vector<1x16xf32>,
        %get3A_306 = arith.index_cast %squeeze3A_49 : i32 to index
        %get3A_307 = arith.constant 80 : index
        %get3A_308 = tpu.vector_load %arg17[%get3A_306, %get3A_307] {strides = array<i32>} : memref<64x128xf32, #tpu.memory_space<vmem>>, vector<1x16xf32>,
        %get3A_309 = vector.shape_cast %get3A_308 : vector<1x16xf32> to vector<16xf32>
        %max3A_310 = arith.maximumf %get3A_309, %max3A_295 : vector<16xf32>
        %swap3A_311 = arith.index_cast %squeeze3A_49 : i32 to index
        %swap3A_312 = arith.constant 80 : index
        %swap3A_313 = tpu.vector_load %arg17[%swap3A_311, %swap3A_312] {strides = array<i32>} : memref<64x128xf32, #tpu.memory_space<vmem>>, vector<1x16xf32>,
        %swap3A_314 = vector.shape_cast %swap3A_313 : vector<1x16xf32> to vector<16xf32>
        %swap3A_315 = vector.shape_cast %max3A_310 : vector<16xf32> to vector<1x16xf32>
        tpu.vector_store %arg17[%swap3A_311, %swap3A_312], %swap3A_315 {strides = array<i32>} : memref<64x128xf32, #tpu.memory_space<vmem>>, vector<1x16xf32>,
        %get3A_316 = arith.index_cast %scan3A_41 : i32 to index
        %get3A_317 = arith.constant 96 : index
        %get3A_318 = tpu.vector_load %arg10[%get3A_316, %get3A_317] {strides = array<i32>} : memref<80x128xf32, #tpu.memory_space<vmem>>, vector<1x16xf32>,
        %get3A_319 = vector.shape_cast %get3A_318 : vector<1x16xf32> to vector<16xf32>
        %get3A_320 = arith.index_cast %scan3A_41 : i32 to index
        %get3A_321 = arith.constant 96 : index
        %get3A_322 = tpu.vector_load %arg11[%get3A_320, %get3A_321] {strides = array<i32>} : memref<80x128xf32, #tpu.memory_space<vmem>>, vector<1x16xf32>,
        %get3A_323 = vector.shape_cast %get3A_322 : vector<1x16xf32> to vector<16xf32>
        %add3A_324 = arith.addf %get3A_319, %get3A_323 : vector<16xf32>
        %get3A_325 = arith.index_cast %scan3A_41 : i32 to index
        %get3A_326 = arith.constant 96 : index
        %get3A_327 = tpu.vector_load %arg12[%get3A_325, %get3A_326] {strides = array<i32>} : memref<80x128xf32, #tpu.memory_space<vmem>>, vector<1x16xf32>,
        %get3A_328 = vector.shape_cast %get3A_327 : vector<1x16xf32> to vector<16xf32>
        %add3A_329 = arith.addf %add3A_324, %get3A_328 : vector<16xf32>
        %mul3A_330 = vector.broadcast %squeeze3A : f32 to vector<16xf32>
        %mul3A_331 = arith.mulf %add3A_329, %mul3A_330 : vector<16xf32>
        %get3A_332 = arith.constant 96 : index
        %get3A_333 = tpu.vector_load %arg15[%get3A_332] {strides = array<i32>} : memref<128xf32, #tpu.memory_space<vmem>>, vector<16xf32>,
        %get3A_334 = vector.shape_cast %get3A_333 : vector<16xf32> to vector<16xf32>
        %add3A_335 = arith.addf %mul3A_331, %get3A_334 : vector<16xf32>
        %max3A_336 = arith.constant 0.000000e+00 : f32
        %max3A_337 = vector.broadcast %max3A_336 : f32 to vector<16xf32>
        %max3A_338 = arith.maximumf %add3A_335, %max3A_337 : vector<16xf32>
        %get3A_339 = arith.index_cast %squeeze3A_49 : i32 to index
        %get3A_340 = arith.constant 96 : index
        %get3A_341 = tpu.vector_load %arg16[%get3A_339, %get3A_340] {strides = array<i32>} : memref<64x128xf32, #tpu.memory_space<vmem>>, vector<1x16xf32>,
        %get3A_342 = vector.shape_cast %get3A_341 : vector<1x16xf32> to vector<16xf32>
        %add3A_343 = arith.addf %get3A_342, %max3A_338 : vector<16xf32>
        %swap3A_344 = arith.index_cast %squeeze3A_49 : i32 to index
        %swap3A_345 = arith.constant 96 : index
        %swap3A_346 = tpu.vector_load %arg16[%swap3A_344, %swap3A_345] {strides = array<i32>} : memref<64x128xf32, #tpu.memory_space<vmem>>, vector<1x16xf32>,
        %swap3A_347 = vector.shape_cast %swap3A_346 : vector<1x16xf32> to vector<16xf32>
        %swap3A_348 = vector.shape_cast %add3A_343 : vector<16xf32> to vector<1x16xf32>
        tpu.vector_store %arg16[%swap3A_344, %swap3A_345], %swap3A_348 {strides = array<i32>} : memref<64x128xf32, #tpu.memory_space<vmem>>, vector<1x16xf32>,
        %get3A_349 = arith.index_cast %squeeze3A_49 : i32 to index
        %get3A_350 = arith.constant 96 : index
        %get3A_351 = tpu.vector_load %arg17[%get3A_349, %get3A_350] {strides = array<i32>} : memref<64x128xf32, #tpu.memory_space<vmem>>, vector<1x16xf32>,
        %get3A_352 = vector.shape_cast %get3A_351 : vector<1x16xf32> to vector<16xf32>
        %max3A_353 = arith.maximumf %get3A_352, %max3A_338 : vector<16xf32>
        %swap3A_354 = arith.index_cast %squeeze3A_49 : i32 to index
        %swap3A_355 = arith.constant 96 : index
        %swap3A_356 = tpu.vector_load %arg17[%swap3A_354, %swap3A_355] {strides = array<i32>} : memref<64x128xf32, #tpu.memory_space<vmem>>, vector<1x16xf32>,
        %swap3A_357 = vector.shape_cast %swap3A_356 : vector<1x16xf32> to vector<16xf32>
        %swap3A_358 = vector.shape_cast %max3A_353 : vector<16xf32> to vector<1x16xf32>
        tpu.vector_store %arg17[%swap3A_354, %swap3A_355], %swap3A_358 {strides = array<i32>} : memref<64x128xf32, #tpu.memory_space<vmem>>, vector<1x16xf32>,
        %get3A_359 = arith.index_cast %scan3A_41 : i32 to index
        %get3A_360 = arith.constant 112 : index
        %get3A_361 = tpu.vector_load %arg10[%get3A_359, %get3A_360] {strides = array<i32>} : memref<80x128xf32, #tpu.memory_space<vmem>>, vector<1x16xf32>,
        %get3A_362 = vector.shape_cast %get3A_361 : vector<1x16xf32> to vector<16xf32>
        %get3A_363 = arith.index_cast %scan3A_41 : i32 to index
        %get3A_364 = arith.constant 112 : index
        %get3A_365 = tpu.vector_load %arg11[%get3A_363, %get3A_364] {strides = array<i32>} : memref<80x128xf32, #tpu.memory_space<vmem>>, vector<1x16xf32>,
        %get3A_366 = vector.shape_cast %get3A_365 : vector<1x16xf32> to vector<16xf32>
        %add3A_367 = arith.addf %get3A_362, %get3A_366 : vector<16xf32>
        %get3A_368 = arith.index_cast %scan3A_41 : i32 to index
        %get3A_369 = arith.constant 112 : index
        %get3A_370 = tpu.vector_load %arg12[%get3A_368, %get3A_369] {strides = array<i32>} : memref<80x128xf32, #tpu.memory_space<vmem>>, vector<1x16xf32>,
        %get3A_371 = vector.shape_cast %get3A_370 : vector<1x16xf32> to vector<16xf32>
        %add3A_372 = arith.addf %add3A_367, %get3A_371 : vector<16xf32>
        %mul3A_373 = vector.broadcast %squeeze3A : f32 to vector<16xf32>
        %mul3A_374 = arith.mulf %add3A_372, %mul3A_373 : vector<16xf32>
        %get3A_375 = arith.constant 112 : index
        %get3A_376 = tpu.vector_load %arg15[%get3A_375] {strides = array<i32>} : memref<128xf32, #tpu.memory_space<vmem>>, vector<16xf32>,
        %get3A_377 = vector.shape_cast %get3A_376 : vector<16xf32> to vector<16xf32>
        %add3A_378 = arith.addf %mul3A_374, %get3A_377 : vector<16xf32>
        %max3A_379 = arith.constant 0.000000e+00 : f32
        %max3A_380 = vector.broadcast %max3A_379 : f32 to vector<16xf32>
        %max3A_381 = arith.maximumf %add3A_378, %max3A_380 : vector<16xf32>
        %get3A_382 = arith.index_cast %squeeze3A_49 : i32 to index
        %get3A_383 = arith.constant 112 : index
        %get3A_384 = tpu.vector_load %arg16[%get3A_382, %get3A_383] {strides = array<i32>} : memref<64x128xf32, #tpu.memory_space<vmem>>, vector<1x16xf32>,
        %get3A_385 = vector.shape_cast %get3A_384 : vector<1x16xf32> to vector<16xf32>
        %add3A_386 = arith.addf %get3A_385, %max3A_381 : vector<16xf32>
        %swap3A_387 = arith.index_cast %squeeze3A_49 : i32 to index
        %swap3A_388 = arith.constant 112 : index
        %swap3A_389 = tpu.vector_load %arg16[%swap3A_387, %swap3A_388] {strides = array<i32>} : memref<64x128xf32, #tpu.memory_space<vmem>>, vector<1x16xf32>,
        %swap3A_390 = vector.shape_cast %swap3A_389 : vector<1x16xf32> to vector<16xf32>
        %swap3A_391 = vector.shape_cast %add3A_386 : vector<16xf32> to vector<1x16xf32>
        tpu.vector_store %arg16[%swap3A_387, %swap3A_388], %swap3A_391 {strides = array<i32>} : memref<64x128xf32, #tpu.memory_space<vmem>>, vector<1x16xf32>,
        %get3A_392 = arith.index_cast %squeeze3A_49 : i32 to index
        %get3A_393 = arith.constant 112 : index
        %get3A_394 = tpu.vector_load %arg17[%get3A_392, %get3A_393] {strides = array<i32>} : memref<64x128xf32, #tpu.memory_space<vmem>>, vector<1x16xf32>,
        %get3A_395 = vector.shape_cast %get3A_394 : vector<1x16xf32> to vector<16xf32>
        %max3A_396 = arith.maximumf %get3A_395, %max3A_381 : vector<16xf32>
        %swap3A_397 = arith.index_cast %squeeze3A_49 : i32 to index
        %swap3A_398 = arith.constant 112 : index
        %swap3A_399 = tpu.vector_load %arg17[%swap3A_397, %swap3A_398] {strides = array<i32>} : memref<64x128xf32, #tpu.memory_space<vmem>>, vector<1x16xf32>,
        %swap3A_400 = vector.shape_cast %swap3A_399 : vector<1x16xf32> to vector<16xf32>
        %swap3A_401 = vector.shape_cast %max3A_396 : vector<16xf32> to vector<1x16xf32>
        tpu.vector_store %arg17[%swap3A_397, %swap3A_398], %swap3A_401 {strides = array<i32>} : memref<64x128xf32, #tpu.memory_space<vmem>>, vector<1x16xf32>,
        %scan3A_402 = arith.constant 0 : i32
        scf.yield %scan3A_402 : i32
      }
      %scan3A_39 = arith.constant 80 : i32
      %while3A_40 = arith.constant 0 : i32
      scf.yield %while3A_40 : i32
    }
    %while3A_23 = arith.constant 1 : i32
    %while3A_24 = scf.for %while3A_25 = %while3A_20 to %while3A_16 step %while3A_23 iter_args(%while3A_26 = %while3A_22) -> (i32)  : i32 {
      %mul3A_27 = arith.constant 320 : i32
      %mul3A_28 = arith.muli %mul3A_27, %add3A : i32
      %mul3A_29 = arith.constant 80 : i32
      %mul3A_30 = arith.muli %mul3A_29, %while3A_25 : i32
      %add3A_31 = arith.addi %mul3A_28, %mul3A_30 : i32
      %run_scoped3A = arith.constant 0 : i32
      "tpu.region"() ({
        %run_scoped3A_41 = tpu.sem_alloc : memref<!tpu.dma_semaphore, #tpu.memory_space<semaphore_mem>>
        %dma_start3A = arith.constant 0 : i32
        %dma_start3A_42 = arith.constant 0 : i32
        %dma_start3A_43 = tpu.memref_slice %arg2[%run_scoped3A, %dma_start3A, %dma_start3A_42] : memref<2x10000x128xf32, #tpu.memory_space<hbm>> -> memref<1x10000x128xf32, #tpu.memory_space<hbm>>
        %dma_start3A_44 = tpu.memref_squeeze %dma_start3A_43 : memref<1x10000x128xf32, #tpu.memory_space<hbm>> -> memref<10000x128xf32, #tpu.memory_space<hbm>>
        %dma_start3A_45 = arith.constant 0 : i32
        %dma_start3A_46 = tpu.memref_slice %dma_start3A_44[%add3A_31, %dma_start3A_45] : memref<10000x128xf32, #tpu.memory_space<hbm>> -> memref<80x128xf32, #tpu.memory_space<hbm>>
        %dma_start3A_47 = arith.constant 0 : i32
        %dma_start3A_48 = arith.constant 0 : i32
        %dma_start3A_49 = tpu.memref_slice %arg2[%run_scoped3A, %dma_start3A_47, %dma_start3A_48] : memref<2x10000x128xf32, #tpu.memory_space<hbm>> -> memref<1x10000x128xf32, #tpu.memory_space<hbm>>
        %dma_start3A_50 = tpu.memref_squeeze %dma_start3A_49 : memref<1x10000x128xf32, #tpu.memory_space<hbm>> -> memref<10000x128xf32, #tpu.memory_space<hbm>>
        %dma_start3A_51 = arith.constant 0 : i32
        %dma_start3A_52 = tpu.memref_slice %dma_start3A_50[%add3A_31, %dma_start3A_51] : memref<10000x128xf32, #tpu.memory_space<hbm>> -> memref<80x128xf32, #tpu.memory_space<hbm>>
        tpu.enqueue_dma source(%dma_start3A_52 : memref<80x128xf32, #tpu.memory_space<hbm>>) target(%arg10 : memref<80x128xf32, #tpu.memory_space<vmem>>) target_semaphore(%run_scoped3A_41 : memref<!tpu.dma_semaphore, #tpu.memory_space<semaphore_mem>>)
        %dma_wait3A = arith.constant 0 : i32
        %dma_wait3A_53 = arith.constant 0 : i32
        %dma_wait3A_54 = tpu.memref_slice %arg2[%run_scoped3A, %dma_wait3A, %dma_wait3A_53] : memref<2x10000x128xf32, #tpu.memory_space<hbm>> -> memref<1x10000x128xf32, #tpu.memory_space<hbm>>
        %dma_wait3A_55 = tpu.memref_squeeze %dma_wait3A_54 : memref<1x10000x128xf32, #tpu.memory_space<hbm>> -> memref<10000x128xf32, #tpu.memory_space<hbm>>
        %dma_wait3A_56 = arith.constant 0 : i32
        %dma_wait3A_57 = tpu.memref_slice %dma_wait3A_55[%add3A_31, %dma_wait3A_56] : memref<10000x128xf32, #tpu.memory_space<hbm>> -> memref<80x128xf32, #tpu.memory_space<hbm>>
        %dma_wait3A_58 = arith.constant 0 : i32
        %dma_wait3A_59 = arith.constant 0 : i32
        %dma_wait3A_60 = tpu.memref_slice %arg2[%run_scoped3A, %dma_wait3A_58, %dma_wait3A_59] : memref<2x10000x128xf32, #tpu.memory_space<hbm>> -> memref<1x10000x128xf32, #tpu.memory_space<hbm>>
        %dma_wait3A_61 = tpu.memref_squeeze %dma_wait3A_60 : memref<1x10000x128xf32, #tpu.memory_space<hbm>> -> memref<10000x128xf32, #tpu.memory_space<hbm>>
        %dma_wait3A_62 = arith.constant 0 : i32
        %dma_wait3A_63 = tpu.memref_slice %dma_wait3A_61[%add3A_31, %dma_wait3A_62] : memref<10000x128xf32, #tpu.memory_space<hbm>> -> memref<80x128xf32, #tpu.memory_space<hbm>>
        tpu.wait_dma2 semaphore(%run_scoped3A_41 : memref<!tpu.dma_semaphore, #tpu.memory_space<semaphore_mem>>) src(%dma_wait3A_63 : memref<80x128xf32, #tpu.memory_space<hbm>>) dst(%arg10 : memref<80x128xf32, #tpu.memory_space<vmem>>)
        tpu.yield
      }) : () -> ()
      %run_scoped3A_32 = arith.constant 1 : i32
      "tpu.region"() ({
        %run_scoped3A_41 = tpu.sem_alloc : memref<!tpu.dma_semaphore, #tpu.memory_space<semaphore_mem>>
        %dma_start3A = arith.constant 0 : i32
        %dma_start3A_42 = arith.constant 0 : i32
        %dma_start3A_43 = tpu.memref_slice %arg2[%run_scoped3A_32, %dma_start3A, %dma_start3A_42] : memref<2x10000x128xf32, #tpu.memory_space<hbm>> -> memref<1x10000x128xf32, #tpu.memory_space<hbm>>
        %dma_start3A_44 = tpu.memref_squeeze %dma_start3A_43 : memref<1x10000x128xf32, #tpu.memory_space<hbm>> -> memref<10000x128xf32, #tpu.memory_space<hbm>>
        %dma_start3A_45 = arith.constant 0 : i32
        %dma_start3A_46 = tpu.memref_slice %dma_start3A_44[%add3A_31, %dma_start3A_45] : memref<10000x128xf32, #tpu.memory_space<hbm>> -> memref<80x128xf32, #tpu.memory_space<hbm>>
        %dma_start3A_47 = arith.constant 0 : i32
        %dma_start3A_48 = arith.constant 0 : i32
        %dma_start3A_49 = tpu.memref_slice %arg2[%run_scoped3A_32, %dma_start3A_47, %dma_start3A_48] : memref<2x10000x128xf32, #tpu.memory_space<hbm>> -> memref<1x10000x128xf32, #tpu.memory_space<hbm>>
        %dma_start3A_50 = tpu.memref_squeeze %dma_start3A_49 : memref<1x10000x128xf32, #tpu.memory_space<hbm>> -> memref<10000x128xf32, #tpu.memory_space<hbm>>
        %dma_start3A_51 = arith.constant 0 : i32
        %dma_start3A_52 = tpu.memref_slice %dma_start3A_50[%add3A_31, %dma_start3A_51] : memref<10000x128xf32, #tpu.memory_space<hbm>> -> memref<80x128xf32, #tpu.memory_space<hbm>>
        tpu.enqueue_dma source(%dma_start3A_52 : memref<80x128xf32, #tpu.memory_space<hbm>>) target(%arg11 : memref<80x128xf32, #tpu.memory_space<vmem>>) target_semaphore(%run_scoped3A_41 : memref<!tpu.dma_semaphore, #tpu.memory_space<semaphore_mem>>)
        %dma_wait3A = arith.constant 0 : i32
        %dma_wait3A_53 = arith.constant 0 : i32
        %dma_wait3A_54 = tpu.memref_slice %arg2[%run_scoped3A_32, %dma_wait3A, %dma_wait3A_53] : memref<2x10000x128xf32, #tpu.memory_space<hbm>> -> memref<1x10000x128xf32, #tpu.memory_space<hbm>>
        %dma_wait3A_55 = tpu.memref_squeeze %dma_wait3A_54 : memref<1x10000x128xf32, #tpu.memory_space<hbm>> -> memref<10000x128xf32, #tpu.memory_space<hbm>>
        %dma_wait3A_56 = arith.constant 0 : i32
        %dma_wait3A_57 = tpu.memref_slice %dma_wait3A_55[%add3A_31, %dma_wait3A_56] : memref<10000x128xf32, #tpu.memory_space<hbm>> -> memref<80x128xf32, #tpu.memory_space<hbm>>
        %dma_wait3A_58 = arith.constant 0 : i32
        %dma_wait3A_59 = arith.constant 0 : i32
        %dma_wait3A_60 = tpu.memref_slice %arg2[%run_scoped3A_32, %dma_wait3A_58, %dma_wait3A_59] : memref<2x10000x128xf32, #tpu.memory_space<hbm>> -> memref<1x10000x128xf32, #tpu.memory_space<hbm>>
        %dma_wait3A_61 = tpu.memref_squeeze %dma_wait3A_60 : memref<1x10000x128xf32, #tpu.memory_space<hbm>> -> memref<10000x128xf32, #tpu.memory_space<hbm>>
        %dma_wait3A_62 = arith.constant 0 : i32
        %dma_wait3A_63 = tpu.memref_slice %dma_wait3A_61[%add3A_31, %dma_wait3A_62] : memref<10000x128xf32, #tpu.memory_space<hbm>> -> memref<80x128xf32, #tpu.memory_space<hbm>>
        tpu.wait_dma2 semaphore(%run_scoped3A_41 : memref<!tpu.dma_semaphore, #tpu.memory_space<semaphore_mem>>) src(%dma_wait3A_63 : memref<80x128xf32, #tpu.memory_space<hbm>>) dst(%arg11 : memref<80x128xf32, #tpu.memory_space<vmem>>)
        tpu.yield
      }) : () -> ()
      "tpu.region"() ({
        %run_scoped3A_41 = tpu.sem_alloc : memref<!tpu.dma_semaphore, #tpu.memory_space<semaphore_mem>>
        %dma_start3A = arith.constant 0 : i32
        %dma_start3A_42 = tpu.memref_slice %arg3[%add3A_31, %dma_start3A] : memref<10000x128xf32, #tpu.memory_space<hbm>> -> memref<80x128xf32, #tpu.memory_space<hbm>>
        %dma_start3A_43 = arith.constant 0 : i32
        %dma_start3A_44 = tpu.memref_slice %arg3[%add3A_31, %dma_start3A_43] : memref<10000x128xf32, #tpu.memory_space<hbm>> -> memref<80x128xf32, #tpu.memory_space<hbm>>
        tpu.enqueue_dma source(%dma_start3A_44 : memref<80x128xf32, #tpu.memory_space<hbm>>) target(%arg12 : memref<80x128xf32, #tpu.memory_space<vmem>>) target_semaphore(%run_scoped3A_41 : memref<!tpu.dma_semaphore, #tpu.memory_space<semaphore_mem>>)
        %dma_wait3A = arith.constant 0 : i32
        %dma_wait3A_45 = tpu.memref_slice %arg3[%add3A_31, %dma_wait3A] : memref<10000x128xf32, #tpu.memory_space<hbm>> -> memref<80x128xf32, #tpu.memory_space<hbm>>
        %dma_wait3A_46 = arith.constant 0 : i32
        %dma_wait3A_47 = tpu.memref_slice %arg3[%add3A_31, %dma_wait3A_46] : memref<10000x128xf32, #tpu.memory_space<hbm>> -> memref<80x128xf32, #tpu.memory_space<hbm>>
        tpu.wait_dma2 semaphore(%run_scoped3A_41 : memref<!tpu.dma_semaphore, #tpu.memory_space<semaphore_mem>>) src(%dma_wait3A_47 : memref<80x128xf32, #tpu.memory_space<hbm>>) dst(%arg12 : memref<80x128xf32, #tpu.memory_space<vmem>>)
        tpu.yield
      }) : () -> ()
      "tpu.region"() ({
        %run_scoped3A_41 = tpu.sem_alloc : memref<!tpu.dma_semaphore, #tpu.memory_space<semaphore_mem>>
        %dma_start3A = arith.constant 0 : i32
        %dma_start3A_42 = tpu.memref_slice %arg13[%dma_start3A] : memref<96xf32, #tpu.memory_space<vmem>> -> memref<80xf32, #tpu.memory_space<vmem>>
        %dma_start3A_43 = tpu.memref_slice %arg4[%add3A_31] : memref<10000xf32, #tpu.memory_space<hbm>> -> memref<80xf32, #tpu.memory_space<hbm>>
        %dma_start3A_44 = arith.constant 0 : i32
        %dma_start3A_45 = tpu.memref_slice %arg13[%dma_start3A_44] : memref<96xf32, #tpu.memory_space<vmem>> -> memref<80xf32, #tpu.memory_space<vmem>>
        %dma_start3A_46 = tpu.memref_slice %arg4[%add3A_31] : memref<10000xf32, #tpu.memory_space<hbm>> -> memref<80xf32, #tpu.memory_space<hbm>>
        tpu.enqueue_dma source(%dma_start3A_46 : memref<80xf32, #tpu.memory_space<hbm>>) target(%dma_start3A_45 : memref<80xf32, #tpu.memory_space<vmem>>) target_semaphore(%run_scoped3A_41 : memref<!tpu.dma_semaphore, #tpu.memory_space<semaphore_mem>>)
        %dma_wait3A = arith.constant 0 : i32
        %dma_wait3A_47 = tpu.memref_slice %arg13[%dma_wait3A] : memref<96xf32, #tpu.memory_space<vmem>> -> memref<80xf32, #tpu.memory_space<vmem>>
        %dma_wait3A_48 = tpu.memref_slice %arg4[%add3A_31] : memref<10000xf32, #tpu.memory_space<hbm>> -> memref<80xf32, #tpu.memory_space<hbm>>
        %dma_wait3A_49 = arith.constant 0 : i32
        %dma_wait3A_50 = tpu.memref_slice %arg13[%dma_wait3A_49] : memref<96xf32, #tpu.memory_space<vmem>> -> memref<80xf32, #tpu.memory_space<vmem>>
        %dma_wait3A_51 = tpu.memref_slice %arg4[%add3A_31] : memref<10000xf32, #tpu.memory_space<hbm>> -> memref<80xf32, #tpu.memory_space<hbm>>
        tpu.wait_dma2 semaphore(%run_scoped3A_41 : memref<!tpu.dma_semaphore, #tpu.memory_space<semaphore_mem>>) src(%dma_wait3A_51 : memref<80xf32, #tpu.memory_space<hbm>>) dst(%dma_wait3A_50 : memref<80xf32, #tpu.memory_space<vmem>>)
        tpu.yield
      }) : () -> ()
      "tpu.region"() ({
        %run_scoped3A_41 = tpu.sem_alloc : memref<!tpu.dma_semaphore, #tpu.memory_space<semaphore_mem>>
        %dma_start3A = arith.constant 0 : i32
        %dma_start3A_42 = tpu.memref_slice %arg14[%dma_start3A] : memref<96xi32, #tpu.memory_space<vmem>> -> memref<80xi32, #tpu.memory_space<vmem>>
        %dma_start3A_43 = tpu.memref_slice %arg5[%add3A_31] : memref<10000xi32, #tpu.memory_space<hbm>> -> memref<80xi32, #tpu.memory_space<hbm>>
        %dma_start3A_44 = arith.constant 0 : i32
        %dma_start3A_45 = tpu.memref_slice %arg14[%dma_start3A_44] : memref<96xi32, #tpu.memory_space<vmem>> -> memref<80xi32, #tpu.memory_space<vmem>>
        %dma_start3A_46 = tpu.memref_slice %arg5[%add3A_31] : memref<10000xi32, #tpu.memory_space<hbm>> -> memref<80xi32, #tpu.memory_space<hbm>>
        tpu.enqueue_dma source(%dma_start3A_46 : memref<80xi32, #tpu.memory_space<hbm>>) target(%dma_start3A_45 : memref<80xi32, #tpu.memory_space<vmem>>) target_semaphore(%run_scoped3A_41 : memref<!tpu.dma_semaphore, #tpu.memory_space<semaphore_mem>>)
        %dma_wait3A = arith.constant 0 : i32
        %dma_wait3A_47 = tpu.memref_slice %arg14[%dma_wait3A] : memref<96xi32, #tpu.memory_space<vmem>> -> memref<80xi32, #tpu.memory_space<vmem>>
        %dma_wait3A_48 = tpu.memref_slice %arg5[%add3A_31] : memref<10000xi32, #tpu.memory_space<hbm>> -> memref<80xi32, #tpu.memory_space<hbm>>
        %dma_wait3A_49 = arith.constant 0 : i32
        %dma_wait3A_50 = tpu.memref_slice %arg14[%dma_wait3A_49] : memref<96xi32, #tpu.memory_space<vmem>> -> memref<80xi32, #tpu.memory_space<vmem>>
        %dma_wait3A_51 = tpu.memref_slice %arg5[%add3A_31] : memref<10000xi32, #tpu.memory_space<hbm>> -> memref<80xi32, #tpu.memory_space<hbm>>
        tpu.wait_dma2 semaphore(%run_scoped3A_41 : memref<!tpu.dma_semaphore, #tpu.memory_space<semaphore_mem>>) src(%dma_wait3A_51 : memref<80xi32, #tpu.memory_space<hbm>>) dst(%dma_wait3A_50 : memref<80xi32, #tpu.memory_space<vmem>>)
        tpu.yield
      }) : () -> ()
      %scan3A_33 = arith.constant 0 : i32
      %scan3A_34 = arith.constant 0 : i32
      %scan3A_35 = arith.constant 80 : i32
      %scan3A_36 = arith.addi %scan3A_34, %scan3A_35 : i32
      %scan3A_37 = arith.constant 1 : i32
      %scan3A_38 = scf.for %scan3A_41 = %scan3A_34 to %scan3A_36 step %scan3A_37 iter_args(%scan3A_42 = %scan3A_33) -> (i32)  : i32 {
        %get3A = arith.index_cast %scan3A_41 : i32 to index
        %get3A_43 = tpu.vector_load %arg13[%get3A] {strides = array<i32>} : memref<96xf32, #tpu.memory_space<vmem>>, vector<16xf32>,
        %get3A_44 = vector.shape_cast %get3A_43 : vector<16xf32> to vector<16xf32>
        %slice3A = vector.extract_strided_slice %get3A_44 {offsets = [0], sizes = [1], strides = [1]} : vector<16xf32> to vector<1xf32>
        %squeeze3A = vector.extract %slice3A[0] : f32 from vector<1xf32>
        %get3A_45 = arith.index_cast %scan3A_41 : i32 to index
        %get3A_46 = tpu.vector_load %arg14[%get3A_45] {strides = array<i32>} : memref<96xi32, #tpu.memory_space<vmem>>, vector<16xi32>,
        %get3A_47 = vector.shape_cast %get3A_46 : vector<16xi32> to vector<16xi32>
        %slice3A_48 = vector.extract_strided_slice %get3A_47 {offsets = [0], sizes = [1], strides = [1]} : vector<16xi32> to vector<1xi32>
        %squeeze3A_49 = vector.extract %slice3A_48[0] : i32 from vector<1xi32>
        %get3A_50 = arith.index_cast %squeeze3A_49 : i32 to index
        %get3A_51 = arith.constant 0 : index
        %get3A_52 = tpu.vector_load %arg18[%get3A_50, %get3A_51] {strides = array<i32>} : memref<64x128xf32, #tpu.memory_space<vmem>>, vector<1x16xf32>,
        %get3A_53 = vector.shape_cast %get3A_52 : vector<1x16xf32> to vector<16xf32>
        %add3A_54 = arith.addf %get3A_53, %broadcast_in_dim3A_5 : vector<16xf32>
        %swap3A = arith.index_cast %squeeze3A_49 : i32 to index
        %swap3A_55 = arith.constant 0 : index
        %swap3A_56 = tpu.vector_load %arg18[%swap3A, %swap3A_55] {strides = array<i32>} : memref<64x128xf32, #tpu.memory_space<vmem>>, vector<1x16xf32>,
        %swap3A_57 = vector.shape_cast %swap3A_56 : vector<1x16xf32> to vector<16xf32>
        %swap3A_58 = vector.shape_cast %add3A_54 : vector<16xf32> to vector<1x16xf32>
        tpu.vector_store %arg18[%swap3A, %swap3A_55], %swap3A_58 {strides = array<i32>} : memref<64x128xf32, #tpu.memory_space<vmem>>, vector<1x16xf32>,
        %get3A_59 = arith.index_cast %scan3A_41 : i32 to index
        %get3A_60 = arith.constant 0 : index
        %get3A_61 = tpu.vector_load %arg10[%get3A_59, %get3A_60] {strides = array<i32>} : memref<80x128xf32, #tpu.memory_space<vmem>>, vector<1x16xf32>,
        %get3A_62 = vector.shape_cast %get3A_61 : vector<1x16xf32> to vector<16xf32>
        %get3A_63 = arith.index_cast %scan3A_41 : i32 to index
        %get3A_64 = arith.constant 0 : index
        %get3A_65 = tpu.vector_load %arg11[%get3A_63, %get3A_64] {strides = array<i32>} : memref<80x128xf32, #tpu.memory_space<vmem>>, vector<1x16xf32>,
        %get3A_66 = vector.shape_cast %get3A_65 : vector<1x16xf32> to vector<16xf32>
        %add3A_67 = arith.addf %get3A_62, %get3A_66 : vector<16xf32>
        %get3A_68 = arith.index_cast %scan3A_41 : i32 to index
        %get3A_69 = arith.constant 0 : index
        %get3A_70 = tpu.vector_load %arg12[%get3A_68, %get3A_69] {strides = array<i32>} : memref<80x128xf32, #tpu.memory_space<vmem>>, vector<1x16xf32>,
        %get3A_71 = vector.shape_cast %get3A_70 : vector<1x16xf32> to vector<16xf32>
        %add3A_72 = arith.addf %add3A_67, %get3A_71 : vector<16xf32>
        %mul3A_73 = vector.broadcast %squeeze3A : f32 to vector<16xf32>
        %mul3A_74 = arith.mulf %add3A_72, %mul3A_73 : vector<16xf32>
        %get3A_75 = arith.constant 0 : index
        %get3A_76 = tpu.vector_load %arg15[%get3A_75] {strides = array<i32>} : memref<128xf32, #tpu.memory_space<vmem>>, vector<16xf32>,
        %get3A_77 = vector.shape_cast %get3A_76 : vector<16xf32> to vector<16xf32>
        %add3A_78 = arith.addf %mul3A_74, %get3A_77 : vector<16xf32>
        %max3A = arith.constant 0.000000e+00 : f32
        %max3A_79 = vector.broadcast %max3A : f32 to vector<16xf32>
        %max3A_80 = arith.maximumf %add3A_78, %max3A_79 : vector<16xf32>
        %get3A_81 = arith.index_cast %squeeze3A_49 : i32 to index
        %get3A_82 = arith.constant 0 : index
        %get3A_83 = tpu.vector_load %arg16[%get3A_81, %get3A_82] {strides = array<i32>} : memref<64x128xf32, #tpu.memory_space<vmem>>, vector<1x16xf32>,
        %get3A_84 = vector.shape_cast %get3A_83 : vector<1x16xf32> to vector<16xf32>
        %add3A_85 = arith.addf %get3A_84, %max3A_80 : vector<16xf32>
        %swap3A_86 = arith.index_cast %squeeze3A_49 : i32 to index
        %swap3A_87 = arith.constant 0 : index
        %swap3A_88 = tpu.vector_load %arg16[%swap3A_86, %swap3A_87] {strides = array<i32>} : memref<64x128xf32, #tpu.memory_space<vmem>>, vector<1x16xf32>,
        %swap3A_89 = vector.shape_cast %swap3A_88 : vector<1x16xf32> to vector<16xf32>
        %swap3A_90 = vector.shape_cast %add3A_85 : vector<16xf32> to vector<1x16xf32>
        tpu.vector_store %arg16[%swap3A_86, %swap3A_87], %swap3A_90 {strides = array<i32>} : memref<64x128xf32, #tpu.memory_space<vmem>>, vector<1x16xf32>,
        %get3A_91 = arith.index_cast %squeeze3A_49 : i32 to index
        %get3A_92 = arith.constant 0 : index
        %get3A_93 = tpu.vector_load %arg17[%get3A_91, %get3A_92] {strides = array<i32>} : memref<64x128xf32, #tpu.memory_space<vmem>>, vector<1x16xf32>,
        %get3A_94 = vector.shape_cast %get3A_93 : vector<1x16xf32> to vector<16xf32>
        %max3A_95 = arith.maximumf %get3A_94, %max3A_80 : vector<16xf32>
        %swap3A_96 = arith.index_cast %squeeze3A_49 : i32 to index
        %swap3A_97 = arith.constant 0 : index
        %swap3A_98 = tpu.vector_load %arg17[%swap3A_96, %swap3A_97] {strides = array<i32>} : memref<64x128xf32, #tpu.memory_space<vmem>>, vector<1x16xf32>,
        %swap3A_99 = vector.shape_cast %swap3A_98 : vector<1x16xf32> to vector<16xf32>
        %swap3A_100 = vector.shape_cast %max3A_95 : vector<16xf32> to vector<1x16xf32>
        tpu.vector_store %arg17[%swap3A_96, %swap3A_97], %swap3A_100 {strides = array<i32>} : memref<64x128xf32, #tpu.memory_space<vmem>>, vector<1x16xf32>,
        %get3A_101 = arith.index_cast %scan3A_41 : i32 to index
        %get3A_102 = arith.constant 16 : index
        %get3A_103 = tpu.vector_load %arg10[%get3A_101, %get3A_102] {strides = array<i32>} : memref<80x128xf32, #tpu.memory_space<vmem>>, vector<1x16xf32>,
        %get3A_104 = vector.shape_cast %get3A_103 : vector<1x16xf32> to vector<16xf32>
        %get3A_105 = arith.index_cast %scan3A_41 : i32 to index
        %get3A_106 = arith.constant 16 : index
        %get3A_107 = tpu.vector_load %arg11[%get3A_105, %get3A_106] {strides = array<i32>} : memref<80x128xf32, #tpu.memory_space<vmem>>, vector<1x16xf32>,
        %get3A_108 = vector.shape_cast %get3A_107 : vector<1x16xf32> to vector<16xf32>
        %add3A_109 = arith.addf %get3A_104, %get3A_108 : vector<16xf32>
        %get3A_110 = arith.index_cast %scan3A_41 : i32 to index
        %get3A_111 = arith.constant 16 : index
        %get3A_112 = tpu.vector_load %arg12[%get3A_110, %get3A_111] {strides = array<i32>} : memref<80x128xf32, #tpu.memory_space<vmem>>, vector<1x16xf32>,
        %get3A_113 = vector.shape_cast %get3A_112 : vector<1x16xf32> to vector<16xf32>
        %add3A_114 = arith.addf %add3A_109, %get3A_113 : vector<16xf32>
        %mul3A_115 = vector.broadcast %squeeze3A : f32 to vector<16xf32>
        %mul3A_116 = arith.mulf %add3A_114, %mul3A_115 : vector<16xf32>
        %get3A_117 = arith.constant 16 : index
        %get3A_118 = tpu.vector_load %arg15[%get3A_117] {strides = array<i32>} : memref<128xf32, #tpu.memory_space<vmem>>, vector<16xf32>,
        %get3A_119 = vector.shape_cast %get3A_118 : vector<16xf32> to vector<16xf32>
        %add3A_120 = arith.addf %mul3A_116, %get3A_119 : vector<16xf32>
        %max3A_121 = arith.constant 0.000000e+00 : f32
        %max3A_122 = vector.broadcast %max3A_121 : f32 to vector<16xf32>
        %max3A_123 = arith.maximumf %add3A_120, %max3A_122 : vector<16xf32>
        %get3A_124 = arith.index_cast %squeeze3A_49 : i32 to index
        %get3A_125 = arith.constant 16 : index
        %get3A_126 = tpu.vector_load %arg16[%get3A_124, %get3A_125] {strides = array<i32>} : memref<64x128xf32, #tpu.memory_space<vmem>>, vector<1x16xf32>,
        %get3A_127 = vector.shape_cast %get3A_126 : vector<1x16xf32> to vector<16xf32>
        %add3A_128 = arith.addf %get3A_127, %max3A_123 : vector<16xf32>
        %swap3A_129 = arith.index_cast %squeeze3A_49 : i32 to index
        %swap3A_130 = arith.constant 16 : index
        %swap3A_131 = tpu.vector_load %arg16[%swap3A_129, %swap3A_130] {strides = array<i32>} : memref<64x128xf32, #tpu.memory_space<vmem>>, vector<1x16xf32>,
        %swap3A_132 = vector.shape_cast %swap3A_131 : vector<1x16xf32> to vector<16xf32>
        %swap3A_133 = vector.shape_cast %add3A_128 : vector<16xf32> to vector<1x16xf32>
        tpu.vector_store %arg16[%swap3A_129, %swap3A_130], %swap3A_133 {strides = array<i32>} : memref<64x128xf32, #tpu.memory_space<vmem>>, vector<1x16xf32>,
        %get3A_134 = arith.index_cast %squeeze3A_49 : i32 to index
        %get3A_135 = arith.constant 16 : index
        %get3A_136 = tpu.vector_load %arg17[%get3A_134, %get3A_135] {strides = array<i32>} : memref<64x128xf32, #tpu.memory_space<vmem>>, vector<1x16xf32>,
        %get3A_137 = vector.shape_cast %get3A_136 : vector<1x16xf32> to vector<16xf32>
        %max3A_138 = arith.maximumf %get3A_137, %max3A_123 : vector<16xf32>
        %swap3A_139 = arith.index_cast %squeeze3A_49 : i32 to index
        %swap3A_140 = arith.constant 16 : index
        %swap3A_141 = tpu.vector_load %arg17[%swap3A_139, %swap3A_140] {strides = array<i32>} : memref<64x128xf32, #tpu.memory_space<vmem>>, vector<1x16xf32>,
        %swap3A_142 = vector.shape_cast %swap3A_141 : vector<1x16xf32> to vector<16xf32>
        %swap3A_143 = vector.shape_cast %max3A_138 : vector<16xf32> to vector<1x16xf32>
        tpu.vector_store %arg17[%swap3A_139, %swap3A_140], %swap3A_143 {strides = array<i32>} : memref<64x128xf32, #tpu.memory_space<vmem>>, vector<1x16xf32>,
        %get3A_144 = arith.index_cast %scan3A_41 : i32 to index
        %get3A_145 = arith.constant 32 : index
        %get3A_146 = tpu.vector_load %arg10[%get3A_144, %get3A_145] {strides = array<i32>} : memref<80x128xf32, #tpu.memory_space<vmem>>, vector<1x16xf32>,
        %get3A_147 = vector.shape_cast %get3A_146 : vector<1x16xf32> to vector<16xf32>
        %get3A_148 = arith.index_cast %scan3A_41 : i32 to index
        %get3A_149 = arith.constant 32 : index
        %get3A_150 = tpu.vector_load %arg11[%get3A_148, %get3A_149] {strides = array<i32>} : memref<80x128xf32, #tpu.memory_space<vmem>>, vector<1x16xf32>,
        %get3A_151 = vector.shape_cast %get3A_150 : vector<1x16xf32> to vector<16xf32>
        %add3A_152 = arith.addf %get3A_147, %get3A_151 : vector<16xf32>
        %get3A_153 = arith.index_cast %scan3A_41 : i32 to index
        %get3A_154 = arith.constant 32 : index
        %get3A_155 = tpu.vector_load %arg12[%get3A_153, %get3A_154] {strides = array<i32>} : memref<80x128xf32, #tpu.memory_space<vmem>>, vector<1x16xf32>,
        %get3A_156 = vector.shape_cast %get3A_155 : vector<1x16xf32> to vector<16xf32>
        %add3A_157 = arith.addf %add3A_152, %get3A_156 : vector<16xf32>
        %mul3A_158 = vector.broadcast %squeeze3A : f32 to vector<16xf32>
        %mul3A_159 = arith.mulf %add3A_157, %mul3A_158 : vector<16xf32>
        %get3A_160 = arith.constant 32 : index
        %get3A_161 = tpu.vector_load %arg15[%get3A_160] {strides = array<i32>} : memref<128xf32, #tpu.memory_space<vmem>>, vector<16xf32>,
        %get3A_162 = vector.shape_cast %get3A_161 : vector<16xf32> to vector<16xf32>
        %add3A_163 = arith.addf %mul3A_159, %get3A_162 : vector<16xf32>
        %max3A_164 = arith.constant 0.000000e+00 : f32
        %max3A_165 = vector.broadcast %max3A_164 : f32 to vector<16xf32>
        %max3A_166 = arith.maximumf %add3A_163, %max3A_165 : vector<16xf32>
        %get3A_167 = arith.index_cast %squeeze3A_49 : i32 to index
        %get3A_168 = arith.constant 32 : index
        %get3A_169 = tpu.vector_load %arg16[%get3A_167, %get3A_168] {strides = array<i32>} : memref<64x128xf32, #tpu.memory_space<vmem>>, vector<1x16xf32>,
        %get3A_170 = vector.shape_cast %get3A_169 : vector<1x16xf32> to vector<16xf32>
        %add3A_171 = arith.addf %get3A_170, %max3A_166 : vector<16xf32>
        %swap3A_172 = arith.index_cast %squeeze3A_49 : i32 to index
        %swap3A_173 = arith.constant 32 : index
        %swap3A_174 = tpu.vector_load %arg16[%swap3A_172, %swap3A_173] {strides = array<i32>} : memref<64x128xf32, #tpu.memory_space<vmem>>, vector<1x16xf32>,
        %swap3A_175 = vector.shape_cast %swap3A_174 : vector<1x16xf32> to vector<16xf32>
        %swap3A_176 = vector.shape_cast %add3A_171 : vector<16xf32> to vector<1x16xf32>
        tpu.vector_store %arg16[%swap3A_172, %swap3A_173], %swap3A_176 {strides = array<i32>} : memref<64x128xf32, #tpu.memory_space<vmem>>, vector<1x16xf32>,
        %get3A_177 = arith.index_cast %squeeze3A_49 : i32 to index
        %get3A_178 = arith.constant 32 : index
        %get3A_179 = tpu.vector_load %arg17[%get3A_177, %get3A_178] {strides = array<i32>} : memref<64x128xf32, #tpu.memory_space<vmem>>, vector<1x16xf32>,
        %get3A_180 = vector.shape_cast %get3A_179 : vector<1x16xf32> to vector<16xf32>
        %max3A_181 = arith.maximumf %get3A_180, %max3A_166 : vector<16xf32>
        %swap3A_182 = arith.index_cast %squeeze3A_49 : i32 to index
        %swap3A_183 = arith.constant 32 : index
        %swap3A_184 = tpu.vector_load %arg17[%swap3A_182, %swap3A_183] {strides = array<i32>} : memref<64x128xf32, #tpu.memory_space<vmem>>, vector<1x16xf32>,
        %swap3A_185 = vector.shape_cast %swap3A_184 : vector<1x16xf32> to vector<16xf32>
        %swap3A_186 = vector.shape_cast %max3A_181 : vector<16xf32> to vector<1x16xf32>
        tpu.vector_store %arg17[%swap3A_182, %swap3A_183], %swap3A_186 {strides = array<i32>} : memref<64x128xf32, #tpu.memory_space<vmem>>, vector<1x16xf32>,
        %get3A_187 = arith.index_cast %scan3A_41 : i32 to index
        %get3A_188 = arith.constant 48 : index
        %get3A_189 = tpu.vector_load %arg10[%get3A_187, %get3A_188] {strides = array<i32>} : memref<80x128xf32, #tpu.memory_space<vmem>>, vector<1x16xf32>,
        %get3A_190 = vector.shape_cast %get3A_189 : vector<1x16xf32> to vector<16xf32>
        %get3A_191 = arith.index_cast %scan3A_41 : i32 to index
        %get3A_192 = arith.constant 48 : index
        %get3A_193 = tpu.vector_load %arg11[%get3A_191, %get3A_192] {strides = array<i32>} : memref<80x128xf32, #tpu.memory_space<vmem>>, vector<1x16xf32>,
        %get3A_194 = vector.shape_cast %get3A_193 : vector<1x16xf32> to vector<16xf32>
        %add3A_195 = arith.addf %get3A_190, %get3A_194 : vector<16xf32>
        %get3A_196 = arith.index_cast %scan3A_41 : i32 to index
        %get3A_197 = arith.constant 48 : index
        %get3A_198 = tpu.vector_load %arg12[%get3A_196, %get3A_197] {strides = array<i32>} : memref<80x128xf32, #tpu.memory_space<vmem>>, vector<1x16xf32>,
        %get3A_199 = vector.shape_cast %get3A_198 : vector<1x16xf32> to vector<16xf32>
        %add3A_200 = arith.addf %add3A_195, %get3A_199 : vector<16xf32>
        %mul3A_201 = vector.broadcast %squeeze3A : f32 to vector<16xf32>
        %mul3A_202 = arith.mulf %add3A_200, %mul3A_201 : vector<16xf32>
        %get3A_203 = arith.constant 48 : index
        %get3A_204 = tpu.vector_load %arg15[%get3A_203] {strides = array<i32>} : memref<128xf32, #tpu.memory_space<vmem>>, vector<16xf32>,
        %get3A_205 = vector.shape_cast %get3A_204 : vector<16xf32> to vector<16xf32>
        %add3A_206 = arith.addf %mul3A_202, %get3A_205 : vector<16xf32>
        %max3A_207 = arith.constant 0.000000e+00 : f32
        %max3A_208 = vector.broadcast %max3A_207 : f32 to vector<16xf32>
        %max3A_209 = arith.maximumf %add3A_206, %max3A_208 : vector<16xf32>
        %get3A_210 = arith.index_cast %squeeze3A_49 : i32 to index
        %get3A_211 = arith.constant 48 : index
        %get3A_212 = tpu.vector_load %arg16[%get3A_210, %get3A_211] {strides = array<i32>} : memref<64x128xf32, #tpu.memory_space<vmem>>, vector<1x16xf32>,
        %get3A_213 = vector.shape_cast %get3A_212 : vector<1x16xf32> to vector<16xf32>
        %add3A_214 = arith.addf %get3A_213, %max3A_209 : vector<16xf32>
        %swap3A_215 = arith.index_cast %squeeze3A_49 : i32 to index
        %swap3A_216 = arith.constant 48 : index
        %swap3A_217 = tpu.vector_load %arg16[%swap3A_215, %swap3A_216] {strides = array<i32>} : memref<64x128xf32, #tpu.memory_space<vmem>>, vector<1x16xf32>,
        %swap3A_218 = vector.shape_cast %swap3A_217 : vector<1x16xf32> to vector<16xf32>
        %swap3A_219 = vector.shape_cast %add3A_214 : vector<16xf32> to vector<1x16xf32>
        tpu.vector_store %arg16[%swap3A_215, %swap3A_216], %swap3A_219 {strides = array<i32>} : memref<64x128xf32, #tpu.memory_space<vmem>>, vector<1x16xf32>,
        %get3A_220 = arith.index_cast %squeeze3A_49 : i32 to index
        %get3A_221 = arith.constant 48 : index
        %get3A_222 = tpu.vector_load %arg17[%get3A_220, %get3A_221] {strides = array<i32>} : memref<64x128xf32, #tpu.memory_space<vmem>>, vector<1x16xf32>,
        %get3A_223 = vector.shape_cast %get3A_222 : vector<1x16xf32> to vector<16xf32>
        %max3A_224 = arith.maximumf %get3A_223, %max3A_209 : vector<16xf32>
        %swap3A_225 = arith.index_cast %squeeze3A_49 : i32 to index
        %swap3A_226 = arith.constant 48 : index
        %swap3A_227 = tpu.vector_load %arg17[%swap3A_225, %swap3A_226] {strides = array<i32>} : memref<64x128xf32, #tpu.memory_space<vmem>>, vector<1x16xf32>,
        %swap3A_228 = vector.shape_cast %swap3A_227 : vector<1x16xf32> to vector<16xf32>
        %swap3A_229 = vector.shape_cast %max3A_224 : vector<16xf32> to vector<1x16xf32>
        tpu.vector_store %arg17[%swap3A_225, %swap3A_226], %swap3A_229 {strides = array<i32>} : memref<64x128xf32, #tpu.memory_space<vmem>>, vector<1x16xf32>,
        %get3A_230 = arith.index_cast %scan3A_41 : i32 to index
        %get3A_231 = arith.constant 64 : index
        %get3A_232 = tpu.vector_load %arg10[%get3A_230, %get3A_231] {strides = array<i32>} : memref<80x128xf32, #tpu.memory_space<vmem>>, vector<1x16xf32>,
        %get3A_233 = vector.shape_cast %get3A_232 : vector<1x16xf32> to vector<16xf32>
        %get3A_234 = arith.index_cast %scan3A_41 : i32 to index
        %get3A_235 = arith.constant 64 : index
        %get3A_236 = tpu.vector_load %arg11[%get3A_234, %get3A_235] {strides = array<i32>} : memref<80x128xf32, #tpu.memory_space<vmem>>, vector<1x16xf32>,
        %get3A_237 = vector.shape_cast %get3A_236 : vector<1x16xf32> to vector<16xf32>
        %add3A_238 = arith.addf %get3A_233, %get3A_237 : vector<16xf32>
        %get3A_239 = arith.index_cast %scan3A_41 : i32 to index
        %get3A_240 = arith.constant 64 : index
        %get3A_241 = tpu.vector_load %arg12[%get3A_239, %get3A_240] {strides = array<i32>} : memref<80x128xf32, #tpu.memory_space<vmem>>, vector<1x16xf32>,
        %get3A_242 = vector.shape_cast %get3A_241 : vector<1x16xf32> to vector<16xf32>
        %add3A_243 = arith.addf %add3A_238, %get3A_242 : vector<16xf32>
        %mul3A_244 = vector.broadcast %squeeze3A : f32 to vector<16xf32>
        %mul3A_245 = arith.mulf %add3A_243, %mul3A_244 : vector<16xf32>
        %get3A_246 = arith.constant 64 : index
        %get3A_247 = tpu.vector_load %arg15[%get3A_246] {strides = array<i32>} : memref<128xf32, #tpu.memory_space<vmem>>, vector<16xf32>,
        %get3A_248 = vector.shape_cast %get3A_247 : vector<16xf32> to vector<16xf32>
        %add3A_249 = arith.addf %mul3A_245, %get3A_248 : vector<16xf32>
        %max3A_250 = arith.constant 0.000000e+00 : f32
        %max3A_251 = vector.broadcast %max3A_250 : f32 to vector<16xf32>
        %max3A_252 = arith.maximumf %add3A_249, %max3A_251 : vector<16xf32>
        %get3A_253 = arith.index_cast %squeeze3A_49 : i32 to index
        %get3A_254 = arith.constant 64 : index
        %get3A_255 = tpu.vector_load %arg16[%get3A_253, %get3A_254] {strides = array<i32>} : memref<64x128xf32, #tpu.memory_space<vmem>>, vector<1x16xf32>,
        %get3A_256 = vector.shape_cast %get3A_255 : vector<1x16xf32> to vector<16xf32>
        %add3A_257 = arith.addf %get3A_256, %max3A_252 : vector<16xf32>
        %swap3A_258 = arith.index_cast %squeeze3A_49 : i32 to index
        %swap3A_259 = arith.constant 64 : index
        %swap3A_260 = tpu.vector_load %arg16[%swap3A_258, %swap3A_259] {strides = array<i32>} : memref<64x128xf32, #tpu.memory_space<vmem>>, vector<1x16xf32>,
        %swap3A_261 = vector.shape_cast %swap3A_260 : vector<1x16xf32> to vector<16xf32>
        %swap3A_262 = vector.shape_cast %add3A_257 : vector<16xf32> to vector<1x16xf32>
        tpu.vector_store %arg16[%swap3A_258, %swap3A_259], %swap3A_262 {strides = array<i32>} : memref<64x128xf32, #tpu.memory_space<vmem>>, vector<1x16xf32>,
        %get3A_263 = arith.index_cast %squeeze3A_49 : i32 to index
        %get3A_264 = arith.constant 64 : index
        %get3A_265 = tpu.vector_load %arg17[%get3A_263, %get3A_264] {strides = array<i32>} : memref<64x128xf32, #tpu.memory_space<vmem>>, vector<1x16xf32>,
        %get3A_266 = vector.shape_cast %get3A_265 : vector<1x16xf32> to vector<16xf32>
        %max3A_267 = arith.maximumf %get3A_266, %max3A_252 : vector<16xf32>
        %swap3A_268 = arith.index_cast %squeeze3A_49 : i32 to index
        %swap3A_269 = arith.constant 64 : index
        %swap3A_270 = tpu.vector_load %arg17[%swap3A_268, %swap3A_269] {strides = array<i32>} : memref<64x128xf32, #tpu.memory_space<vmem>>, vector<1x16xf32>,
        %swap3A_271 = vector.shape_cast %swap3A_270 : vector<1x16xf32> to vector<16xf32>
        %swap3A_272 = vector.shape_cast %max3A_267 : vector<16xf32> to vector<1x16xf32>
        tpu.vector_store %arg17[%swap3A_268, %swap3A_269], %swap3A_272 {strides = array<i32>} : memref<64x128xf32, #tpu.memory_space<vmem>>, vector<1x16xf32>,
        %get3A_273 = arith.index_cast %scan3A_41 : i32 to index
        %get3A_274 = arith.constant 80 : index
        %get3A_275 = tpu.vector_load %arg10[%get3A_273, %get3A_274] {strides = array<i32>} : memref<80x128xf32, #tpu.memory_space<vmem>>, vector<1x16xf32>,
        %get3A_276 = vector.shape_cast %get3A_275 : vector<1x16xf32> to vector<16xf32>
        %get3A_277 = arith.index_cast %scan3A_41 : i32 to index
        %get3A_278 = arith.constant 80 : index
        %get3A_279 = tpu.vector_load %arg11[%get3A_277, %get3A_278] {strides = array<i32>} : memref<80x128xf32, #tpu.memory_space<vmem>>, vector<1x16xf32>,
        %get3A_280 = vector.shape_cast %get3A_279 : vector<1x16xf32> to vector<16xf32>
        %add3A_281 = arith.addf %get3A_276, %get3A_280 : vector<16xf32>
        %get3A_282 = arith.index_cast %scan3A_41 : i32 to index
        %get3A_283 = arith.constant 80 : index
        %get3A_284 = tpu.vector_load %arg12[%get3A_282, %get3A_283] {strides = array<i32>} : memref<80x128xf32, #tpu.memory_space<vmem>>, vector<1x16xf32>,
        %get3A_285 = vector.shape_cast %get3A_284 : vector<1x16xf32> to vector<16xf32>
        %add3A_286 = arith.addf %add3A_281, %get3A_285 : vector<16xf32>
        %mul3A_287 = vector.broadcast %squeeze3A : f32 to vector<16xf32>
        %mul3A_288 = arith.mulf %add3A_286, %mul3A_287 : vector<16xf32>
        %get3A_289 = arith.constant 80 : index
        %get3A_290 = tpu.vector_load %arg15[%get3A_289] {strides = array<i32>} : memref<128xf32, #tpu.memory_space<vmem>>, vector<16xf32>,
        %get3A_291 = vector.shape_cast %get3A_290 : vector<16xf32> to vector<16xf32>
        %add3A_292 = arith.addf %mul3A_288, %get3A_291 : vector<16xf32>
        %max3A_293 = arith.constant 0.000000e+00 : f32
        %max3A_294 = vector.broadcast %max3A_293 : f32 to vector<16xf32>
        %max3A_295 = arith.maximumf %add3A_292, %max3A_294 : vector<16xf32>
        %get3A_296 = arith.index_cast %squeeze3A_49 : i32 to index
        %get3A_297 = arith.constant 80 : index
        %get3A_298 = tpu.vector_load %arg16[%get3A_296, %get3A_297] {strides = array<i32>} : memref<64x128xf32, #tpu.memory_space<vmem>>, vector<1x16xf32>,
        %get3A_299 = vector.shape_cast %get3A_298 : vector<1x16xf32> to vector<16xf32>
        %add3A_300 = arith.addf %get3A_299, %max3A_295 : vector<16xf32>
        %swap3A_301 = arith.index_cast %squeeze3A_49 : i32 to index
        %swap3A_302 = arith.constant 80 : index
        %swap3A_303 = tpu.vector_load %arg16[%swap3A_301, %swap3A_302] {strides = array<i32>} : memref<64x128xf32, #tpu.memory_space<vmem>>, vector<1x16xf32>,
        %swap3A_304 = vector.shape_cast %swap3A_303 : vector<1x16xf32> to vector<16xf32>
        %swap3A_305 = vector.shape_cast %add3A_300 : vector<16xf32> to vector<1x16xf32>
        tpu.vector_store %arg16[%swap3A_301, %swap3A_302], %swap3A_305 {strides = array<i32>} : memref<64x128xf32, #tpu.memory_space<vmem>>, vector<1x16xf32>,
        %get3A_306 = arith.index_cast %squeeze3A_49 : i32 to index
        %get3A_307 = arith.constant 80 : index
        %get3A_308 = tpu.vector_load %arg17[%get3A_306, %get3A_307] {strides = array<i32>} : memref<64x128xf32, #tpu.memory_space<vmem>>, vector<1x16xf32>,
        %get3A_309 = vector.shape_cast %get3A_308 : vector<1x16xf32> to vector<16xf32>
        %max3A_310 = arith.maximumf %get3A_309, %max3A_295 : vector<16xf32>
        %swap3A_311 = arith.index_cast %squeeze3A_49 : i32 to index
        %swap3A_312 = arith.constant 80 : index
        %swap3A_313 = tpu.vector_load %arg17[%swap3A_311, %swap3A_312] {strides = array<i32>} : memref<64x128xf32, #tpu.memory_space<vmem>>, vector<1x16xf32>,
        %swap3A_314 = vector.shape_cast %swap3A_313 : vector<1x16xf32> to vector<16xf32>
        %swap3A_315 = vector.shape_cast %max3A_310 : vector<16xf32> to vector<1x16xf32>
        tpu.vector_store %arg17[%swap3A_311, %swap3A_312], %swap3A_315 {strides = array<i32>} : memref<64x128xf32, #tpu.memory_space<vmem>>, vector<1x16xf32>,
        %get3A_316 = arith.index_cast %scan3A_41 : i32 to index
        %get3A_317 = arith.constant 96 : index
        %get3A_318 = tpu.vector_load %arg10[%get3A_316, %get3A_317] {strides = array<i32>} : memref<80x128xf32, #tpu.memory_space<vmem>>, vector<1x16xf32>,
        %get3A_319 = vector.shape_cast %get3A_318 : vector<1x16xf32> to vector<16xf32>
        %get3A_320 = arith.index_cast %scan3A_41 : i32 to index
        %get3A_321 = arith.constant 96 : index
        %get3A_322 = tpu.vector_load %arg11[%get3A_320, %get3A_321] {strides = array<i32>} : memref<80x128xf32, #tpu.memory_space<vmem>>, vector<1x16xf32>,
        %get3A_323 = vector.shape_cast %get3A_322 : vector<1x16xf32> to vector<16xf32>
        %add3A_324 = arith.addf %get3A_319, %get3A_323 : vector<16xf32>
        %get3A_325 = arith.index_cast %scan3A_41 : i32 to index
        %get3A_326 = arith.constant 96 : index
        %get3A_327 = tpu.vector_load %arg12[%get3A_325, %get3A_326] {strides = array<i32>} : memref<80x128xf32, #tpu.memory_space<vmem>>, vector<1x16xf32>,
        %get3A_328 = vector.shape_cast %get3A_327 : vector<1x16xf32> to vector<16xf32>
        %add3A_329 = arith.addf %add3A_324, %get3A_328 : vector<16xf32>
        %mul3A_330 = vector.broadcast %squeeze3A : f32 to vector<16xf32>
        %mul3A_331 = arith.mulf %add3A_329, %mul3A_330 : vector<16xf32>
        %get3A_332 = arith.constant 96 : index
        %get3A_333 = tpu.vector_load %arg15[%get3A_332] {strides = array<i32>} : memref<128xf32, #tpu.memory_space<vmem>>, vector<16xf32>,
        %get3A_334 = vector.shape_cast %get3A_333 : vector<16xf32> to vector<16xf32>
        %add3A_335 = arith.addf %mul3A_331, %get3A_334 : vector<16xf32>
        %max3A_336 = arith.constant 0.000000e+00 : f32
        %max3A_337 = vector.broadcast %max3A_336 : f32 to vector<16xf32>
        %max3A_338 = arith.maximumf %add3A_335, %max3A_337 : vector<16xf32>
        %get3A_339 = arith.index_cast %squeeze3A_49 : i32 to index
        %get3A_340 = arith.constant 96 : index
        %get3A_341 = tpu.vector_load %arg16[%get3A_339, %get3A_340] {strides = array<i32>} : memref<64x128xf32, #tpu.memory_space<vmem>>, vector<1x16xf32>,
        %get3A_342 = vector.shape_cast %get3A_341 : vector<1x16xf32> to vector<16xf32>
        %add3A_343 = arith.addf %get3A_342, %max3A_338 : vector<16xf32>
        %swap3A_344 = arith.index_cast %squeeze3A_49 : i32 to index
        %swap3A_345 = arith.constant 96 : index
        %swap3A_346 = tpu.vector_load %arg16[%swap3A_344, %swap3A_345] {strides = array<i32>} : memref<64x128xf32, #tpu.memory_space<vmem>>, vector<1x16xf32>,
        %swap3A_347 = vector.shape_cast %swap3A_346 : vector<1x16xf32> to vector<16xf32>
        %swap3A_348 = vector.shape_cast %add3A_343 : vector<16xf32> to vector<1x16xf32>
        tpu.vector_store %arg16[%swap3A_344, %swap3A_345], %swap3A_348 {strides = array<i32>} : memref<64x128xf32, #tpu.memory_space<vmem>>, vector<1x16xf32>,
        %get3A_349 = arith.index_cast %squeeze3A_49 : i32 to index
        %get3A_350 = arith.constant 96 : index
        %get3A_351 = tpu.vector_load %arg17[%get3A_349, %get3A_350] {strides = array<i32>} : memref<64x128xf32, #tpu.memory_space<vmem>>, vector<1x16xf32>,
        %get3A_352 = vector.shape_cast %get3A_351 : vector<1x16xf32> to vector<16xf32>
        %max3A_353 = arith.maximumf %get3A_352, %max3A_338 : vector<16xf32>
        %swap3A_354 = arith.index_cast %squeeze3A_49 : i32 to index
        %swap3A_355 = arith.constant 96 : index
        %swap3A_356 = tpu.vector_load %arg17[%swap3A_354, %swap3A_355] {strides = array<i32>} : memref<64x128xf32, #tpu.memory_space<vmem>>, vector<1x16xf32>,
        %swap3A_357 = vector.shape_cast %swap3A_356 : vector<1x16xf32> to vector<16xf32>
        %swap3A_358 = vector.shape_cast %max3A_353 : vector<16xf32> to vector<1x16xf32>
        tpu.vector_store %arg17[%swap3A_354, %swap3A_355], %swap3A_358 {strides = array<i32>} : memref<64x128xf32, #tpu.memory_space<vmem>>, vector<1x16xf32>,
        %get3A_359 = arith.index_cast %scan3A_41 : i32 to index
        %get3A_360 = arith.constant 112 : index
        %get3A_361 = tpu.vector_load %arg10[%get3A_359, %get3A_360] {strides = array<i32>} : memref<80x128xf32, #tpu.memory_space<vmem>>, vector<1x16xf32>,
        %get3A_362 = vector.shape_cast %get3A_361 : vector<1x16xf32> to vector<16xf32>
        %get3A_363 = arith.index_cast %scan3A_41 : i32 to index
        %get3A_364 = arith.constant 112 : index
        %get3A_365 = tpu.vector_load %arg11[%get3A_363, %get3A_364] {strides = array<i32>} : memref<80x128xf32, #tpu.memory_space<vmem>>, vector<1x16xf32>,
        %get3A_366 = vector.shape_cast %get3A_365 : vector<1x16xf32> to vector<16xf32>
        %add3A_367 = arith.addf %get3A_362, %get3A_366 : vector<16xf32>
        %get3A_368 = arith.index_cast %scan3A_41 : i32 to index
        %get3A_369 = arith.constant 112 : index
        %get3A_370 = tpu.vector_load %arg12[%get3A_368, %get3A_369] {strides = array<i32>} : memref<80x128xf32, #tpu.memory_space<vmem>>, vector<1x16xf32>,
        %get3A_371 = vector.shape_cast %get3A_370 : vector<1x16xf32> to vector<16xf32>
        %add3A_372 = arith.addf %add3A_367, %get3A_371 : vector<16xf32>
        %mul3A_373 = vector.broadcast %squeeze3A : f32 to vector<16xf32>
        %mul3A_374 = arith.mulf %add3A_372, %mul3A_373 : vector<16xf32>
        %get3A_375 = arith.constant 112 : index
        %get3A_376 = tpu.vector_load %arg15[%get3A_375] {strides = array<i32>} : memref<128xf32, #tpu.memory_space<vmem>>, vector<16xf32>,
        %get3A_377 = vector.shape_cast %get3A_376 : vector<16xf32> to vector<16xf32>
        %add3A_378 = arith.addf %mul3A_374, %get3A_377 : vector<16xf32>
        %max3A_379 = arith.constant 0.000000e+00 : f32
        %max3A_380 = vector.broadcast %max3A_379 : f32 to vector<16xf32>
        %max3A_381 = arith.maximumf %add3A_378, %max3A_380 : vector<16xf32>
        %get3A_382 = arith.index_cast %squeeze3A_49 : i32 to index
        %get3A_383 = arith.constant 112 : index
        %get3A_384 = tpu.vector_load %arg16[%get3A_382, %get3A_383] {strides = array<i32>} : memref<64x128xf32, #tpu.memory_space<vmem>>, vector<1x16xf32>,
        %get3A_385 = vector.shape_cast %get3A_384 : vector<1x16xf32> to vector<16xf32>
        %add3A_386 = arith.addf %get3A_385, %max3A_381 : vector<16xf32>
        %swap3A_387 = arith.index_cast %squeeze3A_49 : i32 to index
        %swap3A_388 = arith.constant 112 : index
        %swap3A_389 = tpu.vector_load %arg16[%swap3A_387, %swap3A_388] {strides = array<i32>} : memref<64x128xf32, #tpu.memory_space<vmem>>, vector<1x16xf32>,
        %swap3A_390 = vector.shape_cast %swap3A_389 : vector<1x16xf32> to vector<16xf32>
        %swap3A_391 = vector.shape_cast %add3A_386 : vector<16xf32> to vector<1x16xf32>
        tpu.vector_store %arg16[%swap3A_387, %swap3A_388], %swap3A_391 {strides = array<i32>} : memref<64x128xf32, #tpu.memory_space<vmem>>, vector<1x16xf32>,
        %get3A_392 = arith.index_cast %squeeze3A_49 : i32 to index
        %get3A_393 = arith.constant 112 : index
        %get3A_394 = tpu.vector_load %arg17[%get3A_392, %get3A_393] {strides = array<i32>} : memref<64x128xf32, #tpu.memory_space<vmem>>, vector<1x16xf32>,
        %get3A_395 = vector.shape_cast %get3A_394 : vector<1x16xf32> to vector<16xf32>
        %max3A_396 = arith.maximumf %get3A_395, %max3A_381 : vector<16xf32>
        %swap3A_397 = arith.index_cast %squeeze3A_49 : i32 to index
        %swap3A_398 = arith.constant 112 : index
        %swap3A_399 = tpu.vector_load %arg17[%swap3A_397, %swap3A_398] {strides = array<i32>} : memref<64x128xf32, #tpu.memory_space<vmem>>, vector<1x16xf32>,
        %swap3A_400 = vector.shape_cast %swap3A_399 : vector<1x16xf32> to vector<16xf32>
        %swap3A_401 = vector.shape_cast %max3A_396 : vector<16xf32> to vector<1x16xf32>
        tpu.vector_store %arg17[%swap3A_397, %swap3A_398], %swap3A_401 {strides = array<i32>} : memref<64x128xf32, #tpu.memory_space<vmem>>, vector<1x16xf32>,
        %scan3A_402 = arith.constant 0 : i32
        scf.yield %scan3A_402 : i32
      }
      %scan3A_39 = arith.constant 80 : i32
      %while3A_40 = arith.constant 0 : i32
      scf.yield %while3A_40 : i32
    }
    "tpu.region"() ({
      %run_scoped3A = tpu.sem_alloc : memref<!tpu.dma_semaphore, #tpu.memory_space<semaphore_mem>>
      %dma_start3A = arith.constant 0 : i32
      %dma_start3A_25 = arith.constant 0 : i32
      %dma_start3A_26 = tpu.memref_slice %arg7[%arg0, %arg1, %dma_start3A, %dma_start3A_25] : memref<2x16x64x128xf32, #tpu.memory_space<hbm>> -> memref<1x1x64x128xf32, #tpu.memory_space<hbm>>
      %dma_start3A_27 = tpu.memref_squeeze %dma_start3A_26 : memref<1x1x64x128xf32, #tpu.memory_space<hbm>> -> memref<64x128xf32, #tpu.memory_space<hbm>>
      %dma_start3A_28 = arith.constant 0 : i32
      %dma_start3A_29 = arith.constant 0 : i32
      %dma_start3A_30 = tpu.memref_slice %arg7[%arg0, %arg1, %dma_start3A_28, %dma_start3A_29] : memref<2x16x64x128xf32, #tpu.memory_space<hbm>> -> memref<1x1x64x128xf32, #tpu.memory_space<hbm>>
      %dma_start3A_31 = tpu.memref_squeeze %dma_start3A_30 : memref<1x1x64x128xf32, #tpu.memory_space<hbm>> -> memref<64x128xf32, #tpu.memory_space<hbm>>
      tpu.enqueue_dma source(%arg16 : memref<64x128xf32, #tpu.memory_space<vmem>>) target(%dma_start3A_31 : memref<64x128xf32, #tpu.memory_space<hbm>>) target_semaphore(%run_scoped3A : memref<!tpu.dma_semaphore, #tpu.memory_space<semaphore_mem>>)
      %dma_wait3A = arith.constant 0 : i32
      %dma_wait3A_32 = arith.constant 0 : i32
      %dma_wait3A_33 = tpu.memref_slice %arg7[%arg0, %arg1, %dma_wait3A, %dma_wait3A_32] : memref<2x16x64x128xf32, #tpu.memory_space<hbm>> -> memref<1x1x64x128xf32, #tpu.memory_space<hbm>>
      %dma_wait3A_34 = tpu.memref_squeeze %dma_wait3A_33 : memref<1x1x64x128xf32, #tpu.memory_space<hbm>> -> memref<64x128xf32, #tpu.memory_space<hbm>>
      %dma_wait3A_35 = arith.constant 0 : i32
      %dma_wait3A_36 = arith.constant 0 : i32
      %dma_wait3A_37 = tpu.memref_slice %arg7[%arg0, %arg1, %dma_wait3A_35, %dma_wait3A_36] : memref<2x16x64x128xf32, #tpu.memory_space<hbm>> -> memref<1x1x64x128xf32, #tpu.memory_space<hbm>>
      %dma_wait3A_38 = tpu.memref_squeeze %dma_wait3A_37 : memref<1x1x64x128xf32, #tpu.memory_space<hbm>> -> memref<64x128xf32, #tpu.memory_space<hbm>>
      tpu.wait_dma2 semaphore(%run_scoped3A : memref<!tpu.dma_semaphore, #tpu.memory_space<semaphore_mem>>) src(%arg16 : memref<64x128xf32, #tpu.memory_space<vmem>>) dst(%dma_wait3A_38 : memref<64x128xf32, #tpu.memory_space<hbm>>)
      tpu.yield
    }) : () -> ()
    "tpu.region"() ({
      %run_scoped3A = tpu.sem_alloc : memref<!tpu.dma_semaphore, #tpu.memory_space<semaphore_mem>>
      %dma_start3A = arith.constant 0 : i32
      %dma_start3A_25 = arith.constant 0 : i32
      %dma_start3A_26 = tpu.memref_slice %arg8[%arg0, %arg1, %dma_start3A, %dma_start3A_25] : memref<2x16x64x128xf32, #tpu.memory_space<hbm>> -> memref<1x1x64x128xf32, #tpu.memory_space<hbm>>
      %dma_start3A_27 = tpu.memref_squeeze %dma_start3A_26 : memref<1x1x64x128xf32, #tpu.memory_space<hbm>> -> memref<64x128xf32, #tpu.memory_space<hbm>>
      %dma_start3A_28 = arith.constant 0 : i32
      %dma_start3A_29 = arith.constant 0 : i32
      %dma_start3A_30 = tpu.memref_slice %arg8[%arg0, %arg1, %dma_start3A_28, %dma_start3A_29] : memref<2x16x64x128xf32, #tpu.memory_space<hbm>> -> memref<1x1x64x128xf32, #tpu.memory_space<hbm>>
      %dma_start3A_31 = tpu.memref_squeeze %dma_start3A_30 : memref<1x1x64x128xf32, #tpu.memory_space<hbm>> -> memref<64x128xf32, #tpu.memory_space<hbm>>
      tpu.enqueue_dma source(%arg17 : memref<64x128xf32, #tpu.memory_space<vmem>>) target(%dma_start3A_31 : memref<64x128xf32, #tpu.memory_space<hbm>>) target_semaphore(%run_scoped3A : memref<!tpu.dma_semaphore, #tpu.memory_space<semaphore_mem>>)
      %dma_wait3A = arith.constant 0 : i32
      %dma_wait3A_32 = arith.constant 0 : i32
      %dma_wait3A_33 = tpu.memref_slice %arg8[%arg0, %arg1, %dma_wait3A, %dma_wait3A_32] : memref<2x16x64x128xf32, #tpu.memory_space<hbm>> -> memref<1x1x64x128xf32, #tpu.memory_space<hbm>>
      %dma_wait3A_34 = tpu.memref_squeeze %dma_wait3A_33 : memref<1x1x64x128xf32, #tpu.memory_space<hbm>> -> memref<64x128xf32, #tpu.memory_space<hbm>>
      %dma_wait3A_35 = arith.constant 0 : i32
      %dma_wait3A_36 = arith.constant 0 : i32
      %dma_wait3A_37 = tpu.memref_slice %arg8[%arg0, %arg1, %dma_wait3A_35, %dma_wait3A_36] : memref<2x16x64x128xf32, #tpu.memory_space<hbm>> -> memref<1x1x64x128xf32, #tpu.memory_space<hbm>>
      %dma_wait3A_38 = tpu.memref_squeeze %dma_wait3A_37 : memref<1x1x64x128xf32, #tpu.memory_space<hbm>> -> memref<64x128xf32, #tpu.memory_space<hbm>>
      tpu.wait_dma2 semaphore(%run_scoped3A : memref<!tpu.dma_semaphore, #tpu.memory_space<semaphore_mem>>) src(%arg17 : memref<64x128xf32, #tpu.memory_space<vmem>>) dst(%dma_wait3A_38 : memref<64x128xf32, #tpu.memory_space<hbm>>)
      tpu.yield
    }) : () -> ()
    "tpu.region"() ({
      %run_scoped3A = tpu.sem_alloc : memref<!tpu.dma_semaphore, #tpu.memory_space<semaphore_mem>>
      %dma_start3A = arith.constant 0 : i32
      %dma_start3A_25 = arith.constant 0 : i32
      %dma_start3A_26 = tpu.memref_slice %arg9[%arg0, %arg1, %dma_start3A, %dma_start3A_25] : memref<2x16x64x128xf32, #tpu.memory_space<hbm>> -> memref<1x1x64x128xf32, #tpu.memory_space<hbm>>
      %dma_start3A_27 = tpu.memref_squeeze %dma_start3A_26 : memref<1x1x64x128xf32, #tpu.memory_space<hbm>> -> memref<64x128xf32, #tpu.memory_space<hbm>>
      %dma_start3A_28 = arith.constant 0 : i32
      %dma_start3A_29 = arith.constant 0 : i32
      %dma_start3A_30 = tpu.memref_slice %arg9[%arg0, %arg1, %dma_start3A_28, %dma_start3A_29] : memref<2x16x64x128xf32, #tpu.memory_space<hbm>> -> memref<1x1x64x128xf32, #tpu.memory_space<hbm>>
      %dma_start3A_31 = tpu.memref_squeeze %dma_start3A_30 : memref<1x1x64x128xf32, #tpu.memory_space<hbm>> -> memref<64x128xf32, #tpu.memory_space<hbm>>
      tpu.enqueue_dma source(%arg18 : memref<64x128xf32, #tpu.memory_space<vmem>>) target(%dma_start3A_31 : memref<64x128xf32, #tpu.memory_space<hbm>>) target_semaphore(%run_scoped3A : memref<!tpu.dma_semaphore, #tpu.memory_space<semaphore_mem>>)
      %dma_wait3A = arith.constant 0 : i32
      %dma_wait3A_32 = arith.constant 0 : i32
      %dma_wait3A_33 = tpu.memref_slice %arg9[%arg0, %arg1, %dma_wait3A, %dma_wait3A_32] : memref<2x16x64x128xf32, #tpu.memory_space<hbm>> -> memref<1x1x64x128xf32, #tpu.memory_space<hbm>>
      %dma_wait3A_34 = tpu.memref_squeeze %dma_wait3A_33 : memref<1x1x64x128xf32, #tpu.memory_space<hbm>> -> memref<64x128xf32, #tpu.memory_space<hbm>>
      %dma_wait3A_35 = arith.constant 0 : i32
      %dma_wait3A_36 = arith.constant 0 : i32
      %dma_wait3A_37 = tpu.memref_slice %arg9[%arg0, %arg1, %dma_wait3A_35, %dma_wait3A_36] : memref<2x16x64x128xf32, #tpu.memory_space<hbm>> -> memref<1x1x64x128xf32, #tpu.memory_space<hbm>>
      %dma_wait3A_38 = tpu.memref_squeeze %dma_wait3A_37 : memref<1x1x64x128xf32, #tpu.memory_space<hbm>> -> memref<64x128xf32, #tpu.memory_space<hbm>>
      tpu.wait_dma2 semaphore(%run_scoped3A : memref<!tpu.dma_semaphore, #tpu.memory_space<semaphore_mem>>) src(%arg18 : memref<64x128xf32, #tpu.memory_space<vmem>>) dst(%dma_wait3A_38 : memref<64x128xf32, #tpu.memory_space<hbm>>)
      tpu.yield
    }) : () -> ()
    return
  }
}

module attributes {stable_mosaic.version = 14 : i64} {
  func.func @_tc0_body(%arg0: i32, %arg1: memref<2x2000x128xf32, #tpu.memory_space<vmem>>, %arg2: memref<2000x128xf32, #tpu.memory_space<vmem>>, %arg3: memref<128x128xf32, #tpu.memory_space<vmem>>, %arg4: memref<2000x128xf32, #tpu.memory_space<vmem>>, %arg5: memref<2000x1xf32, #tpu.memory_space<vmem>>) attributes {dimension_semantics = [#tpu.dimension_semantics<arbitrary>], iteration_bounds = array<i64: 5>, scalar_prefetch = 0 : i64, scratch_operands = 0 : i64, tpu.core_type = #tpu.core_type<tc>, window_params = [{transform_indices = @transform_0, window_bounds = array<i64: 2, 2000, 128>}, {transform_indices = @transform_1, window_bounds = array<i64: 2000, 128>}, {pipeline_mode = #tpu.pipeline_mode<synchronous>, transform_indices = @transform_2, window_bounds = array<i64: 128, 128>}, {transform_indices = @transform_3, window_bounds = array<i64: 2000, 128>}, {transform_indices = @transform_4, window_bounds = array<i64: 2000, 1>}]} {
    %get3A = arith.constant 0 : index
    %get3A_0 = arith.constant 0 : index
    %get3A_1 = arith.constant 0 : index
    %get3A_2 = vector.load %arg1[%get3A, %get3A_0, %get3A_1] : memref<2x2000x128xf32, #tpu.memory_space<vmem>>, vector<2x2000x128xf32>
    %slice3A = vector.extract_strided_slice %get3A_2 {offsets = [0, 0, 0], sizes = [1, 2000, 128], strides = [1, 1, 1]} : vector<2x2000x128xf32> to vector<1x2000x128xf32>
    %squeeze3A = vector.shape_cast %slice3A : vector<1x2000x128xf32> to vector<2000x128xf32>
    %reduce_max3A = arith.constant dense<0xFF800000> : vector<2000xf32>
    %reduce_max3A_3 = vector.multi_reduction <maximumf>, %squeeze3A, %reduce_max3A [1] : vector<2000x128xf32> to vector<2000xf32>
    %broadcast_in_dim3A = vector.shape_cast %reduce_max3A_3 : vector<2000xf32> to vector<2000x1xf32>
    %slice3A_4 = vector.extract_strided_slice %get3A_2 {offsets = [1, 0, 0], sizes = [1, 2000, 128], strides = [1, 1, 1]} : vector<2x2000x128xf32> to vector<1x2000x128xf32>
    %squeeze3A_5 = vector.shape_cast %slice3A_4 : vector<1x2000x128xf32> to vector<2000x128xf32>
    %reduce_max3A_6 = arith.constant dense<0xFF800000> : vector<2000xf32>
    %reduce_max3A_7 = vector.multi_reduction <maximumf>, %squeeze3A_5, %reduce_max3A_6 [1] : vector<2000x128xf32> to vector<2000xf32>
    %broadcast_in_dim3A_8 = vector.shape_cast %reduce_max3A_7 : vector<2000xf32> to vector<2000x1xf32>
    %add3A = arith.addf %broadcast_in_dim3A, %broadcast_in_dim3A_8 : vector<2000x1xf32>
    %add3A_9 = arith.constant 1.000000e+00 : f32
    %add3A_10 = vector.broadcast %add3A_9 : f32 to vector<2000x1xf32>
    %add3A_11 = arith.addf %add3A, %add3A_10 : vector<2000x1xf32>
    %rsqrt3A = math.rsqrt %add3A_11 : vector<2000x1xf32>
    %get3A_12 = arith.constant 0 : index
    %get3A_13 = arith.constant 0 : index
    %get3A_14 = vector.load %arg2[%get3A_12, %get3A_13] : memref<2000x128xf32, #tpu.memory_space<vmem>>, vector<2000x128xf32>
    %get3A_15 = arith.constant 0 : index
    %get3A_16 = arith.constant 0 : index
    %get3A_17 = vector.load %arg3[%get3A_15, %get3A_16] : memref<128x128xf32, #tpu.memory_space<vmem>>, vector<128x128xf32>
    %dot_general3A = arith.constant dense<0.000000e+00> : vector<2000x128xf32>
    %dot_general3A_18 = tpu.matmul %get3A_14, %get3A_17, %dot_general3A {dimension_numbers = #tpu.dot_dimension_numbers<[1], [0], [0], [1], [0, 0, 1, 1], [], []>, transpose_lhs_hint = false} : vector<2000x128xf32>, vector<128x128xf32>, vector<2000x128xf32> -> vector<2000x128xf32>
    %mul3A = vector.broadcast %rsqrt3A : vector<2000x1xf32> to vector<2000x128xf32>
    %mul3A_19 = arith.mulf %dot_general3A_18, %mul3A : vector<2000x128xf32>
    %swap3A = arith.constant 0 : index
    %swap3A_20 = arith.constant 0 : index
    %swap3A_21 = vector.load %arg4[%swap3A, %swap3A_20] : memref<2000x128xf32, #tpu.memory_space<vmem>>, vector<2000x128xf32>
    tpu.vector_store %arg4[%swap3A, %swap3A_20], %mul3A_19 {strides = array<i32>} : memref<2000x128xf32, #tpu.memory_space<vmem>>, vector<2000x128xf32>,
    %swap3A_22 = arith.constant 0 : index
    %swap3A_23 = arith.constant 0 : index
    %swap3A_24 = vector.load %arg5[%swap3A_22, %swap3A_23] : memref<2000x1xf32, #tpu.memory_space<vmem>>, vector<2000x1xf32>
    tpu.vector_store %arg5[%swap3A_22, %swap3A_23], %rsqrt3A {strides = array<i32>} : memref<2000x1xf32, #tpu.memory_space<vmem>>, vector<2000x1xf32>,
    return
  }
  func.func @transform_0(%arg0: i32) -> (i32, i32, i32) {
    %c0_i32 = arith.constant 0 : i32
    %c0_i32_0 = arith.constant 0 : i32
    %c0_i32_1 = arith.constant 0 : i32
    return %c0_i32, %arg0, %c0_i32_0 : i32, i32, i32
  }
  func.func @transform_1(%arg0: i32) -> (i32, i32) {
    %c0_i32 = arith.constant 0 : i32
    %c0_i32_0 = arith.constant 0 : i32
    return %arg0, %c0_i32 : i32, i32
  }
  func.func @transform_2(%arg0: i32) -> (i32, i32) {
    %c0_i32 = arith.constant 0 : i32
    %c0_i32_0 = arith.constant 0 : i32
    %c0_i32_1 = arith.constant 0 : i32
    return %c0_i32, %c0_i32_0 : i32, i32
  }
  func.func @transform_3(%arg0: i32) -> (i32, i32) {
    %c0_i32 = arith.constant 0 : i32
    %c0_i32_0 = arith.constant 0 : i32
    return %arg0, %c0_i32 : i32, i32
  }
  func.func @transform_4(%arg0: i32) -> (i32, i32) {
    %c0_i32 = arith.constant 0 : i32
    %c0_i32_0 = arith.constant 0 : i32
    return %arg0, %c0_i32 : i32, i32
  }
}

module attributes {stable_mosaic.version = 14 : i64} {
  func.func @_tcmid_body(%arg0: i32, %arg1: memref<2x2000x128xf32, #tpu.memory_space<vmem>>, %arg2: memref<2000x128xf32, #tpu.memory_space<vmem>>, %arg3: memref<2000x1xf32, #tpu.memory_space<vmem>>, %arg4: memref<1x128xf32, #tpu.memory_space<vmem>>, %arg5: memref<128x128xf32, #tpu.memory_space<vmem>>, %arg6: memref<2000x128xf32, #tpu.memory_space<vmem>>) attributes {dimension_semantics = [#tpu.dimension_semantics<arbitrary>], iteration_bounds = array<i64: 5>, scalar_prefetch = 0 : i64, scratch_operands = 0 : i64, tpu.core_type = #tpu.core_type<tc>, window_params = [{transform_indices = @transform_0, window_bounds = array<i64: 2, 2000, 128>}, {transform_indices = @transform_1, window_bounds = array<i64: 2000, 128>}, {transform_indices = @transform_2, window_bounds = array<i64: 2000, 1>}, {pipeline_mode = #tpu.pipeline_mode<synchronous>, transform_indices = @transform_3, window_bounds = array<i64: 1, 128>}, {pipeline_mode = #tpu.pipeline_mode<synchronous>, transform_indices = @transform_4, window_bounds = array<i64: 128, 128>}, {transform_indices = @transform_5, window_bounds = array<i64: 2000, 128>}]} {
    %get3A = arith.constant 0 : index
    %get3A_0 = arith.constant 0 : index
    %get3A_1 = arith.constant 0 : index
    %get3A_2 = vector.load %arg1[%get3A, %get3A_0, %get3A_1] : memref<2x2000x128xf32, #tpu.memory_space<vmem>>, vector<2x2000x128xf32>
    %get3A_3 = arith.constant 0 : index
    %get3A_4 = arith.constant 0 : index
    %get3A_5 = vector.load %arg3[%get3A_3, %get3A_4] : memref<2000x1xf32, #tpu.memory_space<vmem>>, vector<2000x1xf32>
    %slice3A = vector.extract_strided_slice %get3A_2 {offsets = [0, 0, 0], sizes = [1, 2000, 128], strides = [1, 1, 1]} : vector<2x2000x128xf32> to vector<1x2000x128xf32>
    %squeeze3A = vector.shape_cast %slice3A : vector<1x2000x128xf32> to vector<2000x128xf32>
    %slice3A_6 = vector.extract_strided_slice %get3A_2 {offsets = [1, 0, 0], sizes = [1, 2000, 128], strides = [1, 1, 1]} : vector<2x2000x128xf32> to vector<1x2000x128xf32>
    %squeeze3A_7 = vector.shape_cast %slice3A_6 : vector<1x2000x128xf32> to vector<2000x128xf32>
    %add3A = arith.addf %squeeze3A, %squeeze3A_7 : vector<2000x128xf32>
    %get3A_8 = arith.constant 0 : index
    %get3A_9 = arith.constant 0 : index
    %get3A_10 = vector.load %arg2[%get3A_8, %get3A_9] : memref<2000x128xf32, #tpu.memory_space<vmem>>, vector<2000x128xf32>
    %add3A_11 = arith.addf %add3A, %get3A_10 : vector<2000x128xf32>
    %mul3A = vector.broadcast %get3A_5 : vector<2000x1xf32> to vector<2000x128xf32>
    %mul3A_12 = arith.mulf %add3A_11, %mul3A : vector<2000x128xf32>
    %get3A_13 = arith.constant 0 : index
    %get3A_14 = arith.constant 0 : index
    %get3A_15 = vector.load %arg4[%get3A_13, %get3A_14] : memref<1x128xf32, #tpu.memory_space<vmem>>, vector<1x128xf32>
    %add3A_16 = vector.broadcast %get3A_15 : vector<1x128xf32> to vector<2000x128xf32>
    %add3A_17 = arith.addf %mul3A_12, %add3A_16 : vector<2000x128xf32>
    %max3A = arith.constant 0.000000e+00 : f32
    %max3A_18 = vector.broadcast %max3A : f32 to vector<2000x128xf32>
    %max3A_19 = arith.maximumf %add3A_17, %max3A_18 : vector<2000x128xf32>
    %get3A_20 = arith.constant 0 : index
    %get3A_21 = arith.constant 0 : index
    %get3A_22 = vector.load %arg5[%get3A_20, %get3A_21] : memref<128x128xf32, #tpu.memory_space<vmem>>, vector<128x128xf32>
    %dot_general3A = arith.constant dense<0.000000e+00> : vector<2000x128xf32>
    %dot_general3A_23 = tpu.matmul %max3A_19, %get3A_22, %dot_general3A {dimension_numbers = #tpu.dot_dimension_numbers<[1], [0], [0], [1], [0, 0, 1, 1], [], []>, transpose_lhs_hint = false} : vector<2000x128xf32>, vector<128x128xf32>, vector<2000x128xf32> -> vector<2000x128xf32>
    %mul3A_24 = vector.broadcast %get3A_5 : vector<2000x1xf32> to vector<2000x128xf32>
    %mul3A_25 = arith.mulf %dot_general3A_23, %mul3A_24 : vector<2000x128xf32>
    %swap3A = arith.constant 0 : index
    %swap3A_26 = arith.constant 0 : index
    %swap3A_27 = vector.load %arg6[%swap3A, %swap3A_26] : memref<2000x128xf32, #tpu.memory_space<vmem>>, vector<2000x128xf32>
    tpu.vector_store %arg6[%swap3A, %swap3A_26], %mul3A_25 {strides = array<i32>} : memref<2000x128xf32, #tpu.memory_space<vmem>>, vector<2000x128xf32>,
    return
  }
  func.func @transform_0(%arg0: i32) -> (i32, i32, i32) {
    %c0_i32 = arith.constant 0 : i32
    %c0_i32_0 = arith.constant 0 : i32
    %c0_i32_1 = arith.constant 0 : i32
    return %c0_i32, %arg0, %c0_i32_0 : i32, i32, i32
  }
  func.func @transform_1(%arg0: i32) -> (i32, i32) {
    %c0_i32 = arith.constant 0 : i32
    %c0_i32_0 = arith.constant 0 : i32
    return %arg0, %c0_i32 : i32, i32
  }
  func.func @transform_2(%arg0: i32) -> (i32, i32) {
    %c0_i32 = arith.constant 0 : i32
    %c0_i32_0 = arith.constant 0 : i32
    return %arg0, %c0_i32 : i32, i32
  }
  func.func @transform_3(%arg0: i32) -> (i32, i32) {
    %c0_i32 = arith.constant 0 : i32
    %c0_i32_0 = arith.constant 0 : i32
    %c0_i32_1 = arith.constant 0 : i32
    return %c0_i32, %c0_i32_0 : i32, i32
  }
  func.func @transform_4(%arg0: i32) -> (i32, i32) {
    %c0_i32 = arith.constant 0 : i32
    %c0_i32_0 = arith.constant 0 : i32
    %c0_i32_1 = arith.constant 0 : i32
    return %c0_i32, %c0_i32_0 : i32, i32
  }
  func.func @transform_5(%arg0: i32) -> (i32, i32) {
    %c0_i32 = arith.constant 0 : i32
    %c0_i32_0 = arith.constant 0 : i32
    return %arg0, %c0_i32 : i32, i32
  }
}

module attributes {stable_mosaic.version = 14 : i64} {
  func.func @_final_body(%arg0: memref<2x16x64x128xf32, #tpu.memory_space<vmem>>, %arg1: memref<2x16x64x128xf32, #tpu.memory_space<vmem>>, %arg2: memref<2x16x64x128xf32, #tpu.memory_space<vmem>>, %arg3: memref<256x32xf32, #tpu.memory_space<vmem>>, %arg4: memref<1x32xf32, #tpu.memory_space<vmem>>, %arg5: memref<64x32xf32, #tpu.memory_space<vmem>>, %arg6: memref<64x256xf32, #tpu.memory_space<vmem>>) attributes {dimension_semantics = [], scalar_prefetch = 0 : i64, scratch_operands = 0 : i64, tpu.core_type = #tpu.core_type<tc>} {
    %get3A = arith.constant 0 : index
    %get3A_0 = arith.constant 0 : index
    %get3A_1 = arith.constant 0 : index
    %get3A_2 = arith.constant 0 : index
    %get3A_3 = vector.load %arg0[%get3A, %get3A_0, %get3A_1, %get3A_2] : memref<2x16x64x128xf32, #tpu.memory_space<vmem>>, vector<2x16x64x128xf32>
    %reduce_sum3A = arith.constant dense<0.000000e+00> : vector<64x128xf32>
    %reduce_sum3A_4 = vector.multi_reduction <add>, %get3A_3, %reduce_sum3A [0, 1] : vector<2x16x64x128xf32> to vector<64x128xf32>
    %get3A_5 = arith.constant 0 : index
    %get3A_6 = arith.constant 0 : index
    %get3A_7 = arith.constant 0 : index
    %get3A_8 = arith.constant 0 : index
    %get3A_9 = vector.load %arg1[%get3A_5, %get3A_6, %get3A_7, %get3A_8] : memref<2x16x64x128xf32, #tpu.memory_space<vmem>>, vector<2x16x64x128xf32>
    %reduce_max3A = arith.constant dense<0xFF800000> : vector<64x128xf32>
    %reduce_max3A_10 = vector.multi_reduction <maximumf>, %get3A_9, %reduce_max3A [0, 1] : vector<2x16x64x128xf32> to vector<64x128xf32>
    %get3A_11 = arith.constant 0 : index
    %get3A_12 = arith.constant 0 : index
    %get3A_13 = arith.constant 0 : index
    %get3A_14 = arith.constant 0 : index
    %get3A_15 = vector.load %arg2[%get3A_11, %get3A_12, %get3A_13, %get3A_14] : memref<2x16x64x128xf32, #tpu.memory_space<vmem>>, vector<2x16x64x128xf32>
    %reduce_sum3A_16 = arith.constant dense<0.000000e+00> : vector<64xf32>
    %reduce_sum3A_17 = vector.multi_reduction <add>, %get3A_15, %reduce_sum3A_16 [0, 1, 3] : vector<2x16x64x128xf32> to vector<64xf32>
    %div3A = arith.constant 1.600000e+01 : f32
    %div3A_18 = vector.broadcast %div3A : f32 to vector<64xf32>
    %div3A_19 = arith.divf %reduce_sum3A_17, %div3A_18 : vector<64xf32>
    %max3A = arith.constant 1.000000e+00 : f32
    %max3A_20 = vector.broadcast %max3A : f32 to vector<64xf32>
    %max3A_21 = arith.maximumf %div3A_19, %max3A_20 : vector<64xf32>
    %broadcast_in_dim3A = vector.shape_cast %max3A_21 : vector<64xf32> to vector<64x1xf32>
    %div3A_22 = arith.constant 1.000000e+00 : f32
    %div3A_23 = vector.broadcast %div3A_22 : f32 to vector<64x1xf32>
    %div3A_24 = arith.divf %div3A_23, %broadcast_in_dim3A : vector<64x1xf32>
    %mul3A = vector.broadcast %div3A_24 : vector<64x1xf32> to vector<64x128xf32>
    %mul3A_25 = arith.mulf %reduce_sum3A_4, %mul3A : vector<64x128xf32>
    %concatenate3A = tpu.concatenate %mul3A_25, %reduce_max3A_10 in 1 : vector<64x128xf32>, vector<64x128xf32> -> vector<64x256xf32>
    %get3A_26 = arith.constant 0 : index
    %get3A_27 = arith.constant 0 : index
    %get3A_28 = vector.load %arg3[%get3A_26, %get3A_27] : memref<256x32xf32, #tpu.memory_space<vmem>>, vector<256x32xf32>
    %dot_general3A = arith.constant dense<0.000000e+00> : vector<64x32xf32>
    %dot_general3A_29 = tpu.matmul %concatenate3A, %get3A_28, %dot_general3A {dimension_numbers = #tpu.dot_dimension_numbers<[1], [0], [0], [1], [0, 0, 1, 1], [], []>, transpose_lhs_hint = false} : vector<64x256xf32>, vector<256x32xf32>, vector<64x32xf32> -> vector<64x32xf32>
    %get3A_30 = arith.constant 0 : index
    %get3A_31 = arith.constant 0 : index
    %get3A_32 = vector.load %arg4[%get3A_30, %get3A_31] : memref<1x32xf32, #tpu.memory_space<vmem>>, vector<1x32xf32>
    %add3A = vector.broadcast %get3A_32 : vector<1x32xf32> to vector<64x32xf32>
    %add3A_33 = arith.addf %dot_general3A_29, %add3A : vector<64x32xf32>
    %swap3A = arith.constant 0 : index
    %swap3A_34 = arith.constant 0 : index
    %swap3A_35 = vector.load %arg5[%swap3A, %swap3A_34] : memref<64x32xf32, #tpu.memory_space<vmem>>, vector<64x32xf32>
    tpu.vector_store %arg5[%swap3A, %swap3A_34], %add3A_33 {strides = array<i32>} : memref<64x32xf32, #tpu.memory_space<vmem>>, vector<64x32xf32>,
    %swap3A_36 = arith.constant 0 : index
    %swap3A_37 = arith.constant 0 : index
    %swap3A_38 = vector.load %arg6[%swap3A_36, %swap3A_37] : memref<64x256xf32, #tpu.memory_space<vmem>>, vector<64x256xf32>
    tpu.vector_store %arg6[%swap3A_36, %swap3A_37], %concatenate3A {strides = array<i32>} : memref<64x256xf32, #tpu.memory_space<vmem>>, vector<64x256xf32>,
    return
  }
}

</mosaic_0001>

<sc_bundles>
// kernel: kernel.11.cloned.1.call-start
scs
__scs_entry_jumppad:
0x0: {  	(pc) =	sbr.rel $0x88, $3  }
0x1: {  	(tag) =	ssettag $0x0;
	lr =	simm.s32 $0x1  }
0x2: {  	[smem:$0x3F96] =	sst lr;
	_ =	strace $0xD0000000  }
0x3: {  	_ = 	snop  }
0x4: {  	_ = 	snop  }
0x5: {  	_ = 	snop  }
0x6: {  	_ = 	snop  }
0x7: {  	_ = 	snop  }
__scs_overlays_trampoline_lowered:
0x8: {  	[smem:$0x3FA5] =	sst s0  }
0x9: {  	[smem:$0x3FA6] =	sst s1  }
0xa: {  	[smem:$0x3FA7] =	sst s2  }
0xb: {  	[smem:$0x3FA8] =	sst s3  }
0xc: {  	[smem:$0x3FA9] =	sst s4  }
0xd: {  	[smem:$0x3FAA] =	sst s5  }
0xe: {  	[smem:$0x3FAB] =	sst s6  }
0xf: {  	[smem:$0x3FAC] =	sst s7  }
0x10: {  	[smem:$0x3FAD] =	sst s8  }
0x11: {  	[smem:$0x3FAE] =	sst s9;
	s0 =	simm.s32 @!p0 $0x0  }
0x12: {  	s1 =	sld [smem:$0x3F94];
	s0 =	simm.s32 @p0 $0x1  }
0x13: {  	[smem:$0x3FAF] =	sst s0;
	s0 =	simm.s32 @!p1 $0x0  }
0x14: {  	s2 =	sld [smem:$0x3F93];
	s0 =	simm.s32 @p1 $0x1  }
0x15: {  	[smem:$0x3FB0] =	sst s0;
	s0 =	simm.s32 @!p2 $0x0  }
0x16: {  	s3 =	sld [smem:$0x3FDB];
	s0 =	simm.s32 @p2 $0x1  }
0x17: {  	s4 =	simm.s32 $0x1BF5;
	[smem:$0x3FB2] =	sst s0  }
0x18: {  	s0 =	sld [smem:$0x3F95];
	_ =	swait.ge [sflag:s4], $0x0  }
0x19: {  	s7 =	sld [smem:$0x3F96]  }
0x1a: {  	s8 =	sadd.s32 $0xFFFFE003, lr  }
0x1b: {  	s9 =	sadd.s32 $0xFFFFFEF7, lr;
	s5 =	simm.s32 $0xFFFFFFFF;
	p2 =	slt.u32 s8, $0xFFFFF086  }
0x1c: {  	p1 =	slt.u32 s9, $0xF7A;
	s5 =	simm.s32 @!p2 $0x0  }
0x1d: {  	s5 =	simm.s32 @p1 $0x1;
	p0 =	seq.s32 s7, s2  }
0x1e: {  	s7 =	smul.u32 @!p0 $0xF7A, s2;
	p2 =	seq.s32 @!p0 s5, $0x0  }
0x1f: {  	s9 =	smul.u32 $0xF7A, s1;
	s8 =	simm.s32 @!p0 $0x1BF5;
	p2 =	por !p2, p0  }
0x20: {  	[sflag:s8] =	ssyncset.s32 @!p0 $0xFFFFF086;
	s6 =	sadd.s32 @!p0 s3, s7;
	s7 =	simm.s32 @!p0 $0x108  }
0x21: {  	s3 =	sadd.s32 s3, s9;
	s6 =	sadd.s32 @!p0 $0x88, s6;
	s7 =	simm.s32 @p2 $0x1082  }
0x22: {  	[simem:s7], [sflag:s8] =	dma.local @!p0 [hbm:s6], $0xF7A  }
0x23: {  	s9 =	sor.u32 $0xD0000000, s2;
	s6 =	simm.s32 $0x108;
	_ =	swait.ge @!p0 [sflag:s8], $0x0  }
0x24: {  	s3 =	sadd.s32 $0x88, s3;
	s6 =	simm.s32 @!p1 $0x1082;
	[sflag:s4] =	ssyncset.s32 $0xFFFFF086  }
0x25: {  	[simem:s6], [sflag:s4] =	dma.local [hbm:s3], $0xF7A  }
0x26: {  	[smem:$0x3F96] =	sst s1;
	(tag) =	ssettag s2;
	_ =	strace s9  }
0x27: {  	s1 =	sld [smem:$0x3FA6]  }
0x28: {  	s2 =	sld [smem:$0x3FA7]  }
0x29: {  	s4 =	sld [smem:$0x3FA9]  }
0x2a: {  	p0 =	seq.s32 s5, $0x0;
	s5 =	sld [smem:$0x3FAA]  }
0x2b: {  	s6 =	sld [smem:$0x3FAB]  }
0x2c: {  	s7 =	sld [smem:$0x3FAC]  }
0x2d: {  	s3 =	simm.s32 $0x108;
	s8 =	sld [smem:$0x3FAD]  }
0x2e: {  	s3 =	simm.s32 @!p0 $0x1082;
	s9 =	sld [smem:$0x3FAE]  }
0x2f: {  	lr =	sadd.s32 s0, s3;
	s0 =	sld [smem:$0x3FA5]  }
0x30: {  	s3 =	sld [smem:$0x3FA8]  }
0x31: {  	[smem:$0x3FB1] =	sst s10  }
0x32: {  	s10 =	sld [smem:$0x3FAF];
	_ =	sdelay $0x3  }
0x33: {  	p0 =	seq.s32 s10, $0x1;
	s10 =	sld [smem:$0x3FB1];
	_ =	sdelay $0x3  }
0x34: {  	[smem:$0x3FB1] =	sst s10  }
0x35: {  	s10 =	sld [smem:$0x3FB0];
	_ =	sdelay $0x3  }
0x36: {  	p1 =	seq.s32 s10, $0x1;
	s10 =	sld [smem:$0x3FB1];
	_ =	sdelay $0x3  }
0x37: {  	[smem:$0x3FB1] =	sst s10  }
0x38: {  	s10 =	sld [smem:$0x3FB2]  }
0x39: {  	_ = 	snop;
	(pc) =	sbr.ind lr, $3  }
0x3a: {  	_ = 	snop  }
0x3b: {  	_ = 	snop  }
0x3c: {  	p2 =	seq.s32 s10, $0x1;
	s10 =	sld [smem:$0x3FB1]  }
0x3d: {  	_ =	shalt  }
0x3e: {  	_ =	shalt  }
0x3f: {  	_ =	shalt  }
0x40: {  	_ =	shalt  }
0x41: {  	_ =	shalt  }
0x42: {  	_ =	shalt  }
0x43: {  	_ =	shalt  }
0x44: {  	_ =	shalt  }
0x45: {  	_ =	shalt  }
0x46: {  	_ =	shalt  }
0x47: {  	_ =	shalt  }
0x48: {  	_ =	shalt  }
0x49: {  	_ =	shalt  }
0x4a: {  	_ =	shalt  }
0x4b: {  	_ =	shalt  }
0x4c: {  	_ =	shalt  }
0x4d: {  	_ =	shalt  }
0x4e: {  	_ =	shalt  }
0x4f: {  	_ =	shalt  }
0x50: {  	_ =	shalt  }
0x51: {  	_ =	shalt  }
0x52: {  	_ =	shalt  }
0x53: {  	_ =	shalt  }
0x54: {  	_ =	shalt  }
0x55: {  	_ =	shalt  }
0x56: {  	_ =	shalt  }
0x57: {  	_ =	shalt  }
0x58: {  	_ =	shalt  }
0x59: {  	_ =	shalt  }
0x5a: {  	_ =	shalt  }
0x5b: {  	_ =	shalt  }
0x5c: {  	_ =	shalt  }
0x5d: {  	_ =	shalt  }
0x5e: {  	_ =	shalt  }
0x5f: {  	_ =	shalt  }
0x60: {  	_ =	shalt  }
0x61: {  	_ =	shalt  }
0x62: {  	_ =	shalt  }
0x63: {  	_ =	shalt  }
0x64: {  	_ =	shalt  }
0x65: {  	_ =	shalt  }
0x66: {  	_ =	shalt  }
0x67: {  	_ =	shalt  }
0x68: {  	_ =	shalt  }
0x69: {  	_ =	shalt  }
0x6a: {  	_ =	shalt  }
0x6b: {  	_ =	shalt  }
0x6c: {  	_ =	shalt  }
0x6d: {  	_ =	shalt  }
0x6e: {  	_ =	shalt  }
0x6f: {  	_ =	shalt  }
0x70: {  	_ =	shalt  }
0x71: {  	_ =	shalt  }
0x72: {  	_ =	shalt  }
0x73: {  	_ =	shalt  }
0x74: {  	_ =	shalt  }
0x75: {  	_ =	shalt  }
0x76: {  	_ =	shalt  }
0x77: {  	_ =	shalt  }
0x78: {  	_ =	shalt  }
0x79: {  	_ =	shalt  }
0x7a: {  	_ =	shalt  }
0x7b: {  	_ =	shalt  }
0x7c: {  	_ =	shalt  }
0x7d: {  	_ =	shalt  }
0x7e: {  	_ =	shalt  }
0x7f: {  	_ =	shalt  }
0x80: {  	_ =	shalt  }
0x81: {  	_ =	shalt  }
0x82: {  	_ =	shalt  }
0x83: {  	_ =	shalt  }
0x84: {  	_ =	shalt  }
0x85: {  	_ =	shalt  }
0x86: {  	_ =	shalt  }
0x87: {  	_ =	shalt  }
.Lfunc_end0:
.L_simem_size_0:
called_computation_lowered:
.L_overlay_start_0:
0x88: {  	s2 =	sld [smem:$0x3FD9]  }
0x89: {  	s3 =	sld [smem:$0x3FFE];
	_ =	sdelay $0x1  }
0x8a: {  	s1 =	srdreg.scid  }
0x8b: {  	s0 =	sand.u32 $0x1, s1  }
0x8c: {  	s16 =	sshll.u32 s0, $0xA;
	s2 =	sadd.s32 s3, s2  }
0x8d: {  	s2 =	sadd.s32 s2, s16  }
0x8e: {  	[smem:$0x3FBD] =	sst s2  }
0x8f: {  	_ = 	snop  }
0x90: {  	(tm) =	ssettm $0x1  }
0x91: {  	s17 =	sld [smem:$0x3FFB];
	_ =	sdelay $0x3  }
0x92: {  	_ =	strace s17  }
0x93: {  	s2 =	sld [smem:$0x3FFC];
	_ =	sdelay $0x3  }
0x94: {  	_ =	strace s2  }
0x95: {  	s2 =	sld [smem:$0x3FFD];
	_ =	sdelay $0x3  }
0x96: {  	_ =	strace s2  }
0x97: {  	_ =	strace $0x8FFFFFFF  }
0x98: {  	s18 =	sld [smem:$0x3FDB];
	_ =	sdelay $0x1  }
0x99: {  	s19 =	simm.s32 $_scs_section_size  }
0x9a: {  	s4 =	simm.s32 $_size__tile_overlayer_lowered;
	s5 =	simm.s32 $_tile_overlayer_lowered  }
0x9b: {  	s22 =	simm.s32 $0x1BFF;
	s21 =	sshll.u32 s5, $0x1;
	s2 =	sadd.s32 s19, s18  }
0x9c: {  	s6 =	simm.s32 $0x0;
	s20 =	sshll.u32 s4, $0x1;
	s4 =	sadd.s32 s21, s2  }
0x9d: {  	[timem:s6], [sflag:s22] =	dma.local [hbm:s4], s20  }
0x9e: {  	_ =	swait.ge [sflag:s22], s20  }
0x9f: {  	s3 =	ssub.s32 $0x0, s20;
	[sflag:s22] =	ssyncset.done $0x0  }
0xa0: {  	[sflag:s22] =	ssyncadd.s32 s3;
	_ =	sdelay $0x1  }
0xa1: {  	s23 =	simm.s32 $0x1B8B  }
0xa2: {  	_ =	swait.ge [sflag:s23], $0x1  }
0xa3: {  	[sflag:s23] =	ssyncset.done $0x0  }
0xa4: {  	s25 =	simm.s32 $0x1B8E;
	s24 =	sld [smem:$0x3FFE];
	[sflag:s23] =	ssyncadd.s32 $0xFFFFFFFF  }
0xa5: {  	s26 =	simm.s32 $execute0_lowered;
	[smem:$0x3FD2] =	sst s25  }
0xa6: {  	s4 =	sshll.u32 s26, $0x1;
	_ =	strace $0x80000046;
	[dreg:$0x1] =	wrdreg $0xFFFFFFFF  }
0xa7: {  	s28 =	simm.s32 $_size_execute0_lowered;
	s2 =	sadd.s32 s2, s4;
	[dreg:$0x0] =	wrdreg $0x0  }
0xa8: {  	s4 =	sshll.u32 s28, $0x1;
	[dreg:$0x2] =	wrdreg s2  }
0xa9: {  	[dreg:$0x3] =	wrdreg s4  }
0xaa: {  	[dreg:$0x4] =	wrdreg $0xC0  }
0xab: {  	_ =	task [dreg:s6], $0x5FFFF  }
0xac: {  	[dreg:$0x1] =	wrdreg $0xFFFFFFFF  }
0xad: {  	[dreg:$0x0] =	wrdreg $0x60  }
0xae: {  	[dreg:$0x2] =	wrdreg s24  }
0xaf: {  	[dreg:$0x3] =	wrdreg $0x68000  }
0xb0: {  	[dreg:$0x4] =	wrdreg $0x9  }
0xb1: {  	_ =	task.clear_ibuf [dreg:s6], $0x5FFFF;
	_ =	strace $0x90000046  }
0xb2: {  	s29 =	simm.s32 $0x9;
	_ =	strace $0x80000048  }
0xb3: {  	_ =	swait.ge [sflag:s29], $0x1  }
0xb4: {  	[sflag:s29] =	ssyncadd.s32 $0xFFFFFFFF  }
0xb5: {  	_ =	strace $0x90000048  }
0xb6: {  	_ =	sfence  }
0xb7: {  	s30 =	sld [smem:$0x0];
	_ =	sdelay $0x2  }
0xb8: {  	s31 =	sshll.u32 s1, $0xD;
	s1 =	sshrl.u32 s1, $0x2  }
0xb9: {  	s3 =	sand.u32 $0x4000, s31;
	s1 =	sadd.s32 s1, s30  }
0xba: {  	s0 =	sor.u32 s3, s0;
	s1 =	sshll.u32 s1, $0x11  }
0xbb: {  	s0 =	sor.u32 s1, s0  }
0xbc: {  	s0 =	sadd.s32 $0x8F2B, s0  }
0xbd: {  	[sflag:s0] =	ssyncadd.remote.s32 $0x1  }
0xbe: {  	_ =	sfence.sel $0xFFFF  }
0xbf: {  	[dreg:$0x0] =	wrdreg $0xFFFFFFFF;
	(pc) =	sbr.abs _section_cstart, $3  }
0xc0: {  	[dreg:$0x1] =	wrdreg $0xFFFFFFFF  }
0xc1: {  	_ =	task.clear_ibuf [dreg:s6], $0x2FFFF;
	_ =	strace $0x9FFFFFFF  }
0xc2: {  	(tm) =	ssettm $0x7FFFFFFF  }
0xc3: {  	_ =	shalt  }
tec
execute0_lowered:
.L_overlay_start_1:
0x0: {  	(tag) =	ssettag $0x1  }
0x1: {  	s4 =	rddreg [dreg:$0x0]  }
0x2: {  	s1 =	rddreg [dreg:$0x1]  }
0x3: {  	s0 =	rddreg [dreg:$0x2];
	s2 =	simm.s32 $0x0;
	s3 =	srdreg.scid  }
0x4: {  	[smem:$0x7FF] =	sst s2;
	s5 =	sand.u32 $0x1, s3  }
0x5: {  	_ =	strace $0x80000047;
	s3 =	sshll.u32 s5, $0xB;
	s6 =	smul.u32 $0x27100, s5  }
0x6: {  	s5 =	ssub.s32 $0x2, s5;
	s7 =	sadd.s32 s3, s4;
	s3 =	stileid.u32  }
0x7: {  	s8 =	sshrl.u32 s5, $0x1;
	s6 =	sadd.s32 s6, s4;
	p0 =	seq.s32 s3, $0xF  }
0x8: {  	s4 =	simm.s32 $0x5;
	s9 =	sshll.u32 s3, $0xC;
	s10 =	smul.u32 $0x50000, s3  }
0x9: {  	s8 =	ssub.s32 s5, s8;
	s31 =	smul.u32 $0x2800, s3;
	s12 =	sshll.u32 s3, $0x6  }
0xa: {  	s4 =	simm.s32 @!p0 $0x8;
	s29 =	sadd.s32 s9, s7;
	s11 =	sadd.s32 $0x13A00, s6  }
0xb: {  	s6 =	smax.u32 s8, $0x1;
	s8 =	simm.s32 $0x4000;
	s9 =	simm.s32 $0x1  }
0xc: {  	s12 =	sor.u32 $0x1C01, s12;
	s5 =	sadd.s32 $0x3A00, s29;
	s30 =	sshrl.u32 s10, $0x2  }
0xd: {  	v0 =	vimm.f32 $0.0e+00;
	v1 =	vimm.f32 $1.000000000e+00;
	s10 =	sadd.s32 s11, s31;
	s11 =	simm.s32 $0x50;
	s7 =	sadd.s32 s30, s1  }
.LBB2_1:
0xe: {  	s13 =	simm.s32 $0x0;
	s14 =	simm.s32 $0x200  }
.LBB2_2:
0xf: {  	p0 =	sne.s32 s14, $0x9E00;
	[tilespmem:s13+$0x4070] =	vst v0  }
0x10: {  	[tilespmem:s13+$0x4000] =	vst v0  }
0x11: {  	[tilespmem:s13+$0x4010] =	vst v0  }
.Ltmp0:
0x12: {  	[tilespmem:s13+$0x4020] =	vst v0;
	(pc) =	sbr.rel @p0 .LBB2_2-.Ltmp0, $4  }
0x13: {  	[tilespmem:s13+$0x4030] =	vst v0  }
0x14: {  	[tilespmem:s13+$0x4040] =	vst v0  }
0x15: {  	[tilespmem:s13+$0x4050] =	vst v0  }
0x16: {  	[tilespmem:s13+$0x4060] =	vst v0;
	s13 =	sshra.s32 s14, $0x2;
	s14 =	sadd.s32 $0x200, s14  }
0x17: {  	[tilespmem:s13+$0x4070] =	vst v0  }
0x18: {  	[tilespmem:s13+$0x4000] =	vst v0  }
0x19: {  	[tilespmem:s13+$0x4010] =	vst v0  }
0x1a: {  	[tilespmem:s13+$0x4020] =	vst v0  }
0x1b: {  	[tilespmem:s13+$0x4030] =	vst v0  }
0x1c: {  	[tilespmem:s13+$0x4040] =	vst v0  }
0x1d: {  	[tilespmem:s13+$0x4050] =	vst v0  }
0x1e: {  	[tilespmem:s13+$0x4060] =	vst v0;
	s13 =	smov.u32 s7;
	s14 =	smov.u32 s4  }
.LBB2_4:
0x1f: {  	p0 =	sne.s32 s14, $0x1  }
.Ltmp1:
0x20: {  	_ = 	snop;
	(pc) =	sbr.rel @p0 .LBB2_4-.Ltmp1, $4  }
0x21: {  	[spmem:s13] =	stream.linear.scatter [tilespmem:s8], [sflag:$0x1], $0x2800, $0x38;
	[tilespmem:$0x1A080] =	vst v63  }
0x22: {  	_ =	swait.ge [sflag:s9], $0x2800  }
0x23: {  	[sflag:s9] =	ssyncset.done $0x0  }
0x24: {  	s13 =	sadd.s32 $0x2800, s13;
	s14 =	sadd.s32 $0xFFFFFFFF, s14;
	[sflag:s9] =	ssyncadd.s32 $0xFFFFD800  }
0x25: {  	s13 =	simm.s32 $0x0;
	s14 =	simm.s32 $0x200  }
.LBB2_6:
0x26: {  	p0 =	sne.s32 s14, $0x9E00;
	[tilespmem:s13+$0x4070] =	vst v1  }
0x27: {  	[tilespmem:s13+$0x4000] =	vst v1  }
0x28: {  	[tilespmem:s13+$0x4010] =	vst v1  }
.Ltmp2:
0x29: {  	[tilespmem:s13+$0x4020] =	vst v1;
	(pc) =	sbr.rel @p0 .LBB2_6-.Ltmp2, $4  }
0x2a: {  	[tilespmem:s13+$0x4030] =	vst v1  }
0x2b: {  	[tilespmem:s13+$0x4040] =	vst v1  }
0x2c: {  	[tilespmem:s13+$0x4050] =	vst v1  }
0x2d: {  	[tilespmem:s13+$0x4060] =	vst v1;
	s13 =	sshra.s32 s14, $0x2;
	s14 =	sadd.s32 $0x200, s14  }
0x2e: {  	[tilespmem:s13+$0x4070] =	vst v1  }
0x2f: {  	[tilespmem:s13+$0x4000] =	vst v1  }
0x30: {  	[tilespmem:s13+$0x4010] =	vst v1  }
0x31: {  	[tilespmem:s13+$0x4020] =	vst v1  }
0x32: {  	[tilespmem:s13+$0x4030] =	vst v1  }
0x33: {  	[tilespmem:s13+$0x4040] =	vst v1  }
0x34: {  	[tilespmem:s13+$0x4050] =	vst v1  }
0x35: {  	[tilespmem:s13+$0x4060] =	vst v1  }
0x36: {  	s30 =	simm.s32 $0x0;
	[bflag:$0x0] =	sbarrier.arrive $0xFFFF  }
0x37: {  	[tilespmem:s30], [sflag:$0x1] =	stream.linear.gather [hbm4b:s5+s30], $0x3E80, $0x38;
	[tilespmem:$0x1A080] =	vst v63  }
0x38: {  	_ =	swait.ge [sflag:s9], $0x3E80  }
0x39: {  	[sflag:s9] =	ssyncset.done $0x0  }
0x3a: {  	s31 =	simm.s32 $0x0;
	[sflag:s9] =	ssyncadd.s32 $0xFFFFC180  }
0x3b: {  	[spmem:s1] =	stream.indirect.scatter.add.f32 [tilespmem:s8], [sflag:$0x1], $0x80, s31, s11, $0xb8;
	[tilespmem:$0x1A080] =	vst v63  }
0x3c: {  	_ =	swait.ge [sflag:s9], $0x2800  }
0x3d: {  	s13 =	simm.s32 $0x200;
	[sflag:s9] =	ssyncset.done $0x0  }
.LBB2_8:
0x3e: {  	s14 =	sshra.s32 s13, $0x2;
	[sflag:s9] =	ssyncadd.s32 $0xFFFFD800;
	p0 =	sne.s32 s13, $0xF800  }
0x3f: {  	[spmem:s1] =	stream.indirect.scatter.add.f32 [tilespmem:s8], [sflag:$0x1], $0x80, s14, s11, $0xb8;
	[tilespmem:$0x1A080] =	vst v63  }
.Ltmp3:
0x40: {  	_ = 	snop;
	(pc) =	sbr.rel @p0 .LBB2_8-.Ltmp3, $4  }
0x41: {  	_ = 	snop  }
0x42: {  	s13 =	sadd.s32 $0x200, s13  }
0x43: {  	_ =	swait.ge [sflag:s9], $0x2800  }
0x44: {  	[sflag:s9] =	ssyncset.done $0x0  }
0x45: {  	p0 =	sne.s32 s4, $0x1  }
.Ltmp4:
0x46: {  	[sflag:s9] =	ssyncadd.s32 $0xFFFFD800;
	(pc) =	sbr.rel @!p0 .LBB2_11-.Ltmp4, $4  }
0x47: {  	s13 =	sshrl.u32 s7, $0x3;
	[bflag:$0x0] =	sbarrier.arrive $0xFFFF  }
0x48: {  	[hbm:s10], [sflag:s12] =	dma.local [spmem:s13], $0x500  }
0x49: {  	s14 =	sadd.s32 $0x2800, s7;
	_ =	swait.ge [sflag:s9], $0x500  }
0x4a: {  	s15 =	smov.u32 s10;
	s13 =	sadd.s32 $0xFFFFFFFF, s4;
	[sflag:s9] =	ssyncset.done $0x0  }
.LBB2_10:
0x4b: {  	s16 =	sshrl.u32 s14, $0x3  }
0x4c: {  	[sflag:s9] =	ssyncadd.s32 $0xFFFFFB00;
	s15 =	sadd.s32 $0x500, s15;
	p0 =	sne.s32 s13, $0x1  }
0x4d: {  	[hbm:s15], [sflag:s12] =	dma.local [spmem:s16], $0x500  }
.Ltmp5:
0x4e: {  	_ = 	snop;
	(pc) =	sbr.rel @p0 .LBB2_10-.Ltmp5, $4  }
0x4f: {  	_ = 	snop  }
0x50: {  	s13 =	sadd.s32 $0xFFFFFFFF, s13  }
0x51: {  	_ =	swait.ge [sflag:s9], $0x500  }
0x52: {  	s14 =	sadd.s32 $0x2800, s14;
	[sflag:s9] =	ssyncset.done $0x0  }
.LBB2_11:
0x53: {  	s2 =	sadd.s32 $0x1, s2  }
0x54: {  	p0 =	sne.s32 s2, s6  }
.Ltmp6:
0x55: {  	_ = 	snop;
	(pc) =	sbr.rel @p0 .LBB2_1-.Ltmp6, $2  }
0x56: {  	_ =	sdelay $0x2  }
0x57: {  	[sflag:s9] =	ssyncadd.s32 $0xFFFFFB00  }
0x58: {  	_ =	sfence.sel $0x180000  }
0x59: {  	[bflag:$0x0] =	sbarrier.arrive $0xFFFF  }
0x5a: {  	p0 =	sne.s32 s3, $0x0;
	_ =	strace $0x90000047  }
0x5b: {  	s0 =	sadd.s32 @!p0 $0x100000, s0;
	[bflag:$0x2] =	sbarrier.arrive $0xFFFF  }
0x5c: {  	[sflag:s0] =	ssyncadd.tile.s32 @!p0 $0x1;
	_ =	shalt  }
.Lfunc_end2:
_tile_overlayer_lowered:
.L_overlay_start_2:
0x5d: {  	(tag) =	ssettag $0x2  }
0x5e: {  	s0 =	rddreg [dreg:$0x0];
	s2 =	stileid.u32  }
0x5f: {  	s1 =	rddreg [dreg:$0x1];
	p0 =	sne.s32 s2, $0x0  }
0x60: {  	s3 =	rddreg [dreg:$0x2];
	[bflag:$0x3] =	sbarrier.arrive $0xFFFF;
	s2 =	simm.s32 @!p0 $0x1C01  }
0x61: {  	[timem:s3], [sflag:s2] =	dma.local @!p0 [hbm:s0], s1  }
0x62: {  	s0 =	simm.s32 @!p0 $0x1  }
0x63: {  	_ =	swait.ge @!p0 [sflag:s0], s1  }
0x64: {  	s1 =	ssub.s32 @!p0 $0x0, s1;
	[sflag:s0] =	ssyncset.done @!p0 $0x0  }
0x65: {  	[sflag:s0] =	ssyncadd.s32 @!p0 s1  }
0x66: {  	[bflag:$0x3] =	sbarrier.arrive $0xFFFF  }
0x67: {  	_ =	shalt  }

// kernel: kernel.14.cloned.1.call-start
scs
__scs_entry_jumppad:
0x0: {  	(pc) =	sbr.rel $0x88, $3  }
0x1: {  	(tag) =	ssettag $0x0;
	lr =	simm.s32 $0x1  }
0x2: {  	[smem:$0x3F96] =	sst lr;
	_ =	strace $0xD0000000  }
0x3: {  	_ = 	snop  }
0x4: {  	_ = 	snop  }
0x5: {  	_ = 	snop  }
0x6: {  	_ = 	snop  }
0x7: {  	_ = 	snop  }
__scs_overlays_trampoline_lowered:
0x8: {  	[smem:$0x3FA5] =	sst s0  }
0x9: {  	[smem:$0x3FA6] =	sst s1  }
0xa: {  	[smem:$0x3FA7] =	sst s2  }
0xb: {  	[smem:$0x3FA8] =	sst s3  }
0xc: {  	[smem:$0x3FA9] =	sst s4  }
0xd: {  	[smem:$0x3FAA] =	sst s5  }
0xe: {  	[smem:$0x3FAB] =	sst s6  }
0xf: {  	[smem:$0x3FAC] =	sst s7  }
0x10: {  	[smem:$0x3FAD] =	sst s8  }
0x11: {  	[smem:$0x3FAE] =	sst s9;
	s0 =	simm.s32 @!p0 $0x0  }
0x12: {  	s1 =	sld [smem:$0x3F94];
	s0 =	simm.s32 @p0 $0x1  }
0x13: {  	[smem:$0x3FAF] =	sst s0;
	s0 =	simm.s32 @!p1 $0x0  }
0x14: {  	s2 =	sld [smem:$0x3F93];
	s0 =	simm.s32 @p1 $0x1  }
0x15: {  	[smem:$0x3FB0] =	sst s0;
	s0 =	simm.s32 @!p2 $0x0  }
0x16: {  	s3 =	sld [smem:$0x3FDB];
	s0 =	simm.s32 @p2 $0x1  }
0x17: {  	s4 =	simm.s32 $0x1BF5;
	[smem:$0x3FB2] =	sst s0  }
0x18: {  	s0 =	sld [smem:$0x3F95];
	_ =	swait.ge [sflag:s4], $0x0  }
0x19: {  	s7 =	sld [smem:$0x3F96]  }
0x1a: {  	s8 =	sadd.s32 $0xFFFFE003, lr  }
0x1b: {  	s9 =	sadd.s32 $0xFFFFFEF7, lr;
	s5 =	simm.s32 $0xFFFFFFFF;
	p2 =	slt.u32 s8, $0xFFFFF086  }
0x1c: {  	p1 =	slt.u32 s9, $0xF7A;
	s5 =	simm.s32 @!p2 $0x0  }
0x1d: {  	s5 =	simm.s32 @p1 $0x1;
	p0 =	seq.s32 s7, s2  }
0x1e: {  	s7 =	smul.u32 @!p0 $0xF7A, s2;
	p2 =	seq.s32 @!p0 s5, $0x0  }
0x1f: {  	s9 =	smul.u32 $0xF7A, s1;
	s8 =	simm.s32 @!p0 $0x1BF5;
	p2 =	por !p2, p0  }
0x20: {  	[sflag:s8] =	ssyncset.s32 @!p0 $0xFFFFF086;
	s6 =	sadd.s32 @!p0 s3, s7;
	s7 =	simm.s32 @!p0 $0x108  }
0x21: {  	s3 =	sadd.s32 s3, s9;
	s6 =	sadd.s32 @!p0 $0x88, s6;
	s7 =	simm.s32 @p2 $0x1082  }
0x22: {  	[simem:s7], [sflag:s8] =	dma.local @!p0 [hbm:s6], $0xF7A  }
0x23: {  	s9 =	sor.u32 $0xD0000000, s2;
	s6 =	simm.s32 $0x108;
	_ =	swait.ge @!p0 [sflag:s8], $0x0  }
0x24: {  	s3 =	sadd.s32 $0x88, s3;
	s6 =	simm.s32 @!p1 $0x1082;
	[sflag:s4] =	ssyncset.s32 $0xFFFFF086  }
0x25: {  	[simem:s6], [sflag:s4] =	dma.local [hbm:s3], $0xF7A  }
0x26: {  	[smem:$0x3F96] =	sst s1;
	(tag) =	ssettag s2;
	_ =	strace s9  }
0x27: {  	s1 =	sld [smem:$0x3FA6]  }
0x28: {  	s2 =	sld [smem:$0x3FA7]  }
0x29: {  	s4 =	sld [smem:$0x3FA9]  }
0x2a: {  	p0 =	seq.s32 s5, $0x0;
	s5 =	sld [smem:$0x3FAA]  }
0x2b: {  	s6 =	sld [smem:$0x3FAB]  }
0x2c: {  	s7 =	sld [smem:$0x3FAC]  }
0x2d: {  	s3 =	simm.s32 $0x108;
	s8 =	sld [smem:$0x3FAD]  }
0x2e: {  	s3 =	simm.s32 @!p0 $0x1082;
	s9 =	sld [smem:$0x3FAE]  }
0x2f: {  	lr =	sadd.s32 s0, s3;
	s0 =	sld [smem:$0x3FA5]  }
0x30: {  	s3 =	sld [smem:$0x3FA8]  }
0x31: {  	[smem:$0x3FB1] =	sst s10  }
0x32: {  	s10 =	sld [smem:$0x3FAF];
	_ =	sdelay $0x3  }
0x33: {  	p0 =	seq.s32 s10, $0x1;
	s10 =	sld [smem:$0x3FB1];
	_ =	sdelay $0x3  }
0x34: {  	[smem:$0x3FB1] =	sst s10  }
0x35: {  	s10 =	sld [smem:$0x3FB0];
	_ =	sdelay $0x3  }
0x36: {  	p1 =	seq.s32 s10, $0x1;
	s10 =	sld [smem:$0x3FB1];
	_ =	sdelay $0x3  }
0x37: {  	[smem:$0x3FB1] =	sst s10  }
0x38: {  	s10 =	sld [smem:$0x3FB2]  }
0x39: {  	_ = 	snop;
	(pc) =	sbr.ind lr, $3  }
0x3a: {  	_ = 	snop  }
0x3b: {  	_ = 	snop  }
0x3c: {  	p2 =	seq.s32 s10, $0x1;
	s10 =	sld [smem:$0x3FB1]  }
0x3d: {  	_ =	shalt  }
0x3e: {  	_ =	shalt  }
0x3f: {  	_ =	shalt  }
0x40: {  	_ =	shalt  }
0x41: {  	_ =	shalt  }
0x42: {  	_ =	shalt  }
0x43: {  	_ =	shalt  }
0x44: {  	_ =	shalt  }
0x45: {  	_ =	shalt  }
0x46: {  	_ =	shalt  }
0x47: {  	_ =	shalt  }
0x48: {  	_ =	shalt  }
0x49: {  	_ =	shalt  }
0x4a: {  	_ =	shalt  }
0x4b: {  	_ =	shalt  }
0x4c: {  	_ =	shalt  }
0x4d: {  	_ =	shalt  }
0x4e: {  	_ =	shalt  }
0x4f: {  	_ =	shalt  }
0x50: {  	_ =	shalt  }
0x51: {  	_ =	shalt  }
0x52: {  	_ =	shalt  }
0x53: {  	_ =	shalt  }
0x54: {  	_ =	shalt  }
0x55: {  	_ =	shalt  }
0x56: {  	_ =	shalt  }
0x57: {  	_ =	shalt  }
0x58: {  	_ =	shalt  }
0x59: {  	_ =	shalt  }
0x5a: {  	_ =	shalt  }
0x5b: {  	_ =	shalt  }
0x5c: {  	_ =	shalt  }
0x5d: {  	_ =	shalt  }
0x5e: {  	_ =	shalt  }
0x5f: {  	_ =	shalt  }
0x60: {  	_ =	shalt  }
0x61: {  	_ =	shalt  }
0x62: {  	_ =	shalt  }
0x63: {  	_ =	shalt  }
0x64: {  	_ =	shalt  }
0x65: {  	_ =	shalt  }
0x66: {  	_ =	shalt  }
0x67: {  	_ =	shalt  }
0x68: {  	_ =	shalt  }
0x69: {  	_ =	shalt  }
0x6a: {  	_ =	shalt  }
0x6b: {  	_ =	shalt  }
0x6c: {  	_ =	shalt  }
0x6d: {  	_ =	shalt  }
0x6e: {  	_ =	shalt  }
0x6f: {  	_ =	shalt  }
0x70: {  	_ =	shalt  }
0x71: {  	_ =	shalt  }
0x72: {  	_ =	shalt  }
0x73: {  	_ =	shalt  }
0x74: {  	_ =	shalt  }
0x75: {  	_ =	shalt  }
0x76: {  	_ =	shalt  }
0x77: {  	_ =	shalt  }
0x78: {  	_ =	shalt  }
0x79: {  	_ =	shalt  }
0x7a: {  	_ =	shalt  }
0x7b: {  	_ =	shalt  }
0x7c: {  	_ =	shalt  }
0x7d: {  	_ =	shalt  }
0x7e: {  	_ =	shalt  }
0x7f: {  	_ =	shalt  }
0x80: {  	_ =	shalt  }
0x81: {  	_ =	shalt  }
0x82: {  	_ =	shalt  }
0x83: {  	_ =	shalt  }
0x84: {  	_ =	shalt  }
0x85: {  	_ =	shalt  }
0x86: {  	_ =	shalt  }
0x87: {  	_ =	shalt  }
.Lfunc_end0:
.L_simem_size_0:
called_computation.1_lowered:
.L_overlay_start_0:
0x88: {  	s2 =	sld [smem:$0x3FD9]  }
0x89: {  	s3 =	sld [smem:$0x3FFE];
	_ =	sdelay $0x1  }
0x8a: {  	s1 =	srdreg.scid  }
0x8b: {  	s0 =	sand.u32 $0x1, s1  }
0x8c: {  	s16 =	sshll.u32 s0, $0xA;
	s2 =	sadd.s32 s3, s2  }
0x8d: {  	s2 =	sadd.s32 s2, s16  }
0x8e: {  	[smem:$0x3FBD] =	sst s2  }
0x8f: {  	_ = 	snop  }
0x90: {  	(tm) =	ssettm $0x1  }
0x91: {  	s17 =	sld [smem:$0x3FFB];
	_ =	sdelay $0x3  }
0x92: {  	_ =	strace s17  }
0x93: {  	s2 =	sld [smem:$0x3FFC];
	_ =	sdelay $0x3  }
0x94: {  	_ =	strace s2  }
0x95: {  	s2 =	sld [smem:$0x3FFD];
	_ =	sdelay $0x3  }
0x96: {  	_ =	strace s2  }
0x97: {  	_ =	strace $0x8FFFFFFF  }
0x98: {  	s18 =	sld [smem:$0x3FDB];
	_ =	sdelay $0x1  }
0x99: {  	s19 =	simm.s32 $_scs_section_size  }
0x9a: {  	s4 =	simm.s32 $_size__tile_overlayer_lowered;
	s5 =	simm.s32 $_tile_overlayer_lowered  }
0x9b: {  	s22 =	simm.s32 $0x1BFF;
	s21 =	sshll.u32 s5, $0x1;
	s2 =	sadd.s32 s19, s18  }
0x9c: {  	s6 =	simm.s32 $0x0;
	s20 =	sshll.u32 s4, $0x1;
	s4 =	sadd.s32 s21, s2  }
0x9d: {  	[timem:s6], [sflag:s22] =	dma.local [hbm:s4], s20  }
0x9e: {  	_ =	swait.ge [sflag:s22], s20  }
0x9f: {  	s3 =	ssub.s32 $0x0, s20;
	[sflag:s22] =	ssyncset.done $0x0  }
0xa0: {  	[sflag:s22] =	ssyncadd.s32 s3;
	_ =	sdelay $0x1  }
0xa1: {  	s23 =	simm.s32 $0x1B8B  }
0xa2: {  	_ =	swait.ge [sflag:s23], $0x1  }
0xa3: {  	[sflag:s23] =	ssyncset.done $0x0  }
0xa4: {  	s25 =	simm.s32 $0x1B8E;
	s24 =	sld [smem:$0x3FFE];
	[sflag:s23] =	ssyncadd.s32 $0xFFFFFFFF  }
0xa5: {  	s26 =	simm.s32 $execute0_lowered;
	[smem:$0x3FD2] =	sst s25  }
0xa6: {  	s4 =	sshll.u32 s26, $0x1;
	_ =	strace $0x80000049;
	[dreg:$0x1] =	wrdreg $0xFFFFFFFF  }
0xa7: {  	s28 =	simm.s32 $_size_execute0_lowered;
	s2 =	sadd.s32 s2, s4;
	[dreg:$0x0] =	wrdreg $0x0  }
0xa8: {  	s4 =	sshll.u32 s28, $0x1;
	[dreg:$0x2] =	wrdreg s2  }
0xa9: {  	[dreg:$0x3] =	wrdreg s4  }
0xaa: {  	[dreg:$0x4] =	wrdreg $0xC0  }
0xab: {  	_ =	task [dreg:s6], $0x5FFFF  }
0xac: {  	[dreg:$0x1] =	wrdreg $0xFFFFFFFF  }
0xad: {  	[dreg:$0x0] =	wrdreg $0x60  }
0xae: {  	[dreg:$0x2] =	wrdreg s24  }
0xaf: {  	[dreg:$0x3] =	wrdreg $0x70000  }
0xb0: {  	[dreg:$0x4] =	wrdreg $0x9  }
0xb1: {  	_ =	task.clear_ibuf [dreg:s6], $0x5FFFF;
	_ =	strace $0x90000049  }
0xb2: {  	s29 =	simm.s32 $0x9;
	_ =	strace $0x8000004B  }
0xb3: {  	_ =	swait.ge [sflag:s29], $0x1  }
0xb4: {  	[sflag:s29] =	ssyncadd.s32 $0xFFFFFFFF  }
0xb5: {  	_ =	strace $0x9000004B  }
0xb6: {  	_ =	sfence  }
0xb7: {  	s30 =	sld [smem:$0x0];
	_ =	sdelay $0x2  }
0xb8: {  	s31 =	sshll.u32 s1, $0xD;
	s1 =	sshrl.u32 s1, $0x2  }
0xb9: {  	s3 =	sand.u32 $0x4000, s31;
	s1 =	sadd.s32 s1, s30  }
0xba: {  	s0 =	sor.u32 s3, s0;
	s1 =	sshll.u32 s1, $0x11  }
0xbb: {  	s0 =	sor.u32 s1, s0  }
0xbc: {  	s0 =	sadd.s32 $0x8F2B, s0  }
0xbd: {  	[sflag:s0] =	ssyncadd.remote.s32 $0x1  }
0xbe: {  	_ =	sfence.sel $0xFFFF  }
0xbf: {  	[dreg:$0x0] =	wrdreg $0xFFFFFFFF;
	(pc) =	sbr.abs _section_cstart, $3  }
0xc0: {  	[dreg:$0x1] =	wrdreg $0xFFFFFFFF  }
0xc1: {  	_ =	task.clear_ibuf [dreg:s6], $0x2FFFF;
	_ =	strace $0x9FFFFFFF  }
0xc2: {  	(tm) =	ssettm $0x7FFFFFFF  }
0xc3: {  	_ =	shalt  }
tec
execute0_lowered:
.L_overlay_start_1:
0x0: {  	(tag) =	ssettag $0x1  }
0x1: {  	s7 =	rddreg [dreg:$0x0]  }
0x2: {  	s1 =	rddreg [dreg:$0x1]  }
0x3: {  	s0 =	rddreg [dreg:$0x2];
	s2 =	simm.s32 $0x0;
	s3 =	srdreg.scid  }
0x4: {  	s14 =	simm.s32 $0x50;
	s15 =	simm.s32 $0x4800;
	s16 =	simm.s32 $0x1  }
0x5: {  	s17 =	simm.s32 $0x2;
	s18 =	simm.s32 $0x1C00;
	[smem:$0x7FF] =	sst s2  }
0x6: {  	s8 =	sand.u32 $0x1, s3;
	s4 =	sadd.s32 $0x75C00, s7;
	s5 =	sadd.s32 $0x61C00, s7  }
0x7: {  	s6 =	sadd.s32 $0x3A00, s7;
	s3 =	stileid.u32;
	s9 =	smul.u32 $0x27100, s8  }
0x8: {  	_ =	strace $0x8000004A;
	s10 =	ssub.s32 $0x2, s8;
	s13 =	smul.u32 $0x50000, s3  }
0x9: {  	s12 =	sshll.u32 s3, $0x1;
	p0 =	seq.s32 s3, $0xF;
	s20 =	smul.u32 $0x2800, s3  }
0xa: {  	s11 =	sshrl.u32 s10, $0x1;
	s8 =	sor.u32 s8, s12;
	s12 =	simm.s32 $0x3  }
0xb: {  	s9 =	sadd.s32 s9, s7;
	s7 =	simm.s32 $0x5;
	s10 =	ssub.s32 s10, s11  }
0xc: {  	s8 =	smul.u32 $0x5000, s8;
	s31 =	sshrl.u32 s13, $0x2;
	s11 =	simm.s32 $0x2000  }
0xd: {  	s13 =	simm.s32 $0x1000;
	s7 =	simm.s32 @!p0 $0x8;
	s19 =	sadd.s32 $0x89C00, s9  }
0xe: {  	v0 =	vimm.f32 $0.0e+00;
	s9 =	smax.u32 s10, $0x1;
	s10 =	sadd.s32 s31, s1;
	s19 =	sadd.s32 s19, s20  }
.LBB2_1:
0xf: {  	s20 =	simm.s32 $0x0;
	s21 =	simm.s32 $0x200  }
.LBB2_2:
0x10: {  	p0 =	sne.s32 s21, $0x9E00;
	[tilespmem:s20+$0x2070] =	vst v0  }
0x11: {  	[tilespmem:s20+$0x2000] =	vst v0  }
0x12: {  	[tilespmem:s20+$0x2010] =	vst v0  }
.Ltmp0:
0x13: {  	[tilespmem:s20+$0x2020] =	vst v0;
	(pc) =	sbr.rel @p0 .LBB2_2-.Ltmp0, $4  }
0x14: {  	[tilespmem:s20+$0x2030] =	vst v0  }
0x15: {  	[tilespmem:s20+$0x2040] =	vst v0  }
0x16: {  	[tilespmem:s20+$0x2050] =	vst v0  }
0x17: {  	[tilespmem:s20+$0x2060] =	vst v0;
	s20 =	sshra.s32 s21, $0x2;
	s21 =	sadd.s32 $0x200, s21  }
0x18: {  	[tilespmem:s20+$0x2070] =	vst v0  }
0x19: {  	[tilespmem:s20+$0x2000] =	vst v0  }
0x1a: {  	[tilespmem:s20+$0x2010] =	vst v0  }
0x1b: {  	[tilespmem:s20+$0x2020] =	vst v0  }
0x1c: {  	[tilespmem:s20+$0x2030] =	vst v0  }
0x1d: {  	[tilespmem:s20+$0x2040] =	vst v0;
	p0 =	sne.s32 s7, $0x1  }
.Ltmp1:
0x1e: {  	[tilespmem:s20+$0x2050] =	vst v0;
	(pc) =	sbr.rel @!p0 .LBB2_5-.Ltmp1, $4  }
0x1f: {  	[tilespmem:s20+$0x2060] =	vst v0  }
0x20: {  	[spmem:s10] =	stream.linear.scatter [tilespmem:s11], [sflag:$0x3], $0x2800, $0x38;
	[tilespmem:$0x1A880] =	vst v63  }
0x21: {  	_ =	swait.ge [sflag:s12], $0x2800  }
0x22: {  	s20 =	sadd.s32 $0xFFFFFFFF, s7;
	s21 =	smov.u32 s10;
	[sflag:s12] =	ssyncset.done $0x0  }
.LBB2_4:
0x23: {  	p1 =	sne.s32 s20, $0x1;
	[sflag:s12] =	ssyncadd.s32 $0xFFFFD800;
	s21 =	sadd.s32 $0x2800, s21  }
.Ltmp2:
0x24: {  	s20 =	sadd.s32 $0xFFFFFFFF, s20;
	(pc) =	sbr.rel @p1 .LBB2_4-.Ltmp2, $4  }
0x25: {  	_ = 	snop  }
0x26: {  	[spmem:s21] =	stream.linear.scatter [tilespmem:s11], [sflag:$0x3], $0x2800, $0x38;
	[tilespmem:$0x1A880] =	vst v63  }
0x27: {  	_ =	swait.ge [sflag:s12], $0x2800  }
0x28: {  	[sflag:s12] =	ssyncset.done $0x0  }
.LBB2_5:
0x29: {  	[sflag:s12] =	ssyncadd.s32 $0xFFFFD800  }
0x2a: {  	s20 =	simm.s32 $0x0;
	s21 =	simm.s32 $0x0;
	[bflag:$0x0] =	sbarrier.arrive $0xFFFF  }
.LBB2_6:
0x2b: {  	s22 =	sshll.u32 s21, $0xC  }
0x2c: {  	s22 =	sadd.s32 s8, s22  }
0x2d: {  	s22 =	sshrl.u32 s22, $0x3  }
0x2e: {  	s23 =	sadd.s32 s4, s22  }
0x2f: {  	[tilespmem:s20], [sflag:$0x3] =	stream.linear.gather [hbm4b:s23+s20], $0xC80, $0x38;
	[tilespmem:$0x1A880] =	vst v63  }
0x30: {  	_ =	swait.ge [sflag:s12], $0xC80  }
0x31: {  	[sflag:s12] =	ssyncset.done $0x0  }
0x32: {  	s22 =	sadd.s32 s5, s22;
	[sflag:s12] =	ssyncadd.s32 $0xFFFFF380  }
0x33: {  	[tilespmem:s13], [sflag:$0x3] =	stream.linear.gather [hbm4b:s22+s20], $0xC80, $0x38;
	[tilespmem:$0x1A880] =	vst v63  }
0x34: {  	_ =	swait.ge [sflag:s12], $0xC80  }
0x35: {  	[sflag:s12] =	ssyncset.done $0x0  }
0x36: {  	[sflag:s12] =	ssyncadd.s32 $0xFFFFF380  }
0x37: {  	[tilespmem:s11], [sflag:$0x1] =	stream.indirect.gather [hbm4b:s6+s14], $0x80, s20, s14, $0xb8;
	[tilespmem:$0x1A880] =	vst v63  }
0x38: {  	s28 =	simm.s32 $0x80  }
0x39: {  	[tilespmem:s15], [sflag:$0x2] =	stream.indirect.gather [hbm4b:s6+s14], $0x80, s28, s14, $0xb8;
	[tilespmem:$0x1A880] =	vst v63  }
0x3a: {  	_ =	swait.ge [sflag:s16], $0x2800  }
0x3b: {  	[sflag:s16] =	ssyncset.done $0x0  }
0x3c: {  	s29 =	simm.s32 $0x1000;
	[sflag:s16] =	ssyncadd.s32 $0xFFFFD800  }
0x3d: {  	[spmem:s1] =	stream.indirect.scatter.add.f32 [tilespmem:s11], [sflag:$0x3], $0x80, s29, s14, $0xb8;
	[tilespmem:$0x1A880] =	vst v63  }
0x3e: {  	_ =	swait.ge [sflag:s12], $0x2800  }
0x3f: {  	[sflag:s12] =	ssyncset.done $0x0  }
0x40: {  	s30 =	simm.s32 $0x100;
	[sflag:s12] =	ssyncadd.s32 $0xFFFFD800  }
0x41: {  	[tilespmem:s11], [sflag:$0x1] =	stream.indirect.gather [hbm4b:s6+s14], $0x80, s30, s14, $0xb8;
	[tilespmem:$0x1A880] =	vst v63  }
0x42: {  	_ =	swait.ge [sflag:s17], $0x2800  }
0x43: {  	[sflag:s17] =	ssyncset.done $0x0  }
0x44: {  	s31 =	simm.s32 $0x1080;
	[sflag:s17] =	ssyncadd.s32 $0xFFFFD800  }
0x45: {  	[spmem:s1] =	stream.indirect.scatter.add.f32 [tilespmem:s15], [sflag:$0x3], $0x80, s31, s14, $0xb8;
	[tilespmem:$0x1A880] =	vst v63  }
0x46: {  	_ =	swait.ge [sflag:s12], $0x2800  }
0x47: {  	s23 =	simm.s32 $0x800;
	s22 =	simm.s32 $0x100;
	[sflag:s12] =	ssyncset.done $0x0  }
.LBB2_7:
0x48: {  	s24 =	sadd.s32 $0x80, s22  }
0x49: {  	[sflag:s12] =	ssyncadd.s32 $0xFFFFD800;
	s25 =	smov.u32 s23;
	s26 =	sadd.s32 $0x400, s23  }
0x4a: {  	[tilespmem:s15], [sflag:$0x2] =	stream.indirect.gather [hbm4b:s6+s14], $0x80, s24, s14, $0xb8;
	[tilespmem:$0x1A880] =	vst v63  }
0x4b: {  	p1 =	sne.s32 s23, $0x2C00;
	_ =	swait.ge [sflag:s16], $0x2800  }
0x4c: {  	[sflag:s16] =	ssyncset.done $0x0  }
0x4d: {  	s23 =	sadd.s32 $0x1000, s22;
	[sflag:s16] =	ssyncadd.s32 $0xFFFFD800  }
0x4e: {  	[spmem:s1] =	stream.indirect.scatter.add.f32 [tilespmem:s11], [sflag:$0x3], $0x80, s23, s14, $0xb8;
	[tilespmem:$0x1A880] =	vst v63  }
0x4f: {  	_ =	swait.ge [sflag:s12], $0x2800  }
0x50: {  	[sflag:s12] =	ssyncset.done $0x0  }
0x51: {  	s23 =	sadd.s32 $0x100, s22;
	[sflag:s12] =	ssyncadd.s32 $0xFFFFD800  }
0x52: {  	[tilespmem:s11], [sflag:$0x1] =	stream.indirect.gather [hbm4b:s6+s14], $0x80, s23, s14, $0xb8;
	[tilespmem:$0x1A880] =	vst v63  }
0x53: {  	_ =	swait.ge [sflag:s17], $0x2800  }
.Ltmp3:
0x54: {  	[sflag:s17] =	ssyncset.done $0x0;
	(pc) =	sbr.rel @p1 .LBB2_7-.Ltmp3, $4  }
0x55: {  	s22 =	sadd.s32 $0x1080, s22;
	[sflag:s17] =	ssyncadd.s32 $0xFFFFD800  }
0x56: {  	[spmem:s1] =	stream.indirect.scatter.add.f32 [tilespmem:s15], [sflag:$0x3], $0x80, s22, s14, $0xb8;
	[tilespmem:$0x1A880] =	vst v63  }
0x57: {  	_ =	swait.ge [sflag:s12], $0x2800  }
0x58: {  	s23 =	smov.u32 s26;
	s22 =	sshra.s32 s25, $0x2;
	[sflag:s12] =	ssyncset.done $0x0  }
0x59: {  	s23 =	sadd.s32 $0x80, s22;
	[sflag:s12] =	ssyncadd.s32 $0xFFFFD800  }
0x5a: {  	[tilespmem:s15], [sflag:$0x2] =	stream.indirect.gather [hbm4b:s6+s14], $0x80, s23, s14, $0xb8;
	[tilespmem:$0x1A880] =	vst v63  }
0x5b: {  	_ =	swait.ge [sflag:s16], $0x2800  }
0x5c: {  	[sflag:s16] =	ssyncset.done $0x0  }
0x5d: {  	s29 =	sadd.s32 $0x1000, s22;
	[sflag:s16] =	ssyncadd.s32 $0xFFFFD800  }
0x5e: {  	[spmem:s1] =	stream.indirect.scatter.add.f32 [tilespmem:s11], [sflag:$0x3], $0x80, s29, s14, $0xb8;
	[tilespmem:$0x1A880] =	vst v63  }
0x5f: {  	_ =	swait.ge [sflag:s12], $0x2800  }
0x60: {  	[sflag:s12] =	ssyncset.done $0x0  }
0x61: {  	s30 =	sadd.s32 $0x100, s22;
	[sflag:s12] =	ssyncadd.s32 $0xFFFFD800  }
0x62: {  	[tilespmem:s11], [sflag:$0x1] =	stream.indirect.gather [hbm4b:s6+s14], $0x80, s30, s14, $0xb8;
	[tilespmem:$0x1A880] =	vst v63  }
0x63: {  	_ =	swait.ge [sflag:s17], $0x2800  }
0x64: {  	[sflag:s17] =	ssyncset.done $0x0  }
0x65: {  	s31 =	sadd.s32 $0x1080, s22;
	[sflag:s17] =	ssyncadd.s32 $0xFFFFD800  }
0x66: {  	[spmem:s1] =	stream.indirect.scatter.add.f32 [tilespmem:s15], [sflag:$0x3], $0x80, s31, s14, $0xb8;
	[tilespmem:$0x1A880] =	vst v63  }
0x67: {  	_ =	swait.ge [sflag:s12], $0x2800  }
0x68: {  	[sflag:s12] =	ssyncset.done $0x0  }
0x69: {  	[sflag:s12] =	ssyncadd.s32 $0xFFFFD800  }
0x6a: {  	s21 =	sadd.s32 $0x1, s21;
	_ =	swait.ge [sflag:s16], $0x2800  }
0x6b: {  	p1 =	sne.s32 s21, $0x5;
	[sflag:s16] =	ssyncset.done $0x0  }
.Ltmp4:
0x6c: {  	[sflag:s16] =	ssyncadd.s32 $0xFFFFD800;
	(pc) =	sbr.rel @p1 .LBB2_6-.Ltmp4, $4  }
0x6d: {  	[spmem:s1] =	stream.indirect.scatter.add.f32 [tilespmem:s11], [sflag:$0x3], $0x80, s18, s14, $0xb8;
	[tilespmem:$0x1A880] =	vst v63  }
0x6e: {  	_ =	swait.ge [sflag:s12], $0x2800  }
0x6f: {  	[sflag:s12] =	ssyncset.done $0x0  }
0x70: {  	[sflag:s12] =	ssyncadd.s32 $0xFFFFD800  }
.Ltmp5:
0x71: {  	(pc) =	sbr.rel @!p0 .LBB2_11-.Ltmp5, $4  }
0x72: {  	s20 =	sshll.u32 s3, $0x6;
	[bflag:$0x0] =	sbarrier.arrive $0xFFFF  }
0x73: {  	s21 =	sshrl.u32 s10, $0x3;
	s22 =	sadd.s32 $0x500, s19;
	s20 =	sor.u32 $0x1C03, s20  }
0x74: {  	[hbm:s19], [sflag:s20] =	dma.local [spmem:s21], $0x500  }
0x75: {  	s23 =	smov.u32 s10;
	s21 =	sadd.s32 $0xFFFFFFFF, s7;
	_ =	swait.ge [sflag:s12], $0x500  }
.LBB2_10:
0x76: {  	[sflag:s12] =	ssyncset.done $0x0;
	s23 =	sadd.s32 $0x2800, s23;
	p0 =	sne.s32 s21, $0x1  }
.Ltmp6:
0x77: {  	s24 =	sshrl.u32 s23, $0x3;
	[sflag:s12] =	ssyncadd.s32 $0xFFFFFB00;
	(pc) =	sbr.rel @p0 .LBB2_10-.Ltmp6, $3  }
0x78: {  	[hbm:s22], [sflag:s20] =	dma.local [spmem:s24], $0x500  }
0x79: {  	s21 =	sadd.s32 $0xFFFFFFFF, s21;
	_ =	sdelay $0x1  }
0x7a: {  	s22 =	sadd.s32 $0x500, s22;
	_ =	swait.ge [sflag:s12], $0x500  }
.LBB2_11:
0x7b: {  	s2 =	sadd.s32 $0x1, s2  }
0x7c: {  	p0 =	sne.s32 s2, s9  }
.Ltmp7:
0x7d: {  	_ = 	snop;
	(pc) =	sbr.rel @p0 .LBB2_1-.Ltmp7, $3  }
0x7e: {  	_ =	sdelay $0x1  }
0x7f: {  	[sflag:s12] =	ssyncset.done $0x0  }
0x80: {  	[sflag:s12] =	ssyncadd.s32 $0xFFFFFB00  }
0x81: {  	_ =	sfence.sel $0x180000  }
0x82: {  	[bflag:$0x0] =	sbarrier.arrive $0xFFFF  }
0x83: {  	p0 =	sne.s32 s3, $0x0;
	_ =	strace $0x9000004A  }
0x84: {  	s0 =	sadd.s32 @!p0 $0x100000, s0;
	[bflag:$0x2] =	sbarrier.arrive $0xFFFF  }
0x85: {  	[sflag:s0] =	ssyncadd.tile.s32 @!p0 $0x1;
	_ =	shalt  }
.Lfunc_end2:
_tile_overlayer_lowered:
.L_overlay_start_2:
0x86: {  	(tag) =	ssettag $0x2  }
0x87: {  	s0 =	rddreg [dreg:$0x0];
	s2 =	stileid.u32  }
0x88: {  	s1 =	rddreg [dreg:$0x1];
	p0 =	sne.s32 s2, $0x0  }
0x89: {  	s3 =	rddreg [dreg:$0x2];
	[bflag:$0x3] =	sbarrier.arrive $0xFFFF;
	s2 =	simm.s32 @!p0 $0x1C03  }
0x8a: {  	[timem:s3], [sflag:s2] =	dma.local @!p0 [hbm:s0], s1  }
0x8b: {  	s0 =	simm.s32 @!p0 $0x3  }
0x8c: {  	_ =	swait.ge @!p0 [sflag:s0], s1  }
0x8d: {  	s1 =	ssub.s32 @!p0 $0x0, s1;
	[sflag:s0] =	ssyncset.done @!p0 $0x0  }
0x8e: {  	[sflag:s0] =	ssyncadd.s32 @!p0 s1  }
0x8f: {  	[bflag:$0x3] =	sbarrier.arrive $0xFFFF  }
0x90: {  	_ =	shalt  }

// kernel: kernel.17.cloned.1.call-start
scs
__scs_entry_jumppad:
0x0: {  	(pc) =	sbr.rel $0x88, $3  }
0x1: {  	(tag) =	ssettag $0x0;
	lr =	simm.s32 $0x1  }
0x2: {  	[smem:$0x3F96] =	sst lr;
	_ =	strace $0xD0000000  }
0x3: {  	_ = 	snop  }
0x4: {  	_ = 	snop  }
0x5: {  	_ = 	snop  }
0x6: {  	_ = 	snop  }
0x7: {  	_ = 	snop  }
__scs_overlays_trampoline_lowered:
0x8: {  	[smem:$0x3FA5] =	sst s0  }
0x9: {  	[smem:$0x3FA6] =	sst s1  }
0xa: {  	[smem:$0x3FA7] =	sst s2  }
0xb: {  	[smem:$0x3FA8] =	sst s3  }
0xc: {  	[smem:$0x3FA9] =	sst s4  }
0xd: {  	[smem:$0x3FAA] =	sst s5  }
0xe: {  	[smem:$0x3FAB] =	sst s6  }
0xf: {  	[smem:$0x3FAC] =	sst s7  }
0x10: {  	[smem:$0x3FAD] =	sst s8  }
0x11: {  	[smem:$0x3FAE] =	sst s9;
	s0 =	simm.s32 @!p0 $0x0  }
0x12: {  	s1 =	sld [smem:$0x3F94];
	s0 =	simm.s32 @p0 $0x1  }
0x13: {  	[smem:$0x3FAF] =	sst s0;
	s0 =	simm.s32 @!p1 $0x0  }
0x14: {  	s2 =	sld [smem:$0x3F93];
	s0 =	simm.s32 @p1 $0x1  }
0x15: {  	[smem:$0x3FB0] =	sst s0;
	s0 =	simm.s32 @!p2 $0x0  }
0x16: {  	s3 =	sld [smem:$0x3FDB];
	s0 =	simm.s32 @p2 $0x1  }
0x17: {  	s4 =	simm.s32 $0x1BF5;
	[smem:$0x3FB2] =	sst s0  }
0x18: {  	s0 =	sld [smem:$0x3F95];
	_ =	swait.ge [sflag:s4], $0x0  }
0x19: {  	s7 =	sld [smem:$0x3F96]  }
0x1a: {  	s8 =	sadd.s32 $0xFFFFE003, lr  }
0x1b: {  	s9 =	sadd.s32 $0xFFFFFEF7, lr;
	s5 =	simm.s32 $0xFFFFFFFF;
	p2 =	slt.u32 s8, $0xFFFFF086  }
0x1c: {  	p1 =	slt.u32 s9, $0xF7A;
	s5 =	simm.s32 @!p2 $0x0  }
0x1d: {  	s5 =	simm.s32 @p1 $0x1;
	p0 =	seq.s32 s7, s2  }
0x1e: {  	s7 =	smul.u32 @!p0 $0xF7A, s2;
	p2 =	seq.s32 @!p0 s5, $0x0  }
0x1f: {  	s9 =	smul.u32 $0xF7A, s1;
	s8 =	simm.s32 @!p0 $0x1BF5;
	p2 =	por !p2, p0  }
0x20: {  	[sflag:s8] =	ssyncset.s32 @!p0 $0xFFFFF086;
	s6 =	sadd.s32 @!p0 s3, s7;
	s7 =	simm.s32 @!p0 $0x108  }
0x21: {  	s3 =	sadd.s32 s3, s9;
	s6 =	sadd.s32 @!p0 $0x88, s6;
	s7 =	simm.s32 @p2 $0x1082  }
0x22: {  	[simem:s7], [sflag:s8] =	dma.local @!p0 [hbm:s6], $0xF7A  }
0x23: {  	s9 =	sor.u32 $0xD0000000, s2;
	s6 =	simm.s32 $0x108;
	_ =	swait.ge @!p0 [sflag:s8], $0x0  }
0x24: {  	s3 =	sadd.s32 $0x88, s3;
	s6 =	simm.s32 @!p1 $0x1082;
	[sflag:s4] =	ssyncset.s32 $0xFFFFF086  }
0x25: {  	[simem:s6], [sflag:s4] =	dma.local [hbm:s3], $0xF7A  }
0x26: {  	[smem:$0x3F96] =	sst s1;
	(tag) =	ssettag s2;
	_ =	strace s9  }
0x27: {  	s1 =	sld [smem:$0x3FA6]  }
0x28: {  	s2 =	sld [smem:$0x3FA7]  }
0x29: {  	s4 =	sld [smem:$0x3FA9]  }
0x2a: {  	p0 =	seq.s32 s5, $0x0;
	s5 =	sld [smem:$0x3FAA]  }
0x2b: {  	s6 =	sld [smem:$0x3FAB]  }
0x2c: {  	s7 =	sld [smem:$0x3FAC]  }
0x2d: {  	s3 =	simm.s32 $0x108;
	s8 =	sld [smem:$0x3FAD]  }
0x2e: {  	s3 =	simm.s32 @!p0 $0x1082;
	s9 =	sld [smem:$0x3FAE]  }
0x2f: {  	lr =	sadd.s32 s0, s3;
	s0 =	sld [smem:$0x3FA5]  }
0x30: {  	s3 =	sld [smem:$0x3FA8]  }
0x31: {  	[smem:$0x3FB1] =	sst s10  }
0x32: {  	s10 =	sld [smem:$0x3FAF];
	_ =	sdelay $0x3  }
0x33: {  	p0 =	seq.s32 s10, $0x1;
	s10 =	sld [smem:$0x3FB1];
	_ =	sdelay $0x3  }
0x34: {  	[smem:$0x3FB1] =	sst s10  }
0x35: {  	s10 =	sld [smem:$0x3FB0];
	_ =	sdelay $0x3  }
0x36: {  	p1 =	seq.s32 s10, $0x1;
	s10 =	sld [smem:$0x3FB1];
	_ =	sdelay $0x3  }
0x37: {  	[smem:$0x3FB1] =	sst s10  }
0x38: {  	s10 =	sld [smem:$0x3FB2]  }
0x39: {  	_ = 	snop;
	(pc) =	sbr.ind lr, $3  }
0x3a: {  	_ = 	snop  }
0x3b: {  	_ = 	snop  }
0x3c: {  	p2 =	seq.s32 s10, $0x1;
	s10 =	sld [smem:$0x3FB1]  }
0x3d: {  	_ =	shalt  }
0x3e: {  	_ =	shalt  }
0x3f: {  	_ =	shalt  }
0x40: {  	_ =	shalt  }
0x41: {  	_ =	shalt  }
0x42: {  	_ =	shalt  }
0x43: {  	_ =	shalt  }
0x44: {  	_ =	shalt  }
0x45: {  	_ =	shalt  }
0x46: {  	_ =	shalt  }
0x47: {  	_ =	shalt  }
0x48: {  	_ =	shalt  }
0x49: {  	_ =	shalt  }
0x4a: {  	_ =	shalt  }
0x4b: {  	_ =	shalt  }
0x4c: {  	_ =	shalt  }
0x4d: {  	_ =	shalt  }
0x4e: {  	_ =	shalt  }
0x4f: {  	_ =	shalt  }
0x50: {  	_ =	shalt  }
0x51: {  	_ =	shalt  }
0x52: {  	_ =	shalt  }
0x53: {  	_ =	shalt  }
0x54: {  	_ =	shalt  }
0x55: {  	_ =	shalt  }
0x56: {  	_ =	shalt  }
0x57: {  	_ =	shalt  }
0x58: {  	_ =	shalt  }
0x59: {  	_ =	shalt  }
0x5a: {  	_ =	shalt  }
0x5b: {  	_ =	shalt  }
0x5c: {  	_ =	shalt  }
0x5d: {  	_ =	shalt  }
0x5e: {  	_ =	shalt  }
0x5f: {  	_ =	shalt  }
0x60: {  	_ =	shalt  }
0x61: {  	_ =	shalt  }
0x62: {  	_ =	shalt  }
0x63: {  	_ =	shalt  }
0x64: {  	_ =	shalt  }
0x65: {  	_ =	shalt  }
0x66: {  	_ =	shalt  }
0x67: {  	_ =	shalt  }
0x68: {  	_ =	shalt  }
0x69: {  	_ =	shalt  }
0x6a: {  	_ =	shalt  }
0x6b: {  	_ =	shalt  }
0x6c: {  	_ =	shalt  }
0x6d: {  	_ =	shalt  }
0x6e: {  	_ =	shalt  }
0x6f: {  	_ =	shalt  }
0x70: {  	_ =	shalt  }
0x71: {  	_ =	shalt  }
0x72: {  	_ =	shalt  }
0x73: {  	_ =	shalt  }
0x74: {  	_ =	shalt  }
0x75: {  	_ =	shalt  }
0x76: {  	_ =	shalt  }
0x77: {  	_ =	shalt  }
0x78: {  	_ =	shalt  }
0x79: {  	_ =	shalt  }
0x7a: {  	_ =	shalt  }
0x7b: {  	_ =	shalt  }
0x7c: {  	_ =	shalt  }
0x7d: {  	_ =	shalt  }
0x7e: {  	_ =	shalt  }
0x7f: {  	_ =	shalt  }
0x80: {  	_ =	shalt  }
0x81: {  	_ =	shalt  }
0x82: {  	_ =	shalt  }
0x83: {  	_ =	shalt  }
0x84: {  	_ =	shalt  }
0x85: {  	_ =	shalt  }
0x86: {  	_ =	shalt  }
0x87: {  	_ =	shalt  }
.Lfunc_end0:
.L_simem_size_0:
called_computation.2_lowered:
.L_overlay_start_0:
0x88: {  	s2 =	sld [smem:$0x3FD9]  }
0x89: {  	s3 =	sld [smem:$0x3FFE];
	_ =	sdelay $0x1  }
0x8a: {  	s1 =	srdreg.scid  }
0x8b: {  	s0 =	sand.u32 $0x1, s1  }
0x8c: {  	s16 =	sshll.u32 s0, $0xA;
	s2 =	sadd.s32 s3, s2  }
0x8d: {  	s2 =	sadd.s32 s2, s16  }
0x8e: {  	[smem:$0x3FBD] =	sst s2  }
0x8f: {  	_ = 	snop  }
0x90: {  	(tm) =	ssettm $0x1  }
0x91: {  	s17 =	sld [smem:$0x3FFB];
	_ =	sdelay $0x3  }
0x92: {  	_ =	strace s17  }
0x93: {  	s2 =	sld [smem:$0x3FFC];
	_ =	sdelay $0x3  }
0x94: {  	_ =	strace s2  }
0x95: {  	s2 =	sld [smem:$0x3FFD];
	_ =	sdelay $0x3  }
0x96: {  	_ =	strace s2  }
0x97: {  	_ =	strace $0x8FFFFFFF  }
0x98: {  	s18 =	sld [smem:$0x3FDB];
	_ =	sdelay $0x1  }
0x99: {  	s19 =	simm.s32 $_scs_section_size  }
0x9a: {  	s4 =	simm.s32 $_size__tile_overlayer_lowered;
	s5 =	simm.s32 $_tile_overlayer_lowered  }
0x9b: {  	s22 =	simm.s32 $0x1BFF;
	s21 =	sshll.u32 s5, $0x1;
	s2 =	sadd.s32 s19, s18  }
0x9c: {  	s6 =	simm.s32 $0x0;
	s20 =	sshll.u32 s4, $0x1;
	s4 =	sadd.s32 s21, s2  }
0x9d: {  	[timem:s6], [sflag:s22] =	dma.local [hbm:s4], s20  }
0x9e: {  	_ =	swait.ge [sflag:s22], s20  }
0x9f: {  	s3 =	ssub.s32 $0x0, s20;
	[sflag:s22] =	ssyncset.done $0x0  }
0xa0: {  	[sflag:s22] =	ssyncadd.s32 s3;
	_ =	sdelay $0x1  }
0xa1: {  	s23 =	simm.s32 $0x1B8B  }
0xa2: {  	_ =	swait.ge [sflag:s23], $0x1  }
0xa3: {  	[sflag:s23] =	ssyncset.done $0x0  }
0xa4: {  	s25 =	simm.s32 $0x1B8E;
	s24 =	sld [smem:$0x3FFE];
	[sflag:s23] =	ssyncadd.s32 $0xFFFFFFFF  }
0xa5: {  	s26 =	simm.s32 $execute0_lowered;
	[smem:$0x3FD2] =	sst s25  }
0xa6: {  	s4 =	sshll.u32 s26, $0x1;
	_ =	strace $0x8000004C;
	[dreg:$0x1] =	wrdreg $0xFFFFFFFF  }
0xa7: {  	s28 =	simm.s32 $_size_execute0_lowered;
	s2 =	sadd.s32 s2, s4;
	[dreg:$0x0] =	wrdreg $0x0  }
0xa8: {  	s4 =	sshll.u32 s28, $0x1;
	[dreg:$0x2] =	wrdreg s2  }
0xa9: {  	[dreg:$0x3] =	wrdreg s4  }
0xaa: {  	[dreg:$0x4] =	wrdreg $0xC0  }
0xab: {  	_ =	task [dreg:s6], $0x5FFFF  }
0xac: {  	[dreg:$0x1] =	wrdreg $0xFFFFFFFF  }
0xad: {  	[dreg:$0x0] =	wrdreg $0x60  }
0xae: {  	[dreg:$0x2] =	wrdreg s24  }
0xaf: {  	[dreg:$0x3] =	wrdreg $0x70000  }
0xb0: {  	[dreg:$0x4] =	wrdreg $0x9  }
0xb1: {  	_ =	task.clear_ibuf [dreg:s6], $0x5FFFF;
	_ =	strace $0x9000004C  }
0xb2: {  	s29 =	simm.s32 $0x9;
	_ =	strace $0x8000004E  }
0xb3: {  	_ =	swait.ge [sflag:s29], $0x1  }
0xb4: {  	[sflag:s29] =	ssyncadd.s32 $0xFFFFFFFF  }
0xb5: {  	_ =	strace $0x9000004E  }
0xb6: {  	_ =	sfence  }
0xb7: {  	s30 =	sld [smem:$0x0];
	_ =	sdelay $0x2  }
0xb8: {  	s31 =	sshll.u32 s1, $0xD;
	s1 =	sshrl.u32 s1, $0x2  }
0xb9: {  	s3 =	sand.u32 $0x4000, s31;
	s1 =	sadd.s32 s1, s30  }
0xba: {  	s0 =	sor.u32 s3, s0;
	s1 =	sshll.u32 s1, $0x11  }
0xbb: {  	s0 =	sor.u32 s1, s0  }
0xbc: {  	s0 =	sadd.s32 $0x8F2B, s0  }
0xbd: {  	[sflag:s0] =	ssyncadd.remote.s32 $0x1  }
0xbe: {  	_ =	sfence.sel $0xFFFF  }
0xbf: {  	[dreg:$0x0] =	wrdreg $0xFFFFFFFF;
	(pc) =	sbr.abs _section_cstart, $3  }
0xc0: {  	[dreg:$0x1] =	wrdreg $0xFFFFFFFF  }
0xc1: {  	_ =	task.clear_ibuf [dreg:s6], $0x2FFFF;
	_ =	strace $0x9FFFFFFF  }
0xc2: {  	(tm) =	ssettm $0x7FFFFFFF  }
0xc3: {  	_ =	shalt  }
tec
execute0_lowered:
.L_overlay_start_1:
0x0: {  	(tag) =	ssettag $0x1  }
0x1: {  	s7 =	rddreg [dreg:$0x0]  }
0x2: {  	s1 =	rddreg [dreg:$0x1]  }
0x3: {  	s0 =	rddreg [dreg:$0x2];
	s2 =	simm.s32 $0x0;
	s3 =	srdreg.scid  }
0x4: {  	s14 =	simm.s32 $0x50;
	s15 =	simm.s32 $0x4800;
	s16 =	simm.s32 $0x1  }
0x5: {  	s17 =	simm.s32 $0x2;
	s18 =	simm.s32 $0x1C00;
	[smem:$0x7FF] =	sst s2  }
0x6: {  	s8 =	sand.u32 $0x1, s3;
	s4 =	sadd.s32 $0x75C00, s7;
	s5 =	sadd.s32 $0x61C00, s7  }
0x7: {  	s6 =	sadd.s32 $0x3A00, s7;
	s3 =	stileid.u32;
	s9 =	smul.u32 $0x27100, s8  }
0x8: {  	_ =	strace $0x8000004D;
	s10 =	ssub.s32 $0x2, s8;
	s13 =	smul.u32 $0x50000, s3  }
0x9: {  	s12 =	sshll.u32 s3, $0x1;
	p0 =	seq.s32 s3, $0xF;
	s20 =	smul.u32 $0x2800, s3  }
0xa: {  	s11 =	sshrl.u32 s10, $0x1;
	s8 =	sor.u32 s8, s12;
	s12 =	simm.s32 $0x3  }
0xb: {  	s9 =	sadd.s32 s9, s7;
	s7 =	simm.s32 $0x5;
	s10 =	ssub.s32 s10, s11  }
0xc: {  	s8 =	smul.u32 $0x5000, s8;
	s31 =	sshrl.u32 s13, $0x2;
	s11 =	simm.s32 $0x2000  }
0xd: {  	s13 =	simm.s32 $0x1000;
	s7 =	simm.s32 @!p0 $0x8;
	s19 =	sadd.s32 $0x89C00, s9  }
0xe: {  	v0 =	vimm.f32 $0.0e+00;
	s9 =	smax.u32 s10, $0x1;
	s10 =	sadd.s32 s31, s1;
	s19 =	sadd.s32 s19, s20  }
.LBB2_1:
0xf: {  	s20 =	simm.s32 $0x0;
	s21 =	simm.s32 $0x200  }
.LBB2_2:
0x10: {  	p0 =	sne.s32 s21, $0x9E00;
	[tilespmem:s20+$0x2070] =	vst v0  }
0x11: {  	[tilespmem:s20+$0x2000] =	vst v0  }
0x12: {  	[tilespmem:s20+$0x2010] =	vst v0  }
.Ltmp0:
0x13: {  	[tilespmem:s20+$0x2020] =	vst v0;
	(pc) =	sbr.rel @p0 .LBB2_2-.Ltmp0, $4  }
0x14: {  	[tilespmem:s20+$0x2030] =	vst v0  }
0x15: {  	[tilespmem:s20+$0x2040] =	vst v0  }
0x16: {  	[tilespmem:s20+$0x2050] =	vst v0  }
0x17: {  	[tilespmem:s20+$0x2060] =	vst v0;
	s20 =	sshra.s32 s21, $0x2;
	s21 =	sadd.s32 $0x200, s21  }
0x18: {  	[tilespmem:s20+$0x2070] =	vst v0  }
0x19: {  	[tilespmem:s20+$0x2000] =	vst v0  }
0x1a: {  	[tilespmem:s20+$0x2010] =	vst v0  }
0x1b: {  	[tilespmem:s20+$0x2020] =	vst v0  }
0x1c: {  	[tilespmem:s20+$0x2030] =	vst v0  }
0x1d: {  	[tilespmem:s20+$0x2040] =	vst v0;
	p0 =	sne.s32 s7, $0x1  }
.Ltmp1:
0x1e: {  	[tilespmem:s20+$0x2050] =	vst v0;
	(pc) =	sbr.rel @!p0 .LBB2_5-.Ltmp1, $4  }
0x1f: {  	[tilespmem:s20+$0x2060] =	vst v0  }
0x20: {  	[spmem:s10] =	stream.linear.scatter [tilespmem:s11], [sflag:$0x3], $0x2800, $0x38;
	[tilespmem:$0x1A880] =	vst v63  }
0x21: {  	_ =	swait.ge [sflag:s12], $0x2800  }
0x22: {  	s20 =	sadd.s32 $0xFFFFFFFF, s7;
	s21 =	smov.u32 s10;
	[sflag:s12] =	ssyncset.done $0x0  }
.LBB2_4:
0x23: {  	p1 =	sne.s32 s20, $0x1;
	[sflag:s12] =	ssyncadd.s32 $0xFFFFD800;
	s21 =	sadd.s32 $0x2800, s21  }
.Ltmp2:
0x24: {  	s20 =	sadd.s32 $0xFFFFFFFF, s20;
	(pc) =	sbr.rel @p1 .LBB2_4-.Ltmp2, $4  }
0x25: {  	_ = 	snop  }
0x26: {  	[spmem:s21] =	stream.linear.scatter [tilespmem:s11], [sflag:$0x3], $0x2800, $0x38;
	[tilespmem:$0x1A880] =	vst v63  }
0x27: {  	_ =	swait.ge [sflag:s12], $0x2800  }
0x28: {  	[sflag:s12] =	ssyncset.done $0x0  }
.LBB2_5:
0x29: {  	[sflag:s12] =	ssyncadd.s32 $0xFFFFD800  }
0x2a: {  	s20 =	simm.s32 $0x0;
	s21 =	simm.s32 $0x0;
	[bflag:$0x0] =	sbarrier.arrive $0xFFFF  }
.LBB2_6:
0x2b: {  	s22 =	sshll.u32 s21, $0xC  }
0x2c: {  	s22 =	sadd.s32 s8, s22  }
0x2d: {  	s22 =	sshrl.u32 s22, $0x3  }
0x2e: {  	s23 =	sadd.s32 s4, s22  }
0x2f: {  	[tilespmem:s20], [sflag:$0x3] =	stream.linear.gather [hbm4b:s23+s20], $0xC80, $0x38;
	[tilespmem:$0x1A880] =	vst v63  }
0x30: {  	_ =	swait.ge [sflag:s12], $0xC80  }
0x31: {  	[sflag:s12] =	ssyncset.done $0x0  }
0x32: {  	s22 =	sadd.s32 s5, s22;
	[sflag:s12] =	ssyncadd.s32 $0xFFFFF380  }
0x33: {  	[tilespmem:s13], [sflag:$0x3] =	stream.linear.gather [hbm4b:s22+s20], $0xC80, $0x38;
	[tilespmem:$0x1A880] =	vst v63  }
0x34: {  	_ =	swait.ge [sflag:s12], $0xC80  }
0x35: {  	[sflag:s12] =	ssyncset.done $0x0  }
0x36: {  	[sflag:s12] =	ssyncadd.s32 $0xFFFFF380  }
0x37: {  	[tilespmem:s11], [sflag:$0x1] =	stream.indirect.gather [hbm4b:s6+s14], $0x80, s20, s14, $0xb8;
	[tilespmem:$0x1A880] =	vst v63  }
0x38: {  	s28 =	simm.s32 $0x80  }
0x39: {  	[tilespmem:s15], [sflag:$0x2] =	stream.indirect.gather [hbm4b:s6+s14], $0x80, s28, s14, $0xb8;
	[tilespmem:$0x1A880] =	vst v63  }
0x3a: {  	_ =	swait.ge [sflag:s16], $0x2800  }
0x3b: {  	[sflag:s16] =	ssyncset.done $0x0  }
0x3c: {  	s29 =	simm.s32 $0x1000;
	[sflag:s16] =	ssyncadd.s32 $0xFFFFD800  }
0x3d: {  	[spmem:s1] =	stream.indirect.scatter.add.f32 [tilespmem:s11], [sflag:$0x3], $0x80, s29, s14, $0xb8;
	[tilespmem:$0x1A880] =	vst v63  }
0x3e: {  	_ =	swait.ge [sflag:s12], $0x2800  }
0x3f: {  	[sflag:s12] =	ssyncset.done $0x0  }
0x40: {  	s30 =	simm.s32 $0x100;
	[sflag:s12] =	ssyncadd.s32 $0xFFFFD800  }
0x41: {  	[tilespmem:s11], [sflag:$0x1] =	stream.indirect.gather [hbm4b:s6+s14], $0x80, s30, s14, $0xb8;
	[tilespmem:$0x1A880] =	vst v63  }
0x42: {  	_ =	swait.ge [sflag:s17], $0x2800  }
0x43: {  	[sflag:s17] =	ssyncset.done $0x0  }
0x44: {  	s31 =	simm.s32 $0x1080;
	[sflag:s17] =	ssyncadd.s32 $0xFFFFD800  }
0x45: {  	[spmem:s1] =	stream.indirect.scatter.add.f32 [tilespmem:s15], [sflag:$0x3], $0x80, s31, s14, $0xb8;
	[tilespmem:$0x1A880] =	vst v63  }
0x46: {  	_ =	swait.ge [sflag:s12], $0x2800  }
0x47: {  	s23 =	simm.s32 $0x800;
	s22 =	simm.s32 $0x100;
	[sflag:s12] =	ssyncset.done $0x0  }
.LBB2_7:
0x48: {  	s24 =	sadd.s32 $0x80, s22  }
0x49: {  	[sflag:s12] =	ssyncadd.s32 $0xFFFFD800;
	s25 =	smov.u32 s23;
	s26 =	sadd.s32 $0x400, s23  }
0x4a: {  	[tilespmem:s15], [sflag:$0x2] =	stream.indirect.gather [hbm4b:s6+s14], $0x80, s24, s14, $0xb8;
	[tilespmem:$0x1A880] =	vst v63  }
0x4b: {  	p1 =	sne.s32 s23, $0x2C00;
	_ =	swait.ge [sflag:s16], $0x2800  }
0x4c: {  	[sflag:s16] =	ssyncset.done $0x0  }
0x4d: {  	s23 =	sadd.s32 $0x1000, s22;
	[sflag:s16] =	ssyncadd.s32 $0xFFFFD800  }
0x4e: {  	[spmem:s1] =	stream.indirect.scatter.add.f32 [tilespmem:s11], [sflag:$0x3], $0x80, s23, s14, $0xb8;
	[tilespmem:$0x1A880] =	vst v63  }
0x4f: {  	_ =	swait.ge [sflag:s12], $0x2800  }
0x50: {  	[sflag:s12] =	ssyncset.done $0x0  }
0x51: {  	s23 =	sadd.s32 $0x100, s22;
	[sflag:s12] =	ssyncadd.s32 $0xFFFFD800  }
0x52: {  	[tilespmem:s11], [sflag:$0x1] =	stream.indirect.gather [hbm4b:s6+s14], $0x80, s23, s14, $0xb8;
	[tilespmem:$0x1A880] =	vst v63  }
0x53: {  	_ =	swait.ge [sflag:s17], $0x2800  }
.Ltmp3:
0x54: {  	[sflag:s17] =	ssyncset.done $0x0;
	(pc) =	sbr.rel @p1 .LBB2_7-.Ltmp3, $4  }
0x55: {  	s22 =	sadd.s32 $0x1080, s22;
	[sflag:s17] =	ssyncadd.s32 $0xFFFFD800  }
0x56: {  	[spmem:s1] =	stream.indirect.scatter.add.f32 [tilespmem:s15], [sflag:$0x3], $0x80, s22, s14, $0xb8;
	[tilespmem:$0x1A880] =	vst v63  }
0x57: {  	_ =	swait.ge [sflag:s12], $0x2800  }
0x58: {  	s23 =	smov.u32 s26;
	s22 =	sshra.s32 s25, $0x2;
	[sflag:s12] =	ssyncset.done $0x0  }
0x59: {  	s23 =	sadd.s32 $0x80, s22;
	[sflag:s12] =	ssyncadd.s32 $0xFFFFD800  }
0x5a: {  	[tilespmem:s15], [sflag:$0x2] =	stream.indirect.gather [hbm4b:s6+s14], $0x80, s23, s14, $0xb8;
	[tilespmem:$0x1A880] =	vst v63  }
0x5b: {  	_ =	swait.ge [sflag:s16], $0x2800  }
0x5c: {  	[sflag:s16] =	ssyncset.done $0x0  }
0x5d: {  	s29 =	sadd.s32 $0x1000, s22;
	[sflag:s16] =	ssyncadd.s32 $0xFFFFD800  }
0x5e: {  	[spmem:s1] =	stream.indirect.scatter.add.f32 [tilespmem:s11], [sflag:$0x3], $0x80, s29, s14, $0xb8;
	[tilespmem:$0x1A880] =	vst v63  }
0x5f: {  	_ =	swait.ge [sflag:s12], $0x2800  }
0x60: {  	[sflag:s12] =	ssyncset.done $0x0  }
0x61: {  	s30 =	sadd.s32 $0x100, s22;
	[sflag:s12] =	ssyncadd.s32 $0xFFFFD800  }
0x62: {  	[tilespmem:s11], [sflag:$0x1] =	stream.indirect.gather [hbm4b:s6+s14], $0x80, s30, s14, $0xb8;
	[tilespmem:$0x1A880] =	vst v63  }
0x63: {  	_ =	swait.ge [sflag:s17], $0x2800  }
0x64: {  	[sflag:s17] =	ssyncset.done $0x0  }
0x65: {  	s31 =	sadd.s32 $0x1080, s22;
	[sflag:s17] =	ssyncadd.s32 $0xFFFFD800  }
0x66: {  	[spmem:s1] =	stream.indirect.scatter.add.f32 [tilespmem:s15], [sflag:$0x3], $0x80, s31, s14, $0xb8;
	[tilespmem:$0x1A880] =	vst v63  }
0x67: {  	_ =	swait.ge [sflag:s12], $0x2800  }
0x68: {  	[sflag:s12] =	ssyncset.done $0x0  }
0x69: {  	[sflag:s12] =	ssyncadd.s32 $0xFFFFD800  }
0x6a: {  	s21 =	sadd.s32 $0x1, s21;
	_ =	swait.ge [sflag:s16], $0x2800  }
0x6b: {  	p1 =	sne.s32 s21, $0x5;
	[sflag:s16] =	ssyncset.done $0x0  }
.Ltmp4:
0x6c: {  	[sflag:s16] =	ssyncadd.s32 $0xFFFFD800;
	(pc) =	sbr.rel @p1 .LBB2_6-.Ltmp4, $4  }
0x6d: {  	[spmem:s1] =	stream.indirect.scatter.add.f32 [tilespmem:s11], [sflag:$0x3], $0x80, s18, s14, $0xb8;
	[tilespmem:$0x1A880] =	vst v63  }
0x6e: {  	_ =	swait.ge [sflag:s12], $0x2800  }
0x6f: {  	[sflag:s12] =	ssyncset.done $0x0  }
0x70: {  	[sflag:s12] =	ssyncadd.s32 $0xFFFFD800  }
.Ltmp5:
0x71: {  	(pc) =	sbr.rel @!p0 .LBB2_11-.Ltmp5, $4  }
0x72: {  	s20 =	sshll.u32 s3, $0x6;
	[bflag:$0x0] =	sbarrier.arrive $0xFFFF  }
0x73: {  	s21 =	sshrl.u32 s10, $0x3;
	s22 =	sadd.s32 $0x500, s19;
	s20 =	sor.u32 $0x1C03, s20  }
0x74: {  	[hbm:s19], [sflag:s20] =	dma.local [spmem:s21], $0x500  }
0x75: {  	s23 =	smov.u32 s10;
	s21 =	sadd.s32 $0xFFFFFFFF, s7;
	_ =	swait.ge [sflag:s12], $0x500  }
.LBB2_10:
0x76: {  	[sflag:s12] =	ssyncset.done $0x0;
	s23 =	sadd.s32 $0x2800, s23;
	p0 =	sne.s32 s21, $0x1  }
.Ltmp6:
0x77: {  	s24 =	sshrl.u32 s23, $0x3;
	[sflag:s12] =	ssyncadd.s32 $0xFFFFFB00;
	(pc) =	sbr.rel @p0 .LBB2_10-.Ltmp6, $3  }
0x78: {  	[hbm:s22], [sflag:s20] =	dma.local [spmem:s24], $0x500  }
0x79: {  	s21 =	sadd.s32 $0xFFFFFFFF, s21;
	_ =	sdelay $0x1  }
0x7a: {  	s22 =	sadd.s32 $0x500, s22;
	_ =	swait.ge [sflag:s12], $0x500  }
.LBB2_11:
0x7b: {  	s2 =	sadd.s32 $0x1, s2  }
0x7c: {  	p0 =	sne.s32 s2, s9  }
.Ltmp7:
0x7d: {  	_ = 	snop;
	(pc) =	sbr.rel @p0 .LBB2_1-.Ltmp7, $3  }
0x7e: {  	_ =	sdelay $0x1  }
0x7f: {  	[sflag:s12] =	ssyncset.done $0x0  }
0x80: {  	[sflag:s12] =	ssyncadd.s32 $0xFFFFFB00  }
0x81: {  	_ =	sfence.sel $0x180000  }
0x82: {  	[bflag:$0x0] =	sbarrier.arrive $0xFFFF  }
0x83: {  	p0 =	sne.s32 s3, $0x0;
	_ =	strace $0x9000004D  }
0x84: {  	s0 =	sadd.s32 @!p0 $0x100000, s0;
	[bflag:$0x2] =	sbarrier.arrive $0xFFFF  }
0x85: {  	[sflag:s0] =	ssyncadd.tile.s32 @!p0 $0x1;
	_ =	shalt  }
.Lfunc_end2:
_tile_overlayer_lowered:
.L_overlay_start_2:
0x86: {  	(tag) =	ssettag $0x2  }
0x87: {  	s0 =	rddreg [dreg:$0x0];
	s2 =	stileid.u32  }
0x88: {  	s1 =	rddreg [dreg:$0x1];
	p0 =	sne.s32 s2, $0x0  }
0x89: {  	s3 =	rddreg [dreg:$0x2];
	[bflag:$0x3] =	sbarrier.arrive $0xFFFF;
	s2 =	simm.s32 @!p0 $0x1C03  }
0x8a: {  	[timem:s3], [sflag:s2] =	dma.local @!p0 [hbm:s0], s1  }
0x8b: {  	s0 =	simm.s32 @!p0 $0x3  }
0x8c: {  	_ =	swait.ge @!p0 [sflag:s0], s1  }
0x8d: {  	s1 =	ssub.s32 @!p0 $0x0, s1;
	[sflag:s0] =	ssyncset.done @!p0 $0x0  }
0x8e: {  	[sflag:s0] =	ssyncadd.s32 @!p0 s1  }
0x8f: {  	[bflag:$0x3] =	sbarrier.arrive $0xFFFF  }
0x90: {  	_ =	shalt  }

// kernel: kernel.20.cloned.1.call-start
scs
__scs_entry_jumppad:
0x0: {  	(pc) =	sbr.rel $0x88, $3  }
0x1: {  	(tag) =	ssettag $0x0;
	lr =	simm.s32 $0x1  }
0x2: {  	[smem:$0x3F96] =	sst lr;
	_ =	strace $0xD0000000  }
0x3: {  	_ = 	snop  }
0x4: {  	_ = 	snop  }
0x5: {  	_ = 	snop  }
0x6: {  	_ = 	snop  }
0x7: {  	_ = 	snop  }
__scs_overlays_trampoline_lowered:
0x8: {  	[smem:$0x3FA5] =	sst s0  }
0x9: {  	[smem:$0x3FA6] =	sst s1  }
0xa: {  	[smem:$0x3FA7] =	sst s2  }
0xb: {  	[smem:$0x3FA8] =	sst s3  }
0xc: {  	[smem:$0x3FA9] =	sst s4  }
0xd: {  	[smem:$0x3FAA] =	sst s5  }
0xe: {  	[smem:$0x3FAB] =	sst s6  }
0xf: {  	[smem:$0x3FAC] =	sst s7  }
0x10: {  	[smem:$0x3FAD] =	sst s8  }
0x11: {  	[smem:$0x3FAE] =	sst s9;
	s0 =	simm.s32 @!p0 $0x0  }
0x12: {  	s1 =	sld [smem:$0x3F94];
	s0 =	simm.s32 @p0 $0x1  }
0x13: {  	[smem:$0x3FAF] =	sst s0;
	s0 =	simm.s32 @!p1 $0x0  }
0x14: {  	s2 =	sld [smem:$0x3F93];
	s0 =	simm.s32 @p1 $0x1  }
0x15: {  	[smem:$0x3FB0] =	sst s0;
	s0 =	simm.s32 @!p2 $0x0  }
0x16: {  	s3 =	sld [smem:$0x3FDB];
	s0 =	simm.s32 @p2 $0x1  }
0x17: {  	s4 =	simm.s32 $0x1BF5;
	[smem:$0x3FB2] =	sst s0  }
0x18: {  	s0 =	sld [smem:$0x3F95];
	_ =	swait.ge [sflag:s4], $0x0  }
0x19: {  	s7 =	sld [smem:$0x3F96]  }
0x1a: {  	s8 =	sadd.s32 $0xFFFFE003, lr  }
0x1b: {  	s9 =	sadd.s32 $0xFFFFFEF7, lr;
	s5 =	simm.s32 $0xFFFFFFFF;
	p2 =	slt.u32 s8, $0xFFFFF086  }
0x1c: {  	p1 =	slt.u32 s9, $0xF7A;
	s5 =	simm.s32 @!p2 $0x0  }
0x1d: {  	s5 =	simm.s32 @p1 $0x1;
	p0 =	seq.s32 s7, s2  }
0x1e: {  	s7 =	smul.u32 @!p0 $0xF7A, s2;
	p2 =	seq.s32 @!p0 s5, $0x0  }
0x1f: {  	s9 =	smul.u32 $0xF7A, s1;
	s8 =	simm.s32 @!p0 $0x1BF5;
	p2 =	por !p2, p0  }
0x20: {  	[sflag:s8] =	ssyncset.s32 @!p0 $0xFFFFF086;
	s6 =	sadd.s32 @!p0 s3, s7;
	s7 =	simm.s32 @!p0 $0x108  }
0x21: {  	s3 =	sadd.s32 s3, s9;
	s6 =	sadd.s32 @!p0 $0x88, s6;
	s7 =	simm.s32 @p2 $0x1082  }
0x22: {  	[simem:s7], [sflag:s8] =	dma.local @!p0 [hbm:s6], $0xF7A  }
0x23: {  	s9 =	sor.u32 $0xD0000000, s2;
	s6 =	simm.s32 $0x108;
	_ =	swait.ge @!p0 [sflag:s8], $0x0  }
0x24: {  	s3 =	sadd.s32 $0x88, s3;
	s6 =	simm.s32 @!p1 $0x1082;
	[sflag:s4] =	ssyncset.s32 $0xFFFFF086  }
0x25: {  	[simem:s6], [sflag:s4] =	dma.local [hbm:s3], $0xF7A  }
0x26: {  	[smem:$0x3F96] =	sst s1;
	(tag) =	ssettag s2;
	_ =	strace s9  }
0x27: {  	s1 =	sld [smem:$0x3FA6]  }
0x28: {  	s2 =	sld [smem:$0x3FA7]  }
0x29: {  	s4 =	sld [smem:$0x3FA9]  }
0x2a: {  	p0 =	seq.s32 s5, $0x0;
	s5 =	sld [smem:$0x3FAA]  }
0x2b: {  	s6 =	sld [smem:$0x3FAB]  }
0x2c: {  	s7 =	sld [smem:$0x3FAC]  }
0x2d: {  	s3 =	simm.s32 $0x108;
	s8 =	sld [smem:$0x3FAD]  }
0x2e: {  	s3 =	simm.s32 @!p0 $0x1082;
	s9 =	sld [smem:$0x3FAE]  }
0x2f: {  	lr =	sadd.s32 s0, s3;
	s0 =	sld [smem:$0x3FA5]  }
0x30: {  	s3 =	sld [smem:$0x3FA8]  }
0x31: {  	[smem:$0x3FB1] =	sst s10  }
0x32: {  	s10 =	sld [smem:$0x3FAF];
	_ =	sdelay $0x3  }
0x33: {  	p0 =	seq.s32 s10, $0x1;
	s10 =	sld [smem:$0x3FB1];
	_ =	sdelay $0x3  }
0x34: {  	[smem:$0x3FB1] =	sst s10  }
0x35: {  	s10 =	sld [smem:$0x3FB0];
	_ =	sdelay $0x3  }
0x36: {  	p1 =	seq.s32 s10, $0x1;
	s10 =	sld [smem:$0x3FB1];
	_ =	sdelay $0x3  }
0x37: {  	[smem:$0x3FB1] =	sst s10  }
0x38: {  	s10 =	sld [smem:$0x3FB2]  }
0x39: {  	_ = 	snop;
	(pc) =	sbr.ind lr, $3  }
0x3a: {  	_ = 	snop  }
0x3b: {  	_ = 	snop  }
0x3c: {  	p2 =	seq.s32 s10, $0x1;
	s10 =	sld [smem:$0x3FB1]  }
0x3d: {  	_ =	shalt  }
0x3e: {  	_ =	shalt  }
0x3f: {  	_ =	shalt  }
0x40: {  	_ =	shalt  }
0x41: {  	_ =	shalt  }
0x42: {  	_ =	shalt  }
0x43: {  	_ =	shalt  }
0x44: {  	_ =	shalt  }
0x45: {  	_ =	shalt  }
0x46: {  	_ =	shalt  }
0x47: {  	_ =	shalt  }
0x48: {  	_ =	shalt  }
0x49: {  	_ =	shalt  }
0x4a: {  	_ =	shalt  }
0x4b: {  	_ =	shalt  }
0x4c: {  	_ =	shalt  }
0x4d: {  	_ =	shalt  }
0x4e: {  	_ =	shalt  }
0x4f: {  	_ =	shalt  }
0x50: {  	_ =	shalt  }
0x51: {  	_ =	shalt  }
0x52: {  	_ =	shalt  }
0x53: {  	_ =	shalt  }
0x54: {  	_ =	shalt  }
0x55: {  	_ =	shalt  }
0x56: {  	_ =	shalt  }
0x57: {  	_ =	shalt  }
0x58: {  	_ =	shalt  }
0x59: {  	_ =	shalt  }
0x5a: {  	_ =	shalt  }
0x5b: {  	_ =	shalt  }
0x5c: {  	_ =	shalt  }
0x5d: {  	_ =	shalt  }
0x5e: {  	_ =	shalt  }
0x5f: {  	_ =	shalt  }
0x60: {  	_ =	shalt  }
0x61: {  	_ =	shalt  }
0x62: {  	_ =	shalt  }
0x63: {  	_ =	shalt  }
0x64: {  	_ =	shalt  }
0x65: {  	_ =	shalt  }
0x66: {  	_ =	shalt  }
0x67: {  	_ =	shalt  }
0x68: {  	_ =	shalt  }
0x69: {  	_ =	shalt  }
0x6a: {  	_ =	shalt  }
0x6b: {  	_ =	shalt  }
0x6c: {  	_ =	shalt  }
0x6d: {  	_ =	shalt  }
0x6e: {  	_ =	shalt  }
0x6f: {  	_ =	shalt  }
0x70: {  	_ =	shalt  }
0x71: {  	_ =	shalt  }
0x72: {  	_ =	shalt  }
0x73: {  	_ =	shalt  }
0x74: {  	_ =	shalt  }
0x75: {  	_ =	shalt  }
0x76: {  	_ =	shalt  }
0x77: {  	_ =	shalt  }
0x78: {  	_ =	shalt  }
0x79: {  	_ =	shalt  }
0x7a: {  	_ =	shalt  }
0x7b: {  	_ =	shalt  }
0x7c: {  	_ =	shalt  }
0x7d: {  	_ =	shalt  }
0x7e: {  	_ =	shalt  }
0x7f: {  	_ =	shalt  }
0x80: {  	_ =	shalt  }
0x81: {  	_ =	shalt  }
0x82: {  	_ =	shalt  }
0x83: {  	_ =	shalt  }
0x84: {  	_ =	shalt  }
0x85: {  	_ =	shalt  }
0x86: {  	_ =	shalt  }
0x87: {  	_ =	shalt  }
.Lfunc_end0:
.L_simem_size_0:
called_computation.3_lowered:
.L_overlay_start_0:
0x88: {  	s2 =	sld [smem:$0x3FD9]  }
0x89: {  	s3 =	sld [smem:$0x3FFE];
	_ =	sdelay $0x1  }
0x8a: {  	s1 =	srdreg.scid  }
0x8b: {  	s0 =	sand.u32 $0x1, s1  }
0x8c: {  	s16 =	sshll.u32 s0, $0xA;
	s2 =	sadd.s32 s3, s2  }
0x8d: {  	s2 =	sadd.s32 s2, s16  }
0x8e: {  	[smem:$0x3FBD] =	sst s2  }
0x8f: {  	_ = 	snop  }
0x90: {  	(tm) =	ssettm $0x1  }
0x91: {  	s17 =	sld [smem:$0x3FFB];
	_ =	sdelay $0x3  }
0x92: {  	_ =	strace s17  }
0x93: {  	s2 =	sld [smem:$0x3FFC];
	_ =	sdelay $0x3  }
0x94: {  	_ =	strace s2  }
0x95: {  	s2 =	sld [smem:$0x3FFD];
	_ =	sdelay $0x3  }
0x96: {  	_ =	strace s2  }
0x97: {  	_ =	strace $0x8FFFFFFF  }
0x98: {  	s18 =	sld [smem:$0x3FDB];
	_ =	sdelay $0x1  }
0x99: {  	s19 =	simm.s32 $_scs_section_size  }
0x9a: {  	s4 =	simm.s32 $_size__tile_overlayer_lowered;
	s5 =	simm.s32 $_tile_overlayer_lowered  }
0x9b: {  	s22 =	simm.s32 $0x1BFF;
	s21 =	sshll.u32 s5, $0x1;
	s2 =	sadd.s32 s19, s18  }
0x9c: {  	s6 =	simm.s32 $0x0;
	s20 =	sshll.u32 s4, $0x1;
	s4 =	sadd.s32 s21, s2  }
0x9d: {  	[timem:s6], [sflag:s22] =	dma.local [hbm:s4], s20  }
0x9e: {  	_ =	swait.ge [sflag:s22], s20  }
0x9f: {  	s3 =	ssub.s32 $0x0, s20;
	[sflag:s22] =	ssyncset.done $0x0  }
0xa0: {  	[sflag:s22] =	ssyncadd.s32 s3;
	_ =	sdelay $0x1  }
0xa1: {  	s23 =	simm.s32 $0x1B8B  }
0xa2: {  	_ =	swait.ge [sflag:s23], $0x1  }
0xa3: {  	[sflag:s23] =	ssyncset.done $0x0  }
0xa4: {  	s25 =	simm.s32 $0x1B8E;
	s24 =	sld [smem:$0x3FFE];
	[sflag:s23] =	ssyncadd.s32 $0xFFFFFFFF  }
0xa5: {  	s26 =	simm.s32 $execute0_lowered;
	[smem:$0x3FD2] =	sst s25  }
0xa6: {  	s4 =	sshll.u32 s26, $0x1;
	_ =	strace $0x8000004F;
	[dreg:$0x1] =	wrdreg $0xFFFFFFFF  }
0xa7: {  	s28 =	simm.s32 $_size_execute0_lowered;
	s2 =	sadd.s32 s2, s4;
	[dreg:$0x0] =	wrdreg $0x0  }
0xa8: {  	s4 =	sshll.u32 s28, $0x1;
	[dreg:$0x2] =	wrdreg s2  }
0xa9: {  	[dreg:$0x3] =	wrdreg s4  }
0xaa: {  	[dreg:$0x4] =	wrdreg $0xC0  }
0xab: {  	_ =	task [dreg:s6], $0x5FFFF  }
0xac: {  	[dreg:$0x1] =	wrdreg $0xFFFFFFFF  }
0xad: {  	[dreg:$0x0] =	wrdreg $0x60  }
0xae: {  	[dreg:$0x2] =	wrdreg s24  }
0xaf: {  	[dreg:$0x3] =	wrdreg $0x70000  }
0xb0: {  	[dreg:$0x4] =	wrdreg $0x9  }
0xb1: {  	_ =	task.clear_ibuf [dreg:s6], $0x5FFFF;
	_ =	strace $0x9000004F  }
0xb2: {  	s29 =	simm.s32 $0x9;
	_ =	strace $0x80000051  }
0xb3: {  	_ =	swait.ge [sflag:s29], $0x1  }
0xb4: {  	[sflag:s29] =	ssyncadd.s32 $0xFFFFFFFF  }
0xb5: {  	_ =	strace $0x90000051  }
0xb6: {  	_ =	sfence  }
0xb7: {  	s30 =	sld [smem:$0x0];
	_ =	sdelay $0x2  }
0xb8: {  	s31 =	sshll.u32 s1, $0xD;
	s1 =	sshrl.u32 s1, $0x2  }
0xb9: {  	s3 =	sand.u32 $0x4000, s31;
	s1 =	sadd.s32 s1, s30  }
0xba: {  	s0 =	sor.u32 s3, s0;
	s1 =	sshll.u32 s1, $0x11  }
0xbb: {  	s0 =	sor.u32 s1, s0  }
0xbc: {  	s0 =	sadd.s32 $0x8F2B, s0  }
0xbd: {  	[sflag:s0] =	ssyncadd.remote.s32 $0x1  }
0xbe: {  	_ =	sfence.sel $0xFFFF  }
0xbf: {  	[dreg:$0x0] =	wrdreg $0xFFFFFFFF;
	(pc) =	sbr.abs _section_cstart, $3  }
0xc0: {  	[dreg:$0x1] =	wrdreg $0xFFFFFFFF  }
0xc1: {  	_ =	task.clear_ibuf [dreg:s6], $0x2FFFF;
	_ =	strace $0x9FFFFFFF  }
0xc2: {  	(tm) =	ssettm $0x7FFFFFFF  }
0xc3: {  	_ =	shalt  }
tec
execute0_lowered:
.L_overlay_start_1:
0x0: {  	(tag) =	ssettag $0x1  }
0x1: {  	s7 =	rddreg [dreg:$0x0]  }
0x2: {  	s1 =	rddreg [dreg:$0x1]  }
0x3: {  	s0 =	rddreg [dreg:$0x2];
	s2 =	simm.s32 $0x0;
	s3 =	srdreg.scid  }
0x4: {  	s14 =	simm.s32 $0x50;
	s15 =	simm.s32 $0x4800;
	s16 =	simm.s32 $0x1  }
0x5: {  	s17 =	simm.s32 $0x2;
	s18 =	simm.s32 $0x1C00;
	[smem:$0x7FF] =	sst s2  }
0x6: {  	s8 =	sand.u32 $0x1, s3;
	s4 =	sadd.s32 $0x75C00, s7;
	s5 =	sadd.s32 $0x61C00, s7  }
0x7: {  	s6 =	sadd.s32 $0x3A00, s7;
	s3 =	stileid.u32;
	s9 =	smul.u32 $0x27100, s8  }
0x8: {  	_ =	strace $0x80000050;
	s10 =	ssub.s32 $0x2, s8;
	s13 =	smul.u32 $0x50000, s3  }
0x9: {  	s12 =	sshll.u32 s3, $0x1;
	p0 =	seq.s32 s3, $0xF;
	s20 =	smul.u32 $0x2800, s3  }
0xa: {  	s11 =	sshrl.u32 s10, $0x1;
	s8 =	sor.u32 s8, s12;
	s12 =	simm.s32 $0x3  }
0xb: {  	s9 =	sadd.s32 s9, s7;
	s7 =	simm.s32 $0x5;
	s10 =	ssub.s32 s10, s11  }
0xc: {  	s8 =	smul.u32 $0x5000, s8;
	s31 =	sshrl.u32 s13, $0x2;
	s11 =	simm.s32 $0x2000  }
0xd: {  	s13 =	simm.s32 $0x1000;
	s7 =	simm.s32 @!p0 $0x8;
	s19 =	sadd.s32 $0x89C00, s9  }
0xe: {  	v0 =	vimm.f32 $0.0e+00;
	s9 =	smax.u32 s10, $0x1;
	s10 =	sadd.s32 s31, s1;
	s19 =	sadd.s32 s19, s20  }
.LBB2_1:
0xf: {  	s20 =	simm.s32 $0x0;
	s21 =	simm.s32 $0x200  }
.LBB2_2:
0x10: {  	p0 =	sne.s32 s21, $0x9E00;
	[tilespmem:s20+$0x2070] =	vst v0  }
0x11: {  	[tilespmem:s20+$0x2000] =	vst v0  }
0x12: {  	[tilespmem:s20+$0x2010] =	vst v0  }
.Ltmp0:
0x13: {  	[tilespmem:s20+$0x2020] =	vst v0;
	(pc) =	sbr.rel @p0 .LBB2_2-.Ltmp0, $4  }
0x14: {  	[tilespmem:s20+$0x2030] =	vst v0  }
0x15: {  	[tilespmem:s20+$0x2040] =	vst v0  }
0x16: {  	[tilespmem:s20+$0x2050] =	vst v0  }
0x17: {  	[tilespmem:s20+$0x2060] =	vst v0;
	s20 =	sshra.s32 s21, $0x2;
	s21 =	sadd.s32 $0x200, s21  }
0x18: {  	[tilespmem:s20+$0x2070] =	vst v0  }
0x19: {  	[tilespmem:s20+$0x2000] =	vst v0  }
0x1a: {  	[tilespmem:s20+$0x2010] =	vst v0  }
0x1b: {  	[tilespmem:s20+$0x2020] =	vst v0  }
0x1c: {  	[tilespmem:s20+$0x2030] =	vst v0  }
0x1d: {  	[tilespmem:s20+$0x2040] =	vst v0;
	p0 =	sne.s32 s7, $0x1  }
.Ltmp1:
0x1e: {  	[tilespmem:s20+$0x2050] =	vst v0;
	(pc) =	sbr.rel @!p0 .LBB2_5-.Ltmp1, $4  }
0x1f: {  	[tilespmem:s20+$0x2060] =	vst v0  }
0x20: {  	[spmem:s10] =	stream.linear.scatter [tilespmem:s11], [sflag:$0x3], $0x2800, $0x38;
	[tilespmem:$0x1A880] =	vst v63  }
0x21: {  	_ =	swait.ge [sflag:s12], $0x2800  }
0x22: {  	s20 =	sadd.s32 $0xFFFFFFFF, s7;
	s21 =	smov.u32 s10;
	[sflag:s12] =	ssyncset.done $0x0  }
.LBB2_4:
0x23: {  	p1 =	sne.s32 s20, $0x1;
	[sflag:s12] =	ssyncadd.s32 $0xFFFFD800;
	s21 =	sadd.s32 $0x2800, s21  }
.Ltmp2:
0x24: {  	s20 =	sadd.s32 $0xFFFFFFFF, s20;
	(pc) =	sbr.rel @p1 .LBB2_4-.Ltmp2, $4  }
0x25: {  	_ = 	snop  }
0x26: {  	[spmem:s21] =	stream.linear.scatter [tilespmem:s11], [sflag:$0x3], $0x2800, $0x38;
	[tilespmem:$0x1A880] =	vst v63  }
0x27: {  	_ =	swait.ge [sflag:s12], $0x2800  }
0x28: {  	[sflag:s12] =	ssyncset.done $0x0  }
.LBB2_5:
0x29: {  	[sflag:s12] =	ssyncadd.s32 $0xFFFFD800  }
0x2a: {  	s20 =	simm.s32 $0x0;
	s21 =	simm.s32 $0x0;
	[bflag:$0x0] =	sbarrier.arrive $0xFFFF  }
.LBB2_6:
0x2b: {  	s22 =	sshll.u32 s21, $0xC  }
0x2c: {  	s22 =	sadd.s32 s8, s22  }
0x2d: {  	s22 =	sshrl.u32 s22, $0x3  }
0x2e: {  	s23 =	sadd.s32 s4, s22  }
0x2f: {  	[tilespmem:s20], [sflag:$0x3] =	stream.linear.gather [hbm4b:s23+s20], $0xC80, $0x38;
	[tilespmem:$0x1A880] =	vst v63  }
0x30: {  	_ =	swait.ge [sflag:s12], $0xC80  }
0x31: {  	[sflag:s12] =	ssyncset.done $0x0  }
0x32: {  	s22 =	sadd.s32 s5, s22;
	[sflag:s12] =	ssyncadd.s32 $0xFFFFF380  }
0x33: {  	[tilespmem:s13], [sflag:$0x3] =	stream.linear.gather [hbm4b:s22+s20], $0xC80, $0x38;
	[tilespmem:$0x1A880] =	vst v63  }
0x34: {  	_ =	swait.ge [sflag:s12], $0xC80  }
0x35: {  	[sflag:s12] =	ssyncset.done $0x0  }
0x36: {  	[sflag:s12] =	ssyncadd.s32 $0xFFFFF380  }
0x37: {  	[tilespmem:s11], [sflag:$0x1] =	stream.indirect.gather [hbm4b:s6+s14], $0x80, s20, s14, $0xb8;
	[tilespmem:$0x1A880] =	vst v63  }
0x38: {  	s28 =	simm.s32 $0x80  }
0x39: {  	[tilespmem:s15], [sflag:$0x2] =	stream.indirect.gather [hbm4b:s6+s14], $0x80, s28, s14, $0xb8;
	[tilespmem:$0x1A880] =	vst v63  }
0x3a: {  	_ =	swait.ge [sflag:s16], $0x2800  }
0x3b: {  	[sflag:s16] =	ssyncset.done $0x0  }
0x3c: {  	s29 =	simm.s32 $0x1000;
	[sflag:s16] =	ssyncadd.s32 $0xFFFFD800  }
0x3d: {  	[spmem:s1] =	stream.indirect.scatter.add.f32 [tilespmem:s11], [sflag:$0x3], $0x80, s29, s14, $0xb8;
	[tilespmem:$0x1A880] =	vst v63  }
0x3e: {  	_ =	swait.ge [sflag:s12], $0x2800  }
0x3f: {  	[sflag:s12] =	ssyncset.done $0x0  }
0x40: {  	s30 =	simm.s32 $0x100;
	[sflag:s12] =	ssyncadd.s32 $0xFFFFD800  }
0x41: {  	[tilespmem:s11], [sflag:$0x1] =	stream.indirect.gather [hbm4b:s6+s14], $0x80, s30, s14, $0xb8;
	[tilespmem:$0x1A880] =	vst v63  }
0x42: {  	_ =	swait.ge [sflag:s17], $0x2800  }
0x43: {  	[sflag:s17] =	ssyncset.done $0x0  }
0x44: {  	s31 =	simm.s32 $0x1080;
	[sflag:s17] =	ssyncadd.s32 $0xFFFFD800  }
0x45: {  	[spmem:s1] =	stream.indirect.scatter.add.f32 [tilespmem:s15], [sflag:$0x3], $0x80, s31, s14, $0xb8;
	[tilespmem:$0x1A880] =	vst v63  }
0x46: {  	_ =	swait.ge [sflag:s12], $0x2800  }
0x47: {  	s23 =	simm.s32 $0x800;
	s22 =	simm.s32 $0x100;
	[sflag:s12] =	ssyncset.done $0x0  }
.LBB2_7:
0x48: {  	s24 =	sadd.s32 $0x80, s22  }
0x49: {  	[sflag:s12] =	ssyncadd.s32 $0xFFFFD800;
	s25 =	smov.u32 s23;
	s26 =	sadd.s32 $0x400, s23  }
0x4a: {  	[tilespmem:s15], [sflag:$0x2] =	stream.indirect.gather [hbm4b:s6+s14], $0x80, s24, s14, $0xb8;
	[tilespmem:$0x1A880] =	vst v63  }
0x4b: {  	p1 =	sne.s32 s23, $0x2C00;
	_ =	swait.ge [sflag:s16], $0x2800  }
0x4c: {  	[sflag:s16] =	ssyncset.done $0x0  }
0x4d: {  	s23 =	sadd.s32 $0x1000, s22;
	[sflag:s16] =	ssyncadd.s32 $0xFFFFD800  }
0x4e: {  	[spmem:s1] =	stream.indirect.scatter.add.f32 [tilespmem:s11], [sflag:$0x3], $0x80, s23, s14, $0xb8;
	[tilespmem:$0x1A880] =	vst v63  }
0x4f: {  	_ =	swait.ge [sflag:s12], $0x2800  }
0x50: {  	[sflag:s12] =	ssyncset.done $0x0  }
0x51: {  	s23 =	sadd.s32 $0x100, s22;
	[sflag:s12] =	ssyncadd.s32 $0xFFFFD800  }
0x52: {  	[tilespmem:s11], [sflag:$0x1] =	stream.indirect.gather [hbm4b:s6+s14], $0x80, s23, s14, $0xb8;
	[tilespmem:$0x1A880] =	vst v63  }
0x53: {  	_ =	swait.ge [sflag:s17], $0x2800  }
.Ltmp3:
0x54: {  	[sflag:s17] =	ssyncset.done $0x0;
	(pc) =	sbr.rel @p1 .LBB2_7-.Ltmp3, $4  }
0x55: {  	s22 =	sadd.s32 $0x1080, s22;
	[sflag:s17] =	ssyncadd.s32 $0xFFFFD800  }
0x56: {  	[spmem:s1] =	stream.indirect.scatter.add.f32 [tilespmem:s15], [sflag:$0x3], $0x80, s22, s14, $0xb8;
	[tilespmem:$0x1A880] =	vst v63  }
0x57: {  	_ =	swait.ge [sflag:s12], $0x2800  }
0x58: {  	s23 =	smov.u32 s26;
	s22 =	sshra.s32 s25, $0x2;
	[sflag:s12] =	ssyncset.done $0x0  }
0x59: {  	s23 =	sadd.s32 $0x80, s22;
	[sflag:s12] =	ssyncadd.s32 $0xFFFFD800  }
0x5a: {  	[tilespmem:s15], [sflag:$0x2] =	stream.indirect.gather [hbm4b:s6+s14], $0x80, s23, s14, $0xb8;
	[tilespmem:$0x1A880] =	vst v63  }
0x5b: {  	_ =	swait.ge [sflag:s16], $0x2800  }
0x5c: {  	[sflag:s16] =	ssyncset.done $0x0  }
0x5d: {  	s29 =	sadd.s32 $0x1000, s22;
	[sflag:s16] =	ssyncadd.s32 $0xFFFFD800  }
0x5e: {  	[spmem:s1] =	stream.indirect.scatter.add.f32 [tilespmem:s11], [sflag:$0x3], $0x80, s29, s14, $0xb8;
	[tilespmem:$0x1A880] =	vst v63  }
0x5f: {  	_ =	swait.ge [sflag:s12], $0x2800  }
0x60: {  	[sflag:s12] =	ssyncset.done $0x0  }
0x61: {  	s30 =	sadd.s32 $0x100, s22;
	[sflag:s12] =	ssyncadd.s32 $0xFFFFD800  }
0x62: {  	[tilespmem:s11], [sflag:$0x1] =	stream.indirect.gather [hbm4b:s6+s14], $0x80, s30, s14, $0xb8;
	[tilespmem:$0x1A880] =	vst v63  }
0x63: {  	_ =	swait.ge [sflag:s17], $0x2800  }
0x64: {  	[sflag:s17] =	ssyncset.done $0x0  }
0x65: {  	s31 =	sadd.s32 $0x1080, s22;
	[sflag:s17] =	ssyncadd.s32 $0xFFFFD800  }
0x66: {  	[spmem:s1] =	stream.indirect.scatter.add.f32 [tilespmem:s15], [sflag:$0x3], $0x80, s31, s14, $0xb8;
	[tilespmem:$0x1A880] =	vst v63  }
0x67: {  	_ =	swait.ge [sflag:s12], $0x2800  }
0x68: {  	[sflag:s12] =	ssyncset.done $0x0  }
0x69: {  	[sflag:s12] =	ssyncadd.s32 $0xFFFFD800  }
0x6a: {  	s21 =	sadd.s32 $0x1, s21;
	_ =	swait.ge [sflag:s16], $0x2800  }
0x6b: {  	p1 =	sne.s32 s21, $0x5;
	[sflag:s16] =	ssyncset.done $0x0  }
.Ltmp4:
0x6c: {  	[sflag:s16] =	ssyncadd.s32 $0xFFFFD800;
	(pc) =	sbr.rel @p1 .LBB2_6-.Ltmp4, $4  }
0x6d: {  	[spmem:s1] =	stream.indirect.scatter.add.f32 [tilespmem:s11], [sflag:$0x3], $0x80, s18, s14, $0xb8;
	[tilespmem:$0x1A880] =	vst v63  }
0x6e: {  	_ =	swait.ge [sflag:s12], $0x2800  }
0x6f: {  	[sflag:s12] =	ssyncset.done $0x0  }
0x70: {  	[sflag:s12] =	ssyncadd.s32 $0xFFFFD800  }
.Ltmp5:
0x71: {  	(pc) =	sbr.rel @!p0 .LBB2_11-.Ltmp5, $4  }
0x72: {  	s20 =	sshll.u32 s3, $0x6;
	[bflag:$0x0] =	sbarrier.arrive $0xFFFF  }
0x73: {  	s21 =	sshrl.u32 s10, $0x3;
	s22 =	sadd.s32 $0x500, s19;
	s20 =	sor.u32 $0x1C03, s20  }
0x74: {  	[hbm:s19], [sflag:s20] =	dma.local [spmem:s21], $0x500  }
0x75: {  	s23 =	smov.u32 s10;
	s21 =	sadd.s32 $0xFFFFFFFF, s7;
	_ =	swait.ge [sflag:s12], $0x500  }
.LBB2_10:
0x76: {  	[sflag:s12] =	ssyncset.done $0x0;
	s23 =	sadd.s32 $0x2800, s23;
	p0 =	sne.s32 s21, $0x1  }
.Ltmp6:
0x77: {  	s24 =	sshrl.u32 s23, $0x3;
	[sflag:s12] =	ssyncadd.s32 $0xFFFFFB00;
	(pc) =	sbr.rel @p0 .LBB2_10-.Ltmp6, $3  }
0x78: {  	[hbm:s22], [sflag:s20] =	dma.local [spmem:s24], $0x500  }
0x79: {  	s21 =	sadd.s32 $0xFFFFFFFF, s21;
	_ =	sdelay $0x1  }
0x7a: {  	s22 =	sadd.s32 $0x500, s22;
	_ =	swait.ge [sflag:s12], $0x500  }
.LBB2_11:
0x7b: {  	s2 =	sadd.s32 $0x1, s2  }
0x7c: {  	p0 =	sne.s32 s2, s9  }
.Ltmp7:
0x7d: {  	_ = 	snop;
	(pc) =	sbr.rel @p0 .LBB2_1-.Ltmp7, $3  }
0x7e: {  	_ =	sdelay $0x1  }
0x7f: {  	[sflag:s12] =	ssyncset.done $0x0  }
0x80: {  	[sflag:s12] =	ssyncadd.s32 $0xFFFFFB00  }
0x81: {  	_ =	sfence.sel $0x180000  }
0x82: {  	[bflag:$0x0] =	sbarrier.arrive $0xFFFF  }
0x83: {  	p0 =	sne.s32 s3, $0x0;
	_ =	strace $0x90000050  }
0x84: {  	s0 =	sadd.s32 @!p0 $0x100000, s0;
	[bflag:$0x2] =	sbarrier.arrive $0xFFFF  }
0x85: {  	[sflag:s0] =	ssyncadd.tile.s32 @!p0 $0x1;
	_ =	shalt  }
.Lfunc_end2:
_tile_overlayer_lowered:
.L_overlay_start_2:
0x86: {  	(tag) =	ssettag $0x2  }
0x87: {  	s0 =	rddreg [dreg:$0x0];
	s2 =	stileid.u32  }
0x88: {  	s1 =	rddreg [dreg:$0x1];
	p0 =	sne.s32 s2, $0x0  }
0x89: {  	s3 =	rddreg [dreg:$0x2];
	[bflag:$0x3] =	sbarrier.arrive $0xFFFF;
	s2 =	simm.s32 @!p0 $0x1C03  }
0x8a: {  	[timem:s3], [sflag:s2] =	dma.local @!p0 [hbm:s0], s1  }
0x8b: {  	s0 =	simm.s32 @!p0 $0x3  }
0x8c: {  	_ =	swait.ge @!p0 [sflag:s0], s1  }
0x8d: {  	s1 =	ssub.s32 @!p0 $0x0, s1;
	[sflag:s0] =	ssyncset.done @!p0 $0x0  }
0x8e: {  	[sflag:s0] =	ssyncadd.s32 @!p0 s1  }
0x8f: {  	[bflag:$0x3] =	sbarrier.arrive $0xFFFF  }
0x90: {  	_ =	shalt  }

// kernel: kernel.23.cloned.1.call-start
scs
__scs_entry_jumppad:
0x0: {  	(pc) =	sbr.rel $0x88, $3  }
0x1: {  	(tag) =	ssettag $0x0;
	lr =	simm.s32 $0x1  }
0x2: {  	[smem:$0x3F96] =	sst lr;
	_ =	strace $0xD0000000  }
0x3: {  	_ = 	snop  }
0x4: {  	_ = 	snop  }
0x5: {  	_ = 	snop  }
0x6: {  	_ = 	snop  }
0x7: {  	_ = 	snop  }
__scs_overlays_trampoline_lowered:
0x8: {  	[smem:$0x3FA5] =	sst s0  }
0x9: {  	[smem:$0x3FA6] =	sst s1  }
0xa: {  	[smem:$0x3FA7] =	sst s2  }
0xb: {  	[smem:$0x3FA8] =	sst s3  }
0xc: {  	[smem:$0x3FA9] =	sst s4  }
0xd: {  	[smem:$0x3FAA] =	sst s5  }
0xe: {  	[smem:$0x3FAB] =	sst s6  }
0xf: {  	[smem:$0x3FAC] =	sst s7  }
0x10: {  	[smem:$0x3FAD] =	sst s8  }
0x11: {  	[smem:$0x3FAE] =	sst s9;
	s0 =	simm.s32 @!p0 $0x0  }
0x12: {  	s1 =	sld [smem:$0x3F94];
	s0 =	simm.s32 @p0 $0x1  }
0x13: {  	[smem:$0x3FAF] =	sst s0;
	s0 =	simm.s32 @!p1 $0x0  }
0x14: {  	s2 =	sld [smem:$0x3F93];
	s0 =	simm.s32 @p1 $0x1  }
0x15: {  	[smem:$0x3FB0] =	sst s0;
	s0 =	simm.s32 @!p2 $0x0  }
0x16: {  	s3 =	sld [smem:$0x3FDB];
	s0 =	simm.s32 @p2 $0x1  }
0x17: {  	s4 =	simm.s32 $0x1BF5;
	[smem:$0x3FB2] =	sst s0  }
0x18: {  	s0 =	sld [smem:$0x3F95];
	_ =	swait.ge [sflag:s4], $0x0  }
0x19: {  	s7 =	sld [smem:$0x3F96]  }
0x1a: {  	s8 =	sadd.s32 $0xFFFFE003, lr  }
0x1b: {  	s9 =	sadd.s32 $0xFFFFFEF7, lr;
	s5 =	simm.s32 $0xFFFFFFFF;
	p2 =	slt.u32 s8, $0xFFFFF086  }
0x1c: {  	p1 =	slt.u32 s9, $0xF7A;
	s5 =	simm.s32 @!p2 $0x0  }
0x1d: {  	s5 =	simm.s32 @p1 $0x1;
	p0 =	seq.s32 s7, s2  }
0x1e: {  	s7 =	smul.u32 @!p0 $0xF7A, s2;
	p2 =	seq.s32 @!p0 s5, $0x0  }
0x1f: {  	s9 =	smul.u32 $0xF7A, s1;
	s8 =	simm.s32 @!p0 $0x1BF5;
	p2 =	por !p2, p0  }
0x20: {  	[sflag:s8] =	ssyncset.s32 @!p0 $0xFFFFF086;
	s6 =	sadd.s32 @!p0 s3, s7;
	s7 =	simm.s32 @!p0 $0x108  }
0x21: {  	s3 =	sadd.s32 s3, s9;
	s6 =	sadd.s32 @!p0 $0x88, s6;
	s7 =	simm.s32 @p2 $0x1082  }
0x22: {  	[simem:s7], [sflag:s8] =	dma.local @!p0 [hbm:s6], $0xF7A  }
0x23: {  	s9 =	sor.u32 $0xD0000000, s2;
	s6 =	simm.s32 $0x108;
	_ =	swait.ge @!p0 [sflag:s8], $0x0  }
0x24: {  	s3 =	sadd.s32 $0x88, s3;
	s6 =	simm.s32 @!p1 $0x1082;
	[sflag:s4] =	ssyncset.s32 $0xFFFFF086  }
0x25: {  	[simem:s6], [sflag:s4] =	dma.local [hbm:s3], $0xF7A  }
0x26: {  	[smem:$0x3F96] =	sst s1;
	(tag) =	ssettag s2;
	_ =	strace s9  }
0x27: {  	s1 =	sld [smem:$0x3FA6]  }
0x28: {  	s2 =	sld [smem:$0x3FA7]  }
0x29: {  	s4 =	sld [smem:$0x3FA9]  }
0x2a: {  	p0 =	seq.s32 s5, $0x0;
	s5 =	sld [smem:$0x3FAA]  }
0x2b: {  	s6 =	sld [smem:$0x3FAB]  }
0x2c: {  	s7 =	sld [smem:$0x3FAC]  }
0x2d: {  	s3 =	simm.s32 $0x108;
	s8 =	sld [smem:$0x3FAD]  }
0x2e: {  	s3 =	simm.s32 @!p0 $0x1082;
	s9 =	sld [smem:$0x3FAE]  }
0x2f: {  	lr =	sadd.s32 s0, s3;
	s0 =	sld [smem:$0x3FA5]  }
0x30: {  	s3 =	sld [smem:$0x3FA8]  }
0x31: {  	[smem:$0x3FB1] =	sst s10  }
0x32: {  	s10 =	sld [smem:$0x3FAF];
	_ =	sdelay $0x3  }
0x33: {  	p0 =	seq.s32 s10, $0x1;
	s10 =	sld [smem:$0x3FB1];
	_ =	sdelay $0x3  }
0x34: {  	[smem:$0x3FB1] =	sst s10  }
0x35: {  	s10 =	sld [smem:$0x3FB0];
	_ =	sdelay $0x3  }
0x36: {  	p1 =	seq.s32 s10, $0x1;
	s10 =	sld [smem:$0x3FB1];
	_ =	sdelay $0x3  }
0x37: {  	[smem:$0x3FB1] =	sst s10  }
0x38: {  	s10 =	sld [smem:$0x3FB2]  }
0x39: {  	_ = 	snop;
	(pc) =	sbr.ind lr, $3  }
0x3a: {  	_ = 	snop  }
0x3b: {  	_ = 	snop  }
0x3c: {  	p2 =	seq.s32 s10, $0x1;
	s10 =	sld [smem:$0x3FB1]  }
0x3d: {  	_ =	shalt  }
0x3e: {  	_ =	shalt  }
0x3f: {  	_ =	shalt  }
0x40: {  	_ =	shalt  }
0x41: {  	_ =	shalt  }
0x42: {  	_ =	shalt  }
0x43: {  	_ =	shalt  }
0x44: {  	_ =	shalt  }
0x45: {  	_ =	shalt  }
0x46: {  	_ =	shalt  }
0x47: {  	_ =	shalt  }
0x48: {  	_ =	shalt  }
0x49: {  	_ =	shalt  }
0x4a: {  	_ =	shalt  }
0x4b: {  	_ =	shalt  }
0x4c: {  	_ =	shalt  }
0x4d: {  	_ =	shalt  }
0x4e: {  	_ =	shalt  }
0x4f: {  	_ =	shalt  }
0x50: {  	_ =	shalt  }
0x51: {  	_ =	shalt  }
0x52: {  	_ =	shalt  }
0x53: {  	_ =	shalt  }
0x54: {  	_ =	shalt  }
0x55: {  	_ =	shalt  }
0x56: {  	_ =	shalt  }
0x57: {  	_ =	shalt  }
0x58: {  	_ =	shalt  }
0x59: {  	_ =	shalt  }
0x5a: {  	_ =	shalt  }
0x5b: {  	_ =	shalt  }
0x5c: {  	_ =	shalt  }
0x5d: {  	_ =	shalt  }
0x5e: {  	_ =	shalt  }
0x5f: {  	_ =	shalt  }
0x60: {  	_ =	shalt  }
0x61: {  	_ =	shalt  }
0x62: {  	_ =	shalt  }
0x63: {  	_ =	shalt  }
0x64: {  	_ =	shalt  }
0x65: {  	_ =	shalt  }
0x66: {  	_ =	shalt  }
0x67: {  	_ =	shalt  }
0x68: {  	_ =	shalt  }
0x69: {  	_ =	shalt  }
0x6a: {  	_ =	shalt  }
0x6b: {  	_ =	shalt  }
0x6c: {  	_ =	shalt  }
0x6d: {  	_ =	shalt  }
0x6e: {  	_ =	shalt  }
0x6f: {  	_ =	shalt  }
0x70: {  	_ =	shalt  }
0x71: {  	_ =	shalt  }
0x72: {  	_ =	shalt  }
0x73: {  	_ =	shalt  }
0x74: {  	_ =	shalt  }
0x75: {  	_ =	shalt  }
0x76: {  	_ =	shalt  }
0x77: {  	_ =	shalt  }
0x78: {  	_ =	shalt  }
0x79: {  	_ =	shalt  }
0x7a: {  	_ =	shalt  }
0x7b: {  	_ =	shalt  }
0x7c: {  	_ =	shalt  }
0x7d: {  	_ =	shalt  }
0x7e: {  	_ =	shalt  }
0x7f: {  	_ =	shalt  }
0x80: {  	_ =	shalt  }
0x81: {  	_ =	shalt  }
0x82: {  	_ =	shalt  }
0x83: {  	_ =	shalt  }
0x84: {  	_ =	shalt  }
0x85: {  	_ =	shalt  }
0x86: {  	_ =	shalt  }
0x87: {  	_ =	shalt  }
.Lfunc_end0:
.L_simem_size_0:
called_computation.4_lowered:
.L_overlay_start_0:
0x88: {  	s2 =	sld [smem:$0x3FD9]  }
0x89: {  	s3 =	sld [smem:$0x3FFE];
	_ =	sdelay $0x1  }
0x8a: {  	s1 =	srdreg.scid  }
0x8b: {  	s0 =	sand.u32 $0x1, s1  }
0x8c: {  	s14 =	sshll.u32 s0, $0xA;
	s2 =	sadd.s32 s3, s2  }
0x8d: {  	s2 =	sadd.s32 s2, s14  }
0x8e: {  	[smem:$0x3FBD] =	sst s2  }
0x8f: {  	_ = 	snop  }
0x90: {  	s2 =	sld [smem:$0x3FD0];
	_ =	sdelay $0x1  }
0x91: {  	s15 =	sld [smem:$0x3FC7]  }
0x92: {  	s5 =	simm.s32 $0xA;
	s6 =	simm.s32 $0x10;
	s4 =	sld [smem:$0x3FC1]  }
0x93: {  	[smem:s6], [sflag:s5] =	dma.local [hbm:s2], $0x1  }
0x94: {  	_ =	swait.eq [sflag:s5], $0x1  }
0x95: {  	[sflag:s5] =	ssyncset.done $0x0  }
0x96: {  	[sflag:s5] =	ssyncadd.s32 $0xFFFFFFFF  }
0x97: {  	s16 =	sld [smem:$0x11];
	(tm) =	ssettm $0x1  }
0x98: {  	s17 =	sld [smem:$0x3FFB];
	_ =	sdelay $0x3  }
0x99: {  	_ =	strace s17  }
0x9a: {  	s5 =	sld [smem:$0x3FFC];
	_ =	sdelay $0x3  }
0x9b: {  	_ =	strace s5  }
0x9c: {  	s5 =	sld [smem:$0x3FFD];
	_ =	sdelay $0x3  }
0x9d: {  	_ =	strace s5  }
0x9e: {  	_ =	strace $0x8FFFFFFF  }
0x9f: {  	s18 =	sld [smem:$0x3FDB];
	_ =	sdelay $0x1  }
0xa0: {  	s19 =	simm.s32 $_scs_section_size  }
0xa1: {  	s7 =	simm.s32 $_size__tile_overlayer_lowered;
	s8 =	simm.s32 $_tile_overlayer_lowered  }
0xa2: {  	s22 =	simm.s32 $0x1BFF;
	s21 =	sshll.u32 s8, $0x1;
	s5 =	sadd.s32 s19, s18  }
0xa3: {  	s9 =	simm.s32 $0x0;
	s20 =	sshll.u32 s7, $0x1;
	s7 =	sadd.s32 s21, s5  }
0xa4: {  	[timem:s9], [sflag:s22] =	dma.local [hbm:s7], s20  }
0xa5: {  	_ =	swait.ge [sflag:s22], s20  }
0xa6: {  	s6 =	ssub.s32 $0x0, s20;
	[sflag:s22] =	ssyncset.done $0x0  }
0xa7: {  	[sflag:s22] =	ssyncadd.s32 s6;
	_ =	sdelay $0x1  }
0xa8: {  	s23 =	simm.s32 $0x1B8B  }
0xa9: {  	_ =	swait.ge [sflag:s23], $0x1  }
0xaa: {  	[sflag:s23] =	ssyncset.done $0x0  }
0xab: {  	s25 =	simm.s32 $0x1B8E;
	s24 =	sld [smem:$0x3FFE];
	[sflag:s23] =	ssyncadd.s32 $0xFFFFFFFF  }
0xac: {  	s26 =	simm.s32 $execute0_lowered;
	[smem:$0x3FD2] =	sst s25  }
0xad: {  	s7 =	sshll.u32 s26, $0x1;
	_ =	strace $0x80000052;
	[dreg:$0x1] =	wrdreg $0xFFFFFFFF  }
0xae: {  	s28 =	simm.s32 $_size_execute0_lowered;
	s5 =	sadd.s32 s5, s7;
	[dreg:$0x0] =	wrdreg $0x0  }
0xaf: {  	s7 =	sshll.u32 s28, $0x1;
	[dreg:$0x2] =	wrdreg s5  }
0xb0: {  	[dreg:$0x3] =	wrdreg s7  }
0xb1: {  	[dreg:$0x4] =	wrdreg $0xC0  }
0xb2: {  	_ =	task [dreg:s9], $0x5FFFF  }
0xb3: {  	[dreg:$0x1] =	wrdreg $0xFFFFFFFF  }
0xb4: {  	[dreg:$0x0] =	wrdreg $0x60  }
0xb5: {  	[dreg:$0x2] =	wrdreg s24  }
0xb6: {  	[dreg:$0x3] =	wrdreg s16  }
0xb7: {  	[dreg:$0x4] =	wrdreg s15  }
0xb8: {  	[dreg:$0x5] =	wrdreg s4  }
0xb9: {  	[dreg:$0x6] =	wrdreg $0x9  }
0xba: {  	_ =	task.clear_ibuf [dreg:s9], $0x7FFFF;
	_ =	strace $0x90000052  }
0xbb: {  	s29 =	simm.s32 $0x9;
	_ =	strace $0x80000054  }
0xbc: {  	_ =	swait.ge [sflag:s29], $0x1  }
0xbd: {  	[sflag:s29] =	ssyncadd.s32 $0xFFFFFFFF  }
0xbe: {  	_ =	strace $0x90000054  }
0xbf: {  	_ =	sfence  }
0xc0: {  	s30 =	sld [smem:$0x0];
	_ =	sdelay $0x2  }
0xc1: {  	s31 =	sshll.u32 s1, $0xD;
	s1 =	sshrl.u32 s1, $0x2  }
0xc2: {  	s3 =	sand.u32 $0x4000, s31;
	s1 =	sadd.s32 s1, s30  }
0xc3: {  	s0 =	sor.u32 s3, s0;
	s1 =	sshll.u32 s1, $0x11  }
0xc4: {  	s0 =	sor.u32 s1, s0  }
0xc5: {  	s0 =	sadd.s32 $0x8F2B, s0  }
0xc6: {  	[sflag:s0] =	ssyncadd.remote.s32 $0x1  }
0xc7: {  	_ =	sfence.sel $0xFFFF  }
0xc8: {  	[dreg:$0x0] =	wrdreg $0xFFFFFFFF;
	(pc) =	sbr.abs _section_cstart, $3  }
0xc9: {  	[dreg:$0x1] =	wrdreg $0xFFFFFFFF  }
0xca: {  	_ =	task.clear_ibuf [dreg:s9], $0x2FFFF;
	_ =	strace $0x9FFFFFFF  }
0xcb: {  	(tm) =	ssettm $0x7FFFFFFF  }
tec
execute0_lowered:
.L_overlay_start_1:
0x0: {  	(tag) =	ssettag $0x1  }
0x1: {  	s9 =	rddreg [dreg:$0x0]  }
0x2: {  	s1 =	rddreg [dreg:$0x1]  }
0x3: {  	s2 =	rddreg [dreg:$0x2]  }
0x4: {  	s3 =	rddreg [dreg:$0x3]  }
0x5: {  	s0 =	rddreg [dreg:$0x4];
	s4 =	simm.s32 $0x0;
	s8 =	srdreg.scid  }
0x6: {  	s5 =	stileid.u32;
	s16 =	simm.s32 $0x2800;
	s17 =	simm.s32 $0x5000  }
0x7: {  	s19 =	simm.s32 $0x9980;
	s20 =	simm.s32 $0xB980;
	s21 =	simm.s32 $0x0  }
0x8: {  	[smem:$0x7FF] =	sst s4;
	s6 =	sadd.s32 $0x89C00, s9;
	s7 =	sadd.s32 $0x3A00, s9  }
0x9: {  	s8 =	sand.u32 $0x1, s8;
	s11 =	sshll.u32 s5, $0xA;
	s13 =	sshll.u32 s5, $0x1  }
0xa: {  	_ =	strace $0x80000053;
	s10 =	sshll.u32 s8, $0xE;
	s12 =	ssub.s32 $0x2, s8  }
0xb: {  	s18 =	sor.u32 s8, s13;
	s10 =	sor.u32 s11, s10;
	s31 =	sshrl.u32 s12, $0x1  }
0xc: {  	s8 =	smul.u32 $0x140, s18;
	p0 =	seq.s32 s18, $0x1F;
	s18 =	simm.s32 $0x7980  }
0xd: {  	s14 =	sadd.s32 s10, s9;
	s15 =	ssub.s32 s12, s31;
	s9 =	sadd.s32 $0xB0D00, s9  }
0xe: {  	s10 =	sadd.s32 $0x2AC00, s14;
	s11 =	sadd.s32 $0x32C00, s14;
	s12 =	sadd.s32 $0x3AC00, s14  }
0xf: {  	v0 =	vimm.f32 $0.0e+00;
	v1 =	vimm.f32 $-Inf;
	s13 =	smax.u32 s15, $0x1;
	s14 =	simm.s32 $0x7900;
	s15 =	simm.s32 $0x1  }
.LBB2_1:
0x10: {  	s22 =	simm.s32 $0x0;
	s23 =	simm.s32 $0x200  }
.LBB2_2:
0x11: {  	p1 =	sne.s32 s23, $0x7E00;
	[tilespmem:s22+$0xB9F0] =	vst v0  }
0x12: {  	[tilespmem:s22+$0x7980] =	vst v0  }
0x13: {  	[tilespmem:s22+$0x9980] =	vst v1  }
0x14: {  	[tilespmem:s22+$0xB980] =	vst v0  }
0x15: {  	[tilespmem:s22+$0x7990] =	vst v0  }
0x16: {  	[tilespmem:s22+$0x9990] =	vst v1  }
0x17: {  	[tilespmem:s22+$0xB990] =	vst v0  }
0x18: {  	[tilespmem:s22+$0x79A0] =	vst v0  }
0x19: {  	[tilespmem:s22+$0x99A0] =	vst v1  }
0x1a: {  	[tilespmem:s22+$0xB9A0] =	vst v0  }
0x1b: {  	[tilespmem:s22+$0x79B0] =	vst v0  }
0x1c: {  	[tilespmem:s22+$0x99B0] =	vst v1  }
0x1d: {  	[tilespmem:s22+$0xB9B0] =	vst v0  }
0x1e: {  	[tilespmem:s22+$0x79C0] =	vst v0  }
0x1f: {  	[tilespmem:s22+$0x99C0] =	vst v1  }
0x20: {  	[tilespmem:s22+$0xB9C0] =	vst v0  }
0x21: {  	[tilespmem:s22+$0x79D0] =	vst v0  }
0x22: {  	[tilespmem:s22+$0x99D0] =	vst v1  }
0x23: {  	[tilespmem:s22+$0xB9D0] =	vst v0  }
.Ltmp0:
0x24: {  	[tilespmem:s22+$0x79E0] =	vst v0;
	(pc) =	sbr.rel @p1 .LBB2_2-.Ltmp0, $4  }
0x25: {  	[tilespmem:s22+$0x99E0] =	vst v1  }
0x26: {  	[tilespmem:s22+$0xB9E0] =	vst v0  }
0x27: {  	[tilespmem:s22+$0x79F0] =	vst v0  }
0x28: {  	[tilespmem:s22+$0x99F0] =	vst v1;
	s22 =	sshra.s32 s23, $0x2;
	s23 =	sadd.s32 $0x200, s23  }
0x29: {  	[tilespmem:s22+$0xB9F0] =	vst v0  }
0x2a: {  	[tilespmem:s22+$0x7980] =	vst v0  }
0x2b: {  	[tilespmem:s22+$0x9980] =	vst v1  }
0x2c: {  	[tilespmem:s22+$0xB980] =	vst v0  }
0x2d: {  	[tilespmem:s22+$0x7990] =	vst v0  }
0x2e: {  	[tilespmem:s22+$0x9990] =	vst v1  }
0x2f: {  	[tilespmem:s22+$0xB990] =	vst v0  }
0x30: {  	[tilespmem:s22+$0x79A0] =	vst v0  }
0x31: {  	[tilespmem:s22+$0x99A0] =	vst v1  }
0x32: {  	[tilespmem:s22+$0xB9A0] =	vst v0  }
0x33: {  	[tilespmem:s22+$0x79B0] =	vst v0  }
0x34: {  	[tilespmem:s22+$0x99B0] =	vst v1  }
0x35: {  	[tilespmem:s22+$0xB9B0] =	vst v0  }
0x36: {  	[tilespmem:s22+$0x79C0] =	vst v0  }
0x37: {  	[tilespmem:s22+$0x99C0] =	vst v1  }
0x38: {  	[tilespmem:s22+$0xB9C0] =	vst v0  }
0x39: {  	[tilespmem:s22+$0x79D0] =	vst v0  }
0x3a: {  	[tilespmem:s22+$0x99D0] =	vst v1  }
0x3b: {  	[tilespmem:s22+$0xB9D0] =	vst v0  }
0x3c: {  	[tilespmem:s22+$0x79E0] =	vst v0  }
0x3d: {  	[tilespmem:s22+$0x99E0] =	vst v1  }
0x3e: {  	[tilespmem:s22+$0xB9E0] =	vst v0  }
0x3f: {  	[tilespmem:s22+$0x79F0] =	vst v0  }
0x40: {  	[tilespmem:s22+$0x99F0] =	vst v1;
	s22 =	simm.s32 $0x0  }
0x41: {  	[tilespmem:s14], [sflag:$0x1] =	stream.linear.gather [hbm4b:s3+s22], $0x80, $0x38;
	[tilespmem:$0xD980] =	vst v63  }
0x42: {  	_ =	swait.ge [sflag:s15], $0x80  }
0x43: {  	[sflag:s15] =	ssyncset.done $0x0  }
0x44: {  	s23 =	simm.s32 $0x0;
	[sflag:s15] =	ssyncadd.s32 $0xFFFFFF80  }
.LBB2_4:
0x45: {  	s24 =	smul.u32 $0x50, s23;
	_ =	sdelay $0x1  }
0x46: {  	s24 =	sadd.s32 s8, s24  }
0x47: {  	s25 =	sshll.u32 s24, $0x4  }
0x48: {  	s26 =	sadd.s32 s6, s25  }
0x49: {  	[tilespmem:s22], [sflag:$0x1] =	stream.linear.gather [hbm4b:s26+s22], $0x2800, $0x38;
	[tilespmem:$0xD980] =	vst v63  }
0x4a: {  	_ =	swait.ge [sflag:s15], $0x2800  }
0x4b: {  	[sflag:s15] =	ssyncset.done $0x0  }
0x4c: {  	s30 =	sadd.s32 s25, s9;
	[sflag:s15] =	ssyncadd.s32 $0xFFFFD800  }
0x4d: {  	[tilespmem:s16], [sflag:$0x1] =	stream.linear.gather [hbm4b:s30+s22], $0x2800, $0x38;
	[tilespmem:$0xD980] =	vst v63  }
0x4e: {  	_ =	swait.ge [sflag:s15], $0x2800  }
0x4f: {  	[sflag:s15] =	ssyncset.done $0x0  }
0x50: {  	s25 =	sadd.s32 s7, s25;
	[sflag:s15] =	ssyncadd.s32 $0xFFFFD800  }
0x51: {  	[tilespmem:s17], [sflag:$0x1] =	stream.linear.gather [hbm4b:s25+s22], $0x2800, $0x38;
	[tilespmem:$0xD980] =	vst v63  }
0x52: {  	_ =	swait.ge [sflag:s15], $0x2800  }
0x53: {  	s31 =	sshrl.u32 s24, $0x3;
	[sflag:s15] =	ssyncset.done $0x0  }
0x54: {  	s24 =	simm.s32 $0x7800;
	s29 =	sadd.s32 s1, s31;
	[sflag:s15] =	ssyncadd.s32 $0xFFFFD800  }
0x55: {  	[tilespmem:s24], [sflag:$0x1] =	stream.linear.gather [hbm4b:s29+s22], $0x50, $0x38;
	[tilespmem:$0xD980] =	vst v63  }
0x56: {  	_ =	swait.ge [sflag:s15], $0x50  }
0x57: {  	[sflag:s15] =	ssyncset.done $0x0  }
0x58: {  	s30 =	sadd.s32 s2, s31;
	s25 =	simm.s32 $0x7880;
	[sflag:s15] =	ssyncadd.s32 $0xFFFFFFB0  }
0x59: {  	[tilespmem:s25], [sflag:$0x1] =	stream.linear.gather [hbm4b:s30+s22], $0x50, $0x38;
	[tilespmem:$0xD980] =	vst v63  }
0x5a: {  	_ =	swait.ge [sflag:s15], $0x50  }
0x5b: {  	[sflag:s15] =	ssyncset.done $0x0  }
0x5c: {  	[sflag:s15] =	ssyncadd.s32 $0xFFFFFFB0  }
0x5d: {  	v2 =	vld [tilespmem:s25+$0x0];
	_ =	sdelay $0x4  }
0x5e: {  	(v2sf) =	vpush v2, $0x0;
	_ =	sdelay $0xe  }
0x5f: {  	s31 =	spop (v2sf)  }
0x60: {  	s26 =	sshll.u32 s31, $0x7  }
0x61: {  	v2 =	vld [tilespmem:s26+$0xB980];
	_ =	sdelay $0x4  }
0x62: {  	v3 =	vadd.f32 $1.000000000e+00, v2;
	_ =	sdelay $0x1  }
0x63: {  	s28 =	simm.s32 $0x0;
	v2 =	vld.msk [tilespmem:s24+$0x0 ss:$0x0], $0xffff;
	[tilespmem:s26+$0xB980] =	vst v3  }
0x64: {  	v3 =	vld [tilespmem:s28+$0x0]  }
0x65: {  	v4 =	vld [tilespmem:s28+$0x2800];
	_ =	sdelay $0x1  }
0x66: {  	v5 =	vld [tilespmem:s28+$0x5000];
	_ =	sdelay $0x2  }
0x67: {  	v3 =	vadd.f32 v4, v3  }
0x68: {  	v4 =	vld [tilespmem:$0x7900]  }
0x69: {  	v3 =	vadd.f32 v5, v3  }
0x6a: {  	v6 =	vld [tilespmem:s26+$0x7980]  }
0x6b: {  	v5 =	vld [tilespmem:s26+$0x9980];
	v3 =	vmul.f32 v3, v2;
	_ =	sdelay $0x1  }
0x6c: {  	v3 =	vadd.f32 v3, v4;
	_ =	sdelay $0x1  }
0x6d: {  	v3 =	vmax.f32 v3, $0.0e+00  }
0x6e: {  	v4 =	vadd.f32 v3, v6;
	v3 =	vmax.f32 v5, v3  }
0x6f: {  	[tilespmem:s26+$0x9980] =	vst v3  }
0x70: {  	[tilespmem:s26+$0x7980] =	vst v4  }
0x71: {  	v3 =	vld [tilespmem:s28+$0x10]  }
0x72: {  	v4 =	vld [tilespmem:s28+$0x2810];
	_ =	sdelay $0x1  }
0x73: {  	v5 =	vld [tilespmem:s28+$0x5010];
	_ =	sdelay $0x2  }
0x74: {  	v3 =	vadd.f32 v4, v3  }
0x75: {  	v4 =	vld [tilespmem:$0x7910]  }
0x76: {  	v3 =	vadd.f32 v5, v3  }
0x77: {  	v6 =	vld [tilespmem:s26+$0x7990]  }
0x78: {  	v5 =	vld [tilespmem:s26+$0x9990];
	v3 =	vmul.f32 v3, v2;
	_ =	sdelay $0x1  }
0x79: {  	v3 =	vadd.f32 v3, v4;
	_ =	sdelay $0x1  }
0x7a: {  	v3 =	vmax.f32 v3, $0.0e+00  }
0x7b: {  	v4 =	vadd.f32 v3, v6;
	v3 =	vmax.f32 v5, v3  }
0x7c: {  	[tilespmem:s26+$0x9990] =	vst v3  }
0x7d: {  	[tilespmem:s26+$0x7990] =	vst v4  }
0x7e: {  	v3 =	vld [tilespmem:s28+$0x20]  }
0x7f: {  	v4 =	vld [tilespmem:s28+$0x2820];
	_ =	sdelay $0x1  }
0x80: {  	v5 =	vld [tilespmem:s28+$0x5020];
	_ =	sdelay $0x2  }
0x81: {  	v3 =	vadd.f32 v4, v3  }
0x82: {  	v4 =	vld [tilespmem:$0x7920]  }
0x83: {  	v3 =	vadd.f32 v5, v3  }
0x84: {  	v6 =	vld [tilespmem:s26+$0x79A0]  }
0x85: {  	v5 =	vld [tilespmem:s26+$0x99A0];
	v3 =	vmul.f32 v3, v2;
	_ =	sdelay $0x1  }
0x86: {  	v3 =	vadd.f32 v3, v4;
	_ =	sdelay $0x1  }
0x87: {  	v3 =	vmax.f32 v3, $0.0e+00  }
0x88: {  	v4 =	vadd.f32 v3, v6;
	v3 =	vmax.f32 v5, v3  }
0x89: {  	[tilespmem:s26+$0x99A0] =	vst v3  }
0x8a: {  	[tilespmem:s26+$0x79A0] =	vst v4  }
0x8b: {  	v3 =	vld [tilespmem:s28+$0x30]  }
0x8c: {  	v4 =	vld [tilespmem:s28+$0x2830];
	_ =	sdelay $0x1  }
0x8d: {  	v5 =	vld [tilespmem:s28+$0x5030];
	_ =	sdelay $0x2  }
0x8e: {  	v3 =	vadd.f32 v4, v3  }
0x8f: {  	v4 =	vld [tilespmem:$0x7930]  }
0x90: {  	v3 =	vadd.f32 v5, v3  }
0x91: {  	v6 =	vld [tilespmem:s26+$0x79B0]  }
0x92: {  	v5 =	vld [tilespmem:s26+$0x99B0];
	v3 =	vmul.f32 v3, v2;
	_ =	sdelay $0x1  }
0x93: {  	v3 =	vadd.f32 v3, v4;
	_ =	sdelay $0x1  }
0x94: {  	v3 =	vmax.f32 v3, $0.0e+00  }
0x95: {  	v4 =	vadd.f32 v3, v6;
	v3 =	vmax.f32 v5, v3  }
0x96: {  	[tilespmem:s26+$0x99B0] =	vst v3  }
0x97: {  	[tilespmem:s26+$0x79B0] =	vst v4  }
0x98: {  	v3 =	vld [tilespmem:s28+$0x40]  }
0x99: {  	v4 =	vld [tilespmem:s28+$0x2840];
	_ =	sdelay $0x1  }
0x9a: {  	v5 =	vld [tilespmem:s28+$0x5040];
	_ =	sdelay $0x2  }
0x9b: {  	v3 =	vadd.f32 v4, v3  }
0x9c: {  	v4 =	vld [tilespmem:$0x7940]  }
0x9d: {  	v3 =	vadd.f32 v5, v3  }
0x9e: {  	v6 =	vld [tilespmem:s26+$0x79C0]  }
0x9f: {  	v5 =	vld [tilespmem:s26+$0x99C0];
	v3 =	vmul.f32 v3, v2;
	_ =	sdelay $0x1  }
0xa0: {  	v3 =	vadd.f32 v3, v4;
	_ =	sdelay $0x1  }
0xa1: {  	v3 =	vmax.f32 v3, $0.0e+00  }
0xa2: {  	v4 =	vadd.f32 v3, v6;
	v3 =	vmax.f32 v5, v3  }
0xa3: {  	[tilespmem:s26+$0x99C0] =	vst v3  }
0xa4: {  	[tilespmem:s26+$0x79C0] =	vst v4  }
0xa5: {  	v3 =	vld [tilespmem:s28+$0x50]  }
0xa6: {  	v4 =	vld [tilespmem:s28+$0x2850];
	_ =	sdelay $0x1  }
0xa7: {  	v5 =	vld [tilespmem:s28+$0x5050];
	_ =	sdelay $0x2  }
0xa8: {  	v3 =	vadd.f32 v4, v3  }
0xa9: {  	v4 =	vld [tilespmem:$0x7950]  }
0xaa: {  	v3 =	vadd.f32 v5, v3  }
0xab: {  	v6 =	vld [tilespmem:s26+$0x79D0]  }
0xac: {  	v5 =	vld [tilespmem:s26+$0x99D0];
	v3 =	vmul.f32 v3, v2;
	_ =	sdelay $0x1  }
0xad: {  	v3 =	vadd.f32 v3, v4;
	_ =	sdelay $0x1  }
0xae: {  	v3 =	vmax.f32 v3, $0.0e+00  }
0xaf: {  	v4 =	vadd.f32 v3, v6;
	v3 =	vmax.f32 v5, v3  }
0xb0: {  	[tilespmem:s26+$0x99D0] =	vst v3  }
0xb1: {  	[tilespmem:s26+$0x79D0] =	vst v4  }
0xb2: {  	v3 =	vld [tilespmem:s28+$0x60]  }
0xb3: {  	v4 =	vld [tilespmem:s28+$0x2860];
	_ =	sdelay $0x1  }
0xb4: {  	v5 =	vld [tilespmem:s28+$0x5060];
	_ =	sdelay $0x2  }
0xb5: {  	v3 =	vadd.f32 v4, v3  }
0xb6: {  	v4 =	vld [tilespmem:$0x7960]  }
0xb7: {  	v3 =	vadd.f32 v5, v3  }
0xb8: {  	v6 =	vld [tilespmem:s26+$0x79E0]  }
0xb9: {  	v5 =	vld [tilespmem:s26+$0x99E0];
	v3 =	vmul.f32 v3, v2;
	_ =	sdelay $0x1  }
0xba: {  	v3 =	vadd.f32 v3, v4;
	_ =	sdelay $0x1  }
0xbb: {  	v3 =	vmax.f32 v3, $0.0e+00  }
0xbc: {  	v4 =	vadd.f32 v3, v6;
	v3 =	vmax.f32 v5, v3  }
0xbd: {  	[tilespmem:s26+$0x99E0] =	vst v3  }
0xbe: {  	[tilespmem:s26+$0x79E0] =	vst v4  }
0xbf: {  	v5 =	vld [tilespmem:s28+$0x70]  }
0xc0: {  	v6 =	vld [tilespmem:s28+$0x2870];
	_ =	sdelay $0x1  }
0xc1: {  	v4 =	vld [tilespmem:s28+$0x5070];
	_ =	sdelay $0x2  }
0xc2: {  	s28 =	simm.s32 $0x200;
	v3 =	vld [tilespmem:$0x7970];
	v5 =	vadd.f32 v6, v5  }
.LBB2_5:
0xc3: {  	_ = 	snop  }
0xc4: {  	p1 =	sne.s32 s28, $0x9E00;
	s24 =	sadd.s32 $0x1, s24;
	s25 =	sadd.s32 $0x1, s25;
	v4 =	vadd.f32 v4, v5  }
0xc5: {  	s29 =	smov.u32 s28;
	s28 =	sadd.s32 $0x200, s28;
	v5 =	vld [tilespmem:s26+$0x99F0]  }
0xc6: {  	v2 =	vmul.f32 v4, v2;
	v4 =	vld [tilespmem:s26+$0x79F0];
	_ =	sdelay $0x1  }
0xc7: {  	v2 =	vadd.f32 v2, v3;
	_ =	sdelay $0x1  }
0xc8: {  	v2 =	vmax.f32 v2, $0.0e+00  }
0xc9: {  	v3 =	vadd.f32 v2, v4;
	v2 =	vmax.f32 v5, v2  }
0xca: {  	[tilespmem:s26+$0x99F0] =	vst v2  }
0xcb: {  	[tilespmem:s26+$0x79F0] =	vst v3  }
0xcc: {  	v2 =	vld [tilespmem:s25+$0x0];
	_ =	sdelay $0x4  }
0xcd: {  	(v2sf) =	vpush v2, $0x0;
	_ =	sdelay $0xe  }
0xce: {  	s26 =	spop (v2sf)  }
0xcf: {  	s26 =	sshll.u32 s26, $0x7  }
0xd0: {  	v2 =	vld [tilespmem:s26+$0xB980];
	_ =	sdelay $0x4  }
0xd1: {  	v3 =	vadd.f32 $1.000000000e+00, v2  }
0xd2: {  	v2 =	vld.msk [tilespmem:s24+$0x0 ss:$0x0], $0xffff  }
0xd3: {  	s29 =	sshra.s32 s29, $0x2;
	[tilespmem:s26+$0xB980] =	vst v3  }
0xd4: {  	v3 =	vld [tilespmem:s29+$0x0]  }
0xd5: {  	v4 =	vld [tilespmem:s29+$0x2800]  }
0xd6: {  	v5 =	vld [tilespmem:s29+$0x5000];
	_ =	sdelay $0x3  }
0xd7: {  	v3 =	vadd.f32 v4, v3  }
0xd8: {  	v4 =	vld [tilespmem:$0x7900]  }
0xd9: {  	v3 =	vadd.f32 v5, v3  }
0xda: {  	v5 =	vld [tilespmem:s26+$0x9980]  }
0xdb: {  	v3 =	vmul.f32 v3, v2;
	v6 =	vld [tilespmem:s26+$0x7980];
	_ =	sdelay $0x1  }
0xdc: {  	v3 =	vadd.f32 v3, v4;
	_ =	sdelay $0x1  }
0xdd: {  	v3 =	vmax.f32 v3, $0.0e+00  }
0xde: {  	v4 =	vadd.f32 v3, v6;
	v3 =	vmax.f32 v5, v3  }
0xdf: {  	[tilespmem:s26+$0x9980] =	vst v3  }
0xe0: {  	[tilespmem:s26+$0x7980] =	vst v4  }
0xe1: {  	v3 =	vld [tilespmem:s29+$0x10]  }
0xe2: {  	v4 =	vld [tilespmem:s29+$0x2810];
	_ =	sdelay $0x1  }
0xe3: {  	v5 =	vld [tilespmem:s29+$0x5010];
	_ =	sdelay $0x2  }
0xe4: {  	v3 =	vadd.f32 v4, v3  }
0xe5: {  	v4 =	vld [tilespmem:$0x7910]  }
0xe6: {  	v3 =	vadd.f32 v5, v3  }
0xe7: {  	v5 =	vld [tilespmem:s26+$0x9990]  }
0xe8: {  	v3 =	vmul.f32 v3, v2;
	v6 =	vld [tilespmem:s26+$0x7990];
	_ =	sdelay $0x1  }
0xe9: {  	v3 =	vadd.f32 v3, v4;
	_ =	sdelay $0x1  }
0xea: {  	v3 =	vmax.f32 v3, $0.0e+00  }
0xeb: {  	v4 =	vadd.f32 v3, v6;
	v3 =	vmax.f32 v5, v3  }
0xec: {  	[tilespmem:s26+$0x9990] =	vst v3  }
0xed: {  	[tilespmem:s26+$0x7990] =	vst v4  }
0xee: {  	v3 =	vld [tilespmem:s29+$0x20]  }
0xef: {  	v4 =	vld [tilespmem:s29+$0x2820]  }
0xf0: {  	v5 =	vld [tilespmem:s29+$0x5020];
	_ =	sdelay $0x3  }
0xf1: {  	v3 =	vadd.f32 v4, v3  }
0xf2: {  	v4 =	vld [tilespmem:$0x7920]  }
0xf3: {  	v3 =	vadd.f32 v5, v3  }
0xf4: {  	v5 =	vld [tilespmem:s26+$0x99A0]  }
0xf5: {  	v3 =	vmul.f32 v3, v2;
	v6 =	vld [tilespmem:s26+$0x79A0];
	_ =	sdelay $0x1  }
0xf6: {  	v3 =	vadd.f32 v3, v4;
	_ =	sdelay $0x1  }
0xf7: {  	v3 =	vmax.f32 v3, $0.0e+00  }
0xf8: {  	v4 =	vadd.f32 v3, v6;
	v3 =	vmax.f32 v5, v3  }
0xf9: {  	[tilespmem:s26+$0x99A0] =	vst v3  }
0xfa: {  	[tilespmem:s26+$0x79A0] =	vst v4  }
0xfb: {  	v3 =	vld [tilespmem:s29+$0x30]  }
0xfc: {  	v4 =	vld [tilespmem:s29+$0x2830]  }
0xfd: {  	v5 =	vld [tilespmem:s29+$0x5030];
	_ =	sdelay $0x3  }
0xfe: {  	v3 =	vadd.f32 v4, v3  }
0xff: {  	v4 =	vld [tilespmem:$0x7930]  }
0x100: {  	v3 =	vadd.f32 v5, v3  }
0x101: {  	v5 =	vld [tilespmem:s26+$0x99B0]  }
0x102: {  	v3 =	vmul.f32 v3, v2;
	v6 =	vld [tilespmem:s26+$0x79B0];
	_ =	sdelay $0x1  }
0x103: {  	v3 =	vadd.f32 v3, v4;
	_ =	sdelay $0x1  }
0x104: {  	v3 =	vmax.f32 v3, $0.0e+00  }
0x105: {  	v4 =	vadd.f32 v3, v6;
	v3 =	vmax.f32 v5, v3  }
0x106: {  	[tilespmem:s26+$0x99B0] =	vst v3  }
0x107: {  	[tilespmem:s26+$0x79B0] =	vst v4  }
0x108: {  	v3 =	vld [tilespmem:s29+$0x40]  }
0x109: {  	v4 =	vld [tilespmem:s29+$0x2840];
	_ =	sdelay $0x1  }
0x10a: {  	v5 =	vld [tilespmem:s29+$0x5040];
	_ =	sdelay $0x2  }
0x10b: {  	v3 =	vadd.f32 v4, v3  }
0x10c: {  	v4 =	vld [tilespmem:$0x7940]  }
0x10d: {  	v3 =	vadd.f32 v5, v3  }
0x10e: {  	v5 =	vld [tilespmem:s26+$0x99C0]  }
0x10f: {  	v3 =	vmul.f32 v3, v2;
	v6 =	vld [tilespmem:s26+$0x79C0];
	_ =	sdelay $0x1  }
0x110: {  	v3 =	vadd.f32 v3, v4;
	_ =	sdelay $0x1  }
0x111: {  	v3 =	vmax.f32 v3, $0.0e+00  }
0x112: {  	v4 =	vadd.f32 v3, v6;
	v3 =	vmax.f32 v5, v3  }
0x113: {  	[tilespmem:s26+$0x99C0] =	vst v3  }
0x114: {  	[tilespmem:s26+$0x79C0] =	vst v4  }
0x115: {  	v3 =	vld [tilespmem:s29+$0x50]  }
0x116: {  	v4 =	vld [tilespmem:s29+$0x2850]  }
0x117: {  	v5 =	vld [tilespmem:s29+$0x5050]  }
0x118: {  	v6 =	vld [tilespmem:$0x7950];
	_ =	sdelay $0x2  }
0x119: {  	v3 =	vadd.f32 v4, v3;
	_ =	sdelay $0x1  }
0x11a: {  	v3 =	vadd.f32 v5, v3  }
0x11b: {  	v4 =	vld [tilespmem:s26+$0x99D0]  }
0x11c: {  	v3 =	vmul.f32 v3, v2;
	v5 =	vld [tilespmem:s26+$0x79D0];
	_ =	sdelay $0x1  }
0x11d: {  	v3 =	vadd.f32 v3, v6;
	_ =	sdelay $0x1  }
0x11e: {  	v3 =	vmax.f32 v3, $0.0e+00  }
0x11f: {  	v5 =	vadd.f32 v3, v5;
	v3 =	vmax.f32 v4, v3  }
0x120: {  	[tilespmem:s26+$0x99D0] =	vst v3  }
0x121: {  	[tilespmem:s26+$0x79D0] =	vst v5  }
0x122: {  	v3 =	vld [tilespmem:s29+$0x60]  }
0x123: {  	v4 =	vld [tilespmem:s29+$0x2860]  }
0x124: {  	v5 =	vld [tilespmem:s29+$0x5060]  }
0x125: {  	v6 =	vld [tilespmem:$0x7960];
	_ =	sdelay $0x2  }
0x126: {  	v3 =	vadd.f32 v4, v3;
	_ =	sdelay $0x1  }
0x127: {  	v3 =	vadd.f32 v5, v3  }
0x128: {  	v4 =	vld [tilespmem:s26+$0x99E0]  }
0x129: {  	v3 =	vmul.f32 v3, v2;
	v5 =	vld [tilespmem:s26+$0x79E0];
	_ =	sdelay $0x1  }
0x12a: {  	v3 =	vadd.f32 v3, v6;
	_ =	sdelay $0x1  }
0x12b: {  	v3 =	vmax.f32 v3, $0.0e+00  }
0x12c: {  	v5 =	vadd.f32 v3, v5;
	v3 =	vmax.f32 v4, v3  }
0x12d: {  	[tilespmem:s26+$0x99E0] =	vst v3  }
0x12e: {  	[tilespmem:s26+$0x79E0] =	vst v5  }
0x12f: {  	v5 =	vld [tilespmem:s29+$0x70]  }
0x130: {  	v6 =	vld [tilespmem:s29+$0x2870]  }
.Ltmp1:
0x131: {  	v4 =	vld [tilespmem:s29+$0x5070];
	(pc) =	sbr.rel @p1 .LBB2_5-.Ltmp1, $2  }
0x132: {  	v3 =	vld [tilespmem:$0x7970];
	_ =	sdelay $0x2  }
0x133: {  	v5 =	vadd.f32 v6, v5  }
0x134: {  	_ = 	snop  }
0x135: {  	v4 =	vadd.f32 v4, v5  }
0x136: {  	v62 =	vld [tilespmem:s26+$0x99F0]  }
0x137: {  	v63 =	vld [tilespmem:s26+$0x79F0];
	v2 =	vmul.f32 v4, v2  }
0x138: {  	p1 =	slt.u32 @!p0 s23, $0x3  }
0x139: {  	p1 =	por p0, !p1;
	v2 =	vadd.f32 v2, v3  }
.Ltmp2:
0x13a: {  	_ = 	snop;
	(pc) =	sbr.rel @!p1 .LBB2_4-.Ltmp2, $4  }
0x13b: {  	v2 =	vmax.f32 v2, $0.0e+00  }
0x13c: {  	v3 =	vadd.f32 v2, v63;
	v2 =	vmax.f32 v62, v2  }
0x13d: {  	[tilespmem:s26+$0x99F0] =	vst v2  }
0x13e: {  	s23 =	sadd.s32 $0x1, s23;
	[tilespmem:s26+$0x79F0] =	vst v3  }
0x13f: {  	[hbm4b:s10+s4] =	stream.linear.scatter [tilespmem:s18], [sflag:$0x1], $0x2000, $0x38;
	[tilespmem:$0xD980] =	vst v63  }
0x140: {  	_ =	swait.ge [sflag:s15], $0x2000  }
0x141: {  	[sflag:s15] =	ssyncset.done $0x0  }
0x142: {  	[sflag:s15] =	ssyncadd.s32 $0xFFFFE000  }
0x143: {  	[hbm4b:s11+s4] =	stream.linear.scatter [tilespmem:s19], [sflag:$0x1], $0x2000, $0x38;
	[tilespmem:$0xD980] =	vst v63  }
0x144: {  	s21 =	sadd.s32 $0x1, s21;
	_ =	swait.ge [sflag:s15], $0x2000  }
0x145: {  	p1 =	sne.s32 s21, s13;
	[sflag:s15] =	ssyncset.done $0x0  }
.Ltmp3:
0x146: {  	[sflag:s15] =	ssyncadd.s32 $0xFFFFE000;
	(pc) =	sbr.rel @p1 .LBB2_1-.Ltmp3, $4  }
0x147: {  	[hbm4b:s12+s4] =	stream.linear.scatter [tilespmem:s20], [sflag:$0x1], $0x2000, $0x38;
	[tilespmem:$0xD980] =	vst v63  }
0x148: {  	_ =	swait.ge [sflag:s15], $0x2000  }
0x149: {  	[sflag:s15] =	ssyncset.done $0x0  }
0x14a: {  	[sflag:s15] =	ssyncadd.s32 $0xFFFFE000  }
0x14b: {  	_ =	sfence.sel $0x180000  }
0x14c: {  	[bflag:$0x0] =	sbarrier.arrive $0xFFFF  }
0x14d: {  	p0 =	sne.s32 s5, $0x0;
	_ =	strace $0x90000053  }
0x14e: {  	s0 =	sadd.s32 @!p0 $0x100000, s0;
	[bflag:$0x2] =	sbarrier.arrive $0xFFFF  }
0x14f: {  	[sflag:s0] =	ssyncadd.tile.s32 @!p0 $0x1;
	_ =	shalt  }
.Lfunc_end2:
_tile_overlayer_lowered:
.L_overlay_start_2:
0x150: {  	(tag) =	ssettag $0x2  }
0x151: {  	s0 =	rddreg [dreg:$0x0];
	s2 =	stileid.u32  }
0x152: {  	s1 =	rddreg [dreg:$0x1];
	p0 =	sne.s32 s2, $0x0  }
0x153: {  	s3 =	rddreg [dreg:$0x2];
	[bflag:$0x3] =	sbarrier.arrive $0xFFFF;
	s2 =	simm.s32 @!p0 $0x1C01  }
0x154: {  	[timem:s3], [sflag:s2] =	dma.local @!p0 [hbm:s0], s1  }
0x155: {  	s0 =	simm.s32 @!p0 $0x1  }
0x156: {  	_ =	swait.ge @!p0 [sflag:s0], s1  }
0x157: {  	s1 =	ssub.s32 @!p0 $0x0, s1;
	[sflag:s0] =	ssyncset.done @!p0 $0x0  }
0x158: {  	[sflag:s0] =	ssyncadd.s32 @!p0 s1  }
0x159: {  	[bflag:$0x3] =	sbarrier.arrive $0xFFFF  }
0x15a: {  	_ =	shalt  }

</sc_bundles>
